<compile_context>
chip_gen: v7x
topology: tpu7x:2x2x1
jax: 0.10.2.dev20260603
libtpu: 0.0.44.dev20260713+nightly
codegen_flags: <defaults>
</compile_context>

<pallas_src>
import functools

import jax
import jax.numpy as jnp
from jax import lax
from jax.experimental import pallas as pl
from jax.experimental.pallas import tpu as pltpu
from jax.experimental.pallas import tpu_sc as plsc

_LANES = 16


def _sc_masked_flatten(flat, mask_i32, B):
    N, D = flat.shape
    LB = N // B
    info = plsc.get_sparse_core_info()
    NW = info.num_cores * info.num_subcores
    NC = info.num_cores
    RW = N // NW
    G = 32
    NSTEPS = RW // G
    NBUF = 3
    WPB = NW // B

    mesh = plsc.VectorSubcoreMesh(core_axis_name="c", subcore_axis_name="s")

    @functools.partial(
        pl.kernel,
        out_type=jax.ShapeDtypeStruct((B, LB * D), jnp.float32),
        mesh=mesh,
        scratch_types=[
            pltpu.VMEM((RW,), jnp.int32),
            pltpu.VMEM((RW,), jnp.int32),
            pltpu.VMEM((NBUF, G, D), jnp.float32),
            pltpu.SemaphoreType.DMA,
            pltpu.SemaphoreType.DMA,
        ],
    )
    def k(flat_hbm, mask_hbm, out_hbm, mask_v, idx_v, bufs, gsem, wsem):
        wid = lax.axis_index("s") * NC + lax.axis_index("c")
        base = wid * RW
        b = wid // WPB
        col0 = (wid % WPB) * RW * D
        pltpu.sync_copy(mask_hbm.at[pl.ds(base, RW)], mask_v)

        zeros = jnp.zeros((_LANES,), jnp.int32)
        for j in range(RW // _LANES):
            m = mask_v[pl.ds(j * _LANES, _LANES)]
            pos = base + j * _LANES + lax.iota(jnp.int32, 16)
            idx_v[pl.ds(j * _LANES, _LANES)] = jnp.where(m > 0, pos, zeros)

        def gather_desc(g):
            return pltpu.make_async_copy(
                flat_hbm.at[idx_v.at[pl.ds(g * G, G)]],
                bufs.at[lax.rem(g, NBUF)], gsem)

        def write_descs(g):
            slot = bufs.at[lax.rem(g, NBUF)]
            return [
                pltpu.make_async_copy(
                    slot.at[pl.ds(r, 1), :],
                    out_hbm.at[pl.ds(b, 1),
                               pl.ds(col0 + (g * G + r) * D, D)],
                    wsem)
                for r in range(G)
            ]

        for g in range(min(NBUF, NSTEPS)):
            gather_desc(g).start()

        def step(g, carry):
            gather_desc(g).wait()
            ws = write_descs(g)
            for w in ws:
                w.start()
            for w in ws:
                w.wait()

            @pl.when(g + NBUF < NSTEPS)
            def _():
                gather_desc(g + NBUF).start()

            return carry

        lax.fori_loop(0, NSTEPS, step, None)

    return k(flat, mask_i32)


def kernel(input, batch_or_mask):
    B, L, D = input.shape
    N = B * L
    flat = input.reshape(N, D)
    mask_i32 = batch_or_mask.reshape(N).astype(jnp.int32)
    return _sc_masked_flatten(flat, mask_i32, B)

# --- scband reference (transcript-rebuilt; emitter-appended) ---
"""Pipeline reference for scband-masked-flatten-73117523247418 (READ-ONLY COPY).

The authoritative reference and input builder live on the scoring server;
editing this copy changes nothing except your own understanding.
"""

import jax, jax.numpy as jnp
import numpy as np

B, L, D = 8, 2048, 1024

def setup_inputs(seed: int = 0) -> dict:
    key = jax.random.key(seed)
    k1, k2 = jax.random.split(key)
    inp = jax.random.normal(k1, (B, L, D), dtype=jnp.float32)
    # mask must select the same number of tokens per batch row for the
    # reshape(B, -1) to be valid; all-ones satisfies this (torch harness uses fill=ones).
    mask = jnp.ones((B, L), dtype=bool)
    return {"input": inp, "batch_or_mask": mask}

def reference(input, batch_or_mask):
    # Faithful translation of: input[batch_or_mask].reshape(*input.shape[:-2], -1)
    # torch boolean indexing over the leading [B, L] dims selects rows of [B, L, D]
    # in row-major order -> [num_selected, D].
    d = input.shape[-1]
    flat = input.reshape(-1, d)                       # [B*L, D]
    idx = jnp.nonzero(batch_or_mask.reshape(-1), size=batch_or_mask.size)[0]
    sel = jnp.take(flat, idx, axis=0)                 # gather  [num_selected, D]
    return sel.reshape(input.shape[0], -1)            # [B, num_per_row * D]

if __name__ == "__main__":
    import jax
    _d = setup_inputs()
    print(jax.jit(kernel)(*tuple(_d.values())))

</pallas_src>

<mosaic_0001>
#map = affine_map<(d0, d1) -> (0, 0)>
#map1 = affine_map<(d0, d1) -> (0)>
module attributes {stable_mosaic.version = 14 : i64} {
  func.func @k(%arg0: i32, %arg1: i32, %arg2: memref<16384x1024xf32, #tpu.memory_space<hbm>>, %arg3: memref<16384xi32, #tpu.memory_space<hbm>>, %arg4: memref<8x2097152xf32, #tpu.memory_space<hbm>>, %arg5: memref<512xi32, #tpu.memory_space<vmem>>, %arg6: memref<512xi32, #tpu.memory_space<vmem>>, %arg7: memref<3x32x1024xf32, #tpu.memory_space<vmem>>, %arg8: memref<!tpu.dma_semaphore, #tpu.memory_space<semaphore_mem>>, %arg9: memref<!tpu.dma_semaphore, #tpu.memory_space<semaphore_mem>>) attributes {dimension_semantics = [#tpu.dimension_semantics<core_parallel>, #tpu.dimension_semantics<subcore_parallel>], iteration_bounds = array<i64: 2, 16>, scalar_prefetch = 0 : i64, scratch_operands = 5 : i64, tpu.core_type = #tpu.core_type<sc_vector_subcore>, window_params = [{transform_indices = #map}, {transform_indices = #map1}, {transform_indices = #map}]} {
    %mul3A = arith.constant 2 : i32
    %mul3A_0 = arith.muli %arg1, %mul3A : i32
    %add3A = arith.addi %mul3A_0, %arg0 : i32
    %mul3A_1 = arith.constant 512 : i32
    %mul3A_2 = arith.muli %add3A, %mul3A_1 : i32
    %jit3A = arith.constant 4 : i32
    %div3A = arith.divsi %add3A, %jit3A : i32
    %sign3A = arith.constant 0 : i32
    %sign3A_3 = arith.cmpi sgt, %add3A, %sign3A : i32
    %sign3A_4 = arith.extui %sign3A_3 : i1 to i32
    %sign3A_5 = arith.constant 0 : i32
    %sign3A_6 = arith.cmpi slt, %add3A, %sign3A_5 : i32
    %sign3A_7 = arith.extui %sign3A_6 : i1 to i32
    %sign3A_8 = arith.subi %sign3A_4, %sign3A_7 : i32
    %sign3A_9 = arith.constant 0 : i32
    %sign3A_10 = arith.cmpi sgt, %jit3A, %sign3A_9 : i32
    %sign3A_11 = arith.extui %sign3A_10 : i1 to i32
    %sign3A_12 = arith.constant 0 : i32
    %sign3A_13 = arith.cmpi slt, %jit3A, %sign3A_12 : i32
    %sign3A_14 = arith.extui %sign3A_13 : i1 to i32
    %sign3A_15 = arith.subi %sign3A_11, %sign3A_14 : i32
    %ne3A = arith.cmpi ne, %sign3A_8, %sign3A_15 : i32
    %rem3A = arith.remsi %add3A, %jit3A : i32
    %ne3A_16 = arith.constant 0 : i32
    %ne3A_17 = arith.cmpi ne, %rem3A, %ne3A_16 : i32
    %and3A = arith.andi %ne3A, %ne3A_17 : i1
    %sub3A = arith.constant 1 : i32
    %sub3A_18 = arith.subi %div3A, %sub3A : i32
    %select_n3A = arith.select %and3A, %sub3A_18, %div3A : i32
    %jit3A_19 = arith.constant 4 : i32
    %eq3A = arith.constant 0 : i32
    %eq3A_20 = arith.cmpi eq, %jit3A_19, %eq3A : i32
    %jit3A_21 = arith.constant 1 : i32
    %select_n3A_22 = arith.select %eq3A_20, %jit3A_21, %jit3A_19 : i32
    %rem3A_23 = arith.remsi %add3A, %select_n3A_22 : i32
    %ne3A_24 = arith.constant 0 : i32
    %ne3A_25 = arith.cmpi ne, %rem3A_23, %ne3A_24 : i32
    %lt3A = arith.constant 0 : i32
    %lt3A_26 = arith.cmpi slt, %rem3A_23, %lt3A : i32
    %lt3A_27 = arith.constant 0 : i32
    %lt3A_28 = arith.cmpi slt, %select_n3A_22, %lt3A_27 : i32
    %ne3A_29 = arith.xori %lt3A_26, %lt3A_28 : i1
    %and3A_30 = arith.andi %ne3A_29, %ne3A_25 : i1
    %add3A_31 = arith.addi %rem3A_23, %select_n3A_22 : i32
    %select_n3A_32 = arith.select %and3A_30, %add3A_31, %rem3A_23 : i32
    %mul3A_33 = arith.constant 512 : i32
    %mul3A_34 = arith.muli %select_n3A_32, %mul3A_33 : i32
    %mul3A_35 = arith.constant 1024 : i32
    %mul3A_36 = arith.muli %mul3A_34, %mul3A_35 : i32
    "tpu.region"() ({
      %run_scoped3A = tpu.sem_alloc : memref<!tpu.dma_semaphore, #tpu.memory_space<semaphore_mem>>
      %dma_start3A_585 = tpu.memref_slice %arg3[%mul3A_2] : memref<16384xi32, #tpu.memory_space<hbm>> -> memref<512xi32, #tpu.memory_space<hbm>>
      %dma_start3A_586 = tpu.memref_slice %arg3[%mul3A_2] : memref<16384xi32, #tpu.memory_space<hbm>> -> memref<512xi32, #tpu.memory_space<hbm>>
      tpu.enqueue_dma source(%dma_start3A_586 : memref<512xi32, #tpu.memory_space<hbm>>) target(%arg5 : memref<512xi32, #tpu.memory_space<vmem>>) target_semaphore(%run_scoped3A : memref<!tpu.dma_semaphore, #tpu.memory_space<semaphore_mem>>)
      %dma_wait3A = tpu.memref_slice %arg3[%mul3A_2] : memref<16384xi32, #tpu.memory_space<hbm>> -> memref<512xi32, #tpu.memory_space<hbm>>
      %dma_wait3A_587 = tpu.memref_slice %arg3[%mul3A_2] : memref<16384xi32, #tpu.memory_space<hbm>> -> memref<512xi32, #tpu.memory_space<hbm>>
      tpu.wait_dma2 semaphore(%run_scoped3A : memref<!tpu.dma_semaphore, #tpu.memory_space<semaphore_mem>>) src(%dma_wait3A_587 : memref<512xi32, #tpu.memory_space<hbm>>) dst(%arg5 : memref<512xi32, #tpu.memory_space<vmem>>)
      tpu.yield
    }) : () -> ()
    %broadcast_in_dim3A = arith.constant 0 : i32
    %broadcast_in_dim3A_37 = vector.broadcast %broadcast_in_dim3A : i32 to vector<16xi32>
    %get3A = arith.constant 0 : index
    %get3A_38 = tpu.vector_load %arg5[%get3A] {strides = array<i32>} : memref<512xi32, #tpu.memory_space<vmem>>, vector<16xi32>,
    %get3A_39 = vector.shape_cast %get3A_38 : vector<16xi32> to vector<16xi32>
    %add3A_40 = arith.constant 0 : i32
    %add3A_41 = arith.addi %mul3A_2, %add3A_40 : i32
    %iota3A = tpu.iota {dimensions = array<i32: 0>} : vector<16xi32>
    %add3A_42 = vector.broadcast %add3A_41 : i32 to vector<16xi32>
    %add3A_43 = arith.addi %add3A_42, %iota3A : vector<16xi32>
    %gt3A = arith.constant 0 : i32
    %gt3A_44 = vector.broadcast %gt3A : i32 to vector<16xi32>
    %gt3A_45 = arith.cmpi sgt, %get3A_39, %gt3A_44 : vector<16xi32>
    %select_n3A_46 = arith.select %gt3A_45, %add3A_43, %broadcast_in_dim3A_37 : vector<16xi1>, vector<16xi32>
    %swap3A = arith.constant 0 : index
    %swap3A_47 = tpu.vector_load %arg6[%swap3A] {strides = array<i32>} : memref<512xi32, #tpu.memory_space<vmem>>, vector<16xi32>,
    %swap3A_48 = vector.shape_cast %swap3A_47 : vector<16xi32> to vector<16xi32>
    %swap3A_49 = vector.shape_cast %select_n3A_46 : vector<16xi32> to vector<16xi32>
    tpu.vector_store %arg6[%swap3A], %swap3A_49 {strides = array<i32>} : memref<512xi32, #tpu.memory_space<vmem>>, vector<16xi32>,
    %get3A_50 = arith.constant 16 : index
    %get3A_51 = tpu.vector_load %arg5[%get3A_50] {strides = array<i32>} : memref<512xi32, #tpu.memory_space<vmem>>, vector<16xi32>,
    %get3A_52 = vector.shape_cast %get3A_51 : vector<16xi32> to vector<16xi32>
    %add3A_53 = arith.constant 16 : i32
    %add3A_54 = arith.addi %mul3A_2, %add3A_53 : i32
    %iota3A_55 = tpu.iota {dimensions = array<i32: 0>} : vector<16xi32>
    %add3A_56 = vector.broadcast %add3A_54 : i32 to vector<16xi32>
    %add3A_57 = arith.addi %add3A_56, %iota3A_55 : vector<16xi32>
    %gt3A_58 = arith.constant 0 : i32
    %gt3A_59 = vector.broadcast %gt3A_58 : i32 to vector<16xi32>
    %gt3A_60 = arith.cmpi sgt, %get3A_52, %gt3A_59 : vector<16xi32>
    %select_n3A_61 = arith.select %gt3A_60, %add3A_57, %broadcast_in_dim3A_37 : vector<16xi1>, vector<16xi32>
    %swap3A_62 = arith.constant 16 : index
    %swap3A_63 = tpu.vector_load %arg6[%swap3A_62] {strides = array<i32>} : memref<512xi32, #tpu.memory_space<vmem>>, vector<16xi32>,
    %swap3A_64 = vector.shape_cast %swap3A_63 : vector<16xi32> to vector<16xi32>
    %swap3A_65 = vector.shape_cast %select_n3A_61 : vector<16xi32> to vector<16xi32>
    tpu.vector_store %arg6[%swap3A_62], %swap3A_65 {strides = array<i32>} : memref<512xi32, #tpu.memory_space<vmem>>, vector<16xi32>,
    %get3A_66 = arith.constant 32 : index
    %get3A_67 = tpu.vector_load %arg5[%get3A_66] {strides = array<i32>} : memref<512xi32, #tpu.memory_space<vmem>>, vector<16xi32>,
    %get3A_68 = vector.shape_cast %get3A_67 : vector<16xi32> to vector<16xi32>
    %add3A_69 = arith.constant 32 : i32
    %add3A_70 = arith.addi %mul3A_2, %add3A_69 : i32
    %iota3A_71 = tpu.iota {dimensions = array<i32: 0>} : vector<16xi32>
    %add3A_72 = vector.broadcast %add3A_70 : i32 to vector<16xi32>
    %add3A_73 = arith.addi %add3A_72, %iota3A_71 : vector<16xi32>
    %gt3A_74 = arith.constant 0 : i32
    %gt3A_75 = vector.broadcast %gt3A_74 : i32 to vector<16xi32>
    %gt3A_76 = arith.cmpi sgt, %get3A_68, %gt3A_75 : vector<16xi32>
    %select_n3A_77 = arith.select %gt3A_76, %add3A_73, %broadcast_in_dim3A_37 : vector<16xi1>, vector<16xi32>
    %swap3A_78 = arith.constant 32 : index
    %swap3A_79 = tpu.vector_load %arg6[%swap3A_78] {strides = array<i32>} : memref<512xi32, #tpu.memory_space<vmem>>, vector<16xi32>,
    %swap3A_80 = vector.shape_cast %swap3A_79 : vector<16xi32> to vector<16xi32>
    %swap3A_81 = vector.shape_cast %select_n3A_77 : vector<16xi32> to vector<16xi32>
    tpu.vector_store %arg6[%swap3A_78], %swap3A_81 {strides = array<i32>} : memref<512xi32, #tpu.memory_space<vmem>>, vector<16xi32>,
    %get3A_82 = arith.constant 48 : index
    %get3A_83 = tpu.vector_load %arg5[%get3A_82] {strides = array<i32>} : memref<512xi32, #tpu.memory_space<vmem>>, vector<16xi32>,
    %get3A_84 = vector.shape_cast %get3A_83 : vector<16xi32> to vector<16xi32>
    %add3A_85 = arith.constant 48 : i32
    %add3A_86 = arith.addi %mul3A_2, %add3A_85 : i32
    %iota3A_87 = tpu.iota {dimensions = array<i32: 0>} : vector<16xi32>
    %add3A_88 = vector.broadcast %add3A_86 : i32 to vector<16xi32>
    %add3A_89 = arith.addi %add3A_88, %iota3A_87 : vector<16xi32>
    %gt3A_90 = arith.constant 0 : i32
    %gt3A_91 = vector.broadcast %gt3A_90 : i32 to vector<16xi32>
    %gt3A_92 = arith.cmpi sgt, %get3A_84, %gt3A_91 : vector<16xi32>
    %select_n3A_93 = arith.select %gt3A_92, %add3A_89, %broadcast_in_dim3A_37 : vector<16xi1>, vector<16xi32>
    %swap3A_94 = arith.constant 48 : index
    %swap3A_95 = tpu.vector_load %arg6[%swap3A_94] {strides = array<i32>} : memref<512xi32, #tpu.memory_space<vmem>>, vector<16xi32>,
    %swap3A_96 = vector.shape_cast %swap3A_95 : vector<16xi32> to vector<16xi32>
    %swap3A_97 = vector.shape_cast %select_n3A_93 : vector<16xi32> to vector<16xi32>
    tpu.vector_store %arg6[%swap3A_94], %swap3A_97 {strides = array<i32>} : memref<512xi32, #tpu.memory_space<vmem>>, vector<16xi32>,
    %get3A_98 = arith.constant 64 : index
    %get3A_99 = tpu.vector_load %arg5[%get3A_98] {strides = array<i32>} : memref<512xi32, #tpu.memory_space<vmem>>, vector<16xi32>,
    %get3A_100 = vector.shape_cast %get3A_99 : vector<16xi32> to vector<16xi32>
    %add3A_101 = arith.constant 64 : i32
    %add3A_102 = arith.addi %mul3A_2, %add3A_101 : i32
    %iota3A_103 = tpu.iota {dimensions = array<i32: 0>} : vector<16xi32>
    %add3A_104 = vector.broadcast %add3A_102 : i32 to vector<16xi32>
    %add3A_105 = arith.addi %add3A_104, %iota3A_103 : vector<16xi32>
    %gt3A_106 = arith.constant 0 : i32
    %gt3A_107 = vector.broadcast %gt3A_106 : i32 to vector<16xi32>
    %gt3A_108 = arith.cmpi sgt, %get3A_100, %gt3A_107 : vector<16xi32>
    %select_n3A_109 = arith.select %gt3A_108, %add3A_105, %broadcast_in_dim3A_37 : vector<16xi1>, vector<16xi32>
    %swap3A_110 = arith.constant 64 : index
    %swap3A_111 = tpu.vector_load %arg6[%swap3A_110] {strides = array<i32>} : memref<512xi32, #tpu.memory_space<vmem>>, vector<16xi32>,
    %swap3A_112 = vector.shape_cast %swap3A_111 : vector<16xi32> to vector<16xi32>
    %swap3A_113 = vector.shape_cast %select_n3A_109 : vector<16xi32> to vector<16xi32>
    tpu.vector_store %arg6[%swap3A_110], %swap3A_113 {strides = array<i32>} : memref<512xi32, #tpu.memory_space<vmem>>, vector<16xi32>,
    %get3A_114 = arith.constant 80 : index
    %get3A_115 = tpu.vector_load %arg5[%get3A_114] {strides = array<i32>} : memref<512xi32, #tpu.memory_space<vmem>>, vector<16xi32>,
    %get3A_116 = vector.shape_cast %get3A_115 : vector<16xi32> to vector<16xi32>
    %add3A_117 = arith.constant 80 : i32
    %add3A_118 = arith.addi %mul3A_2, %add3A_117 : i32
    %iota3A_119 = tpu.iota {dimensions = array<i32: 0>} : vector<16xi32>
    %add3A_120 = vector.broadcast %add3A_118 : i32 to vector<16xi32>
    %add3A_121 = arith.addi %add3A_120, %iota3A_119 : vector<16xi32>
    %gt3A_122 = arith.constant 0 : i32
    %gt3A_123 = vector.broadcast %gt3A_122 : i32 to vector<16xi32>
    %gt3A_124 = arith.cmpi sgt, %get3A_116, %gt3A_123 : vector<16xi32>
    %select_n3A_125 = arith.select %gt3A_124, %add3A_121, %broadcast_in_dim3A_37 : vector<16xi1>, vector<16xi32>
    %swap3A_126 = arith.constant 80 : index
    %swap3A_127 = tpu.vector_load %arg6[%swap3A_126] {strides = array<i32>} : memref<512xi32, #tpu.memory_space<vmem>>, vector<16xi32>,
    %swap3A_128 = vector.shape_cast %swap3A_127 : vector<16xi32> to vector<16xi32>
    %swap3A_129 = vector.shape_cast %select_n3A_125 : vector<16xi32> to vector<16xi32>
    tpu.vector_store %arg6[%swap3A_126], %swap3A_129 {strides = array<i32>} : memref<512xi32, #tpu.memory_space<vmem>>, vector<16xi32>,
    %get3A_130 = arith.constant 96 : index
    %get3A_131 = tpu.vector_load %arg5[%get3A_130] {strides = array<i32>} : memref<512xi32, #tpu.memory_space<vmem>>, vector<16xi32>,
    %get3A_132 = vector.shape_cast %get3A_131 : vector<16xi32> to vector<16xi32>
    %add3A_133 = arith.constant 96 : i32
    %add3A_134 = arith.addi %mul3A_2, %add3A_133 : i32
    %iota3A_135 = tpu.iota {dimensions = array<i32: 0>} : vector<16xi32>
    %add3A_136 = vector.broadcast %add3A_134 : i32 to vector<16xi32>
    %add3A_137 = arith.addi %add3A_136, %iota3A_135 : vector<16xi32>
    %gt3A_138 = arith.constant 0 : i32
    %gt3A_139 = vector.broadcast %gt3A_138 : i32 to vector<16xi32>
    %gt3A_140 = arith.cmpi sgt, %get3A_132, %gt3A_139 : vector<16xi32>
    %select_n3A_141 = arith.select %gt3A_140, %add3A_137, %broadcast_in_dim3A_37 : vector<16xi1>, vector<16xi32>
    %swap3A_142 = arith.constant 96 : index
    %swap3A_143 = tpu.vector_load %arg6[%swap3A_142] {strides = array<i32>} : memref<512xi32, #tpu.memory_space<vmem>>, vector<16xi32>,
    %swap3A_144 = vector.shape_cast %swap3A_143 : vector<16xi32> to vector<16xi32>
    %swap3A_145 = vector.shape_cast %select_n3A_141 : vector<16xi32> to vector<16xi32>
    tpu.vector_store %arg6[%swap3A_142], %swap3A_145 {strides = array<i32>} : memref<512xi32, #tpu.memory_space<vmem>>, vector<16xi32>,
    %get3A_146 = arith.constant 112 : index
    %get3A_147 = tpu.vector_load %arg5[%get3A_146] {strides = array<i32>} : memref<512xi32, #tpu.memory_space<vmem>>, vector<16xi32>,
    %get3A_148 = vector.shape_cast %get3A_147 : vector<16xi32> to vector<16xi32>
    %add3A_149 = arith.constant 112 : i32
    %add3A_150 = arith.addi %mul3A_2, %add3A_149 : i32
    %iota3A_151 = tpu.iota {dimensions = array<i32: 0>} : vector<16xi32>
    %add3A_152 = vector.broadcast %add3A_150 : i32 to vector<16xi32>
    %add3A_153 = arith.addi %add3A_152, %iota3A_151 : vector<16xi32>
    %gt3A_154 = arith.constant 0 : i32
    %gt3A_155 = vector.broadcast %gt3A_154 : i32 to vector<16xi32>
    %gt3A_156 = arith.cmpi sgt, %get3A_148, %gt3A_155 : vector<16xi32>
    %select_n3A_157 = arith.select %gt3A_156, %add3A_153, %broadcast_in_dim3A_37 : vector<16xi1>, vector<16xi32>
    %swap3A_158 = arith.constant 112 : index
    %swap3A_159 = tpu.vector_load %arg6[%swap3A_158] {strides = array<i32>} : memref<512xi32, #tpu.memory_space<vmem>>, vector<16xi32>,
    %swap3A_160 = vector.shape_cast %swap3A_159 : vector<16xi32> to vector<16xi32>
    %swap3A_161 = vector.shape_cast %select_n3A_157 : vector<16xi32> to vector<16xi32>
    tpu.vector_store %arg6[%swap3A_158], %swap3A_161 {strides = array<i32>} : memref<512xi32, #tpu.memory_space<vmem>>, vector<16xi32>,
    %get3A_162 = arith.constant 128 : index
    %get3A_163 = tpu.vector_load %arg5[%get3A_162] {strides = array<i32>} : memref<512xi32, #tpu.memory_space<vmem>>, vector<16xi32>,
    %get3A_164 = vector.shape_cast %get3A_163 : vector<16xi32> to vector<16xi32>
    %add3A_165 = arith.constant 128 : i32
    %add3A_166 = arith.addi %mul3A_2, %add3A_165 : i32
    %iota3A_167 = tpu.iota {dimensions = array<i32: 0>} : vector<16xi32>
    %add3A_168 = vector.broadcast %add3A_166 : i32 to vector<16xi32>
    %add3A_169 = arith.addi %add3A_168, %iota3A_167 : vector<16xi32>
    %gt3A_170 = arith.constant 0 : i32
    %gt3A_171 = vector.broadcast %gt3A_170 : i32 to vector<16xi32>
    %gt3A_172 = arith.cmpi sgt, %get3A_164, %gt3A_171 : vector<16xi32>
    %select_n3A_173 = arith.select %gt3A_172, %add3A_169, %broadcast_in_dim3A_37 : vector<16xi1>, vector<16xi32>
    %swap3A_174 = arith.constant 128 : index
    %swap3A_175 = tpu.vector_load %arg6[%swap3A_174] {strides = array<i32>} : memref<512xi32, #tpu.memory_space<vmem>>, vector<16xi32>,
    %swap3A_176 = vector.shape_cast %swap3A_175 : vector<16xi32> to vector<16xi32>
    %swap3A_177 = vector.shape_cast %select_n3A_173 : vector<16xi32> to vector<16xi32>
    tpu.vector_store %arg6[%swap3A_174], %swap3A_177 {strides = array<i32>} : memref<512xi32, #tpu.memory_space<vmem>>, vector<16xi32>,
    %get3A_178 = arith.constant 144 : index
    %get3A_179 = tpu.vector_load %arg5[%get3A_178] {strides = array<i32>} : memref<512xi32, #tpu.memory_space<vmem>>, vector<16xi32>,
    %get3A_180 = vector.shape_cast %get3A_179 : vector<16xi32> to vector<16xi32>
    %add3A_181 = arith.constant 144 : i32
    %add3A_182 = arith.addi %mul3A_2, %add3A_181 : i32
    %iota3A_183 = tpu.iota {dimensions = array<i32: 0>} : vector<16xi32>
    %add3A_184 = vector.broadcast %add3A_182 : i32 to vector<16xi32>
    %add3A_185 = arith.addi %add3A_184, %iota3A_183 : vector<16xi32>
    %gt3A_186 = arith.constant 0 : i32
    %gt3A_187 = vector.broadcast %gt3A_186 : i32 to vector<16xi32>
    %gt3A_188 = arith.cmpi sgt, %get3A_180, %gt3A_187 : vector<16xi32>
    %select_n3A_189 = arith.select %gt3A_188, %add3A_185, %broadcast_in_dim3A_37 : vector<16xi1>, vector<16xi32>
    %swap3A_190 = arith.constant 144 : index
    %swap3A_191 = tpu.vector_load %arg6[%swap3A_190] {strides = array<i32>} : memref<512xi32, #tpu.memory_space<vmem>>, vector<16xi32>,
    %swap3A_192 = vector.shape_cast %swap3A_191 : vector<16xi32> to vector<16xi32>
    %swap3A_193 = vector.shape_cast %select_n3A_189 : vector<16xi32> to vector<16xi32>
    tpu.vector_store %arg6[%swap3A_190], %swap3A_193 {strides = array<i32>} : memref<512xi32, #tpu.memory_space<vmem>>, vector<16xi32>,
    %get3A_194 = arith.constant 160 : index
    %get3A_195 = tpu.vector_load %arg5[%get3A_194] {strides = array<i32>} : memref<512xi32, #tpu.memory_space<vmem>>, vector<16xi32>,
    %get3A_196 = vector.shape_cast %get3A_195 : vector<16xi32> to vector<16xi32>
    %add3A_197 = arith.constant 160 : i32
    %add3A_198 = arith.addi %mul3A_2, %add3A_197 : i32
    %iota3A_199 = tpu.iota {dimensions = array<i32: 0>} : vector<16xi32>
    %add3A_200 = vector.broadcast %add3A_198 : i32 to vector<16xi32>
    %add3A_201 = arith.addi %add3A_200, %iota3A_199 : vector<16xi32>
    %gt3A_202 = arith.constant 0 : i32
    %gt3A_203 = vector.broadcast %gt3A_202 : i32 to vector<16xi32>
    %gt3A_204 = arith.cmpi sgt, %get3A_196, %gt3A_203 : vector<16xi32>
    %select_n3A_205 = arith.select %gt3A_204, %add3A_201, %broadcast_in_dim3A_37 : vector<16xi1>, vector<16xi32>
    %swap3A_206 = arith.constant 160 : index
    %swap3A_207 = tpu.vector_load %arg6[%swap3A_206] {strides = array<i32>} : memref<512xi32, #tpu.memory_space<vmem>>, vector<16xi32>,
    %swap3A_208 = vector.shape_cast %swap3A_207 : vector<16xi32> to vector<16xi32>
    %swap3A_209 = vector.shape_cast %select_n3A_205 : vector<16xi32> to vector<16xi32>
    tpu.vector_store %arg6[%swap3A_206], %swap3A_209 {strides = array<i32>} : memref<512xi32, #tpu.memory_space<vmem>>, vector<16xi32>,
    %get3A_210 = arith.constant 176 : index
    %get3A_211 = tpu.vector_load %arg5[%get3A_210] {strides = array<i32>} : memref<512xi32, #tpu.memory_space<vmem>>, vector<16xi32>,
    %get3A_212 = vector.shape_cast %get3A_211 : vector<16xi32> to vector<16xi32>
    %add3A_213 = arith.constant 176 : i32
    %add3A_214 = arith.addi %mul3A_2, %add3A_213 : i32
    %iota3A_215 = tpu.iota {dimensions = array<i32: 0>} : vector<16xi32>
    %add3A_216 = vector.broadcast %add3A_214 : i32 to vector<16xi32>
    %add3A_217 = arith.addi %add3A_216, %iota3A_215 : vector<16xi32>
    %gt3A_218 = arith.constant 0 : i32
    %gt3A_219 = vector.broadcast %gt3A_218 : i32 to vector<16xi32>
    %gt3A_220 = arith.cmpi sgt, %get3A_212, %gt3A_219 : vector<16xi32>
    %select_n3A_221 = arith.select %gt3A_220, %add3A_217, %broadcast_in_dim3A_37 : vector<16xi1>, vector<16xi32>
    %swap3A_222 = arith.constant 176 : index
    %swap3A_223 = tpu.vector_load %arg6[%swap3A_222] {strides = array<i32>} : memref<512xi32, #tpu.memory_space<vmem>>, vector<16xi32>,
    %swap3A_224 = vector.shape_cast %swap3A_223 : vector<16xi32> to vector<16xi32>
    %swap3A_225 = vector.shape_cast %select_n3A_221 : vector<16xi32> to vector<16xi32>
    tpu.vector_store %arg6[%swap3A_222], %swap3A_225 {strides = array<i32>} : memref<512xi32, #tpu.memory_space<vmem>>, vector<16xi32>,
    %get3A_226 = arith.constant 192 : index
    %get3A_227 = tpu.vector_load %arg5[%get3A_226] {strides = array<i32>} : memref<512xi32, #tpu.memory_space<vmem>>, vector<16xi32>,
    %get3A_228 = vector.shape_cast %get3A_227 : vector<16xi32> to vector<16xi32>
    %add3A_229 = arith.constant 192 : i32
    %add3A_230 = arith.addi %mul3A_2, %add3A_229 : i32
    %iota3A_231 = tpu.iota {dimensions = array<i32: 0>} : vector<16xi32>
    %add3A_232 = vector.broadcast %add3A_230 : i32 to vector<16xi32>
    %add3A_233 = arith.addi %add3A_232, %iota3A_231 : vector<16xi32>
    %gt3A_234 = arith.constant 0 : i32
    %gt3A_235 = vector.broadcast %gt3A_234 : i32 to vector<16xi32>
    %gt3A_236 = arith.cmpi sgt, %get3A_228, %gt3A_235 : vector<16xi32>
    %select_n3A_237 = arith.select %gt3A_236, %add3A_233, %broadcast_in_dim3A_37 : vector<16xi1>, vector<16xi32>
    %swap3A_238 = arith.constant 192 : index
    %swap3A_239 = tpu.vector_load %arg6[%swap3A_238] {strides = array<i32>} : memref<512xi32, #tpu.memory_space<vmem>>, vector<16xi32>,
    %swap3A_240 = vector.shape_cast %swap3A_239 : vector<16xi32> to vector<16xi32>
    %swap3A_241 = vector.shape_cast %select_n3A_237 : vector<16xi32> to vector<16xi32>
    tpu.vector_store %arg6[%swap3A_238], %swap3A_241 {strides = array<i32>} : memref<512xi32, #tpu.memory_space<vmem>>, vector<16xi32>,
    %get3A_242 = arith.constant 208 : index
    %get3A_243 = tpu.vector_load %arg5[%get3A_242] {strides = array<i32>} : memref<512xi32, #tpu.memory_space<vmem>>, vector<16xi32>,
    %get3A_244 = vector.shape_cast %get3A_243 : vector<16xi32> to vector<16xi32>
    %add3A_245 = arith.constant 208 : i32
    %add3A_246 = arith.addi %mul3A_2, %add3A_245 : i32
    %iota3A_247 = tpu.iota {dimensions = array<i32: 0>} : vector<16xi32>
    %add3A_248 = vector.broadcast %add3A_246 : i32 to vector<16xi32>
    %add3A_249 = arith.addi %add3A_248, %iota3A_247 : vector<16xi32>
    %gt3A_250 = arith.constant 0 : i32
    %gt3A_251 = vector.broadcast %gt3A_250 : i32 to vector<16xi32>
    %gt3A_252 = arith.cmpi sgt, %get3A_244, %gt3A_251 : vector<16xi32>
    %select_n3A_253 = arith.select %gt3A_252, %add3A_249, %broadcast_in_dim3A_37 : vector<16xi1>, vector<16xi32>
    %swap3A_254 = arith.constant 208 : index
    %swap3A_255 = tpu.vector_load %arg6[%swap3A_254] {strides = array<i32>} : memref<512xi32, #tpu.memory_space<vmem>>, vector<16xi32>,
    %swap3A_256 = vector.shape_cast %swap3A_255 : vector<16xi32> to vector<16xi32>
    %swap3A_257 = vector.shape_cast %select_n3A_253 : vector<16xi32> to vector<16xi32>
    tpu.vector_store %arg6[%swap3A_254], %swap3A_257 {strides = array<i32>} : memref<512xi32, #tpu.memory_space<vmem>>, vector<16xi32>,
    %get3A_258 = arith.constant 224 : index
    %get3A_259 = tpu.vector_load %arg5[%get3A_258] {strides = array<i32>} : memref<512xi32, #tpu.memory_space<vmem>>, vector<16xi32>,
    %get3A_260 = vector.shape_cast %get3A_259 : vector<16xi32> to vector<16xi32>
    %add3A_261 = arith.constant 224 : i32
    %add3A_262 = arith.addi %mul3A_2, %add3A_261 : i32
    %iota3A_263 = tpu.iota {dimensions = array<i32: 0>} : vector<16xi32>
    %add3A_264 = vector.broadcast %add3A_262 : i32 to vector<16xi32>
    %add3A_265 = arith.addi %add3A_264, %iota3A_263 : vector<16xi32>
    %gt3A_266 = arith.constant 0 : i32
    %gt3A_267 = vector.broadcast %gt3A_266 : i32 to vector<16xi32>
    %gt3A_268 = arith.cmpi sgt, %get3A_260, %gt3A_267 : vector<16xi32>
    %select_n3A_269 = arith.select %gt3A_268, %add3A_265, %broadcast_in_dim3A_37 : vector<16xi1>, vector<16xi32>
    %swap3A_270 = arith.constant 224 : index
    %swap3A_271 = tpu.vector_load %arg6[%swap3A_270] {strides = array<i32>} : memref<512xi32, #tpu.memory_space<vmem>>, vector<16xi32>,
    %swap3A_272 = vector.shape_cast %swap3A_271 : vector<16xi32> to vector<16xi32>
    %swap3A_273 = vector.shape_cast %select_n3A_269 : vector<16xi32> to vector<16xi32>
    tpu.vector_store %arg6[%swap3A_270], %swap3A_273 {strides = array<i32>} : memref<512xi32, #tpu.memory_space<vmem>>, vector<16xi32>,
    %get3A_274 = arith.constant 240 : index
    %get3A_275 = tpu.vector_load %arg5[%get3A_274] {strides = array<i32>} : memref<512xi32, #tpu.memory_space<vmem>>, vector<16xi32>,
    %get3A_276 = vector.shape_cast %get3A_275 : vector<16xi32> to vector<16xi32>
    %add3A_277 = arith.constant 240 : i32
    %add3A_278 = arith.addi %mul3A_2, %add3A_277 : i32
    %iota3A_279 = tpu.iota {dimensions = array<i32: 0>} : vector<16xi32>
    %add3A_280 = vector.broadcast %add3A_278 : i32 to vector<16xi32>
    %add3A_281 = arith.addi %add3A_280, %iota3A_279 : vector<16xi32>
    %gt3A_282 = arith.constant 0 : i32
    %gt3A_283 = vector.broadcast %gt3A_282 : i32 to vector<16xi32>
    %gt3A_284 = arith.cmpi sgt, %get3A_276, %gt3A_283 : vector<16xi32>
    %select_n3A_285 = arith.select %gt3A_284, %add3A_281, %broadcast_in_dim3A_37 : vector<16xi1>, vector<16xi32>
    %swap3A_286 = arith.constant 240 : index
    %swap3A_287 = tpu.vector_load %arg6[%swap3A_286] {strides = array<i32>} : memref<512xi32, #tpu.memory_space<vmem>>, vector<16xi32>,
    %swap3A_288 = vector.shape_cast %swap3A_287 : vector<16xi32> to vector<16xi32>
    %swap3A_289 = vector.shape_cast %select_n3A_285 : vector<16xi32> to vector<16xi32>
    tpu.vector_store %arg6[%swap3A_286], %swap3A_289 {strides = array<i32>} : memref<512xi32, #tpu.memory_space<vmem>>, vector<16xi32>,
    %get3A_290 = arith.constant 256 : index
    %get3A_291 = tpu.vector_load %arg5[%get3A_290] {strides = array<i32>} : memref<512xi32, #tpu.memory_space<vmem>>, vector<16xi32>,
    %get3A_292 = vector.shape_cast %get3A_291 : vector<16xi32> to vector<16xi32>
    %add3A_293 = arith.constant 256 : i32
    %add3A_294 = arith.addi %mul3A_2, %add3A_293 : i32
    %iota3A_295 = tpu.iota {dimensions = array<i32: 0>} : vector<16xi32>
    %add3A_296 = vector.broadcast %add3A_294 : i32 to vector<16xi32>
    %add3A_297 = arith.addi %add3A_296, %iota3A_295 : vector<16xi32>
    %gt3A_298 = arith.constant 0 : i32
    %gt3A_299 = vector.broadcast %gt3A_298 : i32 to vector<16xi32>
    %gt3A_300 = arith.cmpi sgt, %get3A_292, %gt3A_299 : vector<16xi32>
    %select_n3A_301 = arith.select %gt3A_300, %add3A_297, %broadcast_in_dim3A_37 : vector<16xi1>, vector<16xi32>
    %swap3A_302 = arith.constant 256 : index
    %swap3A_303 = tpu.vector_load %arg6[%swap3A_302] {strides = array<i32>} : memref<512xi32, #tpu.memory_space<vmem>>, vector<16xi32>,
    %swap3A_304 = vector.shape_cast %swap3A_303 : vector<16xi32> to vector<16xi32>
    %swap3A_305 = vector.shape_cast %select_n3A_301 : vector<16xi32> to vector<16xi32>
    tpu.vector_store %arg6[%swap3A_302], %swap3A_305 {strides = array<i32>} : memref<512xi32, #tpu.memory_space<vmem>>, vector<16xi32>,
    %get3A_306 = arith.constant 272 : index
    %get3A_307 = tpu.vector_load %arg5[%get3A_306] {strides = array<i32>} : memref<512xi32, #tpu.memory_space<vmem>>, vector<16xi32>,
    %get3A_308 = vector.shape_cast %get3A_307 : vector<16xi32> to vector<16xi32>
    %add3A_309 = arith.constant 272 : i32
    %add3A_310 = arith.addi %mul3A_2, %add3A_309 : i32
    %iota3A_311 = tpu.iota {dimensions = array<i32: 0>} : vector<16xi32>
    %add3A_312 = vector.broadcast %add3A_310 : i32 to vector<16xi32>
    %add3A_313 = arith.addi %add3A_312, %iota3A_311 : vector<16xi32>
    %gt3A_314 = arith.constant 0 : i32
    %gt3A_315 = vector.broadcast %gt3A_314 : i32 to vector<16xi32>
    %gt3A_316 = arith.cmpi sgt, %get3A_308, %gt3A_315 : vector<16xi32>
    %select_n3A_317 = arith.select %gt3A_316, %add3A_313, %broadcast_in_dim3A_37 : vector<16xi1>, vector<16xi32>
    %swap3A_318 = arith.constant 272 : index
    %swap3A_319 = tpu.vector_load %arg6[%swap3A_318] {strides = array<i32>} : memref<512xi32, #tpu.memory_space<vmem>>, vector<16xi32>,
    %swap3A_320 = vector.shape_cast %swap3A_319 : vector<16xi32> to vector<16xi32>
    %swap3A_321 = vector.shape_cast %select_n3A_317 : vector<16xi32> to vector<16xi32>
    tpu.vector_store %arg6[%swap3A_318], %swap3A_321 {strides = array<i32>} : memref<512xi32, #tpu.memory_space<vmem>>, vector<16xi32>,
    %get3A_322 = arith.constant 288 : index
    %get3A_323 = tpu.vector_load %arg5[%get3A_322] {strides = array<i32>} : memref<512xi32, #tpu.memory_space<vmem>>, vector<16xi32>,
    %get3A_324 = vector.shape_cast %get3A_323 : vector<16xi32> to vector<16xi32>
    %add3A_325 = arith.constant 288 : i32
    %add3A_326 = arith.addi %mul3A_2, %add3A_325 : i32
    %iota3A_327 = tpu.iota {dimensions = array<i32: 0>} : vector<16xi32>
    %add3A_328 = vector.broadcast %add3A_326 : i32 to vector<16xi32>
    %add3A_329 = arith.addi %add3A_328, %iota3A_327 : vector<16xi32>
    %gt3A_330 = arith.constant 0 : i32
    %gt3A_331 = vector.broadcast %gt3A_330 : i32 to vector<16xi32>
    %gt3A_332 = arith.cmpi sgt, %get3A_324, %gt3A_331 : vector<16xi32>
    %select_n3A_333 = arith.select %gt3A_332, %add3A_329, %broadcast_in_dim3A_37 : vector<16xi1>, vector<16xi32>
    %swap3A_334 = arith.constant 288 : index
    %swap3A_335 = tpu.vector_load %arg6[%swap3A_334] {strides = array<i32>} : memref<512xi32, #tpu.memory_space<vmem>>, vector<16xi32>,
    %swap3A_336 = vector.shape_cast %swap3A_335 : vector<16xi32> to vector<16xi32>
    %swap3A_337 = vector.shape_cast %select_n3A_333 : vector<16xi32> to vector<16xi32>
    tpu.vector_store %arg6[%swap3A_334], %swap3A_337 {strides = array<i32>} : memref<512xi32, #tpu.memory_space<vmem>>, vector<16xi32>,
    %get3A_338 = arith.constant 304 : index
    %get3A_339 = tpu.vector_load %arg5[%get3A_338] {strides = array<i32>} : memref<512xi32, #tpu.memory_space<vmem>>, vector<16xi32>,
    %get3A_340 = vector.shape_cast %get3A_339 : vector<16xi32> to vector<16xi32>
    %add3A_341 = arith.constant 304 : i32
    %add3A_342 = arith.addi %mul3A_2, %add3A_341 : i32
    %iota3A_343 = tpu.iota {dimensions = array<i32: 0>} : vector<16xi32>
    %add3A_344 = vector.broadcast %add3A_342 : i32 to vector<16xi32>
    %add3A_345 = arith.addi %add3A_344, %iota3A_343 : vector<16xi32>
    %gt3A_346 = arith.constant 0 : i32
    %gt3A_347 = vector.broadcast %gt3A_346 : i32 to vector<16xi32>
    %gt3A_348 = arith.cmpi sgt, %get3A_340, %gt3A_347 : vector<16xi32>
    %select_n3A_349 = arith.select %gt3A_348, %add3A_345, %broadcast_in_dim3A_37 : vector<16xi1>, vector<16xi32>
    %swap3A_350 = arith.constant 304 : index
    %swap3A_351 = tpu.vector_load %arg6[%swap3A_350] {strides = array<i32>} : memref<512xi32, #tpu.memory_space<vmem>>, vector<16xi32>,
    %swap3A_352 = vector.shape_cast %swap3A_351 : vector<16xi32> to vector<16xi32>
    %swap3A_353 = vector.shape_cast %select_n3A_349 : vector<16xi32> to vector<16xi32>
    tpu.vector_store %arg6[%swap3A_350], %swap3A_353 {strides = array<i32>} : memref<512xi32, #tpu.memory_space<vmem>>, vector<16xi32>,
    %get3A_354 = arith.constant 320 : index
    %get3A_355 = tpu.vector_load %arg5[%get3A_354] {strides = array<i32>} : memref<512xi32, #tpu.memory_space<vmem>>, vector<16xi32>,
    %get3A_356 = vector.shape_cast %get3A_355 : vector<16xi32> to vector<16xi32>
    %add3A_357 = arith.constant 320 : i32
    %add3A_358 = arith.addi %mul3A_2, %add3A_357 : i32
    %iota3A_359 = tpu.iota {dimensions = array<i32: 0>} : vector<16xi32>
    %add3A_360 = vector.broadcast %add3A_358 : i32 to vector<16xi32>
    %add3A_361 = arith.addi %add3A_360, %iota3A_359 : vector<16xi32>
    %gt3A_362 = arith.constant 0 : i32
    %gt3A_363 = vector.broadcast %gt3A_362 : i32 to vector<16xi32>
    %gt3A_364 = arith.cmpi sgt, %get3A_356, %gt3A_363 : vector<16xi32>
    %select_n3A_365 = arith.select %gt3A_364, %add3A_361, %broadcast_in_dim3A_37 : vector<16xi1>, vector<16xi32>
    %swap3A_366 = arith.constant 320 : index
    %swap3A_367 = tpu.vector_load %arg6[%swap3A_366] {strides = array<i32>} : memref<512xi32, #tpu.memory_space<vmem>>, vector<16xi32>,
    %swap3A_368 = vector.shape_cast %swap3A_367 : vector<16xi32> to vector<16xi32>
    %swap3A_369 = vector.shape_cast %select_n3A_365 : vector<16xi32> to vector<16xi32>
    tpu.vector_store %arg6[%swap3A_366], %swap3A_369 {strides = array<i32>} : memref<512xi32, #tpu.memory_space<vmem>>, vector<16xi32>,
    %get3A_370 = arith.constant 336 : index
    %get3A_371 = tpu.vector_load %arg5[%get3A_370] {strides = array<i32>} : memref<512xi32, #tpu.memory_space<vmem>>, vector<16xi32>,
    %get3A_372 = vector.shape_cast %get3A_371 : vector<16xi32> to vector<16xi32>
    %add3A_373 = arith.constant 336 : i32
    %add3A_374 = arith.addi %mul3A_2, %add3A_373 : i32
    %iota3A_375 = tpu.iota {dimensions = array<i32: 0>} : vector<16xi32>
    %add3A_376 = vector.broadcast %add3A_374 : i32 to vector<16xi32>
    %add3A_377 = arith.addi %add3A_376, %iota3A_375 : vector<16xi32>
    %gt3A_378 = arith.constant 0 : i32
    %gt3A_379 = vector.broadcast %gt3A_378 : i32 to vector<16xi32>
    %gt3A_380 = arith.cmpi sgt, %get3A_372, %gt3A_379 : vector<16xi32>
    %select_n3A_381 = arith.select %gt3A_380, %add3A_377, %broadcast_in_dim3A_37 : vector<16xi1>, vector<16xi32>
    %swap3A_382 = arith.constant 336 : index
    %swap3A_383 = tpu.vector_load %arg6[%swap3A_382] {strides = array<i32>} : memref<512xi32, #tpu.memory_space<vmem>>, vector<16xi32>,
    %swap3A_384 = vector.shape_cast %swap3A_383 : vector<16xi32> to vector<16xi32>
    %swap3A_385 = vector.shape_cast %select_n3A_381 : vector<16xi32> to vector<16xi32>
    tpu.vector_store %arg6[%swap3A_382], %swap3A_385 {strides = array<i32>} : memref<512xi32, #tpu.memory_space<vmem>>, vector<16xi32>,
    %get3A_386 = arith.constant 352 : index
    %get3A_387 = tpu.vector_load %arg5[%get3A_386] {strides = array<i32>} : memref<512xi32, #tpu.memory_space<vmem>>, vector<16xi32>,
    %get3A_388 = vector.shape_cast %get3A_387 : vector<16xi32> to vector<16xi32>
    %add3A_389 = arith.constant 352 : i32
    %add3A_390 = arith.addi %mul3A_2, %add3A_389 : i32
    %iota3A_391 = tpu.iota {dimensions = array<i32: 0>} : vector<16xi32>
    %add3A_392 = vector.broadcast %add3A_390 : i32 to vector<16xi32>
    %add3A_393 = arith.addi %add3A_392, %iota3A_391 : vector<16xi32>
    %gt3A_394 = arith.constant 0 : i32
    %gt3A_395 = vector.broadcast %gt3A_394 : i32 to vector<16xi32>
    %gt3A_396 = arith.cmpi sgt, %get3A_388, %gt3A_395 : vector<16xi32>
    %select_n3A_397 = arith.select %gt3A_396, %add3A_393, %broadcast_in_dim3A_37 : vector<16xi1>, vector<16xi32>
    %swap3A_398 = arith.constant 352 : index
    %swap3A_399 = tpu.vector_load %arg6[%swap3A_398] {strides = array<i32>} : memref<512xi32, #tpu.memory_space<vmem>>, vector<16xi32>,
    %swap3A_400 = vector.shape_cast %swap3A_399 : vector<16xi32> to vector<16xi32>
    %swap3A_401 = vector.shape_cast %select_n3A_397 : vector<16xi32> to vector<16xi32>
    tpu.vector_store %arg6[%swap3A_398], %swap3A_401 {strides = array<i32>} : memref<512xi32, #tpu.memory_space<vmem>>, vector<16xi32>,
    %get3A_402 = arith.constant 368 : index
    %get3A_403 = tpu.vector_load %arg5[%get3A_402] {strides = array<i32>} : memref<512xi32, #tpu.memory_space<vmem>>, vector<16xi32>,
    %get3A_404 = vector.shape_cast %get3A_403 : vector<16xi32> to vector<16xi32>
    %add3A_405 = arith.constant 368 : i32
    %add3A_406 = arith.addi %mul3A_2, %add3A_405 : i32
    %iota3A_407 = tpu.iota {dimensions = array<i32: 0>} : vector<16xi32>
    %add3A_408 = vector.broadcast %add3A_406 : i32 to vector<16xi32>
    %add3A_409 = arith.addi %add3A_408, %iota3A_407 : vector<16xi32>
    %gt3A_410 = arith.constant 0 : i32
    %gt3A_411 = vector.broadcast %gt3A_410 : i32 to vector<16xi32>
    %gt3A_412 = arith.cmpi sgt, %get3A_404, %gt3A_411 : vector<16xi32>
    %select_n3A_413 = arith.select %gt3A_412, %add3A_409, %broadcast_in_dim3A_37 : vector<16xi1>, vector<16xi32>
    %swap3A_414 = arith.constant 368 : index
    %swap3A_415 = tpu.vector_load %arg6[%swap3A_414] {strides = array<i32>} : memref<512xi32, #tpu.memory_space<vmem>>, vector<16xi32>,
    %swap3A_416 = vector.shape_cast %swap3A_415 : vector<16xi32> to vector<16xi32>
    %swap3A_417 = vector.shape_cast %select_n3A_413 : vector<16xi32> to vector<16xi32>
    tpu.vector_store %arg6[%swap3A_414], %swap3A_417 {strides = array<i32>} : memref<512xi32, #tpu.memory_space<vmem>>, vector<16xi32>,
    %get3A_418 = arith.constant 384 : index
    %get3A_419 = tpu.vector_load %arg5[%get3A_418] {strides = array<i32>} : memref<512xi32, #tpu.memory_space<vmem>>, vector<16xi32>,
    %get3A_420 = vector.shape_cast %get3A_419 : vector<16xi32> to vector<16xi32>
    %add3A_421 = arith.constant 384 : i32
    %add3A_422 = arith.addi %mul3A_2, %add3A_421 : i32
    %iota3A_423 = tpu.iota {dimensions = array<i32: 0>} : vector<16xi32>
    %add3A_424 = vector.broadcast %add3A_422 : i32 to vector<16xi32>
    %add3A_425 = arith.addi %add3A_424, %iota3A_423 : vector<16xi32>
    %gt3A_426 = arith.constant 0 : i32
    %gt3A_427 = vector.broadcast %gt3A_426 : i32 to vector<16xi32>
    %gt3A_428 = arith.cmpi sgt, %get3A_420, %gt3A_427 : vector<16xi32>
    %select_n3A_429 = arith.select %gt3A_428, %add3A_425, %broadcast_in_dim3A_37 : vector<16xi1>, vector<16xi32>
    %swap3A_430 = arith.constant 384 : index
    %swap3A_431 = tpu.vector_load %arg6[%swap3A_430] {strides = array<i32>} : memref<512xi32, #tpu.memory_space<vmem>>, vector<16xi32>,
    %swap3A_432 = vector.shape_cast %swap3A_431 : vector<16xi32> to vector<16xi32>
    %swap3A_433 = vector.shape_cast %select_n3A_429 : vector<16xi32> to vector<16xi32>
    tpu.vector_store %arg6[%swap3A_430], %swap3A_433 {strides = array<i32>} : memref<512xi32, #tpu.memory_space<vmem>>, vector<16xi32>,
    %get3A_434 = arith.constant 400 : index
    %get3A_435 = tpu.vector_load %arg5[%get3A_434] {strides = array<i32>} : memref<512xi32, #tpu.memory_space<vmem>>, vector<16xi32>,
    %get3A_436 = vector.shape_cast %get3A_435 : vector<16xi32> to vector<16xi32>
    %add3A_437 = arith.constant 400 : i32
    %add3A_438 = arith.addi %mul3A_2, %add3A_437 : i32
    %iota3A_439 = tpu.iota {dimensions = array<i32: 0>} : vector<16xi32>
    %add3A_440 = vector.broadcast %add3A_438 : i32 to vector<16xi32>
    %add3A_441 = arith.addi %add3A_440, %iota3A_439 : vector<16xi32>
    %gt3A_442 = arith.constant 0 : i32
    %gt3A_443 = vector.broadcast %gt3A_442 : i32 to vector<16xi32>
    %gt3A_444 = arith.cmpi sgt, %get3A_436, %gt3A_443 : vector<16xi32>
    %select_n3A_445 = arith.select %gt3A_444, %add3A_441, %broadcast_in_dim3A_37 : vector<16xi1>, vector<16xi32>
    %swap3A_446 = arith.constant 400 : index
    %swap3A_447 = tpu.vector_load %arg6[%swap3A_446] {strides = array<i32>} : memref<512xi32, #tpu.memory_space<vmem>>, vector<16xi32>,
    %swap3A_448 = vector.shape_cast %swap3A_447 : vector<16xi32> to vector<16xi32>
    %swap3A_449 = vector.shape_cast %select_n3A_445 : vector<16xi32> to vector<16xi32>
    tpu.vector_store %arg6[%swap3A_446], %swap3A_449 {strides = array<i32>} : memref<512xi32, #tpu.memory_space<vmem>>, vector<16xi32>,
    %get3A_450 = arith.constant 416 : index
    %get3A_451 = tpu.vector_load %arg5[%get3A_450] {strides = array<i32>} : memref<512xi32, #tpu.memory_space<vmem>>, vector<16xi32>,
    %get3A_452 = vector.shape_cast %get3A_451 : vector<16xi32> to vector<16xi32>
    %add3A_453 = arith.constant 416 : i32
    %add3A_454 = arith.addi %mul3A_2, %add3A_453 : i32
    %iota3A_455 = tpu.iota {dimensions = array<i32: 0>} : vector<16xi32>
    %add3A_456 = vector.broadcast %add3A_454 : i32 to vector<16xi32>
    %add3A_457 = arith.addi %add3A_456, %iota3A_455 : vector<16xi32>
    %gt3A_458 = arith.constant 0 : i32
    %gt3A_459 = vector.broadcast %gt3A_458 : i32 to vector<16xi32>
    %gt3A_460 = arith.cmpi sgt, %get3A_452, %gt3A_459 : vector<16xi32>
    %select_n3A_461 = arith.select %gt3A_460, %add3A_457, %broadcast_in_dim3A_37 : vector<16xi1>, vector<16xi32>
    %swap3A_462 = arith.constant 416 : index
    %swap3A_463 = tpu.vector_load %arg6[%swap3A_462] {strides = array<i32>} : memref<512xi32, #tpu.memory_space<vmem>>, vector<16xi32>,
    %swap3A_464 = vector.shape_cast %swap3A_463 : vector<16xi32> to vector<16xi32>
    %swap3A_465 = vector.shape_cast %select_n3A_461 : vector<16xi32> to vector<16xi32>
    tpu.vector_store %arg6[%swap3A_462], %swap3A_465 {strides = array<i32>} : memref<512xi32, #tpu.memory_space<vmem>>, vector<16xi32>,
    %get3A_466 = arith.constant 432 : index
    %get3A_467 = tpu.vector_load %arg5[%get3A_466] {strides = array<i32>} : memref<512xi32, #tpu.memory_space<vmem>>, vector<16xi32>,
    %get3A_468 = vector.shape_cast %get3A_467 : vector<16xi32> to vector<16xi32>
    %add3A_469 = arith.constant 432 : i32
    %add3A_470 = arith.addi %mul3A_2, %add3A_469 : i32
    %iota3A_471 = tpu.iota {dimensions = array<i32: 0>} : vector<16xi32>
    %add3A_472 = vector.broadcast %add3A_470 : i32 to vector<16xi32>
    %add3A_473 = arith.addi %add3A_472, %iota3A_471 : vector<16xi32>
    %gt3A_474 = arith.constant 0 : i32
    %gt3A_475 = vector.broadcast %gt3A_474 : i32 to vector<16xi32>
    %gt3A_476 = arith.cmpi sgt, %get3A_468, %gt3A_475 : vector<16xi32>
    %select_n3A_477 = arith.select %gt3A_476, %add3A_473, %broadcast_in_dim3A_37 : vector<16xi1>, vector<16xi32>
    %swap3A_478 = arith.constant 432 : index
    %swap3A_479 = tpu.vector_load %arg6[%swap3A_478] {strides = array<i32>} : memref<512xi32, #tpu.memory_space<vmem>>, vector<16xi32>,
    %swap3A_480 = vector.shape_cast %swap3A_479 : vector<16xi32> to vector<16xi32>
    %swap3A_481 = vector.shape_cast %select_n3A_477 : vector<16xi32> to vector<16xi32>
    tpu.vector_store %arg6[%swap3A_478], %swap3A_481 {strides = array<i32>} : memref<512xi32, #tpu.memory_space<vmem>>, vector<16xi32>,
    %get3A_482 = arith.constant 448 : index
    %get3A_483 = tpu.vector_load %arg5[%get3A_482] {strides = array<i32>} : memref<512xi32, #tpu.memory_space<vmem>>, vector<16xi32>,
    %get3A_484 = vector.shape_cast %get3A_483 : vector<16xi32> to vector<16xi32>
    %add3A_485 = arith.constant 448 : i32
    %add3A_486 = arith.addi %mul3A_2, %add3A_485 : i32
    %iota3A_487 = tpu.iota {dimensions = array<i32: 0>} : vector<16xi32>
    %add3A_488 = vector.broadcast %add3A_486 : i32 to vector<16xi32>
    %add3A_489 = arith.addi %add3A_488, %iota3A_487 : vector<16xi32>
    %gt3A_490 = arith.constant 0 : i32
    %gt3A_491 = vector.broadcast %gt3A_490 : i32 to vector<16xi32>
    %gt3A_492 = arith.cmpi sgt, %get3A_484, %gt3A_491 : vector<16xi32>
    %select_n3A_493 = arith.select %gt3A_492, %add3A_489, %broadcast_in_dim3A_37 : vector<16xi1>, vector<16xi32>
    %swap3A_494 = arith.constant 448 : index
    %swap3A_495 = tpu.vector_load %arg6[%swap3A_494] {strides = array<i32>} : memref<512xi32, #tpu.memory_space<vmem>>, vector<16xi32>,
    %swap3A_496 = vector.shape_cast %swap3A_495 : vector<16xi32> to vector<16xi32>
    %swap3A_497 = vector.shape_cast %select_n3A_493 : vector<16xi32> to vector<16xi32>
    tpu.vector_store %arg6[%swap3A_494], %swap3A_497 {strides = array<i32>} : memref<512xi32, #tpu.memory_space<vmem>>, vector<16xi32>,
    %get3A_498 = arith.constant 464 : index
    %get3A_499 = tpu.vector_load %arg5[%get3A_498] {strides = array<i32>} : memref<512xi32, #tpu.memory_space<vmem>>, vector<16xi32>,
    %get3A_500 = vector.shape_cast %get3A_499 : vector<16xi32> to vector<16xi32>
    %add3A_501 = arith.constant 464 : i32
    %add3A_502 = arith.addi %mul3A_2, %add3A_501 : i32
    %iota3A_503 = tpu.iota {dimensions = array<i32: 0>} : vector<16xi32>
    %add3A_504 = vector.broadcast %add3A_502 : i32 to vector<16xi32>
    %add3A_505 = arith.addi %add3A_504, %iota3A_503 : vector<16xi32>
    %gt3A_506 = arith.constant 0 : i32
    %gt3A_507 = vector.broadcast %gt3A_506 : i32 to vector<16xi32>
    %gt3A_508 = arith.cmpi sgt, %get3A_500, %gt3A_507 : vector<16xi32>
    %select_n3A_509 = arith.select %gt3A_508, %add3A_505, %broadcast_in_dim3A_37 : vector<16xi1>, vector<16xi32>
    %swap3A_510 = arith.constant 464 : index
    %swap3A_511 = tpu.vector_load %arg6[%swap3A_510] {strides = array<i32>} : memref<512xi32, #tpu.memory_space<vmem>>, vector<16xi32>,
    %swap3A_512 = vector.shape_cast %swap3A_511 : vector<16xi32> to vector<16xi32>
    %swap3A_513 = vector.shape_cast %select_n3A_509 : vector<16xi32> to vector<16xi32>
    tpu.vector_store %arg6[%swap3A_510], %swap3A_513 {strides = array<i32>} : memref<512xi32, #tpu.memory_space<vmem>>, vector<16xi32>,
    %get3A_514 = arith.constant 480 : index
    %get3A_515 = tpu.vector_load %arg5[%get3A_514] {strides = array<i32>} : memref<512xi32, #tpu.memory_space<vmem>>, vector<16xi32>,
    %get3A_516 = vector.shape_cast %get3A_515 : vector<16xi32> to vector<16xi32>
    %add3A_517 = arith.constant 480 : i32
    %add3A_518 = arith.addi %mul3A_2, %add3A_517 : i32
    %iota3A_519 = tpu.iota {dimensions = array<i32: 0>} : vector<16xi32>
    %add3A_520 = vector.broadcast %add3A_518 : i32 to vector<16xi32>
    %add3A_521 = arith.addi %add3A_520, %iota3A_519 : vector<16xi32>
    %gt3A_522 = arith.constant 0 : i32
    %gt3A_523 = vector.broadcast %gt3A_522 : i32 to vector<16xi32>
    %gt3A_524 = arith.cmpi sgt, %get3A_516, %gt3A_523 : vector<16xi32>
    %select_n3A_525 = arith.select %gt3A_524, %add3A_521, %broadcast_in_dim3A_37 : vector<16xi1>, vector<16xi32>
    %swap3A_526 = arith.constant 480 : index
    %swap3A_527 = tpu.vector_load %arg6[%swap3A_526] {strides = array<i32>} : memref<512xi32, #tpu.memory_space<vmem>>, vector<16xi32>,
    %swap3A_528 = vector.shape_cast %swap3A_527 : vector<16xi32> to vector<16xi32>
    %swap3A_529 = vector.shape_cast %select_n3A_525 : vector<16xi32> to vector<16xi32>
    tpu.vector_store %arg6[%swap3A_526], %swap3A_529 {strides = array<i32>} : memref<512xi32, #tpu.memory_space<vmem>>, vector<16xi32>,
    %get3A_530 = arith.constant 496 : index
    %get3A_531 = tpu.vector_load %arg5[%get3A_530] {strides = array<i32>} : memref<512xi32, #tpu.memory_space<vmem>>, vector<16xi32>,
    %get3A_532 = vector.shape_cast %get3A_531 : vector<16xi32> to vector<16xi32>
    %add3A_533 = arith.constant 496 : i32
    %add3A_534 = arith.addi %mul3A_2, %add3A_533 : i32
    %iota3A_535 = tpu.iota {dimensions = array<i32: 0>} : vector<16xi32>
    %add3A_536 = vector.broadcast %add3A_534 : i32 to vector<16xi32>
    %add3A_537 = arith.addi %add3A_536, %iota3A_535 : vector<16xi32>
    %gt3A_538 = arith.constant 0 : i32
    %gt3A_539 = vector.broadcast %gt3A_538 : i32 to vector<16xi32>
    %gt3A_540 = arith.cmpi sgt, %get3A_532, %gt3A_539 : vector<16xi32>
    %select_n3A_541 = arith.select %gt3A_540, %add3A_537, %broadcast_in_dim3A_37 : vector<16xi1>, vector<16xi32>
    %swap3A_542 = arith.constant 496 : index
    %swap3A_543 = tpu.vector_load %arg6[%swap3A_542] {strides = array<i32>} : memref<512xi32, #tpu.memory_space<vmem>>, vector<16xi32>,
    %swap3A_544 = vector.shape_cast %swap3A_543 : vector<16xi32> to vector<16xi32>
    %swap3A_545 = vector.shape_cast %select_n3A_541 : vector<16xi32> to vector<16xi32>
    tpu.vector_store %arg6[%swap3A_542], %swap3A_545 {strides = array<i32>} : memref<512xi32, #tpu.memory_space<vmem>>, vector<16xi32>,
    %rem3A_546 = arith.constant 0 : i32
    %rem3A_547 = arith.constant 3 : i32
    %rem3A_548 = arith.remsi %rem3A_546, %rem3A_547 : i32
    %dma_start3A = arith.constant 0 : i32
    %dma_start3A_549 = arith.constant 0 : i32
    %dma_start3A_550 = tpu.memref_slice %arg7[%rem3A_548, %dma_start3A, %dma_start3A_549] : memref<3x32x1024xf32, #tpu.memory_space<vmem>> -> memref<1x32x1024xf32, #tpu.memory_space<vmem>>
    %dma_start3A_551 = tpu.memref_squeeze %dma_start3A_550 : memref<1x32x1024xf32, #tpu.memory_space<vmem>> -> memref<32x1024xf32, #tpu.memory_space<vmem>>
    %dma_start3A_552 = arith.constant 0 : i32
    %dma_start3A_553 = tpu.memref_slice %arg6[%dma_start3A_552] : memref<512xi32, #tpu.memory_space<vmem>> -> memref<32xi32, #tpu.memory_space<vmem>>
    %dma_start3A_554 = arith.constant 0 : i32
    %dma_start3A_555 = arith.constant 0 : i32
    %dma_start3A_556 = tpu.memref_slice %arg2[%dma_start3A_554, %dma_start3A_555] : memref<16384x1024xf32, #tpu.memory_space<hbm>> -> memref<16384x1024xf32, #tpu.memory_space<hbm>>
    tpu.enqueue_indirect_dma source(%dma_start3A_556 : memref<16384x1024xf32, #tpu.memory_space<hbm>>) target(%dma_start3A_551 : memref<32x1024xf32, #tpu.memory_space<vmem>>) offsets(%dma_start3A_553 : memref<32xi32, #tpu.memory_space<vmem>>) semaphore(%arg8 : memref<!tpu.dma_semaphore, #tpu.memory_space<semaphore_mem>>)
    %rem3A_557 = arith.constant 1 : i32
    %rem3A_558 = arith.constant 3 : i32
    %rem3A_559 = arith.remsi %rem3A_557, %rem3A_558 : i32
    %dma_start3A_560 = arith.constant 0 : i32
    %dma_start3A_561 = arith.constant 0 : i32
    %dma_start3A_562 = tpu.memref_slice %arg7[%rem3A_559, %dma_start3A_560, %dma_start3A_561] : memref<3x32x1024xf32, #tpu.memory_space<vmem>> -> memref<1x32x1024xf32, #tpu.memory_space<vmem>>
    %dma_start3A_563 = tpu.memref_squeeze %dma_start3A_562 : memref<1x32x1024xf32, #tpu.memory_space<vmem>> -> memref<32x1024xf32, #tpu.memory_space<vmem>>
    %dma_start3A_564 = arith.constant 32 : i32
    %dma_start3A_565 = tpu.memref_slice %arg6[%dma_start3A_564] : memref<512xi32, #tpu.memory_space<vmem>> -> memref<32xi32, #tpu.memory_space<vmem>>
    %dma_start3A_566 = arith.constant 0 : i32
    %dma_start3A_567 = arith.constant 0 : i32
    %dma_start3A_568 = tpu.memref_slice %arg2[%dma_start3A_566, %dma_start3A_567] : memref<16384x1024xf32, #tpu.memory_space<hbm>> -> memref<16384x1024xf32, #tpu.memory_space<hbm>>
    tpu.enqueue_indirect_dma source(%dma_start3A_568 : memref<16384x1024xf32, #tpu.memory_space<hbm>>) target(%dma_start3A_563 : memref<32x1024xf32, #tpu.memory_space<vmem>>) offsets(%dma_start3A_565 : memref<32xi32, #tpu.memory_space<vmem>>) semaphore(%arg8 : memref<!tpu.dma_semaphore, #tpu.memory_space<semaphore_mem>>)
    %rem3A_569 = arith.constant 2 : i32
    %rem3A_570 = arith.constant 3 : i32
    %rem3A_571 = arith.remsi %rem3A_569, %rem3A_570 : i32
    %dma_start3A_572 = arith.constant 0 : i32
    %dma_start3A_573 = arith.constant 0 : i32
    %dma_start3A_574 = tpu.memref_slice %arg7[%rem3A_571, %dma_start3A_572, %dma_start3A_573] : memref<3x32x1024xf32, #tpu.memory_space<vmem>> -> memref<1x32x1024xf32, #tpu.memory_space<vmem>>
    %dma_start3A_575 = tpu.memref_squeeze %dma_start3A_574 : memref<1x32x1024xf32, #tpu.memory_space<vmem>> -> memref<32x1024xf32, #tpu.memory_space<vmem>>
    %dma_start3A_576 = arith.constant 64 : i32
    %dma_start3A_577 = tpu.memref_slice %arg6[%dma_start3A_576] : memref<512xi32, #tpu.memory_space<vmem>> -> memref<32xi32, #tpu.memory_space<vmem>>
    %dma_start3A_578 = arith.constant 0 : i32
    %dma_start3A_579 = arith.constant 0 : i32
    %dma_start3A_580 = tpu.memref_slice %arg2[%dma_start3A_578, %dma_start3A_579] : memref<16384x1024xf32, #tpu.memory_space<hbm>> -> memref<16384x1024xf32, #tpu.memory_space<hbm>>
    tpu.enqueue_indirect_dma source(%dma_start3A_580 : memref<16384x1024xf32, #tpu.memory_space<hbm>>) target(%dma_start3A_575 : memref<32x1024xf32, #tpu.memory_space<vmem>>) offsets(%dma_start3A_577 : memref<32xi32, #tpu.memory_space<vmem>>) semaphore(%arg8 : memref<!tpu.dma_semaphore, #tpu.memory_space<semaphore_mem>>)
    %scan3A = arith.constant 0 : i32
    %scan3A_581 = arith.constant 16 : i32
    %scan3A_582 = arith.addi %scan3A, %scan3A_581 : i32
    %scan3A_583 = arith.constant 1 : i32
    scf.for %scan3A_585 = %scan3A to %scan3A_582 step %scan3A_583  : i32 {
      %mul3A_586 = arith.constant 32 : i32
      %mul3A_587 = arith.muli %scan3A_585, %mul3A_586 : i32
      %rem3A_588 = arith.constant 3 : i32
      %rem3A_589 = arith.remsi %scan3A_585, %rem3A_588 : i32
      %dma_wait3A = arith.constant 0 : i32
      %dma_wait3A_590 = arith.constant 0 : i32
      %dma_wait3A_591 = tpu.memref_slice %arg7[%rem3A_589, %dma_wait3A, %dma_wait3A_590] : memref<3x32x1024xf32, #tpu.memory_space<vmem>> -> memref<1x32x1024xf32, #tpu.memory_space<vmem>>
      %dma_wait3A_592 = tpu.memref_squeeze %dma_wait3A_591 : memref<1x32x1024xf32, #tpu.memory_space<vmem>> -> memref<32x1024xf32, #tpu.memory_space<vmem>>
      %dma_wait3A_593 = tpu.memref_slice %arg6[%mul3A_587] : memref<512xi32, #tpu.memory_space<vmem>> -> memref<32xi32, #tpu.memory_space<vmem>>
      %dma_wait3A_594 = arith.constant 0 : i32
      %dma_wait3A_595 = arith.constant 0 : i32
      %dma_wait3A_596 = tpu.memref_slice %arg2[%dma_wait3A_594, %dma_wait3A_595] : memref<16384x1024xf32, #tpu.memory_space<hbm>> -> memref<16384x1024xf32, #tpu.memory_space<hbm>>
      tpu.wait_indirect_dma semaphore(%arg8 : memref<!tpu.dma_semaphore, #tpu.memory_space<semaphore_mem>>) src(%dma_wait3A_596 : memref<16384x1024xf32, #tpu.memory_space<hbm>>) dst(%dma_wait3A_592 : memref<32x1024xf32, #tpu.memory_space<vmem>>)
      %rem3A_597 = arith.constant 3 : i32
      %rem3A_598 = arith.remsi %scan3A_585, %rem3A_597 : i32
      %mul3A_599 = arith.constant 32 : i32
      %mul3A_600 = arith.muli %scan3A_585, %mul3A_599 : i32
      %add3A_601 = arith.constant 0 : i32
      %add3A_602 = arith.addi %mul3A_600, %add3A_601 : i32
      %mul3A_603 = arith.constant 1024 : i32
      %mul3A_604 = arith.muli %add3A_602, %mul3A_603 : i32
      %add3A_605 = arith.addi %mul3A_36, %mul3A_604 : i32
      %mul3A_606 = arith.constant 32 : i32
      %mul3A_607 = arith.muli %scan3A_585, %mul3A_606 : i32
      %add3A_608 = arith.constant 1 : i32
      %add3A_609 = arith.addi %mul3A_607, %add3A_608 : i32
      %mul3A_610 = arith.constant 1024 : i32
      %mul3A_611 = arith.muli %add3A_609, %mul3A_610 : i32
      %add3A_612 = arith.addi %mul3A_36, %mul3A_611 : i32
      %mul3A_613 = arith.constant 32 : i32
      %mul3A_614 = arith.muli %scan3A_585, %mul3A_613 : i32
      %add3A_615 = arith.constant 2 : i32
      %add3A_616 = arith.addi %mul3A_614, %add3A_615 : i32
      %mul3A_617 = arith.constant 1024 : i32
      %mul3A_618 = arith.muli %add3A_616, %mul3A_617 : i32
      %add3A_619 = arith.addi %mul3A_36, %mul3A_618 : i32
      %mul3A_620 = arith.constant 32 : i32
      %mul3A_621 = arith.muli %scan3A_585, %mul3A_620 : i32
      %add3A_622 = arith.constant 3 : i32
      %add3A_623 = arith.addi %mul3A_621, %add3A_622 : i32
      %mul3A_624 = arith.constant 1024 : i32
      %mul3A_625 = arith.muli %add3A_623, %mul3A_624 : i32
      %add3A_626 = arith.addi %mul3A_36, %mul3A_625 : i32
      %mul3A_627 = arith.constant 32 : i32
      %mul3A_628 = arith.muli %scan3A_585, %mul3A_627 : i32
      %add3A_629 = arith.constant 4 : i32
      %add3A_630 = arith.addi %mul3A_628, %add3A_629 : i32
      %mul3A_631 = arith.constant 1024 : i32
      %mul3A_632 = arith.muli %add3A_630, %mul3A_631 : i32
      %add3A_633 = arith.addi %mul3A_36, %mul3A_632 : i32
      %mul3A_634 = arith.constant 32 : i32
      %mul3A_635 = arith.muli %scan3A_585, %mul3A_634 : i32
      %add3A_636 = arith.constant 5 : i32
      %add3A_637 = arith.addi %mul3A_635, %add3A_636 : i32
      %mul3A_638 = arith.constant 1024 : i32
      %mul3A_639 = arith.muli %add3A_637, %mul3A_638 : i32
      %add3A_640 = arith.addi %mul3A_36, %mul3A_639 : i32
      %mul3A_641 = arith.constant 32 : i32
      %mul3A_642 = arith.muli %scan3A_585, %mul3A_641 : i32
      %add3A_643 = arith.constant 6 : i32
      %add3A_644 = arith.addi %mul3A_642, %add3A_643 : i32
      %mul3A_645 = arith.constant 1024 : i32
      %mul3A_646 = arith.muli %add3A_644, %mul3A_645 : i32
      %add3A_647 = arith.addi %mul3A_36, %mul3A_646 : i32
      %mul3A_648 = arith.constant 32 : i32
      %mul3A_649 = arith.muli %scan3A_585, %mul3A_648 : i32
      %add3A_650 = arith.constant 7 : i32
      %add3A_651 = arith.addi %mul3A_649, %add3A_650 : i32
      %mul3A_652 = arith.constant 1024 : i32
      %mul3A_653 = arith.muli %add3A_651, %mul3A_652 : i32
      %add3A_654 = arith.addi %mul3A_36, %mul3A_653 : i32
      %mul3A_655 = arith.constant 32 : i32
      %mul3A_656 = arith.muli %scan3A_585, %mul3A_655 : i32
      %add3A_657 = arith.constant 8 : i32
      %add3A_658 = arith.addi %mul3A_656, %add3A_657 : i32
      %mul3A_659 = arith.constant 1024 : i32
      %mul3A_660 = arith.muli %add3A_658, %mul3A_659 : i32
      %add3A_661 = arith.addi %mul3A_36, %mul3A_660 : i32
      %mul3A_662 = arith.constant 32 : i32
      %mul3A_663 = arith.muli %scan3A_585, %mul3A_662 : i32
      %add3A_664 = arith.constant 9 : i32
      %add3A_665 = arith.addi %mul3A_663, %add3A_664 : i32
      %mul3A_666 = arith.constant 1024 : i32
      %mul3A_667 = arith.muli %add3A_665, %mul3A_666 : i32
      %add3A_668 = arith.addi %mul3A_36, %mul3A_667 : i32
      %mul3A_669 = arith.constant 32 : i32
      %mul3A_670 = arith.muli %scan3A_585, %mul3A_669 : i32
      %add3A_671 = arith.constant 10 : i32
      %add3A_672 = arith.addi %mul3A_670, %add3A_671 : i32
      %mul3A_673 = arith.constant 1024 : i32
      %mul3A_674 = arith.muli %add3A_672, %mul3A_673 : i32
      %add3A_675 = arith.addi %mul3A_36, %mul3A_674 : i32
      %mul3A_676 = arith.constant 32 : i32
      %mul3A_677 = arith.muli %scan3A_585, %mul3A_676 : i32
      %add3A_678 = arith.constant 11 : i32
      %add3A_679 = arith.addi %mul3A_677, %add3A_678 : i32
      %mul3A_680 = arith.constant 1024 : i32
      %mul3A_681 = arith.muli %add3A_679, %mul3A_680 : i32
      %add3A_682 = arith.addi %mul3A_36, %mul3A_681 : i32
      %mul3A_683 = arith.constant 32 : i32
      %mul3A_684 = arith.muli %scan3A_585, %mul3A_683 : i32
      %add3A_685 = arith.constant 12 : i32
      %add3A_686 = arith.addi %mul3A_684, %add3A_685 : i32
      %mul3A_687 = arith.constant 1024 : i32
      %mul3A_688 = arith.muli %add3A_686, %mul3A_687 : i32
      %add3A_689 = arith.addi %mul3A_36, %mul3A_688 : i32
      %mul3A_690 = arith.constant 32 : i32
      %mul3A_691 = arith.muli %scan3A_585, %mul3A_690 : i32
      %add3A_692 = arith.constant 13 : i32
      %add3A_693 = arith.addi %mul3A_691, %add3A_692 : i32
      %mul3A_694 = arith.constant 1024 : i32
      %mul3A_695 = arith.muli %add3A_693, %mul3A_694 : i32
      %add3A_696 = arith.addi %mul3A_36, %mul3A_695 : i32
      %mul3A_697 = arith.constant 32 : i32
      %mul3A_698 = arith.muli %scan3A_585, %mul3A_697 : i32
      %add3A_699 = arith.constant 14 : i32
      %add3A_700 = arith.addi %mul3A_698, %add3A_699 : i32
      %mul3A_701 = arith.constant 1024 : i32
      %mul3A_702 = arith.muli %add3A_700, %mul3A_701 : i32
      %add3A_703 = arith.addi %mul3A_36, %mul3A_702 : i32
      %mul3A_704 = arith.constant 32 : i32
      %mul3A_705 = arith.muli %scan3A_585, %mul3A_704 : i32
      %add3A_706 = arith.constant 15 : i32
      %add3A_707 = arith.addi %mul3A_705, %add3A_706 : i32
      %mul3A_708 = arith.constant 1024 : i32
      %mul3A_709 = arith.muli %add3A_707, %mul3A_708 : i32
      %add3A_710 = arith.addi %mul3A_36, %mul3A_709 : i32
      %mul3A_711 = arith.constant 32 : i32
      %mul3A_712 = arith.muli %scan3A_585, %mul3A_711 : i32
      %add3A_713 = arith.constant 16 : i32
      %add3A_714 = arith.addi %mul3A_712, %add3A_713 : i32
      %mul3A_715 = arith.constant 1024 : i32
      %mul3A_716 = arith.muli %add3A_714, %mul3A_715 : i32
      %add3A_717 = arith.addi %mul3A_36, %mul3A_716 : i32
      %mul3A_718 = arith.constant 32 : i32
      %mul3A_719 = arith.muli %scan3A_585, %mul3A_718 : i32
      %add3A_720 = arith.constant 17 : i32
      %add3A_721 = arith.addi %mul3A_719, %add3A_720 : i32
      %mul3A_722 = arith.constant 1024 : i32
      %mul3A_723 = arith.muli %add3A_721, %mul3A_722 : i32
      %add3A_724 = arith.addi %mul3A_36, %mul3A_723 : i32
      %mul3A_725 = arith.constant 32 : i32
      %mul3A_726 = arith.muli %scan3A_585, %mul3A_725 : i32
      %add3A_727 = arith.constant 18 : i32
      %add3A_728 = arith.addi %mul3A_726, %add3A_727 : i32
      %mul3A_729 = arith.constant 1024 : i32
      %mul3A_730 = arith.muli %add3A_728, %mul3A_729 : i32
      %add3A_731 = arith.addi %mul3A_36, %mul3A_730 : i32
      %mul3A_732 = arith.constant 32 : i32
      %mul3A_733 = arith.muli %scan3A_585, %mul3A_732 : i32
      %add3A_734 = arith.constant 19 : i32
      %add3A_735 = arith.addi %mul3A_733, %add3A_734 : i32
      %mul3A_736 = arith.constant 1024 : i32
      %mul3A_737 = arith.muli %add3A_735, %mul3A_736 : i32
      %add3A_738 = arith.addi %mul3A_36, %mul3A_737 : i32
      %mul3A_739 = arith.constant 32 : i32
      %mul3A_740 = arith.muli %scan3A_585, %mul3A_739 : i32
      %add3A_741 = arith.constant 20 : i32
      %add3A_742 = arith.addi %mul3A_740, %add3A_741 : i32
      %mul3A_743 = arith.constant 1024 : i32
      %mul3A_744 = arith.muli %add3A_742, %mul3A_743 : i32
      %add3A_745 = arith.addi %mul3A_36, %mul3A_744 : i32
      %mul3A_746 = arith.constant 32 : i32
      %mul3A_747 = arith.muli %scan3A_585, %mul3A_746 : i32
      %add3A_748 = arith.constant 21 : i32
      %add3A_749 = arith.addi %mul3A_747, %add3A_748 : i32
      %mul3A_750 = arith.constant 1024 : i32
      %mul3A_751 = arith.muli %add3A_749, %mul3A_750 : i32
      %add3A_752 = arith.addi %mul3A_36, %mul3A_751 : i32
      %mul3A_753 = arith.constant 32 : i32
      %mul3A_754 = arith.muli %scan3A_585, %mul3A_753 : i32
      %add3A_755 = arith.constant 22 : i32
      %add3A_756 = arith.addi %mul3A_754, %add3A_755 : i32
      %mul3A_757 = arith.constant 1024 : i32
      %mul3A_758 = arith.muli %add3A_756, %mul3A_757 : i32
      %add3A_759 = arith.addi %mul3A_36, %mul3A_758 : i32
      %mul3A_760 = arith.constant 32 : i32
      %mul3A_761 = arith.muli %scan3A_585, %mul3A_760 : i32
      %add3A_762 = arith.constant 23 : i32
      %add3A_763 = arith.addi %mul3A_761, %add3A_762 : i32
      %mul3A_764 = arith.constant 1024 : i32
      %mul3A_765 = arith.muli %add3A_763, %mul3A_764 : i32
      %add3A_766 = arith.addi %mul3A_36, %mul3A_765 : i32
      %mul3A_767 = arith.constant 32 : i32
      %mul3A_768 = arith.muli %scan3A_585, %mul3A_767 : i32
      %add3A_769 = arith.constant 24 : i32
      %add3A_770 = arith.addi %mul3A_768, %add3A_769 : i32
      %mul3A_771 = arith.constant 1024 : i32
      %mul3A_772 = arith.muli %add3A_770, %mul3A_771 : i32
      %add3A_773 = arith.addi %mul3A_36, %mul3A_772 : i32
      %mul3A_774 = arith.constant 32 : i32
      %mul3A_775 = arith.muli %scan3A_585, %mul3A_774 : i32
      %add3A_776 = arith.constant 25 : i32
      %add3A_777 = arith.addi %mul3A_775, %add3A_776 : i32
      %mul3A_778 = arith.constant 1024 : i32
      %mul3A_779 = arith.muli %add3A_777, %mul3A_778 : i32
      %add3A_780 = arith.addi %mul3A_36, %mul3A_779 : i32
      %mul3A_781 = arith.constant 32 : i32
      %mul3A_782 = arith.muli %scan3A_585, %mul3A_781 : i32
      %add3A_783 = arith.constant 26 : i32
      %add3A_784 = arith.addi %mul3A_782, %add3A_783 : i32
      %mul3A_785 = arith.constant 1024 : i32
      %mul3A_786 = arith.muli %add3A_784, %mul3A_785 : i32
      %add3A_787 = arith.addi %mul3A_36, %mul3A_786 : i32
      %mul3A_788 = arith.constant 32 : i32
      %mul3A_789 = arith.muli %scan3A_585, %mul3A_788 : i32
      %add3A_790 = arith.constant 27 : i32
      %add3A_791 = arith.addi %mul3A_789, %add3A_790 : i32
      %mul3A_792 = arith.constant 1024 : i32
      %mul3A_793 = arith.muli %add3A_791, %mul3A_792 : i32
      %add3A_794 = arith.addi %mul3A_36, %mul3A_793 : i32
      %mul3A_795 = arith.constant 32 : i32
      %mul3A_796 = arith.muli %scan3A_585, %mul3A_795 : i32
      %add3A_797 = arith.constant 28 : i32
      %add3A_798 = arith.addi %mul3A_796, %add3A_797 : i32
      %mul3A_799 = arith.constant 1024 : i32
      %mul3A_800 = arith.muli %add3A_798, %mul3A_799 : i32
      %add3A_801 = arith.addi %mul3A_36, %mul3A_800 : i32
      %mul3A_802 = arith.constant 32 : i32
      %mul3A_803 = arith.muli %scan3A_585, %mul3A_802 : i32
      %add3A_804 = arith.constant 29 : i32
      %add3A_805 = arith.addi %mul3A_803, %add3A_804 : i32
      %mul3A_806 = arith.constant 1024 : i32
      %mul3A_807 = arith.muli %add3A_805, %mul3A_806 : i32
      %add3A_808 = arith.addi %mul3A_36, %mul3A_807 : i32
      %mul3A_809 = arith.constant 32 : i32
      %mul3A_810 = arith.muli %scan3A_585, %mul3A_809 : i32
      %add3A_811 = arith.constant 30 : i32
      %add3A_812 = arith.addi %mul3A_810, %add3A_811 : i32
      %mul3A_813 = arith.constant 1024 : i32
      %mul3A_814 = arith.muli %add3A_812, %mul3A_813 : i32
      %add3A_815 = arith.addi %mul3A_36, %mul3A_814 : i32
      %mul3A_816 = arith.constant 32 : i32
      %mul3A_817 = arith.muli %scan3A_585, %mul3A_816 : i32
      %add3A_818 = arith.constant 31 : i32
      %add3A_819 = arith.addi %mul3A_817, %add3A_818 : i32
      %mul3A_820 = arith.constant 1024 : i32
      %mul3A_821 = arith.muli %add3A_819, %mul3A_820 : i32
      %add3A_822 = arith.addi %mul3A_36, %mul3A_821 : i32
      %dma_start3A_823 = arith.constant 0 : i32
      %dma_start3A_824 = arith.constant 0 : i32
      %dma_start3A_825 = tpu.memref_slice %arg7[%rem3A_598, %dma_start3A_823, %dma_start3A_824] : memref<3x32x1024xf32, #tpu.memory_space<vmem>> -> memref<1x32x1024xf32, #tpu.memory_space<vmem>>
      %dma_start3A_826 = tpu.memref_squeeze %dma_start3A_825 : memref<1x32x1024xf32, #tpu.memory_space<vmem>> -> memref<32x1024xf32, #tpu.memory_space<vmem>>
      %dma_start3A_827 = arith.constant 0 : i32
      %dma_start3A_828 = arith.constant 0 : i32
      %dma_start3A_829 = tpu.memref_slice %dma_start3A_826[%dma_start3A_827, %dma_start3A_828] : memref<32x1024xf32, #tpu.memory_space<vmem>> -> memref<1x1024xf32, #tpu.memory_space<vmem>>
      %dma_start3A_830 = tpu.memref_slice %arg4[%select_n3A, %add3A_605] : memref<8x2097152xf32, #tpu.memory_space<hbm>> -> memref<1x1024xf32, #tpu.memory_space<hbm>>
      %dma_start3A_831 = tpu.memref_slice %arg4[%select_n3A, %add3A_605] : memref<8x2097152xf32, #tpu.memory_space<hbm>> -> memref<1x1024xf32, #tpu.memory_space<hbm>>
      %dma_start3A_832 = arith.constant 0 : i32
      %dma_start3A_833 = arith.constant 0 : i32
      %dma_start3A_834 = tpu.memref_slice %arg7[%rem3A_598, %dma_start3A_832, %dma_start3A_833] : memref<3x32x1024xf32, #tpu.memory_space<vmem>> -> memref<1x32x1024xf32, #tpu.memory_space<vmem>>
      %dma_start3A_835 = tpu.memref_squeeze %dma_start3A_834 : memref<1x32x1024xf32, #tpu.memory_space<vmem>> -> memref<32x1024xf32, #tpu.memory_space<vmem>>
      %dma_start3A_836 = arith.constant 0 : i32
      %dma_start3A_837 = arith.constant 0 : i32
      %dma_start3A_838 = tpu.memref_slice %dma_start3A_835[%dma_start3A_836, %dma_start3A_837] : memref<32x1024xf32, #tpu.memory_space<vmem>> -> memref<1x1024xf32, #tpu.memory_space<vmem>>
      tpu.enqueue_dma source(%dma_start3A_838 : memref<1x1024xf32, #tpu.memory_space<vmem>>) target(%dma_start3A_831 : memref<1x1024xf32, #tpu.memory_space<hbm>>) target_semaphore(%arg9 : memref<!tpu.dma_semaphore, #tpu.memory_space<semaphore_mem>>)
      %dma_start3A_839 = arith.constant 0 : i32
      %dma_start3A_840 = arith.constant 0 : i32
      %dma_start3A_841 = tpu.memref_slice %arg7[%rem3A_598, %dma_start3A_839, %dma_start3A_840] : memref<3x32x1024xf32, #tpu.memory_space<vmem>> -> memref<1x32x1024xf32, #tpu.memory_space<vmem>>
      %dma_start3A_842 = tpu.memref_squeeze %dma_start3A_841 : memref<1x32x1024xf32, #tpu.memory_space<vmem>> -> memref<32x1024xf32, #tpu.memory_space<vmem>>
      %dma_start3A_843 = arith.constant 1 : i32
      %dma_start3A_844 = arith.constant 0 : i32
      %dma_start3A_845 = tpu.memref_slice %dma_start3A_842[%dma_start3A_843, %dma_start3A_844] : memref<32x1024xf32, #tpu.memory_space<vmem>> -> memref<1x1024xf32, #tpu.memory_space<vmem>>
      %dma_start3A_846 = tpu.memref_slice %arg4[%select_n3A, %add3A_612] : memref<8x2097152xf32, #tpu.memory_space<hbm>> -> memref<1x1024xf32, #tpu.memory_space<hbm>>
      %dma_start3A_847 = tpu.memref_slice %arg4[%select_n3A, %add3A_612] : memref<8x2097152xf32, #tpu.memory_space<hbm>> -> memref<1x1024xf32, #tpu.memory_space<hbm>>
      %dma_start3A_848 = arith.constant 0 : i32
      %dma_start3A_849 = arith.constant 0 : i32
      %dma_start3A_850 = tpu.memref_slice %arg7[%rem3A_598, %dma_start3A_848, %dma_start3A_849] : memref<3x32x1024xf32, #tpu.memory_space<vmem>> -> memref<1x32x1024xf32, #tpu.memory_space<vmem>>
      %dma_start3A_851 = tpu.memref_squeeze %dma_start3A_850 : memref<1x32x1024xf32, #tpu.memory_space<vmem>> -> memref<32x1024xf32, #tpu.memory_space<vmem>>
      %dma_start3A_852 = arith.constant 1 : i32
      %dma_start3A_853 = arith.constant 0 : i32
      %dma_start3A_854 = tpu.memref_slice %dma_start3A_851[%dma_start3A_852, %dma_start3A_853] : memref<32x1024xf32, #tpu.memory_space<vmem>> -> memref<1x1024xf32, #tpu.memory_space<vmem>>
      tpu.enqueue_dma source(%dma_start3A_854 : memref<1x1024xf32, #tpu.memory_space<vmem>>) target(%dma_start3A_847 : memref<1x1024xf32, #tpu.memory_space<hbm>>) target_semaphore(%arg9 : memref<!tpu.dma_semaphore, #tpu.memory_space<semaphore_mem>>)
      %dma_start3A_855 = arith.constant 0 : i32
      %dma_start3A_856 = arith.constant 0 : i32
      %dma_start3A_857 = tpu.memref_slice %arg7[%rem3A_598, %dma_start3A_855, %dma_start3A_856] : memref<3x32x1024xf32, #tpu.memory_space<vmem>> -> memref<1x32x1024xf32, #tpu.memory_space<vmem>>
      %dma_start3A_858 = tpu.memref_squeeze %dma_start3A_857 : memref<1x32x1024xf32, #tpu.memory_space<vmem>> -> memref<32x1024xf32, #tpu.memory_space<vmem>>
      %dma_start3A_859 = arith.constant 2 : i32
      %dma_start3A_860 = arith.constant 0 : i32
      %dma_start3A_861 = tpu.memref_slice %dma_start3A_858[%dma_start3A_859, %dma_start3A_860] : memref<32x1024xf32, #tpu.memory_space<vmem>> -> memref<1x1024xf32, #tpu.memory_space<vmem>>
      %dma_start3A_862 = tpu.memref_slice %arg4[%select_n3A, %add3A_619] : memref<8x2097152xf32, #tpu.memory_space<hbm>> -> memref<1x1024xf32, #tpu.memory_space<hbm>>
      %dma_start3A_863 = tpu.memref_slice %arg4[%select_n3A, %add3A_619] : memref<8x2097152xf32, #tpu.memory_space<hbm>> -> memref<1x1024xf32, #tpu.memory_space<hbm>>
      %dma_start3A_864 = arith.constant 0 : i32
      %dma_start3A_865 = arith.constant 0 : i32
      %dma_start3A_866 = tpu.memref_slice %arg7[%rem3A_598, %dma_start3A_864, %dma_start3A_865] : memref<3x32x1024xf32, #tpu.memory_space<vmem>> -> memref<1x32x1024xf32, #tpu.memory_space<vmem>>
      %dma_start3A_867 = tpu.memref_squeeze %dma_start3A_866 : memref<1x32x1024xf32, #tpu.memory_space<vmem>> -> memref<32x1024xf32, #tpu.memory_space<vmem>>
      %dma_start3A_868 = arith.constant 2 : i32
      %dma_start3A_869 = arith.constant 0 : i32
      %dma_start3A_870 = tpu.memref_slice %dma_start3A_867[%dma_start3A_868, %dma_start3A_869] : memref<32x1024xf32, #tpu.memory_space<vmem>> -> memref<1x1024xf32, #tpu.memory_space<vmem>>
      tpu.enqueue_dma source(%dma_start3A_870 : memref<1x1024xf32, #tpu.memory_space<vmem>>) target(%dma_start3A_863 : memref<1x1024xf32, #tpu.memory_space<hbm>>) target_semaphore(%arg9 : memref<!tpu.dma_semaphore, #tpu.memory_space<semaphore_mem>>)
      %dma_start3A_871 = arith.constant 0 : i32
      %dma_start3A_872 = arith.constant 0 : i32
      %dma_start3A_873 = tpu.memref_slice %arg7[%rem3A_598, %dma_start3A_871, %dma_start3A_872] : memref<3x32x1024xf32, #tpu.memory_space<vmem>> -> memref<1x32x1024xf32, #tpu.memory_space<vmem>>
      %dma_start3A_874 = tpu.memref_squeeze %dma_start3A_873 : memref<1x32x1024xf32, #tpu.memory_space<vmem>> -> memref<32x1024xf32, #tpu.memory_space<vmem>>
      %dma_start3A_875 = arith.constant 3 : i32
      %dma_start3A_876 = arith.constant 0 : i32
      %dma_start3A_877 = tpu.memref_slice %dma_start3A_874[%dma_start3A_875, %dma_start3A_876] : memref<32x1024xf32, #tpu.memory_space<vmem>> -> memref<1x1024xf32, #tpu.memory_space<vmem>>
      %dma_start3A_878 = tpu.memref_slice %arg4[%select_n3A, %add3A_626] : memref<8x2097152xf32, #tpu.memory_space<hbm>> -> memref<1x1024xf32, #tpu.memory_space<hbm>>
      %dma_start3A_879 = tpu.memref_slice %arg4[%select_n3A, %add3A_626] : memref<8x2097152xf32, #tpu.memory_space<hbm>> -> memref<1x1024xf32, #tpu.memory_space<hbm>>
      %dma_start3A_880 = arith.constant 0 : i32
      %dma_start3A_881 = arith.constant 0 : i32
      %dma_start3A_882 = tpu.memref_slice %arg7[%rem3A_598, %dma_start3A_880, %dma_start3A_881] : memref<3x32x1024xf32, #tpu.memory_space<vmem>> -> memref<1x32x1024xf32, #tpu.memory_space<vmem>>
      %dma_start3A_883 = tpu.memref_squeeze %dma_start3A_882 : memref<1x32x1024xf32, #tpu.memory_space<vmem>> -> memref<32x1024xf32, #tpu.memory_space<vmem>>
      %dma_start3A_884 = arith.constant 3 : i32
      %dma_start3A_885 = arith.constant 0 : i32
      %dma_start3A_886 = tpu.memref_slice %dma_start3A_883[%dma_start3A_884, %dma_start3A_885] : memref<32x1024xf32, #tpu.memory_space<vmem>> -> memref<1x1024xf32, #tpu.memory_space<vmem>>
      tpu.enqueue_dma source(%dma_start3A_886 : memref<1x1024xf32, #tpu.memory_space<vmem>>) target(%dma_start3A_879 : memref<1x1024xf32, #tpu.memory_space<hbm>>) target_semaphore(%arg9 : memref<!tpu.dma_semaphore, #tpu.memory_space<semaphore_mem>>)
      %dma_start3A_887 = arith.constant 0 : i32
      %dma_start3A_888 = arith.constant 0 : i32
      %dma_start3A_889 = tpu.memref_slice %arg7[%rem3A_598, %dma_start3A_887, %dma_start3A_888] : memref<3x32x1024xf32, #tpu.memory_space<vmem>> -> memref<1x32x1024xf32, #tpu.memory_space<vmem>>
      %dma_start3A_890 = tpu.memref_squeeze %dma_start3A_889 : memref<1x32x1024xf32, #tpu.memory_space<vmem>> -> memref<32x1024xf32, #tpu.memory_space<vmem>>
      %dma_start3A_891 = arith.constant 4 : i32
      %dma_start3A_892 = arith.constant 0 : i32
      %dma_start3A_893 = tpu.memref_slice %dma_start3A_890[%dma_start3A_891, %dma_start3A_892] : memref<32x1024xf32, #tpu.memory_space<vmem>> -> memref<1x1024xf32, #tpu.memory_space<vmem>>
      %dma_start3A_894 = tpu.memref_slice %arg4[%select_n3A, %add3A_633] : memref<8x2097152xf32, #tpu.memory_space<hbm>> -> memref<1x1024xf32, #tpu.memory_space<hbm>>
      %dma_start3A_895 = tpu.memref_slice %arg4[%select_n3A, %add3A_633] : memref<8x2097152xf32, #tpu.memory_space<hbm>> -> memref<1x1024xf32, #tpu.memory_space<hbm>>
      %dma_start3A_896 = arith.constant 0 : i32
      %dma_start3A_897 = arith.constant 0 : i32
      %dma_start3A_898 = tpu.memref_slice %arg7[%rem3A_598, %dma_start3A_896, %dma_start3A_897] : memref<3x32x1024xf32, #tpu.memory_space<vmem>> -> memref<1x32x1024xf32, #tpu.memory_space<vmem>>
      %dma_start3A_899 = tpu.memref_squeeze %dma_start3A_898 : memref<1x32x1024xf32, #tpu.memory_space<vmem>> -> memref<32x1024xf32, #tpu.memory_space<vmem>>
      %dma_start3A_900 = arith.constant 4 : i32
      %dma_start3A_901 = arith.constant 0 : i32
      %dma_start3A_902 = tpu.memref_slice %dma_start3A_899[%dma_start3A_900, %dma_start3A_901] : memref<32x1024xf32, #tpu.memory_space<vmem>> -> memref<1x1024xf32, #tpu.memory_space<vmem>>
      tpu.enqueue_dma source(%dma_start3A_902 : memref<1x1024xf32, #tpu.memory_space<vmem>>) target(%dma_start3A_895 : memref<1x1024xf32, #tpu.memory_space<hbm>>) target_semaphore(%arg9 : memref<!tpu.dma_semaphore, #tpu.memory_space<semaphore_mem>>)
      %dma_start3A_903 = arith.constant 0 : i32
      %dma_start3A_904 = arith.constant 0 : i32
      %dma_start3A_905 = tpu.memref_slice %arg7[%rem3A_598, %dma_start3A_903, %dma_start3A_904] : memref<3x32x1024xf32, #tpu.memory_space<vmem>> -> memref<1x32x1024xf32, #tpu.memory_space<vmem>>
      %dma_start3A_906 = tpu.memref_squeeze %dma_start3A_905 : memref<1x32x1024xf32, #tpu.memory_space<vmem>> -> memref<32x1024xf32, #tpu.memory_space<vmem>>
      %dma_start3A_907 = arith.constant 5 : i32
      %dma_start3A_908 = arith.constant 0 : i32
      %dma_start3A_909 = tpu.memref_slice %dma_start3A_906[%dma_start3A_907, %dma_start3A_908] : memref<32x1024xf32, #tpu.memory_space<vmem>> -> memref<1x1024xf32, #tpu.memory_space<vmem>>
      %dma_start3A_910 = tpu.memref_slice %arg4[%select_n3A, %add3A_640] : memref<8x2097152xf32, #tpu.memory_space<hbm>> -> memref<1x1024xf32, #tpu.memory_space<hbm>>
      %dma_start3A_911 = tpu.memref_slice %arg4[%select_n3A, %add3A_640] : memref<8x2097152xf32, #tpu.memory_space<hbm>> -> memref<1x1024xf32, #tpu.memory_space<hbm>>
      %dma_start3A_912 = arith.constant 0 : i32
      %dma_start3A_913 = arith.constant 0 : i32
      %dma_start3A_914 = tpu.memref_slice %arg7[%rem3A_598, %dma_start3A_912, %dma_start3A_913] : memref<3x32x1024xf32, #tpu.memory_space<vmem>> -> memref<1x32x1024xf32, #tpu.memory_space<vmem>>
      %dma_start3A_915 = tpu.memref_squeeze %dma_start3A_914 : memref<1x32x1024xf32, #tpu.memory_space<vmem>> -> memref<32x1024xf32, #tpu.memory_space<vmem>>
      %dma_start3A_916 = arith.constant 5 : i32
      %dma_start3A_917 = arith.constant 0 : i32
      %dma_start3A_918 = tpu.memref_slice %dma_start3A_915[%dma_start3A_916, %dma_start3A_917] : memref<32x1024xf32, #tpu.memory_space<vmem>> -> memref<1x1024xf32, #tpu.memory_space<vmem>>
      tpu.enqueue_dma source(%dma_start3A_918 : memref<1x1024xf32, #tpu.memory_space<vmem>>) target(%dma_start3A_911 : memref<1x1024xf32, #tpu.memory_space<hbm>>) target_semaphore(%arg9 : memref<!tpu.dma_semaphore, #tpu.memory_space<semaphore_mem>>)
      %dma_start3A_919 = arith.constant 0 : i32
      %dma_start3A_920 = arith.constant 0 : i32
      %dma_start3A_921 = tpu.memref_slice %arg7[%rem3A_598, %dma_start3A_919, %dma_start3A_920] : memref<3x32x1024xf32, #tpu.memory_space<vmem>> -> memref<1x32x1024xf32, #tpu.memory_space<vmem>>
      %dma_start3A_922 = tpu.memref_squeeze %dma_start3A_921 : memref<1x32x1024xf32, #tpu.memory_space<vmem>> -> memref<32x1024xf32, #tpu.memory_space<vmem>>
      %dma_start3A_923 = arith.constant 6 : i32
      %dma_start3A_924 = arith.constant 0 : i32
      %dma_start3A_925 = tpu.memref_slice %dma_start3A_922[%dma_start3A_923, %dma_start3A_924] : memref<32x1024xf32, #tpu.memory_space<vmem>> -> memref<1x1024xf32, #tpu.memory_space<vmem>>
      %dma_start3A_926 = tpu.memref_slice %arg4[%select_n3A, %add3A_647] : memref<8x2097152xf32, #tpu.memory_space<hbm>> -> memref<1x1024xf32, #tpu.memory_space<hbm>>
      %dma_start3A_927 = tpu.memref_slice %arg4[%select_n3A, %add3A_647] : memref<8x2097152xf32, #tpu.memory_space<hbm>> -> memref<1x1024xf32, #tpu.memory_space<hbm>>
      %dma_start3A_928 = arith.constant 0 : i32
      %dma_start3A_929 = arith.constant 0 : i32
      %dma_start3A_930 = tpu.memref_slice %arg7[%rem3A_598, %dma_start3A_928, %dma_start3A_929] : memref<3x32x1024xf32, #tpu.memory_space<vmem>> -> memref<1x32x1024xf32, #tpu.memory_space<vmem>>
      %dma_start3A_931 = tpu.memref_squeeze %dma_start3A_930 : memref<1x32x1024xf32, #tpu.memory_space<vmem>> -> memref<32x1024xf32, #tpu.memory_space<vmem>>
      %dma_start3A_932 = arith.constant 6 : i32
      %dma_start3A_933 = arith.constant 0 : i32
      %dma_start3A_934 = tpu.memref_slice %dma_start3A_931[%dma_start3A_932, %dma_start3A_933] : memref<32x1024xf32, #tpu.memory_space<vmem>> -> memref<1x1024xf32, #tpu.memory_space<vmem>>
      tpu.enqueue_dma source(%dma_start3A_934 : memref<1x1024xf32, #tpu.memory_space<vmem>>) target(%dma_start3A_927 : memref<1x1024xf32, #tpu.memory_space<hbm>>) target_semaphore(%arg9 : memref<!tpu.dma_semaphore, #tpu.memory_space<semaphore_mem>>)
      %dma_start3A_935 = arith.constant 0 : i32
      %dma_start3A_936 = arith.constant 0 : i32
      %dma_start3A_937 = tpu.memref_slice %arg7[%rem3A_598, %dma_start3A_935, %dma_start3A_936] : memref<3x32x1024xf32, #tpu.memory_space<vmem>> -> memref<1x32x1024xf32, #tpu.memory_space<vmem>>
      %dma_start3A_938 = tpu.memref_squeeze %dma_start3A_937 : memref<1x32x1024xf32, #tpu.memory_space<vmem>> -> memref<32x1024xf32, #tpu.memory_space<vmem>>
      %dma_start3A_939 = arith.constant 7 : i32
      %dma_start3A_940 = arith.constant 0 : i32
      %dma_start3A_941 = tpu.memref_slice %dma_start3A_938[%dma_start3A_939, %dma_start3A_940] : memref<32x1024xf32, #tpu.memory_space<vmem>> -> memref<1x1024xf32, #tpu.memory_space<vmem>>
      %dma_start3A_942 = tpu.memref_slice %arg4[%select_n3A, %add3A_654] : memref<8x2097152xf32, #tpu.memory_space<hbm>> -> memref<1x1024xf32, #tpu.memory_space<hbm>>
      %dma_start3A_943 = tpu.memref_slice %arg4[%select_n3A, %add3A_654] : memref<8x2097152xf32, #tpu.memory_space<hbm>> -> memref<1x1024xf32, #tpu.memory_space<hbm>>
      %dma_start3A_944 = arith.constant 0 : i32
      %dma_start3A_945 = arith.constant 0 : i32
      %dma_start3A_946 = tpu.memref_slice %arg7[%rem3A_598, %dma_start3A_944, %dma_start3A_945] : memref<3x32x1024xf32, #tpu.memory_space<vmem>> -> memref<1x32x1024xf32, #tpu.memory_space<vmem>>
      %dma_start3A_947 = tpu.memref_squeeze %dma_start3A_946 : memref<1x32x1024xf32, #tpu.memory_space<vmem>> -> memref<32x1024xf32, #tpu.memory_space<vmem>>
      %dma_start3A_948 = arith.constant 7 : i32
      %dma_start3A_949 = arith.constant 0 : i32
      %dma_start3A_950 = tpu.memref_slice %dma_start3A_947[%dma_start3A_948, %dma_start3A_949] : memref<32x1024xf32, #tpu.memory_space<vmem>> -> memref<1x1024xf32, #tpu.memory_space<vmem>>
      tpu.enqueue_dma source(%dma_start3A_950 : memref<1x1024xf32, #tpu.memory_space<vmem>>) target(%dma_start3A_943 : memref<1x1024xf32, #tpu.memory_space<hbm>>) target_semaphore(%arg9 : memref<!tpu.dma_semaphore, #tpu.memory_space<semaphore_mem>>)
      %dma_start3A_951 = arith.constant 0 : i32
      %dma_start3A_952 = arith.constant 0 : i32
      %dma_start3A_953 = tpu.memref_slice %arg7[%rem3A_598, %dma_start3A_951, %dma_start3A_952] : memref<3x32x1024xf32, #tpu.memory_space<vmem>> -> memref<1x32x1024xf32, #tpu.memory_space<vmem>>
      %dma_start3A_954 = tpu.memref_squeeze %dma_start3A_953 : memref<1x32x1024xf32, #tpu.memory_space<vmem>> -> memref<32x1024xf32, #tpu.memory_space<vmem>>
      %dma_start3A_955 = arith.constant 8 : i32
      %dma_start3A_956 = arith.constant 0 : i32
      %dma_start3A_957 = tpu.memref_slice %dma_start3A_954[%dma_start3A_955, %dma_start3A_956] : memref<32x1024xf32, #tpu.memory_space<vmem>> -> memref<1x1024xf32, #tpu.memory_space<vmem>>
      %dma_start3A_958 = tpu.memref_slice %arg4[%select_n3A, %add3A_661] : memref<8x2097152xf32, #tpu.memory_space<hbm>> -> memref<1x1024xf32, #tpu.memory_space<hbm>>
      %dma_start3A_959 = tpu.memref_slice %arg4[%select_n3A, %add3A_661] : memref<8x2097152xf32, #tpu.memory_space<hbm>> -> memref<1x1024xf32, #tpu.memory_space<hbm>>
      %dma_start3A_960 = arith.constant 0 : i32
      %dma_start3A_961 = arith.constant 0 : i32
      %dma_start3A_962 = tpu.memref_slice %arg7[%rem3A_598, %dma_start3A_960, %dma_start3A_961] : memref<3x32x1024xf32, #tpu.memory_space<vmem>> -> memref<1x32x1024xf32, #tpu.memory_space<vmem>>
      %dma_start3A_963 = tpu.memref_squeeze %dma_start3A_962 : memref<1x32x1024xf32, #tpu.memory_space<vmem>> -> memref<32x1024xf32, #tpu.memory_space<vmem>>
      %dma_start3A_964 = arith.constant 8 : i32
      %dma_start3A_965 = arith.constant 0 : i32
      %dma_start3A_966 = tpu.memref_slice %dma_start3A_963[%dma_start3A_964, %dma_start3A_965] : memref<32x1024xf32, #tpu.memory_space<vmem>> -> memref<1x1024xf32, #tpu.memory_space<vmem>>
      tpu.enqueue_dma source(%dma_start3A_966 : memref<1x1024xf32, #tpu.memory_space<vmem>>) target(%dma_start3A_959 : memref<1x1024xf32, #tpu.memory_space<hbm>>) target_semaphore(%arg9 : memref<!tpu.dma_semaphore, #tpu.memory_space<semaphore_mem>>)
      %dma_start3A_967 = arith.constant 0 : i32
      %dma_start3A_968 = arith.constant 0 : i32
      %dma_start3A_969 = tpu.memref_slice %arg7[%rem3A_598, %dma_start3A_967, %dma_start3A_968] : memref<3x32x1024xf32, #tpu.memory_space<vmem>> -> memref<1x32x1024xf32, #tpu.memory_space<vmem>>
      %dma_start3A_970 = tpu.memref_squeeze %dma_start3A_969 : memref<1x32x1024xf32, #tpu.memory_space<vmem>> -> memref<32x1024xf32, #tpu.memory_space<vmem>>
      %dma_start3A_971 = arith.constant 9 : i32
      %dma_start3A_972 = arith.constant 0 : i32
      %dma_start3A_973 = tpu.memref_slice %dma_start3A_970[%dma_start3A_971, %dma_start3A_972] : memref<32x1024xf32, #tpu.memory_space<vmem>> -> memref<1x1024xf32, #tpu.memory_space<vmem>>
      %dma_start3A_974 = tpu.memref_slice %arg4[%select_n3A, %add3A_668] : memref<8x2097152xf32, #tpu.memory_space<hbm>> -> memref<1x1024xf32, #tpu.memory_space<hbm>>
      %dma_start3A_975 = tpu.memref_slice %arg4[%select_n3A, %add3A_668] : memref<8x2097152xf32, #tpu.memory_space<hbm>> -> memref<1x1024xf32, #tpu.memory_space<hbm>>
      %dma_start3A_976 = arith.constant 0 : i32
      %dma_start3A_977 = arith.constant 0 : i32
      %dma_start3A_978 = tpu.memref_slice %arg7[%rem3A_598, %dma_start3A_976, %dma_start3A_977] : memref<3x32x1024xf32, #tpu.memory_space<vmem>> -> memref<1x32x1024xf32, #tpu.memory_space<vmem>>
      %dma_start3A_979 = tpu.memref_squeeze %dma_start3A_978 : memref<1x32x1024xf32, #tpu.memory_space<vmem>> -> memref<32x1024xf32, #tpu.memory_space<vmem>>
      %dma_start3A_980 = arith.constant 9 : i32
      %dma_start3A_981 = arith.constant 0 : i32
      %dma_start3A_982 = tpu.memref_slice %dma_start3A_979[%dma_start3A_980, %dma_start3A_981] : memref<32x1024xf32, #tpu.memory_space<vmem>> -> memref<1x1024xf32, #tpu.memory_space<vmem>>
      tpu.enqueue_dma source(%dma_start3A_982 : memref<1x1024xf32, #tpu.memory_space<vmem>>) target(%dma_start3A_975 : memref<1x1024xf32, #tpu.memory_space<hbm>>) target_semaphore(%arg9 : memref<!tpu.dma_semaphore, #tpu.memory_space<semaphore_mem>>)
      %dma_start3A_983 = arith.constant 0 : i32
      %dma_start3A_984 = arith.constant 0 : i32
      %dma_start3A_985 = tpu.memref_slice %arg7[%rem3A_598, %dma_start3A_983, %dma_start3A_984] : memref<3x32x1024xf32, #tpu.memory_space<vmem>> -> memref<1x32x1024xf32, #tpu.memory_space<vmem>>
      %dma_start3A_986 = tpu.memref_squeeze %dma_start3A_985 : memref<1x32x1024xf32, #tpu.memory_space<vmem>> -> memref<32x1024xf32, #tpu.memory_space<vmem>>
      %dma_start3A_987 = arith.constant 10 : i32
      %dma_start3A_988 = arith.constant 0 : i32
      %dma_start3A_989 = tpu.memref_slice %dma_start3A_986[%dma_start3A_987, %dma_start3A_988] : memref<32x1024xf32, #tpu.memory_space<vmem>> -> memref<1x1024xf32, #tpu.memory_space<vmem>>
      %dma_start3A_990 = tpu.memref_slice %arg4[%select_n3A, %add3A_675] : memref<8x2097152xf32, #tpu.memory_space<hbm>> -> memref<1x1024xf32, #tpu.memory_space<hbm>>
      %dma_start3A_991 = tpu.memref_slice %arg4[%select_n3A, %add3A_675] : memref<8x2097152xf32, #tpu.memory_space<hbm>> -> memref<1x1024xf32, #tpu.memory_space<hbm>>
      %dma_start3A_992 = arith.constant 0 : i32
      %dma_start3A_993 = arith.constant 0 : i32
      %dma_start3A_994 = tpu.memref_slice %arg7[%rem3A_598, %dma_start3A_992, %dma_start3A_993] : memref<3x32x1024xf32, #tpu.memory_space<vmem>> -> memref<1x32x1024xf32, #tpu.memory_space<vmem>>
      %dma_start3A_995 = tpu.memref_squeeze %dma_start3A_994 : memref<1x32x1024xf32, #tpu.memory_space<vmem>> -> memref<32x1024xf32, #tpu.memory_space<vmem>>
      %dma_start3A_996 = arith.constant 10 : i32
      %dma_start3A_997 = arith.constant 0 : i32
      %dma_start3A_998 = tpu.memref_slice %dma_start3A_995[%dma_start3A_996, %dma_start3A_997] : memref<32x1024xf32, #tpu.memory_space<vmem>> -> memref<1x1024xf32, #tpu.memory_space<vmem>>
      tpu.enqueue_dma source(%dma_start3A_998 : memref<1x1024xf32, #tpu.memory_space<vmem>>) target(%dma_start3A_991 : memref<1x1024xf32, #tpu.memory_space<hbm>>) target_semaphore(%arg9 : memref<!tpu.dma_semaphore, #tpu.memory_space<semaphore_mem>>)
      %dma_start3A_999 = arith.constant 0 : i32
      %dma_start3A_1000 = arith.constant 0 : i32
      %dma_start3A_1001 = tpu.memref_slice %arg7[%rem3A_598, %dma_start3A_999, %dma_start3A_1000] : memref<3x32x1024xf32, #tpu.memory_space<vmem>> -> memref<1x32x1024xf32, #tpu.memory_space<vmem>>
      %dma_start3A_1002 = tpu.memref_squeeze %dma_start3A_1001 : memref<1x32x1024xf32, #tpu.memory_space<vmem>> -> memref<32x1024xf32, #tpu.memory_space<vmem>>
      %dma_start3A_1003 = arith.constant 11 : i32
      %dma_start3A_1004 = arith.constant 0 : i32
      %dma_start3A_1005 = tpu.memref_slice %dma_start3A_1002[%dma_start3A_1003, %dma_start3A_1004] : memref<32x1024xf32, #tpu.memory_space<vmem>> -> memref<1x1024xf32, #tpu.memory_space<vmem>>
      %dma_start3A_1006 = tpu.memref_slice %arg4[%select_n3A, %add3A_682] : memref<8x2097152xf32, #tpu.memory_space<hbm>> -> memref<1x1024xf32, #tpu.memory_space<hbm>>
      %dma_start3A_1007 = tpu.memref_slice %arg4[%select_n3A, %add3A_682] : memref<8x2097152xf32, #tpu.memory_space<hbm>> -> memref<1x1024xf32, #tpu.memory_space<hbm>>
      %dma_start3A_1008 = arith.constant 0 : i32
      %dma_start3A_1009 = arith.constant 0 : i32
      %dma_start3A_1010 = tpu.memref_slice %arg7[%rem3A_598, %dma_start3A_1008, %dma_start3A_1009] : memref<3x32x1024xf32, #tpu.memory_space<vmem>> -> memref<1x32x1024xf32, #tpu.memory_space<vmem>>
      %dma_start3A_1011 = tpu.memref_squeeze %dma_start3A_1010 : memref<1x32x1024xf32, #tpu.memory_space<vmem>> -> memref<32x1024xf32, #tpu.memory_space<vmem>>
      %dma_start3A_1012 = arith.constant 11 : i32
      %dma_start3A_1013 = arith.constant 0 : i32
      %dma_start3A_1014 = tpu.memref_slice %dma_start3A_1011[%dma_start3A_1012, %dma_start3A_1013] : memref<32x1024xf32, #tpu.memory_space<vmem>> -> memref<1x1024xf32, #tpu.memory_space<vmem>>
      tpu.enqueue_dma source(%dma_start3A_1014 : memref<1x1024xf32, #tpu.memory_space<vmem>>) target(%dma_start3A_1007 : memref<1x1024xf32, #tpu.memory_space<hbm>>) target_semaphore(%arg9 : memref<!tpu.dma_semaphore, #tpu.memory_space<semaphore_mem>>)
      %dma_start3A_1015 = arith.constant 0 : i32
      %dma_start3A_1016 = arith.constant 0 : i32
      %dma_start3A_1017 = tpu.memref_slice %arg7[%rem3A_598, %dma_start3A_1015, %dma_start3A_1016] : memref<3x32x1024xf32, #tpu.memory_space<vmem>> -> memref<1x32x1024xf32, #tpu.memory_space<vmem>>
      %dma_start3A_1018 = tpu.memref_squeeze %dma_start3A_1017 : memref<1x32x1024xf32, #tpu.memory_space<vmem>> -> memref<32x1024xf32, #tpu.memory_space<vmem>>
      %dma_start3A_1019 = arith.constant 12 : i32
      %dma_start3A_1020 = arith.constant 0 : i32
      %dma_start3A_1021 = tpu.memref_slice %dma_start3A_1018[%dma_start3A_1019, %dma_start3A_1020] : memref<32x1024xf32, #tpu.memory_space<vmem>> -> memref<1x1024xf32, #tpu.memory_space<vmem>>
      %dma_start3A_1022 = tpu.memref_slice %arg4[%select_n3A, %add3A_689] : memref<8x2097152xf32, #tpu.memory_space<hbm>> -> memref<1x1024xf32, #tpu.memory_space<hbm>>
      %dma_start3A_1023 = tpu.memref_slice %arg4[%select_n3A, %add3A_689] : memref<8x2097152xf32, #tpu.memory_space<hbm>> -> memref<1x1024xf32, #tpu.memory_space<hbm>>
      %dma_start3A_1024 = arith.constant 0 : i32
      %dma_start3A_1025 = arith.constant 0 : i32
      %dma_start3A_1026 = tpu.memref_slice %arg7[%rem3A_598, %dma_start3A_1024, %dma_start3A_1025] : memref<3x32x1024xf32, #tpu.memory_space<vmem>> -> memref<1x32x1024xf32, #tpu.memory_space<vmem>>
      %dma_start3A_1027 = tpu.memref_squeeze %dma_start3A_1026 : memref<1x32x1024xf32, #tpu.memory_space<vmem>> -> memref<32x1024xf32, #tpu.memory_space<vmem>>
      %dma_start3A_1028 = arith.constant 12 : i32
      %dma_start3A_1029 = arith.constant 0 : i32
      %dma_start3A_1030 = tpu.memref_slice %dma_start3A_1027[%dma_start3A_1028, %dma_start3A_1029] : memref<32x1024xf32, #tpu.memory_space<vmem>> -> memref<1x1024xf32, #tpu.memory_space<vmem>>
      tpu.enqueue_dma source(%dma_start3A_1030 : memref<1x1024xf32, #tpu.memory_space<vmem>>) target(%dma_start3A_1023 : memref<1x1024xf32, #tpu.memory_space<hbm>>) target_semaphore(%arg9 : memref<!tpu.dma_semaphore, #tpu.memory_space<semaphore_mem>>)
      %dma_start3A_1031 = arith.constant 0 : i32
      %dma_start3A_1032 = arith.constant 0 : i32
      %dma_start3A_1033 = tpu.memref_slice %arg7[%rem3A_598, %dma_start3A_1031, %dma_start3A_1032] : memref<3x32x1024xf32, #tpu.memory_space<vmem>> -> memref<1x32x1024xf32, #tpu.memory_space<vmem>>
      %dma_start3A_1034 = tpu.memref_squeeze %dma_start3A_1033 : memref<1x32x1024xf32, #tpu.memory_space<vmem>> -> memref<32x1024xf32, #tpu.memory_space<vmem>>
      %dma_start3A_1035 = arith.constant 13 : i32
      %dma_start3A_1036 = arith.constant 0 : i32
      %dma_start3A_1037 = tpu.memref_slice %dma_start3A_1034[%dma_start3A_1035, %dma_start3A_1036] : memref<32x1024xf32, #tpu.memory_space<vmem>> -> memref<1x1024xf32, #tpu.memory_space<vmem>>
      %dma_start3A_1038 = tpu.memref_slice %arg4[%select_n3A, %add3A_696] : memref<8x2097152xf32, #tpu.memory_space<hbm>> -> memref<1x1024xf32, #tpu.memory_space<hbm>>
      %dma_start3A_1039 = tpu.memref_slice %arg4[%select_n3A, %add3A_696] : memref<8x2097152xf32, #tpu.memory_space<hbm>> -> memref<1x1024xf32, #tpu.memory_space<hbm>>
      %dma_start3A_1040 = arith.constant 0 : i32
      %dma_start3A_1041 = arith.constant 0 : i32
      %dma_start3A_1042 = tpu.memref_slice %arg7[%rem3A_598, %dma_start3A_1040, %dma_start3A_1041] : memref<3x32x1024xf32, #tpu.memory_space<vmem>> -> memref<1x32x1024xf32, #tpu.memory_space<vmem>>
      %dma_start3A_1043 = tpu.memref_squeeze %dma_start3A_1042 : memref<1x32x1024xf32, #tpu.memory_space<vmem>> -> memref<32x1024xf32, #tpu.memory_space<vmem>>
      %dma_start3A_1044 = arith.constant 13 : i32
      %dma_start3A_1045 = arith.constant 0 : i32
      %dma_start3A_1046 = tpu.memref_slice %dma_start3A_1043[%dma_start3A_1044, %dma_start3A_1045] : memref<32x1024xf32, #tpu.memory_space<vmem>> -> memref<1x1024xf32, #tpu.memory_space<vmem>>
      tpu.enqueue_dma source(%dma_start3A_1046 : memref<1x1024xf32, #tpu.memory_space<vmem>>) target(%dma_start3A_1039 : memref<1x1024xf32, #tpu.memory_space<hbm>>) target_semaphore(%arg9 : memref<!tpu.dma_semaphore, #tpu.memory_space<semaphore_mem>>)
      %dma_start3A_1047 = arith.constant 0 : i32
      %dma_start3A_1048 = arith.constant 0 : i32
      %dma_start3A_1049 = tpu.memref_slice %arg7[%rem3A_598, %dma_start3A_1047, %dma_start3A_1048] : memref<3x32x1024xf32, #tpu.memory_space<vmem>> -> memref<1x32x1024xf32, #tpu.memory_space<vmem>>
      %dma_start3A_1050 = tpu.memref_squeeze %dma_start3A_1049 : memref<1x32x1024xf32, #tpu.memory_space<vmem>> -> memref<32x1024xf32, #tpu.memory_space<vmem>>
      %dma_start3A_1051 = arith.constant 14 : i32
      %dma_start3A_1052 = arith.constant 0 : i32
      %dma_start3A_1053 = tpu.memref_slice %dma_start3A_1050[%dma_start3A_1051, %dma_start3A_1052] : memref<32x1024xf32, #tpu.memory_space<vmem>> -> memref<1x1024xf32, #tpu.memory_space<vmem>>
      %dma_start3A_1054 = tpu.memref_slice %arg4[%select_n3A, %add3A_703] : memref<8x2097152xf32, #tpu.memory_space<hbm>> -> memref<1x1024xf32, #tpu.memory_space<hbm>>
      %dma_start3A_1055 = tpu.memref_slice %arg4[%select_n3A, %add3A_703] : memref<8x2097152xf32, #tpu.memory_space<hbm>> -> memref<1x1024xf32, #tpu.memory_space<hbm>>
      %dma_start3A_1056 = arith.constant 0 : i32
      %dma_start3A_1057 = arith.constant 0 : i32
      %dma_start3A_1058 = tpu.memref_slice %arg7[%rem3A_598, %dma_start3A_1056, %dma_start3A_1057] : memref<3x32x1024xf32, #tpu.memory_space<vmem>> -> memref<1x32x1024xf32, #tpu.memory_space<vmem>>
      %dma_start3A_1059 = tpu.memref_squeeze %dma_start3A_1058 : memref<1x32x1024xf32, #tpu.memory_space<vmem>> -> memref<32x1024xf32, #tpu.memory_space<vmem>>
      %dma_start3A_1060 = arith.constant 14 : i32
      %dma_start3A_1061 = arith.constant 0 : i32
      %dma_start3A_1062 = tpu.memref_slice %dma_start3A_1059[%dma_start3A_1060, %dma_start3A_1061] : memref<32x1024xf32, #tpu.memory_space<vmem>> -> memref<1x1024xf32, #tpu.memory_space<vmem>>
      tpu.enqueue_dma source(%dma_start3A_1062 : memref<1x1024xf32, #tpu.memory_space<vmem>>) target(%dma_start3A_1055 : memref<1x1024xf32, #tpu.memory_space<hbm>>) target_semaphore(%arg9 : memref<!tpu.dma_semaphore, #tpu.memory_space<semaphore_mem>>)
      %dma_start3A_1063 = arith.constant 0 : i32
      %dma_start3A_1064 = arith.constant 0 : i32
      %dma_start3A_1065 = tpu.memref_slice %arg7[%rem3A_598, %dma_start3A_1063, %dma_start3A_1064] : memref<3x32x1024xf32, #tpu.memory_space<vmem>> -> memref<1x32x1024xf32, #tpu.memory_space<vmem>>
      %dma_start3A_1066 = tpu.memref_squeeze %dma_start3A_1065 : memref<1x32x1024xf32, #tpu.memory_space<vmem>> -> memref<32x1024xf32, #tpu.memory_space<vmem>>
      %dma_start3A_1067 = arith.constant 15 : i32
      %dma_start3A_1068 = arith.constant 0 : i32
      %dma_start3A_1069 = tpu.memref_slice %dma_start3A_1066[%dma_start3A_1067, %dma_start3A_1068] : memref<32x1024xf32, #tpu.memory_space<vmem>> -> memref<1x1024xf32, #tpu.memory_space<vmem>>
      %dma_start3A_1070 = tpu.memref_slice %arg4[%select_n3A, %add3A_710] : memref<8x2097152xf32, #tpu.memory_space<hbm>> -> memref<1x1024xf32, #tpu.memory_space<hbm>>
      %dma_start3A_1071 = tpu.memref_slice %arg4[%select_n3A, %add3A_710] : memref<8x2097152xf32, #tpu.memory_space<hbm>> -> memref<1x1024xf32, #tpu.memory_space<hbm>>
      %dma_start3A_1072 = arith.constant 0 : i32
      %dma_start3A_1073 = arith.constant 0 : i32
      %dma_start3A_1074 = tpu.memref_slice %arg7[%rem3A_598, %dma_start3A_1072, %dma_start3A_1073] : memref<3x32x1024xf32, #tpu.memory_space<vmem>> -> memref<1x32x1024xf32, #tpu.memory_space<vmem>>
      %dma_start3A_1075 = tpu.memref_squeeze %dma_start3A_1074 : memref<1x32x1024xf32, #tpu.memory_space<vmem>> -> memref<32x1024xf32, #tpu.memory_space<vmem>>
      %dma_start3A_1076 = arith.constant 15 : i32
      %dma_start3A_1077 = arith.constant 0 : i32
      %dma_start3A_1078 = tpu.memref_slice %dma_start3A_1075[%dma_start3A_1076, %dma_start3A_1077] : memref<32x1024xf32, #tpu.memory_space<vmem>> -> memref<1x1024xf32, #tpu.memory_space<vmem>>
      tpu.enqueue_dma source(%dma_start3A_1078 : memref<1x1024xf32, #tpu.memory_space<vmem>>) target(%dma_start3A_1071 : memref<1x1024xf32, #tpu.memory_space<hbm>>) target_semaphore(%arg9 : memref<!tpu.dma_semaphore, #tpu.memory_space<semaphore_mem>>)
      %dma_start3A_1079 = arith.constant 0 : i32
      %dma_start3A_1080 = arith.constant 0 : i32
      %dma_start3A_1081 = tpu.memref_slice %arg7[%rem3A_598, %dma_start3A_1079, %dma_start3A_1080] : memref<3x32x1024xf32, #tpu.memory_space<vmem>> -> memref<1x32x1024xf32, #tpu.memory_space<vmem>>
      %dma_start3A_1082 = tpu.memref_squeeze %dma_start3A_1081 : memref<1x32x1024xf32, #tpu.memory_space<vmem>> -> memref<32x1024xf32, #tpu.memory_space<vmem>>
      %dma_start3A_1083 = arith.constant 16 : i32
      %dma_start3A_1084 = arith.constant 0 : i32
      %dma_start3A_1085 = tpu.memref_slice %dma_start3A_1082[%dma_start3A_1083, %dma_start3A_1084] : memref<32x1024xf32, #tpu.memory_space<vmem>> -> memref<1x1024xf32, #tpu.memory_space<vmem>>
      %dma_start3A_1086 = tpu.memref_slice %arg4[%select_n3A, %add3A_717] : memref<8x2097152xf32, #tpu.memory_space<hbm>> -> memref<1x1024xf32, #tpu.memory_space<hbm>>
      %dma_start3A_1087 = tpu.memref_slice %arg4[%select_n3A, %add3A_717] : memref<8x2097152xf32, #tpu.memory_space<hbm>> -> memref<1x1024xf32, #tpu.memory_space<hbm>>
      %dma_start3A_1088 = arith.constant 0 : i32
      %dma_start3A_1089 = arith.constant 0 : i32
      %dma_start3A_1090 = tpu.memref_slice %arg7[%rem3A_598, %dma_start3A_1088, %dma_start3A_1089] : memref<3x32x1024xf32, #tpu.memory_space<vmem>> -> memref<1x32x1024xf32, #tpu.memory_space<vmem>>
      %dma_start3A_1091 = tpu.memref_squeeze %dma_start3A_1090 : memref<1x32x1024xf32, #tpu.memory_space<vmem>> -> memref<32x1024xf32, #tpu.memory_space<vmem>>
      %dma_start3A_1092 = arith.constant 16 : i32
      %dma_start3A_1093 = arith.constant 0 : i32
      %dma_start3A_1094 = tpu.memref_slice %dma_start3A_1091[%dma_start3A_1092, %dma_start3A_1093] : memref<32x1024xf32, #tpu.memory_space<vmem>> -> memref<1x1024xf32, #tpu.memory_space<vmem>>
      tpu.enqueue_dma source(%dma_start3A_1094 : memref<1x1024xf32, #tpu.memory_space<vmem>>) target(%dma_start3A_1087 : memref<1x1024xf32, #tpu.memory_space<hbm>>) target_semaphore(%arg9 : memref<!tpu.dma_semaphore, #tpu.memory_space<semaphore_mem>>)
      %dma_start3A_1095 = arith.constant 0 : i32
      %dma_start3A_1096 = arith.constant 0 : i32
      %dma_start3A_1097 = tpu.memref_slice %arg7[%rem3A_598, %dma_start3A_1095, %dma_start3A_1096] : memref<3x32x1024xf32, #tpu.memory_space<vmem>> -> memref<1x32x1024xf32, #tpu.memory_space<vmem>>
      %dma_start3A_1098 = tpu.memref_squeeze %dma_start3A_1097 : memref<1x32x1024xf32, #tpu.memory_space<vmem>> -> memref<32x1024xf32, #tpu.memory_space<vmem>>
      %dma_start3A_1099 = arith.constant 17 : i32
      %dma_start3A_1100 = arith.constant 0 : i32
      %dma_start3A_1101 = tpu.memref_slice %dma_start3A_1098[%dma_start3A_1099, %dma_start3A_1100] : memref<32x1024xf32, #tpu.memory_space<vmem>> -> memref<1x1024xf32, #tpu.memory_space<vmem>>
      %dma_start3A_1102 = tpu.memref_slice %arg4[%select_n3A, %add3A_724] : memref<8x2097152xf32, #tpu.memory_space<hbm>> -> memref<1x1024xf32, #tpu.memory_space<hbm>>
      %dma_start3A_1103 = tpu.memref_slice %arg4[%select_n3A, %add3A_724] : memref<8x2097152xf32, #tpu.memory_space<hbm>> -> memref<1x1024xf32, #tpu.memory_space<hbm>>
      %dma_start3A_1104 = arith.constant 0 : i32
      %dma_start3A_1105 = arith.constant 0 : i32
      %dma_start3A_1106 = tpu.memref_slice %arg7[%rem3A_598, %dma_start3A_1104, %dma_start3A_1105] : memref<3x32x1024xf32, #tpu.memory_space<vmem>> -> memref<1x32x1024xf32, #tpu.memory_space<vmem>>
      %dma_start3A_1107 = tpu.memref_squeeze %dma_start3A_1106 : memref<1x32x1024xf32, #tpu.memory_space<vmem>> -> memref<32x1024xf32, #tpu.memory_space<vmem>>
      %dma_start3A_1108 = arith.constant 17 : i32
      %dma_start3A_1109 = arith.constant 0 : i32
      %dma_start3A_1110 = tpu.memref_slice %dma_start3A_1107[%dma_start3A_1108, %dma_start3A_1109] : memref<32x1024xf32, #tpu.memory_space<vmem>> -> memref<1x1024xf32, #tpu.memory_space<vmem>>
      tpu.enqueue_dma source(%dma_start3A_1110 : memref<1x1024xf32, #tpu.memory_space<vmem>>) target(%dma_start3A_1103 : memref<1x1024xf32, #tpu.memory_space<hbm>>) target_semaphore(%arg9 : memref<!tpu.dma_semaphore, #tpu.memory_space<semaphore_mem>>)
      %dma_start3A_1111 = arith.constant 0 : i32
      %dma_start3A_1112 = arith.constant 0 : i32
      %dma_start3A_1113 = tpu.memref_slice %arg7[%rem3A_598, %dma_start3A_1111, %dma_start3A_1112] : memref<3x32x1024xf32, #tpu.memory_space<vmem>> -> memref<1x32x1024xf32, #tpu.memory_space<vmem>>
      %dma_start3A_1114 = tpu.memref_squeeze %dma_start3A_1113 : memref<1x32x1024xf32, #tpu.memory_space<vmem>> -> memref<32x1024xf32, #tpu.memory_space<vmem>>
      %dma_start3A_1115 = arith.constant 18 : i32
      %dma_start3A_1116 = arith.constant 0 : i32
      %dma_start3A_1117 = tpu.memref_slice %dma_start3A_1114[%dma_start3A_1115, %dma_start3A_1116] : memref<32x1024xf32, #tpu.memory_space<vmem>> -> memref<1x1024xf32, #tpu.memory_space<vmem>>
      %dma_start3A_1118 = tpu.memref_slice %arg4[%select_n3A, %add3A_731] : memref<8x2097152xf32, #tpu.memory_space<hbm>> -> memref<1x1024xf32, #tpu.memory_space<hbm>>
      %dma_start3A_1119 = tpu.memref_slice %arg4[%select_n3A, %add3A_731] : memref<8x2097152xf32, #tpu.memory_space<hbm>> -> memref<1x1024xf32, #tpu.memory_space<hbm>>
      %dma_start3A_1120 = arith.constant 0 : i32
      %dma_start3A_1121 = arith.constant 0 : i32
      %dma_start3A_1122 = tpu.memref_slice %arg7[%rem3A_598, %dma_start3A_1120, %dma_start3A_1121] : memref<3x32x1024xf32, #tpu.memory_space<vmem>> -> memref<1x32x1024xf32, #tpu.memory_space<vmem>>
      %dma_start3A_1123 = tpu.memref_squeeze %dma_start3A_1122 : memref<1x32x1024xf32, #tpu.memory_space<vmem>> -> memref<32x1024xf32, #tpu.memory_space<vmem>>
      %dma_start3A_1124 = arith.constant 18 : i32
      %dma_start3A_1125 = arith.constant 0 : i32
      %dma_start3A_1126 = tpu.memref_slice %dma_start3A_1123[%dma_start3A_1124, %dma_start3A_1125] : memref<32x1024xf32, #tpu.memory_space<vmem>> -> memref<1x1024xf32, #tpu.memory_space<vmem>>
      tpu.enqueue_dma source(%dma_start3A_1126 : memref<1x1024xf32, #tpu.memory_space<vmem>>) target(%dma_start3A_1119 : memref<1x1024xf32, #tpu.memory_space<hbm>>) target_semaphore(%arg9 : memref<!tpu.dma_semaphore, #tpu.memory_space<semaphore_mem>>)
      %dma_start3A_1127 = arith.constant 0 : i32
      %dma_start3A_1128 = arith.constant 0 : i32
      %dma_start3A_1129 = tpu.memref_slice %arg7[%rem3A_598, %dma_start3A_1127, %dma_start3A_1128] : memref<3x32x1024xf32, #tpu.memory_space<vmem>> -> memref<1x32x1024xf32, #tpu.memory_space<vmem>>
      %dma_start3A_1130 = tpu.memref_squeeze %dma_start3A_1129 : memref<1x32x1024xf32, #tpu.memory_space<vmem>> -> memref<32x1024xf32, #tpu.memory_space<vmem>>
      %dma_start3A_1131 = arith.constant 19 : i32
      %dma_start3A_1132 = arith.constant 0 : i32
      %dma_start3A_1133 = tpu.memref_slice %dma_start3A_1130[%dma_start3A_1131, %dma_start3A_1132] : memref<32x1024xf32, #tpu.memory_space<vmem>> -> memref<1x1024xf32, #tpu.memory_space<vmem>>
      %dma_start3A_1134 = tpu.memref_slice %arg4[%select_n3A, %add3A_738] : memref<8x2097152xf32, #tpu.memory_space<hbm>> -> memref<1x1024xf32, #tpu.memory_space<hbm>>
      %dma_start3A_1135 = tpu.memref_slice %arg4[%select_n3A, %add3A_738] : memref<8x2097152xf32, #tpu.memory_space<hbm>> -> memref<1x1024xf32, #tpu.memory_space<hbm>>
      %dma_start3A_1136 = arith.constant 0 : i32
      %dma_start3A_1137 = arith.constant 0 : i32
      %dma_start3A_1138 = tpu.memref_slice %arg7[%rem3A_598, %dma_start3A_1136, %dma_start3A_1137] : memref<3x32x1024xf32, #tpu.memory_space<vmem>> -> memref<1x32x1024xf32, #tpu.memory_space<vmem>>
      %dma_start3A_1139 = tpu.memref_squeeze %dma_start3A_1138 : memref<1x32x1024xf32, #tpu.memory_space<vmem>> -> memref<32x1024xf32, #tpu.memory_space<vmem>>
      %dma_start3A_1140 = arith.constant 19 : i32
      %dma_start3A_1141 = arith.constant 0 : i32
      %dma_start3A_1142 = tpu.memref_slice %dma_start3A_1139[%dma_start3A_1140, %dma_start3A_1141] : memref<32x1024xf32, #tpu.memory_space<vmem>> -> memref<1x1024xf32, #tpu.memory_space<vmem>>
      tpu.enqueue_dma source(%dma_start3A_1142 : memref<1x1024xf32, #tpu.memory_space<vmem>>) target(%dma_start3A_1135 : memref<1x1024xf32, #tpu.memory_space<hbm>>) target_semaphore(%arg9 : memref<!tpu.dma_semaphore, #tpu.memory_space<semaphore_mem>>)
      %dma_start3A_1143 = arith.constant 0 : i32
      %dma_start3A_1144 = arith.constant 0 : i32
      %dma_start3A_1145 = tpu.memref_slice %arg7[%rem3A_598, %dma_start3A_1143, %dma_start3A_1144] : memref<3x32x1024xf32, #tpu.memory_space<vmem>> -> memref<1x32x1024xf32, #tpu.memory_space<vmem>>
      %dma_start3A_1146 = tpu.memref_squeeze %dma_start3A_1145 : memref<1x32x1024xf32, #tpu.memory_space<vmem>> -> memref<32x1024xf32, #tpu.memory_space<vmem>>
      %dma_start3A_1147 = arith.constant 20 : i32
      %dma_start3A_1148 = arith.constant 0 : i32
      %dma_start3A_1149 = tpu.memref_slice %dma_start3A_1146[%dma_start3A_1147, %dma_start3A_1148] : memref<32x1024xf32, #tpu.memory_space<vmem>> -> memref<1x1024xf32, #tpu.memory_space<vmem>>
      %dma_start3A_1150 = tpu.memref_slice %arg4[%select_n3A, %add3A_745] : memref<8x2097152xf32, #tpu.memory_space<hbm>> -> memref<1x1024xf32, #tpu.memory_space<hbm>>
      %dma_start3A_1151 = tpu.memref_slice %arg4[%select_n3A, %add3A_745] : memref<8x2097152xf32, #tpu.memory_space<hbm>> -> memref<1x1024xf32, #tpu.memory_space<hbm>>
      %dma_start3A_1152 = arith.constant 0 : i32
      %dma_start3A_1153 = arith.constant 0 : i32
      %dma_start3A_1154 = tpu.memref_slice %arg7[%rem3A_598, %dma_start3A_1152, %dma_start3A_1153] : memref<3x32x1024xf32, #tpu.memory_space<vmem>> -> memref<1x32x1024xf32, #tpu.memory_space<vmem>>
      %dma_start3A_1155 = tpu.memref_squeeze %dma_start3A_1154 : memref<1x32x1024xf32, #tpu.memory_space<vmem>> -> memref<32x1024xf32, #tpu.memory_space<vmem>>
      %dma_start3A_1156 = arith.constant 20 : i32
      %dma_start3A_1157 = arith.constant 0 : i32
      %dma_start3A_1158 = tpu.memref_slice %dma_start3A_1155[%dma_start3A_1156, %dma_start3A_1157] : memref<32x1024xf32, #tpu.memory_space<vmem>> -> memref<1x1024xf32, #tpu.memory_space<vmem>>
      tpu.enqueue_dma source(%dma_start3A_1158 : memref<1x1024xf32, #tpu.memory_space<vmem>>) target(%dma_start3A_1151 : memref<1x1024xf32, #tpu.memory_space<hbm>>) target_semaphore(%arg9 : memref<!tpu.dma_semaphore, #tpu.memory_space<semaphore_mem>>)
      %dma_start3A_1159 = arith.constant 0 : i32
      %dma_start3A_1160 = arith.constant 0 : i32
      %dma_start3A_1161 = tpu.memref_slice %arg7[%rem3A_598, %dma_start3A_1159, %dma_start3A_1160] : memref<3x32x1024xf32, #tpu.memory_space<vmem>> -> memref<1x32x1024xf32, #tpu.memory_space<vmem>>
      %dma_start3A_1162 = tpu.memref_squeeze %dma_start3A_1161 : memref<1x32x1024xf32, #tpu.memory_space<vmem>> -> memref<32x1024xf32, #tpu.memory_space<vmem>>
      %dma_start3A_1163 = arith.constant 21 : i32
      %dma_start3A_1164 = arith.constant 0 : i32
      %dma_start3A_1165 = tpu.memref_slice %dma_start3A_1162[%dma_start3A_1163, %dma_start3A_1164] : memref<32x1024xf32, #tpu.memory_space<vmem>> -> memref<1x1024xf32, #tpu.memory_space<vmem>>
      %dma_start3A_1166 = tpu.memref_slice %arg4[%select_n3A, %add3A_752] : memref<8x2097152xf32, #tpu.memory_space<hbm>> -> memref<1x1024xf32, #tpu.memory_space<hbm>>
      %dma_start3A_1167 = tpu.memref_slice %arg4[%select_n3A, %add3A_752] : memref<8x2097152xf32, #tpu.memory_space<hbm>> -> memref<1x1024xf32, #tpu.memory_space<hbm>>
      %dma_start3A_1168 = arith.constant 0 : i32
      %dma_start3A_1169 = arith.constant 0 : i32
      %dma_start3A_1170 = tpu.memref_slice %arg7[%rem3A_598, %dma_start3A_1168, %dma_start3A_1169] : memref<3x32x1024xf32, #tpu.memory_space<vmem>> -> memref<1x32x1024xf32, #tpu.memory_space<vmem>>
      %dma_start3A_1171 = tpu.memref_squeeze %dma_start3A_1170 : memref<1x32x1024xf32, #tpu.memory_space<vmem>> -> memref<32x1024xf32, #tpu.memory_space<vmem>>
      %dma_start3A_1172 = arith.constant 21 : i32
      %dma_start3A_1173 = arith.constant 0 : i32
      %dma_start3A_1174 = tpu.memref_slice %dma_start3A_1171[%dma_start3A_1172, %dma_start3A_1173] : memref<32x1024xf32, #tpu.memory_space<vmem>> -> memref<1x1024xf32, #tpu.memory_space<vmem>>
      tpu.enqueue_dma source(%dma_start3A_1174 : memref<1x1024xf32, #tpu.memory_space<vmem>>) target(%dma_start3A_1167 : memref<1x1024xf32, #tpu.memory_space<hbm>>) target_semaphore(%arg9 : memref<!tpu.dma_semaphore, #tpu.memory_space<semaphore_mem>>)
      %dma_start3A_1175 = arith.constant 0 : i32
      %dma_start3A_1176 = arith.constant 0 : i32
      %dma_start3A_1177 = tpu.memref_slice %arg7[%rem3A_598, %dma_start3A_1175, %dma_start3A_1176] : memref<3x32x1024xf32, #tpu.memory_space<vmem>> -> memref<1x32x1024xf32, #tpu.memory_space<vmem>>
      %dma_start3A_1178 = tpu.memref_squeeze %dma_start3A_1177 : memref<1x32x1024xf32, #tpu.memory_space<vmem>> -> memref<32x1024xf32, #tpu.memory_space<vmem>>
      %dma_start3A_1179 = arith.constant 22 : i32
      %dma_start3A_1180 = arith.constant 0 : i32
      %dma_start3A_1181 = tpu.memref_slice %dma_start3A_1178[%dma_start3A_1179, %dma_start3A_1180] : memref<32x1024xf32, #tpu.memory_space<vmem>> -> memref<1x1024xf32, #tpu.memory_space<vmem>>
      %dma_start3A_1182 = tpu.memref_slice %arg4[%select_n3A, %add3A_759] : memref<8x2097152xf32, #tpu.memory_space<hbm>> -> memref<1x1024xf32, #tpu.memory_space<hbm>>
      %dma_start3A_1183 = tpu.memref_slice %arg4[%select_n3A, %add3A_759] : memref<8x2097152xf32, #tpu.memory_space<hbm>> -> memref<1x1024xf32, #tpu.memory_space<hbm>>
      %dma_start3A_1184 = arith.constant 0 : i32
      %dma_start3A_1185 = arith.constant 0 : i32
      %dma_start3A_1186 = tpu.memref_slice %arg7[%rem3A_598, %dma_start3A_1184, %dma_start3A_1185] : memref<3x32x1024xf32, #tpu.memory_space<vmem>> -> memref<1x32x1024xf32, #tpu.memory_space<vmem>>
      %dma_start3A_1187 = tpu.memref_squeeze %dma_start3A_1186 : memref<1x32x1024xf32, #tpu.memory_space<vmem>> -> memref<32x1024xf32, #tpu.memory_space<vmem>>
      %dma_start3A_1188 = arith.constant 22 : i32
      %dma_start3A_1189 = arith.constant 0 : i32
      %dma_start3A_1190 = tpu.memref_slice %dma_start3A_1187[%dma_start3A_1188, %dma_start3A_1189] : memref<32x1024xf32, #tpu.memory_space<vmem>> -> memref<1x1024xf32, #tpu.memory_space<vmem>>
      tpu.enqueue_dma source(%dma_start3A_1190 : memref<1x1024xf32, #tpu.memory_space<vmem>>) target(%dma_start3A_1183 : memref<1x1024xf32, #tpu.memory_space<hbm>>) target_semaphore(%arg9 : memref<!tpu.dma_semaphore, #tpu.memory_space<semaphore_mem>>)
      %dma_start3A_1191 = arith.constant 0 : i32
      %dma_start3A_1192 = arith.constant 0 : i32
      %dma_start3A_1193 = tpu.memref_slice %arg7[%rem3A_598, %dma_start3A_1191, %dma_start3A_1192] : memref<3x32x1024xf32, #tpu.memory_space<vmem>> -> memref<1x32x1024xf32, #tpu.memory_space<vmem>>
      %dma_start3A_1194 = tpu.memref_squeeze %dma_start3A_1193 : memref<1x32x1024xf32, #tpu.memory_space<vmem>> -> memref<32x1024xf32, #tpu.memory_space<vmem>>
      %dma_start3A_1195 = arith.constant 23 : i32
      %dma_start3A_1196 = arith.constant 0 : i32
      %dma_start3A_1197 = tpu.memref_slice %dma_start3A_1194[%dma_start3A_1195, %dma_start3A_1196] : memref<32x1024xf32, #tpu.memory_space<vmem>> -> memref<1x1024xf32, #tpu.memory_space<vmem>>
      %dma_start3A_1198 = tpu.memref_slice %arg4[%select_n3A, %add3A_766] : memref<8x2097152xf32, #tpu.memory_space<hbm>> -> memref<1x1024xf32, #tpu.memory_space<hbm>>
      %dma_start3A_1199 = tpu.memref_slice %arg4[%select_n3A, %add3A_766] : memref<8x2097152xf32, #tpu.memory_space<hbm>> -> memref<1x1024xf32, #tpu.memory_space<hbm>>
      %dma_start3A_1200 = arith.constant 0 : i32
      %dma_start3A_1201 = arith.constant 0 : i32
      %dma_start3A_1202 = tpu.memref_slice %arg7[%rem3A_598, %dma_start3A_1200, %dma_start3A_1201] : memref<3x32x1024xf32, #tpu.memory_space<vmem>> -> memref<1x32x1024xf32, #tpu.memory_space<vmem>>
      %dma_start3A_1203 = tpu.memref_squeeze %dma_start3A_1202 : memref<1x32x1024xf32, #tpu.memory_space<vmem>> -> memref<32x1024xf32, #tpu.memory_space<vmem>>
      %dma_start3A_1204 = arith.constant 23 : i32
      %dma_start3A_1205 = arith.constant 0 : i32
      %dma_start3A_1206 = tpu.memref_slice %dma_start3A_1203[%dma_start3A_1204, %dma_start3A_1205] : memref<32x1024xf32, #tpu.memory_space<vmem>> -> memref<1x1024xf32, #tpu.memory_space<vmem>>
      tpu.enqueue_dma source(%dma_start3A_1206 : memref<1x1024xf32, #tpu.memory_space<vmem>>) target(%dma_start3A_1199 : memref<1x1024xf32, #tpu.memory_space<hbm>>) target_semaphore(%arg9 : memref<!tpu.dma_semaphore, #tpu.memory_space<semaphore_mem>>)
      %dma_start3A_1207 = arith.constant 0 : i32
      %dma_start3A_1208 = arith.constant 0 : i32
      %dma_start3A_1209 = tpu.memref_slice %arg7[%rem3A_598, %dma_start3A_1207, %dma_start3A_1208] : memref<3x32x1024xf32, #tpu.memory_space<vmem>> -> memref<1x32x1024xf32, #tpu.memory_space<vmem>>
      %dma_start3A_1210 = tpu.memref_squeeze %dma_start3A_1209 : memref<1x32x1024xf32, #tpu.memory_space<vmem>> -> memref<32x1024xf32, #tpu.memory_space<vmem>>
      %dma_start3A_1211 = arith.constant 24 : i32
      %dma_start3A_1212 = arith.constant 0 : i32
      %dma_start3A_1213 = tpu.memref_slice %dma_start3A_1210[%dma_start3A_1211, %dma_start3A_1212] : memref<32x1024xf32, #tpu.memory_space<vmem>> -> memref<1x1024xf32, #tpu.memory_space<vmem>>
      %dma_start3A_1214 = tpu.memref_slice %arg4[%select_n3A, %add3A_773] : memref<8x2097152xf32, #tpu.memory_space<hbm>> -> memref<1x1024xf32, #tpu.memory_space<hbm>>
      %dma_start3A_1215 = tpu.memref_slice %arg4[%select_n3A, %add3A_773] : memref<8x2097152xf32, #tpu.memory_space<hbm>> -> memref<1x1024xf32, #tpu.memory_space<hbm>>
      %dma_start3A_1216 = arith.constant 0 : i32
      %dma_start3A_1217 = arith.constant 0 : i32
      %dma_start3A_1218 = tpu.memref_slice %arg7[%rem3A_598, %dma_start3A_1216, %dma_start3A_1217] : memref<3x32x1024xf32, #tpu.memory_space<vmem>> -> memref<1x32x1024xf32, #tpu.memory_space<vmem>>
      %dma_start3A_1219 = tpu.memref_squeeze %dma_start3A_1218 : memref<1x32x1024xf32, #tpu.memory_space<vmem>> -> memref<32x1024xf32, #tpu.memory_space<vmem>>
      %dma_start3A_1220 = arith.constant 24 : i32
      %dma_start3A_1221 = arith.constant 0 : i32
      %dma_start3A_1222 = tpu.memref_slice %dma_start3A_1219[%dma_start3A_1220, %dma_start3A_1221] : memref<32x1024xf32, #tpu.memory_space<vmem>> -> memref<1x1024xf32, #tpu.memory_space<vmem>>
      tpu.enqueue_dma source(%dma_start3A_1222 : memref<1x1024xf32, #tpu.memory_space<vmem>>) target(%dma_start3A_1215 : memref<1x1024xf32, #tpu.memory_space<hbm>>) target_semaphore(%arg9 : memref<!tpu.dma_semaphore, #tpu.memory_space<semaphore_mem>>)
      %dma_start3A_1223 = arith.constant 0 : i32
      %dma_start3A_1224 = arith.constant 0 : i32
      %dma_start3A_1225 = tpu.memref_slice %arg7[%rem3A_598, %dma_start3A_1223, %dma_start3A_1224] : memref<3x32x1024xf32, #tpu.memory_space<vmem>> -> memref<1x32x1024xf32, #tpu.memory_space<vmem>>
      %dma_start3A_1226 = tpu.memref_squeeze %dma_start3A_1225 : memref<1x32x1024xf32, #tpu.memory_space<vmem>> -> memref<32x1024xf32, #tpu.memory_space<vmem>>
      %dma_start3A_1227 = arith.constant 25 : i32
      %dma_start3A_1228 = arith.constant 0 : i32
      %dma_start3A_1229 = tpu.memref_slice %dma_start3A_1226[%dma_start3A_1227, %dma_start3A_1228] : memref<32x1024xf32, #tpu.memory_space<vmem>> -> memref<1x1024xf32, #tpu.memory_space<vmem>>
      %dma_start3A_1230 = tpu.memref_slice %arg4[%select_n3A, %add3A_780] : memref<8x2097152xf32, #tpu.memory_space<hbm>> -> memref<1x1024xf32, #tpu.memory_space<hbm>>
      %dma_start3A_1231 = tpu.memref_slice %arg4[%select_n3A, %add3A_780] : memref<8x2097152xf32, #tpu.memory_space<hbm>> -> memref<1x1024xf32, #tpu.memory_space<hbm>>
      %dma_start3A_1232 = arith.constant 0 : i32
      %dma_start3A_1233 = arith.constant 0 : i32
      %dma_start3A_1234 = tpu.memref_slice %arg7[%rem3A_598, %dma_start3A_1232, %dma_start3A_1233] : memref<3x32x1024xf32, #tpu.memory_space<vmem>> -> memref<1x32x1024xf32, #tpu.memory_space<vmem>>
      %dma_start3A_1235 = tpu.memref_squeeze %dma_start3A_1234 : memref<1x32x1024xf32, #tpu.memory_space<vmem>> -> memref<32x1024xf32, #tpu.memory_space<vmem>>
      %dma_start3A_1236 = arith.constant 25 : i32
      %dma_start3A_1237 = arith.constant 0 : i32
      %dma_start3A_1238 = tpu.memref_slice %dma_start3A_1235[%dma_start3A_1236, %dma_start3A_1237] : memref<32x1024xf32, #tpu.memory_space<vmem>> -> memref<1x1024xf32, #tpu.memory_space<vmem>>
      tpu.enqueue_dma source(%dma_start3A_1238 : memref<1x1024xf32, #tpu.memory_space<vmem>>) target(%dma_start3A_1231 : memref<1x1024xf32, #tpu.memory_space<hbm>>) target_semaphore(%arg9 : memref<!tpu.dma_semaphore, #tpu.memory_space<semaphore_mem>>)
      %dma_start3A_1239 = arith.constant 0 : i32
      %dma_start3A_1240 = arith.constant 0 : i32
      %dma_start3A_1241 = tpu.memref_slice %arg7[%rem3A_598, %dma_start3A_1239, %dma_start3A_1240] : memref<3x32x1024xf32, #tpu.memory_space<vmem>> -> memref<1x32x1024xf32, #tpu.memory_space<vmem>>
      %dma_start3A_1242 = tpu.memref_squeeze %dma_start3A_1241 : memref<1x32x1024xf32, #tpu.memory_space<vmem>> -> memref<32x1024xf32, #tpu.memory_space<vmem>>
      %dma_start3A_1243 = arith.constant 26 : i32
      %dma_start3A_1244 = arith.constant 0 : i32
      %dma_start3A_1245 = tpu.memref_slice %dma_start3A_1242[%dma_start3A_1243, %dma_start3A_1244] : memref<32x1024xf32, #tpu.memory_space<vmem>> -> memref<1x1024xf32, #tpu.memory_space<vmem>>
      %dma_start3A_1246 = tpu.memref_slice %arg4[%select_n3A, %add3A_787] : memref<8x2097152xf32, #tpu.memory_space<hbm>> -> memref<1x1024xf32, #tpu.memory_space<hbm>>
      %dma_start3A_1247 = tpu.memref_slice %arg4[%select_n3A, %add3A_787] : memref<8x2097152xf32, #tpu.memory_space<hbm>> -> memref<1x1024xf32, #tpu.memory_space<hbm>>
      %dma_start3A_1248 = arith.constant 0 : i32
      %dma_start3A_1249 = arith.constant 0 : i32
      %dma_start3A_1250 = tpu.memref_slice %arg7[%rem3A_598, %dma_start3A_1248, %dma_start3A_1249] : memref<3x32x1024xf32, #tpu.memory_space<vmem>> -> memref<1x32x1024xf32, #tpu.memory_space<vmem>>
      %dma_start3A_1251 = tpu.memref_squeeze %dma_start3A_1250 : memref<1x32x1024xf32, #tpu.memory_space<vmem>> -> memref<32x1024xf32, #tpu.memory_space<vmem>>
      %dma_start3A_1252 = arith.constant 26 : i32
      %dma_start3A_1253 = arith.constant 0 : i32
      %dma_start3A_1254 = tpu.memref_slice %dma_start3A_1251[%dma_start3A_1252, %dma_start3A_1253] : memref<32x1024xf32, #tpu.memory_space<vmem>> -> memref<1x1024xf32, #tpu.memory_space<vmem>>
      tpu.enqueue_dma source(%dma_start3A_1254 : memref<1x1024xf32, #tpu.memory_space<vmem>>) target(%dma_start3A_1247 : memref<1x1024xf32, #tpu.memory_space<hbm>>) target_semaphore(%arg9 : memref<!tpu.dma_semaphore, #tpu.memory_space<semaphore_mem>>)
      %dma_start3A_1255 = arith.constant 0 : i32
      %dma_start3A_1256 = arith.constant 0 : i32
      %dma_start3A_1257 = tpu.memref_slice %arg7[%rem3A_598, %dma_start3A_1255, %dma_start3A_1256] : memref<3x32x1024xf32, #tpu.memory_space<vmem>> -> memref<1x32x1024xf32, #tpu.memory_space<vmem>>
      %dma_start3A_1258 = tpu.memref_squeeze %dma_start3A_1257 : memref<1x32x1024xf32, #tpu.memory_space<vmem>> -> memref<32x1024xf32, #tpu.memory_space<vmem>>
      %dma_start3A_1259 = arith.constant 27 : i32
      %dma_start3A_1260 = arith.constant 0 : i32
      %dma_start3A_1261 = tpu.memref_slice %dma_start3A_1258[%dma_start3A_1259, %dma_start3A_1260] : memref<32x1024xf32, #tpu.memory_space<vmem>> -> memref<1x1024xf32, #tpu.memory_space<vmem>>
      %dma_start3A_1262 = tpu.memref_slice %arg4[%select_n3A, %add3A_794] : memref<8x2097152xf32, #tpu.memory_space<hbm>> -> memref<1x1024xf32, #tpu.memory_space<hbm>>
      %dma_start3A_1263 = tpu.memref_slice %arg4[%select_n3A, %add3A_794] : memref<8x2097152xf32, #tpu.memory_space<hbm>> -> memref<1x1024xf32, #tpu.memory_space<hbm>>
      %dma_start3A_1264 = arith.constant 0 : i32
      %dma_start3A_1265 = arith.constant 0 : i32
      %dma_start3A_1266 = tpu.memref_slice %arg7[%rem3A_598, %dma_start3A_1264, %dma_start3A_1265] : memref<3x32x1024xf32, #tpu.memory_space<vmem>> -> memref<1x32x1024xf32, #tpu.memory_space<vmem>>
      %dma_start3A_1267 = tpu.memref_squeeze %dma_start3A_1266 : memref<1x32x1024xf32, #tpu.memory_space<vmem>> -> memref<32x1024xf32, #tpu.memory_space<vmem>>
      %dma_start3A_1268 = arith.constant 27 : i32
      %dma_start3A_1269 = arith.constant 0 : i32
      %dma_start3A_1270 = tpu.memref_slice %dma_start3A_1267[%dma_start3A_1268, %dma_start3A_1269] : memref<32x1024xf32, #tpu.memory_space<vmem>> -> memref<1x1024xf32, #tpu.memory_space<vmem>>
      tpu.enqueue_dma source(%dma_start3A_1270 : memref<1x1024xf32, #tpu.memory_space<vmem>>) target(%dma_start3A_1263 : memref<1x1024xf32, #tpu.memory_space<hbm>>) target_semaphore(%arg9 : memref<!tpu.dma_semaphore, #tpu.memory_space<semaphore_mem>>)
      %dma_start3A_1271 = arith.constant 0 : i32
      %dma_start3A_1272 = arith.constant 0 : i32
      %dma_start3A_1273 = tpu.memref_slice %arg7[%rem3A_598, %dma_start3A_1271, %dma_start3A_1272] : memref<3x32x1024xf32, #tpu.memory_space<vmem>> -> memref<1x32x1024xf32, #tpu.memory_space<vmem>>
      %dma_start3A_1274 = tpu.memref_squeeze %dma_start3A_1273 : memref<1x32x1024xf32, #tpu.memory_space<vmem>> -> memref<32x1024xf32, #tpu.memory_space<vmem>>
      %dma_start3A_1275 = arith.constant 28 : i32
      %dma_start3A_1276 = arith.constant 0 : i32
      %dma_start3A_1277 = tpu.memref_slice %dma_start3A_1274[%dma_start3A_1275, %dma_start3A_1276] : memref<32x1024xf32, #tpu.memory_space<vmem>> -> memref<1x1024xf32, #tpu.memory_space<vmem>>
      %dma_start3A_1278 = tpu.memref_slice %arg4[%select_n3A, %add3A_801] : memref<8x2097152xf32, #tpu.memory_space<hbm>> -> memref<1x1024xf32, #tpu.memory_space<hbm>>
      %dma_start3A_1279 = tpu.memref_slice %arg4[%select_n3A, %add3A_801] : memref<8x2097152xf32, #tpu.memory_space<hbm>> -> memref<1x1024xf32, #tpu.memory_space<hbm>>
      %dma_start3A_1280 = arith.constant 0 : i32
      %dma_start3A_1281 = arith.constant 0 : i32
      %dma_start3A_1282 = tpu.memref_slice %arg7[%rem3A_598, %dma_start3A_1280, %dma_start3A_1281] : memref<3x32x1024xf32, #tpu.memory_space<vmem>> -> memref<1x32x1024xf32, #tpu.memory_space<vmem>>
      %dma_start3A_1283 = tpu.memref_squeeze %dma_start3A_1282 : memref<1x32x1024xf32, #tpu.memory_space<vmem>> -> memref<32x1024xf32, #tpu.memory_space<vmem>>
      %dma_start3A_1284 = arith.constant 28 : i32
      %dma_start3A_1285 = arith.constant 0 : i32
      %dma_start3A_1286 = tpu.memref_slice %dma_start3A_1283[%dma_start3A_1284, %dma_start3A_1285] : memref<32x1024xf32, #tpu.memory_space<vmem>> -> memref<1x1024xf32, #tpu.memory_space<vmem>>
      tpu.enqueue_dma source(%dma_start3A_1286 : memref<1x1024xf32, #tpu.memory_space<vmem>>) target(%dma_start3A_1279 : memref<1x1024xf32, #tpu.memory_space<hbm>>) target_semaphore(%arg9 : memref<!tpu.dma_semaphore, #tpu.memory_space<semaphore_mem>>)
      %dma_start3A_1287 = arith.constant 0 : i32
      %dma_start3A_1288 = arith.constant 0 : i32
      %dma_start3A_1289 = tpu.memref_slice %arg7[%rem3A_598, %dma_start3A_1287, %dma_start3A_1288] : memref<3x32x1024xf32, #tpu.memory_space<vmem>> -> memref<1x32x1024xf32, #tpu.memory_space<vmem>>
      %dma_start3A_1290 = tpu.memref_squeeze %dma_start3A_1289 : memref<1x32x1024xf32, #tpu.memory_space<vmem>> -> memref<32x1024xf32, #tpu.memory_space<vmem>>
      %dma_start3A_1291 = arith.constant 29 : i32
      %dma_start3A_1292 = arith.constant 0 : i32
      %dma_start3A_1293 = tpu.memref_slice %dma_start3A_1290[%dma_start3A_1291, %dma_start3A_1292] : memref<32x1024xf32, #tpu.memory_space<vmem>> -> memref<1x1024xf32, #tpu.memory_space<vmem>>
      %dma_start3A_1294 = tpu.memref_slice %arg4[%select_n3A, %add3A_808] : memref<8x2097152xf32, #tpu.memory_space<hbm>> -> memref<1x1024xf32, #tpu.memory_space<hbm>>
      %dma_start3A_1295 = tpu.memref_slice %arg4[%select_n3A, %add3A_808] : memref<8x2097152xf32, #tpu.memory_space<hbm>> -> memref<1x1024xf32, #tpu.memory_space<hbm>>
      %dma_start3A_1296 = arith.constant 0 : i32
      %dma_start3A_1297 = arith.constant 0 : i32
      %dma_start3A_1298 = tpu.memref_slice %arg7[%rem3A_598, %dma_start3A_1296, %dma_start3A_1297] : memref<3x32x1024xf32, #tpu.memory_space<vmem>> -> memref<1x32x1024xf32, #tpu.memory_space<vmem>>
      %dma_start3A_1299 = tpu.memref_squeeze %dma_start3A_1298 : memref<1x32x1024xf32, #tpu.memory_space<vmem>> -> memref<32x1024xf32, #tpu.memory_space<vmem>>
      %dma_start3A_1300 = arith.constant 29 : i32
      %dma_start3A_1301 = arith.constant 0 : i32
      %dma_start3A_1302 = tpu.memref_slice %dma_start3A_1299[%dma_start3A_1300, %dma_start3A_1301] : memref<32x1024xf32, #tpu.memory_space<vmem>> -> memref<1x1024xf32, #tpu.memory_space<vmem>>
      tpu.enqueue_dma source(%dma_start3A_1302 : memref<1x1024xf32, #tpu.memory_space<vmem>>) target(%dma_start3A_1295 : memref<1x1024xf32, #tpu.memory_space<hbm>>) target_semaphore(%arg9 : memref<!tpu.dma_semaphore, #tpu.memory_space<semaphore_mem>>)
      %dma_start3A_1303 = arith.constant 0 : i32
      %dma_start3A_1304 = arith.constant 0 : i32
      %dma_start3A_1305 = tpu.memref_slice %arg7[%rem3A_598, %dma_start3A_1303, %dma_start3A_1304] : memref<3x32x1024xf32, #tpu.memory_space<vmem>> -> memref<1x32x1024xf32, #tpu.memory_space<vmem>>
      %dma_start3A_1306 = tpu.memref_squeeze %dma_start3A_1305 : memref<1x32x1024xf32, #tpu.memory_space<vmem>> -> memref<32x1024xf32, #tpu.memory_space<vmem>>
      %dma_start3A_1307 = arith.constant 30 : i32
      %dma_start3A_1308 = arith.constant 0 : i32
      %dma_start3A_1309 = tpu.memref_slice %dma_start3A_1306[%dma_start3A_1307, %dma_start3A_1308] : memref<32x1024xf32, #tpu.memory_space<vmem>> -> memref<1x1024xf32, #tpu.memory_space<vmem>>
      %dma_start3A_1310 = tpu.memref_slice %arg4[%select_n3A, %add3A_815] : memref<8x2097152xf32, #tpu.memory_space<hbm>> -> memref<1x1024xf32, #tpu.memory_space<hbm>>
      %dma_start3A_1311 = tpu.memref_slice %arg4[%select_n3A, %add3A_815] : memref<8x2097152xf32, #tpu.memory_space<hbm>> -> memref<1x1024xf32, #tpu.memory_space<hbm>>
      %dma_start3A_1312 = arith.constant 0 : i32
      %dma_start3A_1313 = arith.constant 0 : i32
      %dma_start3A_1314 = tpu.memref_slice %arg7[%rem3A_598, %dma_start3A_1312, %dma_start3A_1313] : memref<3x32x1024xf32, #tpu.memory_space<vmem>> -> memref<1x32x1024xf32, #tpu.memory_space<vmem>>
      %dma_start3A_1315 = tpu.memref_squeeze %dma_start3A_1314 : memref<1x32x1024xf32, #tpu.memory_space<vmem>> -> memref<32x1024xf32, #tpu.memory_space<vmem>>
      %dma_start3A_1316 = arith.constant 30 : i32
      %dma_start3A_1317 = arith.constant 0 : i32
      %dma_start3A_1318 = tpu.memref_slice %dma_start3A_1315[%dma_start3A_1316, %dma_start3A_1317] : memref<32x1024xf32, #tpu.memory_space<vmem>> -> memref<1x1024xf32, #tpu.memory_space<vmem>>
      tpu.enqueue_dma source(%dma_start3A_1318 : memref<1x1024xf32, #tpu.memory_space<vmem>>) target(%dma_start3A_1311 : memref<1x1024xf32, #tpu.memory_space<hbm>>) target_semaphore(%arg9 : memref<!tpu.dma_semaphore, #tpu.memory_space<semaphore_mem>>)
      %dma_start3A_1319 = arith.constant 0 : i32
      %dma_start3A_1320 = arith.constant 0 : i32
      %dma_start3A_1321 = tpu.memref_slice %arg7[%rem3A_598, %dma_start3A_1319, %dma_start3A_1320] : memref<3x32x1024xf32, #tpu.memory_space<vmem>> -> memref<1x32x1024xf32, #tpu.memory_space<vmem>>
      %dma_start3A_1322 = tpu.memref_squeeze %dma_start3A_1321 : memref<1x32x1024xf32, #tpu.memory_space<vmem>> -> memref<32x1024xf32, #tpu.memory_space<vmem>>
      %dma_start3A_1323 = arith.constant 31 : i32
      %dma_start3A_1324 = arith.constant 0 : i32
      %dma_start3A_1325 = tpu.memref_slice %dma_start3A_1322[%dma_start3A_1323, %dma_start3A_1324] : memref<32x1024xf32, #tpu.memory_space<vmem>> -> memref<1x1024xf32, #tpu.memory_space<vmem>>
      %dma_start3A_1326 = tpu.memref_slice %arg4[%select_n3A, %add3A_822] : memref<8x2097152xf32, #tpu.memory_space<hbm>> -> memref<1x1024xf32, #tpu.memory_space<hbm>>
      %dma_start3A_1327 = tpu.memref_slice %arg4[%select_n3A, %add3A_822] : memref<8x2097152xf32, #tpu.memory_space<hbm>> -> memref<1x1024xf32, #tpu.memory_space<hbm>>
      %dma_start3A_1328 = arith.constant 0 : i32
      %dma_start3A_1329 = arith.constant 0 : i32
      %dma_start3A_1330 = tpu.memref_slice %arg7[%rem3A_598, %dma_start3A_1328, %dma_start3A_1329] : memref<3x32x1024xf32, #tpu.memory_space<vmem>> -> memref<1x32x1024xf32, #tpu.memory_space<vmem>>
      %dma_start3A_1331 = tpu.memref_squeeze %dma_start3A_1330 : memref<1x32x1024xf32, #tpu.memory_space<vmem>> -> memref<32x1024xf32, #tpu.memory_space<vmem>>
      %dma_start3A_1332 = arith.constant 31 : i32
      %dma_start3A_1333 = arith.constant 0 : i32
      %dma_start3A_1334 = tpu.memref_slice %dma_start3A_1331[%dma_start3A_1332, %dma_start3A_1333] : memref<32x1024xf32, #tpu.memory_space<vmem>> -> memref<1x1024xf32, #tpu.memory_space<vmem>>
      tpu.enqueue_dma source(%dma_start3A_1334 : memref<1x1024xf32, #tpu.memory_space<vmem>>) target(%dma_start3A_1327 : memref<1x1024xf32, #tpu.memory_space<hbm>>) target_semaphore(%arg9 : memref<!tpu.dma_semaphore, #tpu.memory_space<semaphore_mem>>)
      %dma_wait3A_1335 = arith.constant 0 : i32
      %dma_wait3A_1336 = arith.constant 0 : i32
      %dma_wait3A_1337 = tpu.memref_slice %arg7[%rem3A_598, %dma_wait3A_1335, %dma_wait3A_1336] : memref<3x32x1024xf32, #tpu.memory_space<vmem>> -> memref<1x32x1024xf32, #tpu.memory_space<vmem>>
      %dma_wait3A_1338 = tpu.memref_squeeze %dma_wait3A_1337 : memref<1x32x1024xf32, #tpu.memory_space<vmem>> -> memref<32x1024xf32, #tpu.memory_space<vmem>>
      %dma_wait3A_1339 = arith.constant 0 : i32
      %dma_wait3A_1340 = arith.constant 0 : i32
      %dma_wait3A_1341 = tpu.memref_slice %dma_wait3A_1338[%dma_wait3A_1339, %dma_wait3A_1340] : memref<32x1024xf32, #tpu.memory_space<vmem>> -> memref<1x1024xf32, #tpu.memory_space<vmem>>
      %dma_wait3A_1342 = tpu.memref_slice %arg4[%select_n3A, %add3A_605] : memref<8x2097152xf32, #tpu.memory_space<hbm>> -> memref<1x1024xf32, #tpu.memory_space<hbm>>
      %dma_wait3A_1343 = tpu.memref_slice %arg4[%select_n3A, %add3A_605] : memref<8x2097152xf32, #tpu.memory_space<hbm>> -> memref<1x1024xf32, #tpu.memory_space<hbm>>
      %dma_wait3A_1344 = arith.constant 0 : i32
      %dma_wait3A_1345 = arith.constant 0 : i32
      %dma_wait3A_1346 = tpu.memref_slice %arg7[%rem3A_598, %dma_wait3A_1344, %dma_wait3A_1345] : memref<3x32x1024xf32, #tpu.memory_space<vmem>> -> memref<1x32x1024xf32, #tpu.memory_space<vmem>>
      %dma_wait3A_1347 = tpu.memref_squeeze %dma_wait3A_1346 : memref<1x32x1024xf32, #tpu.memory_space<vmem>> -> memref<32x1024xf32, #tpu.memory_space<vmem>>
      %dma_wait3A_1348 = arith.constant 0 : i32
      %dma_wait3A_1349 = arith.constant 0 : i32
      %dma_wait3A_1350 = tpu.memref_slice %dma_wait3A_1347[%dma_wait3A_1348, %dma_wait3A_1349] : memref<32x1024xf32, #tpu.memory_space<vmem>> -> memref<1x1024xf32, #tpu.memory_space<vmem>>
      tpu.wait_dma2 semaphore(%arg9 : memref<!tpu.dma_semaphore, #tpu.memory_space<semaphore_mem>>) src(%dma_wait3A_1350 : memref<1x1024xf32, #tpu.memory_space<vmem>>) dst(%dma_wait3A_1343 : memref<1x1024xf32, #tpu.memory_space<hbm>>)
      %dma_wait3A_1351 = arith.constant 0 : i32
      %dma_wait3A_1352 = arith.constant 0 : i32
      %dma_wait3A_1353 = tpu.memref_slice %arg7[%rem3A_598, %dma_wait3A_1351, %dma_wait3A_1352] : memref<3x32x1024xf32, #tpu.memory_space<vmem>> -> memref<1x32x1024xf32, #tpu.memory_space<vmem>>
      %dma_wait3A_1354 = tpu.memref_squeeze %dma_wait3A_1353 : memref<1x32x1024xf32, #tpu.memory_space<vmem>> -> memref<32x1024xf32, #tpu.memory_space<vmem>>
      %dma_wait3A_1355 = arith.constant 1 : i32
      %dma_wait3A_1356 = arith.constant 0 : i32
      %dma_wait3A_1357 = tpu.memref_slice %dma_wait3A_1354[%dma_wait3A_1355, %dma_wait3A_1356] : memref<32x1024xf32, #tpu.memory_space<vmem>> -> memref<1x1024xf32, #tpu.memory_space<vmem>>
      %dma_wait3A_1358 = tpu.memref_slice %arg4[%select_n3A, %add3A_612] : memref<8x2097152xf32, #tpu.memory_space<hbm>> -> memref<1x1024xf32, #tpu.memory_space<hbm>>
      %dma_wait3A_1359 = tpu.memref_slice %arg4[%select_n3A, %add3A_612] : memref<8x2097152xf32, #tpu.memory_space<hbm>> -> memref<1x1024xf32, #tpu.memory_space<hbm>>
      %dma_wait3A_1360 = arith.constant 0 : i32
      %dma_wait3A_1361 = arith.constant 0 : i32
      %dma_wait3A_1362 = tpu.memref_slice %arg7[%rem3A_598, %dma_wait3A_1360, %dma_wait3A_1361] : memref<3x32x1024xf32, #tpu.memory_space<vmem>> -> memref<1x32x1024xf32, #tpu.memory_space<vmem>>
      %dma_wait3A_1363 = tpu.memref_squeeze %dma_wait3A_1362 : memref<1x32x1024xf32, #tpu.memory_space<vmem>> -> memref<32x1024xf32, #tpu.memory_space<vmem>>
      %dma_wait3A_1364 = arith.constant 1 : i32
      %dma_wait3A_1365 = arith.constant 0 : i32
      %dma_wait3A_1366 = tpu.memref_slice %dma_wait3A_1363[%dma_wait3A_1364, %dma_wait3A_1365] : memref<32x1024xf32, #tpu.memory_space<vmem>> -> memref<1x1024xf32, #tpu.memory_space<vmem>>
      tpu.wait_dma2 semaphore(%arg9 : memref<!tpu.dma_semaphore, #tpu.memory_space<semaphore_mem>>) src(%dma_wait3A_1366 : memref<1x1024xf32, #tpu.memory_space<vmem>>) dst(%dma_wait3A_1359 : memref<1x1024xf32, #tpu.memory_space<hbm>>)
      %dma_wait3A_1367 = arith.constant 0 : i32
      %dma_wait3A_1368 = arith.constant 0 : i32
      %dma_wait3A_1369 = tpu.memref_slice %arg7[%rem3A_598, %dma_wait3A_1367, %dma_wait3A_1368] : memref<3x32x1024xf32, #tpu.memory_space<vmem>> -> memref<1x32x1024xf32, #tpu.memory_space<vmem>>
      %dma_wait3A_1370 = tpu.memref_squeeze %dma_wait3A_1369 : memref<1x32x1024xf32, #tpu.memory_space<vmem>> -> memref<32x1024xf32, #tpu.memory_space<vmem>>
      %dma_wait3A_1371 = arith.constant 2 : i32
      %dma_wait3A_1372 = arith.constant 0 : i32
      %dma_wait3A_1373 = tpu.memref_slice %dma_wait3A_1370[%dma_wait3A_1371, %dma_wait3A_1372] : memref<32x1024xf32, #tpu.memory_space<vmem>> -> memref<1x1024xf32, #tpu.memory_space<vmem>>
      %dma_wait3A_1374 = tpu.memref_slice %arg4[%select_n3A, %add3A_619] : memref<8x2097152xf32, #tpu.memory_space<hbm>> -> memref<1x1024xf32, #tpu.memory_space<hbm>>
      %dma_wait3A_1375 = tpu.memref_slice %arg4[%select_n3A, %add3A_619] : memref<8x2097152xf32, #tpu.memory_space<hbm>> -> memref<1x1024xf32, #tpu.memory_space<hbm>>
      %dma_wait3A_1376 = arith.constant 0 : i32
      %dma_wait3A_1377 = arith.constant 0 : i32
      %dma_wait3A_1378 = tpu.memref_slice %arg7[%rem3A_598, %dma_wait3A_1376, %dma_wait3A_1377] : memref<3x32x1024xf32, #tpu.memory_space<vmem>> -> memref<1x32x1024xf32, #tpu.memory_space<vmem>>
      %dma_wait3A_1379 = tpu.memref_squeeze %dma_wait3A_1378 : memref<1x32x1024xf32, #tpu.memory_space<vmem>> -> memref<32x1024xf32, #tpu.memory_space<vmem>>
      %dma_wait3A_1380 = arith.constant 2 : i32
      %dma_wait3A_1381 = arith.constant 0 : i32
      %dma_wait3A_1382 = tpu.memref_slice %dma_wait3A_1379[%dma_wait3A_1380, %dma_wait3A_1381] : memref<32x1024xf32, #tpu.memory_space<vmem>> -> memref<1x1024xf32, #tpu.memory_space<vmem>>
      tpu.wait_dma2 semaphore(%arg9 : memref<!tpu.dma_semaphore, #tpu.memory_space<semaphore_mem>>) src(%dma_wait3A_1382 : memref<1x1024xf32, #tpu.memory_space<vmem>>) dst(%dma_wait3A_1375 : memref<1x1024xf32, #tpu.memory_space<hbm>>)
      %dma_wait3A_1383 = arith.constant 0 : i32
      %dma_wait3A_1384 = arith.constant 0 : i32
      %dma_wait3A_1385 = tpu.memref_slice %arg7[%rem3A_598, %dma_wait3A_1383, %dma_wait3A_1384] : memref<3x32x1024xf32, #tpu.memory_space<vmem>> -> memref<1x32x1024xf32, #tpu.memory_space<vmem>>
      %dma_wait3A_1386 = tpu.memref_squeeze %dma_wait3A_1385 : memref<1x32x1024xf32, #tpu.memory_space<vmem>> -> memref<32x1024xf32, #tpu.memory_space<vmem>>
      %dma_wait3A_1387 = arith.constant 3 : i32
      %dma_wait3A_1388 = arith.constant 0 : i32
      %dma_wait3A_1389 = tpu.memref_slice %dma_wait3A_1386[%dma_wait3A_1387, %dma_wait3A_1388] : memref<32x1024xf32, #tpu.memory_space<vmem>> -> memref<1x1024xf32, #tpu.memory_space<vmem>>
      %dma_wait3A_1390 = tpu.memref_slice %arg4[%select_n3A, %add3A_626] : memref<8x2097152xf32, #tpu.memory_space<hbm>> -> memref<1x1024xf32, #tpu.memory_space<hbm>>
      %dma_wait3A_1391 = tpu.memref_slice %arg4[%select_n3A, %add3A_626] : memref<8x2097152xf32, #tpu.memory_space<hbm>> -> memref<1x1024xf32, #tpu.memory_space<hbm>>
      %dma_wait3A_1392 = arith.constant 0 : i32
      %dma_wait3A_1393 = arith.constant 0 : i32
      %dma_wait3A_1394 = tpu.memref_slice %arg7[%rem3A_598, %dma_wait3A_1392, %dma_wait3A_1393] : memref<3x32x1024xf32, #tpu.memory_space<vmem>> -> memref<1x32x1024xf32, #tpu.memory_space<vmem>>
      %dma_wait3A_1395 = tpu.memref_squeeze %dma_wait3A_1394 : memref<1x32x1024xf32, #tpu.memory_space<vmem>> -> memref<32x1024xf32, #tpu.memory_space<vmem>>
      %dma_wait3A_1396 = arith.constant 3 : i32
      %dma_wait3A_1397 = arith.constant 0 : i32
      %dma_wait3A_1398 = tpu.memref_slice %dma_wait3A_1395[%dma_wait3A_1396, %dma_wait3A_1397] : memref<32x1024xf32, #tpu.memory_space<vmem>> -> memref<1x1024xf32, #tpu.memory_space<vmem>>
      tpu.wait_dma2 semaphore(%arg9 : memref<!tpu.dma_semaphore, #tpu.memory_space<semaphore_mem>>) src(%dma_wait3A_1398 : memref<1x1024xf32, #tpu.memory_space<vmem>>) dst(%dma_wait3A_1391 : memref<1x1024xf32, #tpu.memory_space<hbm>>)
      %dma_wait3A_1399 = arith.constant 0 : i32
      %dma_wait3A_1400 = arith.constant 0 : i32
      %dma_wait3A_1401 = tpu.memref_slice %arg7[%rem3A_598, %dma_wait3A_1399, %dma_wait3A_1400] : memref<3x32x1024xf32, #tpu.memory_space<vmem>> -> memref<1x32x1024xf32, #tpu.memory_space<vmem>>
      %dma_wait3A_1402 = tpu.memref_squeeze %dma_wait3A_1401 : memref<1x32x1024xf32, #tpu.memory_space<vmem>> -> memref<32x1024xf32, #tpu.memory_space<vmem>>
      %dma_wait3A_1403 = arith.constant 4 : i32
      %dma_wait3A_1404 = arith.constant 0 : i32
      %dma_wait3A_1405 = tpu.memref_slice %dma_wait3A_1402[%dma_wait3A_1403, %dma_wait3A_1404] : memref<32x1024xf32, #tpu.memory_space<vmem>> -> memref<1x1024xf32, #tpu.memory_space<vmem>>
      %dma_wait3A_1406 = tpu.memref_slice %arg4[%select_n3A, %add3A_633] : memref<8x2097152xf32, #tpu.memory_space<hbm>> -> memref<1x1024xf32, #tpu.memory_space<hbm>>
      %dma_wait3A_1407 = tpu.memref_slice %arg4[%select_n3A, %add3A_633] : memref<8x2097152xf32, #tpu.memory_space<hbm>> -> memref<1x1024xf32, #tpu.memory_space<hbm>>
      %dma_wait3A_1408 = arith.constant 0 : i32
      %dma_wait3A_1409 = arith.constant 0 : i32
      %dma_wait3A_1410 = tpu.memref_slice %arg7[%rem3A_598, %dma_wait3A_1408, %dma_wait3A_1409] : memref<3x32x1024xf32, #tpu.memory_space<vmem>> -> memref<1x32x1024xf32, #tpu.memory_space<vmem>>
      %dma_wait3A_1411 = tpu.memref_squeeze %dma_wait3A_1410 : memref<1x32x1024xf32, #tpu.memory_space<vmem>> -> memref<32x1024xf32, #tpu.memory_space<vmem>>
      %dma_wait3A_1412 = arith.constant 4 : i32
      %dma_wait3A_1413 = arith.constant 0 : i32
      %dma_wait3A_1414 = tpu.memref_slice %dma_wait3A_1411[%dma_wait3A_1412, %dma_wait3A_1413] : memref<32x1024xf32, #tpu.memory_space<vmem>> -> memref<1x1024xf32, #tpu.memory_space<vmem>>
      tpu.wait_dma2 semaphore(%arg9 : memref<!tpu.dma_semaphore, #tpu.memory_space<semaphore_mem>>) src(%dma_wait3A_1414 : memref<1x1024xf32, #tpu.memory_space<vmem>>) dst(%dma_wait3A_1407 : memref<1x1024xf32, #tpu.memory_space<hbm>>)
      %dma_wait3A_1415 = arith.constant 0 : i32
      %dma_wait3A_1416 = arith.constant 0 : i32
      %dma_wait3A_1417 = tpu.memref_slice %arg7[%rem3A_598, %dma_wait3A_1415, %dma_wait3A_1416] : memref<3x32x1024xf32, #tpu.memory_space<vmem>> -> memref<1x32x1024xf32, #tpu.memory_space<vmem>>
      %dma_wait3A_1418 = tpu.memref_squeeze %dma_wait3A_1417 : memref<1x32x1024xf32, #tpu.memory_space<vmem>> -> memref<32x1024xf32, #tpu.memory_space<vmem>>
      %dma_wait3A_1419 = arith.constant 5 : i32
      %dma_wait3A_1420 = arith.constant 0 : i32
      %dma_wait3A_1421 = tpu.memref_slice %dma_wait3A_1418[%dma_wait3A_1419, %dma_wait3A_1420] : memref<32x1024xf32, #tpu.memory_space<vmem>> -> memref<1x1024xf32, #tpu.memory_space<vmem>>
      %dma_wait3A_1422 = tpu.memref_slice %arg4[%select_n3A, %add3A_640] : memref<8x2097152xf32, #tpu.memory_space<hbm>> -> memref<1x1024xf32, #tpu.memory_space<hbm>>
      %dma_wait3A_1423 = tpu.memref_slice %arg4[%select_n3A, %add3A_640] : memref<8x2097152xf32, #tpu.memory_space<hbm>> -> memref<1x1024xf32, #tpu.memory_space<hbm>>
      %dma_wait3A_1424 = arith.constant 0 : i32
      %dma_wait3A_1425 = arith.constant 0 : i32
      %dma_wait3A_1426 = tpu.memref_slice %arg7[%rem3A_598, %dma_wait3A_1424, %dma_wait3A_1425] : memref<3x32x1024xf32, #tpu.memory_space<vmem>> -> memref<1x32x1024xf32, #tpu.memory_space<vmem>>
      %dma_wait3A_1427 = tpu.memref_squeeze %dma_wait3A_1426 : memref<1x32x1024xf32, #tpu.memory_space<vmem>> -> memref<32x1024xf32, #tpu.memory_space<vmem>>
      %dma_wait3A_1428 = arith.constant 5 : i32
      %dma_wait3A_1429 = arith.constant 0 : i32
      %dma_wait3A_1430 = tpu.memref_slice %dma_wait3A_1427[%dma_wait3A_1428, %dma_wait3A_1429] : memref<32x1024xf32, #tpu.memory_space<vmem>> -> memref<1x1024xf32, #tpu.memory_space<vmem>>
      tpu.wait_dma2 semaphore(%arg9 : memref<!tpu.dma_semaphore, #tpu.memory_space<semaphore_mem>>) src(%dma_wait3A_1430 : memref<1x1024xf32, #tpu.memory_space<vmem>>) dst(%dma_wait3A_1423 : memref<1x1024xf32, #tpu.memory_space<hbm>>)
      %dma_wait3A_1431 = arith.constant 0 : i32
      %dma_wait3A_1432 = arith.constant 0 : i32
      %dma_wait3A_1433 = tpu.memref_slice %arg7[%rem3A_598, %dma_wait3A_1431, %dma_wait3A_1432] : memref<3x32x1024xf32, #tpu.memory_space<vmem>> -> memref<1x32x1024xf32, #tpu.memory_space<vmem>>
      %dma_wait3A_1434 = tpu.memref_squeeze %dma_wait3A_1433 : memref<1x32x1024xf32, #tpu.memory_space<vmem>> -> memref<32x1024xf32, #tpu.memory_space<vmem>>
      %dma_wait3A_1435 = arith.constant 6 : i32
      %dma_wait3A_1436 = arith.constant 0 : i32
      %dma_wait3A_1437 = tpu.memref_slice %dma_wait3A_1434[%dma_wait3A_1435, %dma_wait3A_1436] : memref<32x1024xf32, #tpu.memory_space<vmem>> -> memref<1x1024xf32, #tpu.memory_space<vmem>>
      %dma_wait3A_1438 = tpu.memref_slice %arg4[%select_n3A, %add3A_647] : memref<8x2097152xf32, #tpu.memory_space<hbm>> -> memref<1x1024xf32, #tpu.memory_space<hbm>>
      %dma_wait3A_1439 = tpu.memref_slice %arg4[%select_n3A, %add3A_647] : memref<8x2097152xf32, #tpu.memory_space<hbm>> -> memref<1x1024xf32, #tpu.memory_space<hbm>>
      %dma_wait3A_1440 = arith.constant 0 : i32
      %dma_wait3A_1441 = arith.constant 0 : i32
      %dma_wait3A_1442 = tpu.memref_slice %arg7[%rem3A_598, %dma_wait3A_1440, %dma_wait3A_1441] : memref<3x32x1024xf32, #tpu.memory_space<vmem>> -> memref<1x32x1024xf32, #tpu.memory_space<vmem>>
      %dma_wait3A_1443 = tpu.memref_squeeze %dma_wait3A_1442 : memref<1x32x1024xf32, #tpu.memory_space<vmem>> -> memref<32x1024xf32, #tpu.memory_space<vmem>>
      %dma_wait3A_1444 = arith.constant 6 : i32
      %dma_wait3A_1445 = arith.constant 0 : i32
      %dma_wait3A_1446 = tpu.memref_slice %dma_wait3A_1443[%dma_wait3A_1444, %dma_wait3A_1445] : memref<32x1024xf32, #tpu.memory_space<vmem>> -> memref<1x1024xf32, #tpu.memory_space<vmem>>
      tpu.wait_dma2 semaphore(%arg9 : memref<!tpu.dma_semaphore, #tpu.memory_space<semaphore_mem>>) src(%dma_wait3A_1446 : memref<1x1024xf32, #tpu.memory_space<vmem>>) dst(%dma_wait3A_1439 : memref<1x1024xf32, #tpu.memory_space<hbm>>)
      %dma_wait3A_1447 = arith.constant 0 : i32
      %dma_wait3A_1448 = arith.constant 0 : i32
      %dma_wait3A_1449 = tpu.memref_slice %arg7[%rem3A_598, %dma_wait3A_1447, %dma_wait3A_1448] : memref<3x32x1024xf32, #tpu.memory_space<vmem>> -> memref<1x32x1024xf32, #tpu.memory_space<vmem>>
      %dma_wait3A_1450 = tpu.memref_squeeze %dma_wait3A_1449 : memref<1x32x1024xf32, #tpu.memory_space<vmem>> -> memref<32x1024xf32, #tpu.memory_space<vmem>>
      %dma_wait3A_1451 = arith.constant 7 : i32
      %dma_wait3A_1452 = arith.constant 0 : i32
      %dma_wait3A_1453 = tpu.memref_slice %dma_wait3A_1450[%dma_wait3A_1451, %dma_wait3A_1452] : memref<32x1024xf32, #tpu.memory_space<vmem>> -> memref<1x1024xf32, #tpu.memory_space<vmem>>
      %dma_wait3A_1454 = tpu.memref_slice %arg4[%select_n3A, %add3A_654] : memref<8x2097152xf32, #tpu.memory_space<hbm>> -> memref<1x1024xf32, #tpu.memory_space<hbm>>
      %dma_wait3A_1455 = tpu.memref_slice %arg4[%select_n3A, %add3A_654] : memref<8x2097152xf32, #tpu.memory_space<hbm>> -> memref<1x1024xf32, #tpu.memory_space<hbm>>
      %dma_wait3A_1456 = arith.constant 0 : i32
      %dma_wait3A_1457 = arith.constant 0 : i32
      %dma_wait3A_1458 = tpu.memref_slice %arg7[%rem3A_598, %dma_wait3A_1456, %dma_wait3A_1457] : memref<3x32x1024xf32, #tpu.memory_space<vmem>> -> memref<1x32x1024xf32, #tpu.memory_space<vmem>>
      %dma_wait3A_1459 = tpu.memref_squeeze %dma_wait3A_1458 : memref<1x32x1024xf32, #tpu.memory_space<vmem>> -> memref<32x1024xf32, #tpu.memory_space<vmem>>
      %dma_wait3A_1460 = arith.constant 7 : i32
      %dma_wait3A_1461 = arith.constant 0 : i32
      %dma_wait3A_1462 = tpu.memref_slice %dma_wait3A_1459[%dma_wait3A_1460, %dma_wait3A_1461] : memref<32x1024xf32, #tpu.memory_space<vmem>> -> memref<1x1024xf32, #tpu.memory_space<vmem>>
      tpu.wait_dma2 semaphore(%arg9 : memref<!tpu.dma_semaphore, #tpu.memory_space<semaphore_mem>>) src(%dma_wait3A_1462 : memref<1x1024xf32, #tpu.memory_space<vmem>>) dst(%dma_wait3A_1455 : memref<1x1024xf32, #tpu.memory_space<hbm>>)
      %dma_wait3A_1463 = arith.constant 0 : i32
      %dma_wait3A_1464 = arith.constant 0 : i32
      %dma_wait3A_1465 = tpu.memref_slice %arg7[%rem3A_598, %dma_wait3A_1463, %dma_wait3A_1464] : memref<3x32x1024xf32, #tpu.memory_space<vmem>> -> memref<1x32x1024xf32, #tpu.memory_space<vmem>>
      %dma_wait3A_1466 = tpu.memref_squeeze %dma_wait3A_1465 : memref<1x32x1024xf32, #tpu.memory_space<vmem>> -> memref<32x1024xf32, #tpu.memory_space<vmem>>
      %dma_wait3A_1467 = arith.constant 8 : i32
      %dma_wait3A_1468 = arith.constant 0 : i32
      %dma_wait3A_1469 = tpu.memref_slice %dma_wait3A_1466[%dma_wait3A_1467, %dma_wait3A_1468] : memref<32x1024xf32, #tpu.memory_space<vmem>> -> memref<1x1024xf32, #tpu.memory_space<vmem>>
      %dma_wait3A_1470 = tpu.memref_slice %arg4[%select_n3A, %add3A_661] : memref<8x2097152xf32, #tpu.memory_space<hbm>> -> memref<1x1024xf32, #tpu.memory_space<hbm>>
      %dma_wait3A_1471 = tpu.memref_slice %arg4[%select_n3A, %add3A_661] : memref<8x2097152xf32, #tpu.memory_space<hbm>> -> memref<1x1024xf32, #tpu.memory_space<hbm>>
      %dma_wait3A_1472 = arith.constant 0 : i32
      %dma_wait3A_1473 = arith.constant 0 : i32
      %dma_wait3A_1474 = tpu.memref_slice %arg7[%rem3A_598, %dma_wait3A_1472, %dma_wait3A_1473] : memref<3x32x1024xf32, #tpu.memory_space<vmem>> -> memref<1x32x1024xf32, #tpu.memory_space<vmem>>
      %dma_wait3A_1475 = tpu.memref_squeeze %dma_wait3A_1474 : memref<1x32x1024xf32, #tpu.memory_space<vmem>> -> memref<32x1024xf32, #tpu.memory_space<vmem>>
      %dma_wait3A_1476 = arith.constant 8 : i32
      %dma_wait3A_1477 = arith.constant 0 : i32
      %dma_wait3A_1478 = tpu.memref_slice %dma_wait3A_1475[%dma_wait3A_1476, %dma_wait3A_1477] : memref<32x1024xf32, #tpu.memory_space<vmem>> -> memref<1x1024xf32, #tpu.memory_space<vmem>>
      tpu.wait_dma2 semaphore(%arg9 : memref<!tpu.dma_semaphore, #tpu.memory_space<semaphore_mem>>) src(%dma_wait3A_1478 : memref<1x1024xf32, #tpu.memory_space<vmem>>) dst(%dma_wait3A_1471 : memref<1x1024xf32, #tpu.memory_space<hbm>>)
      %dma_wait3A_1479 = arith.constant 0 : i32
      %dma_wait3A_1480 = arith.constant 0 : i32
      %dma_wait3A_1481 = tpu.memref_slice %arg7[%rem3A_598, %dma_wait3A_1479, %dma_wait3A_1480] : memref<3x32x1024xf32, #tpu.memory_space<vmem>> -> memref<1x32x1024xf32, #tpu.memory_space<vmem>>
      %dma_wait3A_1482 = tpu.memref_squeeze %dma_wait3A_1481 : memref<1x32x1024xf32, #tpu.memory_space<vmem>> -> memref<32x1024xf32, #tpu.memory_space<vmem>>
      %dma_wait3A_1483 = arith.constant 9 : i32
      %dma_wait3A_1484 = arith.constant 0 : i32
      %dma_wait3A_1485 = tpu.memref_slice %dma_wait3A_1482[%dma_wait3A_1483, %dma_wait3A_1484] : memref<32x1024xf32, #tpu.memory_space<vmem>> -> memref<1x1024xf32, #tpu.memory_space<vmem>>
      %dma_wait3A_1486 = tpu.memref_slice %arg4[%select_n3A, %add3A_668] : memref<8x2097152xf32, #tpu.memory_space<hbm>> -> memref<1x1024xf32, #tpu.memory_space<hbm>>
      %dma_wait3A_1487 = tpu.memref_slice %arg4[%select_n3A, %add3A_668] : memref<8x2097152xf32, #tpu.memory_space<hbm>> -> memref<1x1024xf32, #tpu.memory_space<hbm>>
      %dma_wait3A_1488 = arith.constant 0 : i32
      %dma_wait3A_1489 = arith.constant 0 : i32
      %dma_wait3A_1490 = tpu.memref_slice %arg7[%rem3A_598, %dma_wait3A_1488, %dma_wait3A_1489] : memref<3x32x1024xf32, #tpu.memory_space<vmem>> -> memref<1x32x1024xf32, #tpu.memory_space<vmem>>
      %dma_wait3A_1491 = tpu.memref_squeeze %dma_wait3A_1490 : memref<1x32x1024xf32, #tpu.memory_space<vmem>> -> memref<32x1024xf32, #tpu.memory_space<vmem>>
      %dma_wait3A_1492 = arith.constant 9 : i32
      %dma_wait3A_1493 = arith.constant 0 : i32
      %dma_wait3A_1494 = tpu.memref_slice %dma_wait3A_1491[%dma_wait3A_1492, %dma_wait3A_1493] : memref<32x1024xf32, #tpu.memory_space<vmem>> -> memref<1x1024xf32, #tpu.memory_space<vmem>>
      tpu.wait_dma2 semaphore(%arg9 : memref<!tpu.dma_semaphore, #tpu.memory_space<semaphore_mem>>) src(%dma_wait3A_1494 : memref<1x1024xf32, #tpu.memory_space<vmem>>) dst(%dma_wait3A_1487 : memref<1x1024xf32, #tpu.memory_space<hbm>>)
      %dma_wait3A_1495 = arith.constant 0 : i32
      %dma_wait3A_1496 = arith.constant 0 : i32
      %dma_wait3A_1497 = tpu.memref_slice %arg7[%rem3A_598, %dma_wait3A_1495, %dma_wait3A_1496] : memref<3x32x1024xf32, #tpu.memory_space<vmem>> -> memref<1x32x1024xf32, #tpu.memory_space<vmem>>
      %dma_wait3A_1498 = tpu.memref_squeeze %dma_wait3A_1497 : memref<1x32x1024xf32, #tpu.memory_space<vmem>> -> memref<32x1024xf32, #tpu.memory_space<vmem>>
      %dma_wait3A_1499 = arith.constant 10 : i32
      %dma_wait3A_1500 = arith.constant 0 : i32
      %dma_wait3A_1501 = tpu.memref_slice %dma_wait3A_1498[%dma_wait3A_1499, %dma_wait3A_1500] : memref<32x1024xf32, #tpu.memory_space<vmem>> -> memref<1x1024xf32, #tpu.memory_space<vmem>>
      %dma_wait3A_1502 = tpu.memref_slice %arg4[%select_n3A, %add3A_675] : memref<8x2097152xf32, #tpu.memory_space<hbm>> -> memref<1x1024xf32, #tpu.memory_space<hbm>>
      %dma_wait3A_1503 = tpu.memref_slice %arg4[%select_n3A, %add3A_675] : memref<8x2097152xf32, #tpu.memory_space<hbm>> -> memref<1x1024xf32, #tpu.memory_space<hbm>>
      %dma_wait3A_1504 = arith.constant 0 : i32
      %dma_wait3A_1505 = arith.constant 0 : i32
      %dma_wait3A_1506 = tpu.memref_slice %arg7[%rem3A_598, %dma_wait3A_1504, %dma_wait3A_1505] : memref<3x32x1024xf32, #tpu.memory_space<vmem>> -> memref<1x32x1024xf32, #tpu.memory_space<vmem>>
      %dma_wait3A_1507 = tpu.memref_squeeze %dma_wait3A_1506 : memref<1x32x1024xf32, #tpu.memory_space<vmem>> -> memref<32x1024xf32, #tpu.memory_space<vmem>>
      %dma_wait3A_1508 = arith.constant 10 : i32
      %dma_wait3A_1509 = arith.constant 0 : i32
      %dma_wait3A_1510 = tpu.memref_slice %dma_wait3A_1507[%dma_wait3A_1508, %dma_wait3A_1509] : memref<32x1024xf32, #tpu.memory_space<vmem>> -> memref<1x1024xf32, #tpu.memory_space<vmem>>
      tpu.wait_dma2 semaphore(%arg9 : memref<!tpu.dma_semaphore, #tpu.memory_space<semaphore_mem>>) src(%dma_wait3A_1510 : memref<1x1024xf32, #tpu.memory_space<vmem>>) dst(%dma_wait3A_1503 : memref<1x1024xf32, #tpu.memory_space<hbm>>)
      %dma_wait3A_1511 = arith.constant 0 : i32
      %dma_wait3A_1512 = arith.constant 0 : i32
      %dma_wait3A_1513 = tpu.memref_slice %arg7[%rem3A_598, %dma_wait3A_1511, %dma_wait3A_1512] : memref<3x32x1024xf32, #tpu.memory_space<vmem>> -> memref<1x32x1024xf32, #tpu.memory_space<vmem>>
      %dma_wait3A_1514 = tpu.memref_squeeze %dma_wait3A_1513 : memref<1x32x1024xf32, #tpu.memory_space<vmem>> -> memref<32x1024xf32, #tpu.memory_space<vmem>>
      %dma_wait3A_1515 = arith.constant 11 : i32
      %dma_wait3A_1516 = arith.constant 0 : i32
      %dma_wait3A_1517 = tpu.memref_slice %dma_wait3A_1514[%dma_wait3A_1515, %dma_wait3A_1516] : memref<32x1024xf32, #tpu.memory_space<vmem>> -> memref<1x1024xf32, #tpu.memory_space<vmem>>
      %dma_wait3A_1518 = tpu.memref_slice %arg4[%select_n3A, %add3A_682] : memref<8x2097152xf32, #tpu.memory_space<hbm>> -> memref<1x1024xf32, #tpu.memory_space<hbm>>
      %dma_wait3A_1519 = tpu.memref_slice %arg4[%select_n3A, %add3A_682] : memref<8x2097152xf32, #tpu.memory_space<hbm>> -> memref<1x1024xf32, #tpu.memory_space<hbm>>
      %dma_wait3A_1520 = arith.constant 0 : i32
      %dma_wait3A_1521 = arith.constant 0 : i32
      %dma_wait3A_1522 = tpu.memref_slice %arg7[%rem3A_598, %dma_wait3A_1520, %dma_wait3A_1521] : memref<3x32x1024xf32, #tpu.memory_space<vmem>> -> memref<1x32x1024xf32, #tpu.memory_space<vmem>>
      %dma_wait3A_1523 = tpu.memref_squeeze %dma_wait3A_1522 : memref<1x32x1024xf32, #tpu.memory_space<vmem>> -> memref<32x1024xf32, #tpu.memory_space<vmem>>
      %dma_wait3A_1524 = arith.constant 11 : i32
      %dma_wait3A_1525 = arith.constant 0 : i32
      %dma_wait3A_1526 = tpu.memref_slice %dma_wait3A_1523[%dma_wait3A_1524, %dma_wait3A_1525] : memref<32x1024xf32, #tpu.memory_space<vmem>> -> memref<1x1024xf32, #tpu.memory_space<vmem>>
      tpu.wait_dma2 semaphore(%arg9 : memref<!tpu.dma_semaphore, #tpu.memory_space<semaphore_mem>>) src(%dma_wait3A_1526 : memref<1x1024xf32, #tpu.memory_space<vmem>>) dst(%dma_wait3A_1519 : memref<1x1024xf32, #tpu.memory_space<hbm>>)
      %dma_wait3A_1527 = arith.constant 0 : i32
      %dma_wait3A_1528 = arith.constant 0 : i32
      %dma_wait3A_1529 = tpu.memref_slice %arg7[%rem3A_598, %dma_wait3A_1527, %dma_wait3A_1528] : memref<3x32x1024xf32, #tpu.memory_space<vmem>> -> memref<1x32x1024xf32, #tpu.memory_space<vmem>>
      %dma_wait3A_1530 = tpu.memref_squeeze %dma_wait3A_1529 : memref<1x32x1024xf32, #tpu.memory_space<vmem>> -> memref<32x1024xf32, #tpu.memory_space<vmem>>
      %dma_wait3A_1531 = arith.constant 12 : i32
      %dma_wait3A_1532 = arith.constant 0 : i32
      %dma_wait3A_1533 = tpu.memref_slice %dma_wait3A_1530[%dma_wait3A_1531, %dma_wait3A_1532] : memref<32x1024xf32, #tpu.memory_space<vmem>> -> memref<1x1024xf32, #tpu.memory_space<vmem>>
      %dma_wait3A_1534 = tpu.memref_slice %arg4[%select_n3A, %add3A_689] : memref<8x2097152xf32, #tpu.memory_space<hbm>> -> memref<1x1024xf32, #tpu.memory_space<hbm>>
      %dma_wait3A_1535 = tpu.memref_slice %arg4[%select_n3A, %add3A_689] : memref<8x2097152xf32, #tpu.memory_space<hbm>> -> memref<1x1024xf32, #tpu.memory_space<hbm>>
      %dma_wait3A_1536 = arith.constant 0 : i32
      %dma_wait3A_1537 = arith.constant 0 : i32
      %dma_wait3A_1538 = tpu.memref_slice %arg7[%rem3A_598, %dma_wait3A_1536, %dma_wait3A_1537] : memref<3x32x1024xf32, #tpu.memory_space<vmem>> -> memref<1x32x1024xf32, #tpu.memory_space<vmem>>
      %dma_wait3A_1539 = tpu.memref_squeeze %dma_wait3A_1538 : memref<1x32x1024xf32, #tpu.memory_space<vmem>> -> memref<32x1024xf32, #tpu.memory_space<vmem>>
      %dma_wait3A_1540 = arith.constant 12 : i32
      %dma_wait3A_1541 = arith.constant 0 : i32
      %dma_wait3A_1542 = tpu.memref_slice %dma_wait3A_1539[%dma_wait3A_1540, %dma_wait3A_1541] : memref<32x1024xf32, #tpu.memory_space<vmem>> -> memref<1x1024xf32, #tpu.memory_space<vmem>>
      tpu.wait_dma2 semaphore(%arg9 : memref<!tpu.dma_semaphore, #tpu.memory_space<semaphore_mem>>) src(%dma_wait3A_1542 : memref<1x1024xf32, #tpu.memory_space<vmem>>) dst(%dma_wait3A_1535 : memref<1x1024xf32, #tpu.memory_space<hbm>>)
      %dma_wait3A_1543 = arith.constant 0 : i32
      %dma_wait3A_1544 = arith.constant 0 : i32
      %dma_wait3A_1545 = tpu.memref_slice %arg7[%rem3A_598, %dma_wait3A_1543, %dma_wait3A_1544] : memref<3x32x1024xf32, #tpu.memory_space<vmem>> -> memref<1x32x1024xf32, #tpu.memory_space<vmem>>
      %dma_wait3A_1546 = tpu.memref_squeeze %dma_wait3A_1545 : memref<1x32x1024xf32, #tpu.memory_space<vmem>> -> memref<32x1024xf32, #tpu.memory_space<vmem>>
      %dma_wait3A_1547 = arith.constant 13 : i32
      %dma_wait3A_1548 = arith.constant 0 : i32
      %dma_wait3A_1549 = tpu.memref_slice %dma_wait3A_1546[%dma_wait3A_1547, %dma_wait3A_1548] : memref<32x1024xf32, #tpu.memory_space<vmem>> -> memref<1x1024xf32, #tpu.memory_space<vmem>>
      %dma_wait3A_1550 = tpu.memref_slice %arg4[%select_n3A, %add3A_696] : memref<8x2097152xf32, #tpu.memory_space<hbm>> -> memref<1x1024xf32, #tpu.memory_space<hbm>>
      %dma_wait3A_1551 = tpu.memref_slice %arg4[%select_n3A, %add3A_696] : memref<8x2097152xf32, #tpu.memory_space<hbm>> -> memref<1x1024xf32, #tpu.memory_space<hbm>>
      %dma_wait3A_1552 = arith.constant 0 : i32
      %dma_wait3A_1553 = arith.constant 0 : i32
      %dma_wait3A_1554 = tpu.memref_slice %arg7[%rem3A_598, %dma_wait3A_1552, %dma_wait3A_1553] : memref<3x32x1024xf32, #tpu.memory_space<vmem>> -> memref<1x32x1024xf32, #tpu.memory_space<vmem>>
      %dma_wait3A_1555 = tpu.memref_squeeze %dma_wait3A_1554 : memref<1x32x1024xf32, #tpu.memory_space<vmem>> -> memref<32x1024xf32, #tpu.memory_space<vmem>>
      %dma_wait3A_1556 = arith.constant 13 : i32
      %dma_wait3A_1557 = arith.constant 0 : i32
      %dma_wait3A_1558 = tpu.memref_slice %dma_wait3A_1555[%dma_wait3A_1556, %dma_wait3A_1557] : memref<32x1024xf32, #tpu.memory_space<vmem>> -> memref<1x1024xf32, #tpu.memory_space<vmem>>
      tpu.wait_dma2 semaphore(%arg9 : memref<!tpu.dma_semaphore, #tpu.memory_space<semaphore_mem>>) src(%dma_wait3A_1558 : memref<1x1024xf32, #tpu.memory_space<vmem>>) dst(%dma_wait3A_1551 : memref<1x1024xf32, #tpu.memory_space<hbm>>)
      %dma_wait3A_1559 = arith.constant 0 : i32
      %dma_wait3A_1560 = arith.constant 0 : i32
      %dma_wait3A_1561 = tpu.memref_slice %arg7[%rem3A_598, %dma_wait3A_1559, %dma_wait3A_1560] : memref<3x32x1024xf32, #tpu.memory_space<vmem>> -> memref<1x32x1024xf32, #tpu.memory_space<vmem>>
      %dma_wait3A_1562 = tpu.memref_squeeze %dma_wait3A_1561 : memref<1x32x1024xf32, #tpu.memory_space<vmem>> -> memref<32x1024xf32, #tpu.memory_space<vmem>>
      %dma_wait3A_1563 = arith.constant 14 : i32
      %dma_wait3A_1564 = arith.constant 0 : i32
      %dma_wait3A_1565 = tpu.memref_slice %dma_wait3A_1562[%dma_wait3A_1563, %dma_wait3A_1564] : memref<32x1024xf32, #tpu.memory_space<vmem>> -> memref<1x1024xf32, #tpu.memory_space<vmem>>
      %dma_wait3A_1566 = tpu.memref_slice %arg4[%select_n3A, %add3A_703] : memref<8x2097152xf32, #tpu.memory_space<hbm>> -> memref<1x1024xf32, #tpu.memory_space<hbm>>
      %dma_wait3A_1567 = tpu.memref_slice %arg4[%select_n3A, %add3A_703] : memref<8x2097152xf32, #tpu.memory_space<hbm>> -> memref<1x1024xf32, #tpu.memory_space<hbm>>
      %dma_wait3A_1568 = arith.constant 0 : i32
      %dma_wait3A_1569 = arith.constant 0 : i32
      %dma_wait3A_1570 = tpu.memref_slice %arg7[%rem3A_598, %dma_wait3A_1568, %dma_wait3A_1569] : memref<3x32x1024xf32, #tpu.memory_space<vmem>> -> memref<1x32x1024xf32, #tpu.memory_space<vmem>>
      %dma_wait3A_1571 = tpu.memref_squeeze %dma_wait3A_1570 : memref<1x32x1024xf32, #tpu.memory_space<vmem>> -> memref<32x1024xf32, #tpu.memory_space<vmem>>
      %dma_wait3A_1572 = arith.constant 14 : i32
      %dma_wait3A_1573 = arith.constant 0 : i32
      %dma_wait3A_1574 = tpu.memref_slice %dma_wait3A_1571[%dma_wait3A_1572, %dma_wait3A_1573] : memref<32x1024xf32, #tpu.memory_space<vmem>> -> memref<1x1024xf32, #tpu.memory_space<vmem>>
      tpu.wait_dma2 semaphore(%arg9 : memref<!tpu.dma_semaphore, #tpu.memory_space<semaphore_mem>>) src(%dma_wait3A_1574 : memref<1x1024xf32, #tpu.memory_space<vmem>>) dst(%dma_wait3A_1567 : memref<1x1024xf32, #tpu.memory_space<hbm>>)
      %dma_wait3A_1575 = arith.constant 0 : i32
      %dma_wait3A_1576 = arith.constant 0 : i32
      %dma_wait3A_1577 = tpu.memref_slice %arg7[%rem3A_598, %dma_wait3A_1575, %dma_wait3A_1576] : memref<3x32x1024xf32, #tpu.memory_space<vmem>> -> memref<1x32x1024xf32, #tpu.memory_space<vmem>>
      %dma_wait3A_1578 = tpu.memref_squeeze %dma_wait3A_1577 : memref<1x32x1024xf32, #tpu.memory_space<vmem>> -> memref<32x1024xf32, #tpu.memory_space<vmem>>
      %dma_wait3A_1579 = arith.constant 15 : i32
      %dma_wait3A_1580 = arith.constant 0 : i32
      %dma_wait3A_1581 = tpu.memref_slice %dma_wait3A_1578[%dma_wait3A_1579, %dma_wait3A_1580] : memref<32x1024xf32, #tpu.memory_space<vmem>> -> memref<1x1024xf32, #tpu.memory_space<vmem>>
      %dma_wait3A_1582 = tpu.memref_slice %arg4[%select_n3A, %add3A_710] : memref<8x2097152xf32, #tpu.memory_space<hbm>> -> memref<1x1024xf32, #tpu.memory_space<hbm>>
      %dma_wait3A_1583 = tpu.memref_slice %arg4[%select_n3A, %add3A_710] : memref<8x2097152xf32, #tpu.memory_space<hbm>> -> memref<1x1024xf32, #tpu.memory_space<hbm>>
      %dma_wait3A_1584 = arith.constant 0 : i32
      %dma_wait3A_1585 = arith.constant 0 : i32
      %dma_wait3A_1586 = tpu.memref_slice %arg7[%rem3A_598, %dma_wait3A_1584, %dma_wait3A_1585] : memref<3x32x1024xf32, #tpu.memory_space<vmem>> -> memref<1x32x1024xf32, #tpu.memory_space<vmem>>
      %dma_wait3A_1587 = tpu.memref_squeeze %dma_wait3A_1586 : memref<1x32x1024xf32, #tpu.memory_space<vmem>> -> memref<32x1024xf32, #tpu.memory_space<vmem>>
      %dma_wait3A_1588 = arith.constant 15 : i32
      %dma_wait3A_1589 = arith.constant 0 : i32
      %dma_wait3A_1590 = tpu.memref_slice %dma_wait3A_1587[%dma_wait3A_1588, %dma_wait3A_1589] : memref<32x1024xf32, #tpu.memory_space<vmem>> -> memref<1x1024xf32, #tpu.memory_space<vmem>>
      tpu.wait_dma2 semaphore(%arg9 : memref<!tpu.dma_semaphore, #tpu.memory_space<semaphore_mem>>) src(%dma_wait3A_1590 : memref<1x1024xf32, #tpu.memory_space<vmem>>) dst(%dma_wait3A_1583 : memref<1x1024xf32, #tpu.memory_space<hbm>>)
      %dma_wait3A_1591 = arith.constant 0 : i32
      %dma_wait3A_1592 = arith.constant 0 : i32
      %dma_wait3A_1593 = tpu.memref_slice %arg7[%rem3A_598, %dma_wait3A_1591, %dma_wait3A_1592] : memref<3x32x1024xf32, #tpu.memory_space<vmem>> -> memref<1x32x1024xf32, #tpu.memory_space<vmem>>
      %dma_wait3A_1594 = tpu.memref_squeeze %dma_wait3A_1593 : memref<1x32x1024xf32, #tpu.memory_space<vmem>> -> memref<32x1024xf32, #tpu.memory_space<vmem>>
      %dma_wait3A_1595 = arith.constant 16 : i32
      %dma_wait3A_1596 = arith.constant 0 : i32
      %dma_wait3A_1597 = tpu.memref_slice %dma_wait3A_1594[%dma_wait3A_1595, %dma_wait3A_1596] : memref<32x1024xf32, #tpu.memory_space<vmem>> -> memref<1x1024xf32, #tpu.memory_space<vmem>>
      %dma_wait3A_1598 = tpu.memref_slice %arg4[%select_n3A, %add3A_717] : memref<8x2097152xf32, #tpu.memory_space<hbm>> -> memref<1x1024xf32, #tpu.memory_space<hbm>>
      %dma_wait3A_1599 = tpu.memref_slice %arg4[%select_n3A, %add3A_717] : memref<8x2097152xf32, #tpu.memory_space<hbm>> -> memref<1x1024xf32, #tpu.memory_space<hbm>>
      %dma_wait3A_1600 = arith.constant 0 : i32
      %dma_wait3A_1601 = arith.constant 0 : i32
      %dma_wait3A_1602 = tpu.memref_slice %arg7[%rem3A_598, %dma_wait3A_1600, %dma_wait3A_1601] : memref<3x32x1024xf32, #tpu.memory_space<vmem>> -> memref<1x32x1024xf32, #tpu.memory_space<vmem>>
      %dma_wait3A_1603 = tpu.memref_squeeze %dma_wait3A_1602 : memref<1x32x1024xf32, #tpu.memory_space<vmem>> -> memref<32x1024xf32, #tpu.memory_space<vmem>>
      %dma_wait3A_1604 = arith.constant 16 : i32
      %dma_wait3A_1605 = arith.constant 0 : i32
      %dma_wait3A_1606 = tpu.memref_slice %dma_wait3A_1603[%dma_wait3A_1604, %dma_wait3A_1605] : memref<32x1024xf32, #tpu.memory_space<vmem>> -> memref<1x1024xf32, #tpu.memory_space<vmem>>
      tpu.wait_dma2 semaphore(%arg9 : memref<!tpu.dma_semaphore, #tpu.memory_space<semaphore_mem>>) src(%dma_wait3A_1606 : memref<1x1024xf32, #tpu.memory_space<vmem>>) dst(%dma_wait3A_1599 : memref<1x1024xf32, #tpu.memory_space<hbm>>)
      %dma_wait3A_1607 = arith.constant 0 : i32
      %dma_wait3A_1608 = arith.constant 0 : i32
      %dma_wait3A_1609 = tpu.memref_slice %arg7[%rem3A_598, %dma_wait3A_1607, %dma_wait3A_1608] : memref<3x32x1024xf32, #tpu.memory_space<vmem>> -> memref<1x32x1024xf32, #tpu.memory_space<vmem>>
      %dma_wait3A_1610 = tpu.memref_squeeze %dma_wait3A_1609 : memref<1x32x1024xf32, #tpu.memory_space<vmem>> -> memref<32x1024xf32, #tpu.memory_space<vmem>>
      %dma_wait3A_1611 = arith.constant 17 : i32
      %dma_wait3A_1612 = arith.constant 0 : i32
      %dma_wait3A_1613 = tpu.memref_slice %dma_wait3A_1610[%dma_wait3A_1611, %dma_wait3A_1612] : memref<32x1024xf32, #tpu.memory_space<vmem>> -> memref<1x1024xf32, #tpu.memory_space<vmem>>
      %dma_wait3A_1614 = tpu.memref_slice %arg4[%select_n3A, %add3A_724] : memref<8x2097152xf32, #tpu.memory_space<hbm>> -> memref<1x1024xf32, #tpu.memory_space<hbm>>
      %dma_wait3A_1615 = tpu.memref_slice %arg4[%select_n3A, %add3A_724] : memref<8x2097152xf32, #tpu.memory_space<hbm>> -> memref<1x1024xf32, #tpu.memory_space<hbm>>
      %dma_wait3A_1616 = arith.constant 0 : i32
      %dma_wait3A_1617 = arith.constant 0 : i32
      %dma_wait3A_1618 = tpu.memref_slice %arg7[%rem3A_598, %dma_wait3A_1616, %dma_wait3A_1617] : memref<3x32x1024xf32, #tpu.memory_space<vmem>> -> memref<1x32x1024xf32, #tpu.memory_space<vmem>>
      %dma_wait3A_1619 = tpu.memref_squeeze %dma_wait3A_1618 : memref<1x32x1024xf32, #tpu.memory_space<vmem>> -> memref<32x1024xf32, #tpu.memory_space<vmem>>
      %dma_wait3A_1620 = arith.constant 17 : i32
      %dma_wait3A_1621 = arith.constant 0 : i32
      %dma_wait3A_1622 = tpu.memref_slice %dma_wait3A_1619[%dma_wait3A_1620, %dma_wait3A_1621] : memref<32x1024xf32, #tpu.memory_space<vmem>> -> memref<1x1024xf32, #tpu.memory_space<vmem>>
      tpu.wait_dma2 semaphore(%arg9 : memref<!tpu.dma_semaphore, #tpu.memory_space<semaphore_mem>>) src(%dma_wait3A_1622 : memref<1x1024xf32, #tpu.memory_space<vmem>>) dst(%dma_wait3A_1615 : memref<1x1024xf32, #tpu.memory_space<hbm>>)
      %dma_wait3A_1623 = arith.constant 0 : i32
      %dma_wait3A_1624 = arith.constant 0 : i32
      %dma_wait3A_1625 = tpu.memref_slice %arg7[%rem3A_598, %dma_wait3A_1623, %dma_wait3A_1624] : memref<3x32x1024xf32, #tpu.memory_space<vmem>> -> memref<1x32x1024xf32, #tpu.memory_space<vmem>>
      %dma_wait3A_1626 = tpu.memref_squeeze %dma_wait3A_1625 : memref<1x32x1024xf32, #tpu.memory_space<vmem>> -> memref<32x1024xf32, #tpu.memory_space<vmem>>
      %dma_wait3A_1627 = arith.constant 18 : i32
      %dma_wait3A_1628 = arith.constant 0 : i32
      %dma_wait3A_1629 = tpu.memref_slice %dma_wait3A_1626[%dma_wait3A_1627, %dma_wait3A_1628] : memref<32x1024xf32, #tpu.memory_space<vmem>> -> memref<1x1024xf32, #tpu.memory_space<vmem>>
      %dma_wait3A_1630 = tpu.memref_slice %arg4[%select_n3A, %add3A_731] : memref<8x2097152xf32, #tpu.memory_space<hbm>> -> memref<1x1024xf32, #tpu.memory_space<hbm>>
      %dma_wait3A_1631 = tpu.memref_slice %arg4[%select_n3A, %add3A_731] : memref<8x2097152xf32, #tpu.memory_space<hbm>> -> memref<1x1024xf32, #tpu.memory_space<hbm>>
      %dma_wait3A_1632 = arith.constant 0 : i32
      %dma_wait3A_1633 = arith.constant 0 : i32
      %dma_wait3A_1634 = tpu.memref_slice %arg7[%rem3A_598, %dma_wait3A_1632, %dma_wait3A_1633] : memref<3x32x1024xf32, #tpu.memory_space<vmem>> -> memref<1x32x1024xf32, #tpu.memory_space<vmem>>
      %dma_wait3A_1635 = tpu.memref_squeeze %dma_wait3A_1634 : memref<1x32x1024xf32, #tpu.memory_space<vmem>> -> memref<32x1024xf32, #tpu.memory_space<vmem>>
      %dma_wait3A_1636 = arith.constant 18 : i32
      %dma_wait3A_1637 = arith.constant 0 : i32
      %dma_wait3A_1638 = tpu.memref_slice %dma_wait3A_1635[%dma_wait3A_1636, %dma_wait3A_1637] : memref<32x1024xf32, #tpu.memory_space<vmem>> -> memref<1x1024xf32, #tpu.memory_space<vmem>>
      tpu.wait_dma2 semaphore(%arg9 : memref<!tpu.dma_semaphore, #tpu.memory_space<semaphore_mem>>) src(%dma_wait3A_1638 : memref<1x1024xf32, #tpu.memory_space<vmem>>) dst(%dma_wait3A_1631 : memref<1x1024xf32, #tpu.memory_space<hbm>>)
      %dma_wait3A_1639 = arith.constant 0 : i32
      %dma_wait3A_1640 = arith.constant 0 : i32
      %dma_wait3A_1641 = tpu.memref_slice %arg7[%rem3A_598, %dma_wait3A_1639, %dma_wait3A_1640] : memref<3x32x1024xf32, #tpu.memory_space<vmem>> -> memref<1x32x1024xf32, #tpu.memory_space<vmem>>
      %dma_wait3A_1642 = tpu.memref_squeeze %dma_wait3A_1641 : memref<1x32x1024xf32, #tpu.memory_space<vmem>> -> memref<32x1024xf32, #tpu.memory_space<vmem>>
      %dma_wait3A_1643 = arith.constant 19 : i32
      %dma_wait3A_1644 = arith.constant 0 : i32
      %dma_wait3A_1645 = tpu.memref_slice %dma_wait3A_1642[%dma_wait3A_1643, %dma_wait3A_1644] : memref<32x1024xf32, #tpu.memory_space<vmem>> -> memref<1x1024xf32, #tpu.memory_space<vmem>>
      %dma_wait3A_1646 = tpu.memref_slice %arg4[%select_n3A, %add3A_738] : memref<8x2097152xf32, #tpu.memory_space<hbm>> -> memref<1x1024xf32, #tpu.memory_space<hbm>>
      %dma_wait3A_1647 = tpu.memref_slice %arg4[%select_n3A, %add3A_738] : memref<8x2097152xf32, #tpu.memory_space<hbm>> -> memref<1x1024xf32, #tpu.memory_space<hbm>>
      %dma_wait3A_1648 = arith.constant 0 : i32
      %dma_wait3A_1649 = arith.constant 0 : i32
      %dma_wait3A_1650 = tpu.memref_slice %arg7[%rem3A_598, %dma_wait3A_1648, %dma_wait3A_1649] : memref<3x32x1024xf32, #tpu.memory_space<vmem>> -> memref<1x32x1024xf32, #tpu.memory_space<vmem>>
      %dma_wait3A_1651 = tpu.memref_squeeze %dma_wait3A_1650 : memref<1x32x1024xf32, #tpu.memory_space<vmem>> -> memref<32x1024xf32, #tpu.memory_space<vmem>>
      %dma_wait3A_1652 = arith.constant 19 : i32
      %dma_wait3A_1653 = arith.constant 0 : i32
      %dma_wait3A_1654 = tpu.memref_slice %dma_wait3A_1651[%dma_wait3A_1652, %dma_wait3A_1653] : memref<32x1024xf32, #tpu.memory_space<vmem>> -> memref<1x1024xf32, #tpu.memory_space<vmem>>
      tpu.wait_dma2 semaphore(%arg9 : memref<!tpu.dma_semaphore, #tpu.memory_space<semaphore_mem>>) src(%dma_wait3A_1654 : memref<1x1024xf32, #tpu.memory_space<vmem>>) dst(%dma_wait3A_1647 : memref<1x1024xf32, #tpu.memory_space<hbm>>)
      %dma_wait3A_1655 = arith.constant 0 : i32
      %dma_wait3A_1656 = arith.constant 0 : i32
      %dma_wait3A_1657 = tpu.memref_slice %arg7[%rem3A_598, %dma_wait3A_1655, %dma_wait3A_1656] : memref<3x32x1024xf32, #tpu.memory_space<vmem>> -> memref<1x32x1024xf32, #tpu.memory_space<vmem>>
      %dma_wait3A_1658 = tpu.memref_squeeze %dma_wait3A_1657 : memref<1x32x1024xf32, #tpu.memory_space<vmem>> -> memref<32x1024xf32, #tpu.memory_space<vmem>>
      %dma_wait3A_1659 = arith.constant 20 : i32
      %dma_wait3A_1660 = arith.constant 0 : i32
      %dma_wait3A_1661 = tpu.memref_slice %dma_wait3A_1658[%dma_wait3A_1659, %dma_wait3A_1660] : memref<32x1024xf32, #tpu.memory_space<vmem>> -> memref<1x1024xf32, #tpu.memory_space<vmem>>
      %dma_wait3A_1662 = tpu.memref_slice %arg4[%select_n3A, %add3A_745] : memref<8x2097152xf32, #tpu.memory_space<hbm>> -> memref<1x1024xf32, #tpu.memory_space<hbm>>
      %dma_wait3A_1663 = tpu.memref_slice %arg4[%select_n3A, %add3A_745] : memref<8x2097152xf32, #tpu.memory_space<hbm>> -> memref<1x1024xf32, #tpu.memory_space<hbm>>
      %dma_wait3A_1664 = arith.constant 0 : i32
      %dma_wait3A_1665 = arith.constant 0 : i32
      %dma_wait3A_1666 = tpu.memref_slice %arg7[%rem3A_598, %dma_wait3A_1664, %dma_wait3A_1665] : memref<3x32x1024xf32, #tpu.memory_space<vmem>> -> memref<1x32x1024xf32, #tpu.memory_space<vmem>>
      %dma_wait3A_1667 = tpu.memref_squeeze %dma_wait3A_1666 : memref<1x32x1024xf32, #tpu.memory_space<vmem>> -> memref<32x1024xf32, #tpu.memory_space<vmem>>
      %dma_wait3A_1668 = arith.constant 20 : i32
      %dma_wait3A_1669 = arith.constant 0 : i32
      %dma_wait3A_1670 = tpu.memref_slice %dma_wait3A_1667[%dma_wait3A_1668, %dma_wait3A_1669] : memref<32x1024xf32, #tpu.memory_space<vmem>> -> memref<1x1024xf32, #tpu.memory_space<vmem>>
      tpu.wait_dma2 semaphore(%arg9 : memref<!tpu.dma_semaphore, #tpu.memory_space<semaphore_mem>>) src(%dma_wait3A_1670 : memref<1x1024xf32, #tpu.memory_space<vmem>>) dst(%dma_wait3A_1663 : memref<1x1024xf32, #tpu.memory_space<hbm>>)
      %dma_wait3A_1671 = arith.constant 0 : i32
      %dma_wait3A_1672 = arith.constant 0 : i32
      %dma_wait3A_1673 = tpu.memref_slice %arg7[%rem3A_598, %dma_wait3A_1671, %dma_wait3A_1672] : memref<3x32x1024xf32, #tpu.memory_space<vmem>> -> memref<1x32x1024xf32, #tpu.memory_space<vmem>>
      %dma_wait3A_1674 = tpu.memref_squeeze %dma_wait3A_1673 : memref<1x32x1024xf32, #tpu.memory_space<vmem>> -> memref<32x1024xf32, #tpu.memory_space<vmem>>
      %dma_wait3A_1675 = arith.constant 21 : i32
      %dma_wait3A_1676 = arith.constant 0 : i32
      %dma_wait3A_1677 = tpu.memref_slice %dma_wait3A_1674[%dma_wait3A_1675, %dma_wait3A_1676] : memref<32x1024xf32, #tpu.memory_space<vmem>> -> memref<1x1024xf32, #tpu.memory_space<vmem>>
      %dma_wait3A_1678 = tpu.memref_slice %arg4[%select_n3A, %add3A_752] : memref<8x2097152xf32, #tpu.memory_space<hbm>> -> memref<1x1024xf32, #tpu.memory_space<hbm>>
      %dma_wait3A_1679 = tpu.memref_slice %arg4[%select_n3A, %add3A_752] : memref<8x2097152xf32, #tpu.memory_space<hbm>> -> memref<1x1024xf32, #tpu.memory_space<hbm>>
      %dma_wait3A_1680 = arith.constant 0 : i32
      %dma_wait3A_1681 = arith.constant 0 : i32
      %dma_wait3A_1682 = tpu.memref_slice %arg7[%rem3A_598, %dma_wait3A_1680, %dma_wait3A_1681] : memref<3x32x1024xf32, #tpu.memory_space<vmem>> -> memref<1x32x1024xf32, #tpu.memory_space<vmem>>
      %dma_wait3A_1683 = tpu.memref_squeeze %dma_wait3A_1682 : memref<1x32x1024xf32, #tpu.memory_space<vmem>> -> memref<32x1024xf32, #tpu.memory_space<vmem>>
      %dma_wait3A_1684 = arith.constant 21 : i32
      %dma_wait3A_1685 = arith.constant 0 : i32
      %dma_wait3A_1686 = tpu.memref_slice %dma_wait3A_1683[%dma_wait3A_1684, %dma_wait3A_1685] : memref<32x1024xf32, #tpu.memory_space<vmem>> -> memref<1x1024xf32, #tpu.memory_space<vmem>>
      tpu.wait_dma2 semaphore(%arg9 : memref<!tpu.dma_semaphore, #tpu.memory_space<semaphore_mem>>) src(%dma_wait3A_1686 : memref<1x1024xf32, #tpu.memory_space<vmem>>) dst(%dma_wait3A_1679 : memref<1x1024xf32, #tpu.memory_space<hbm>>)
      %dma_wait3A_1687 = arith.constant 0 : i32
      %dma_wait3A_1688 = arith.constant 0 : i32
      %dma_wait3A_1689 = tpu.memref_slice %arg7[%rem3A_598, %dma_wait3A_1687, %dma_wait3A_1688] : memref<3x32x1024xf32, #tpu.memory_space<vmem>> -> memref<1x32x1024xf32, #tpu.memory_space<vmem>>
      %dma_wait3A_1690 = tpu.memref_squeeze %dma_wait3A_1689 : memref<1x32x1024xf32, #tpu.memory_space<vmem>> -> memref<32x1024xf32, #tpu.memory_space<vmem>>
      %dma_wait3A_1691 = arith.constant 22 : i32
      %dma_wait3A_1692 = arith.constant 0 : i32
      %dma_wait3A_1693 = tpu.memref_slice %dma_wait3A_1690[%dma_wait3A_1691, %dma_wait3A_1692] : memref<32x1024xf32, #tpu.memory_space<vmem>> -> memref<1x1024xf32, #tpu.memory_space<vmem>>
      %dma_wait3A_1694 = tpu.memref_slice %arg4[%select_n3A, %add3A_759] : memref<8x2097152xf32, #tpu.memory_space<hbm>> -> memref<1x1024xf32, #tpu.memory_space<hbm>>
      %dma_wait3A_1695 = tpu.memref_slice %arg4[%select_n3A, %add3A_759] : memref<8x2097152xf32, #tpu.memory_space<hbm>> -> memref<1x1024xf32, #tpu.memory_space<hbm>>
      %dma_wait3A_1696 = arith.constant 0 : i32
      %dma_wait3A_1697 = arith.constant 0 : i32
      %dma_wait3A_1698 = tpu.memref_slice %arg7[%rem3A_598, %dma_wait3A_1696, %dma_wait3A_1697] : memref<3x32x1024xf32, #tpu.memory_space<vmem>> -> memref<1x32x1024xf32, #tpu.memory_space<vmem>>
      %dma_wait3A_1699 = tpu.memref_squeeze %dma_wait3A_1698 : memref<1x32x1024xf32, #tpu.memory_space<vmem>> -> memref<32x1024xf32, #tpu.memory_space<vmem>>
      %dma_wait3A_1700 = arith.constant 22 : i32
      %dma_wait3A_1701 = arith.constant 0 : i32
      %dma_wait3A_1702 = tpu.memref_slice %dma_wait3A_1699[%dma_wait3A_1700, %dma_wait3A_1701] : memref<32x1024xf32, #tpu.memory_space<vmem>> -> memref<1x1024xf32, #tpu.memory_space<vmem>>
      tpu.wait_dma2 semaphore(%arg9 : memref<!tpu.dma_semaphore, #tpu.memory_space<semaphore_mem>>) src(%dma_wait3A_1702 : memref<1x1024xf32, #tpu.memory_space<vmem>>) dst(%dma_wait3A_1695 : memref<1x1024xf32, #tpu.memory_space<hbm>>)
      %dma_wait3A_1703 = arith.constant 0 : i32
      %dma_wait3A_1704 = arith.constant 0 : i32
      %dma_wait3A_1705 = tpu.memref_slice %arg7[%rem3A_598, %dma_wait3A_1703, %dma_wait3A_1704] : memref<3x32x1024xf32, #tpu.memory_space<vmem>> -> memref<1x32x1024xf32, #tpu.memory_space<vmem>>
      %dma_wait3A_1706 = tpu.memref_squeeze %dma_wait3A_1705 : memref<1x32x1024xf32, #tpu.memory_space<vmem>> -> memref<32x1024xf32, #tpu.memory_space<vmem>>
      %dma_wait3A_1707 = arith.constant 23 : i32
      %dma_wait3A_1708 = arith.constant 0 : i32
      %dma_wait3A_1709 = tpu.memref_slice %dma_wait3A_1706[%dma_wait3A_1707, %dma_wait3A_1708] : memref<32x1024xf32, #tpu.memory_space<vmem>> -> memref<1x1024xf32, #tpu.memory_space<vmem>>
      %dma_wait3A_1710 = tpu.memref_slice %arg4[%select_n3A, %add3A_766] : memref<8x2097152xf32, #tpu.memory_space<hbm>> -> memref<1x1024xf32, #tpu.memory_space<hbm>>
      %dma_wait3A_1711 = tpu.memref_slice %arg4[%select_n3A, %add3A_766] : memref<8x2097152xf32, #tpu.memory_space<hbm>> -> memref<1x1024xf32, #tpu.memory_space<hbm>>
      %dma_wait3A_1712 = arith.constant 0 : i32
      %dma_wait3A_1713 = arith.constant 0 : i32
      %dma_wait3A_1714 = tpu.memref_slice %arg7[%rem3A_598, %dma_wait3A_1712, %dma_wait3A_1713] : memref<3x32x1024xf32, #tpu.memory_space<vmem>> -> memref<1x32x1024xf32, #tpu.memory_space<vmem>>
      %dma_wait3A_1715 = tpu.memref_squeeze %dma_wait3A_1714 : memref<1x32x1024xf32, #tpu.memory_space<vmem>> -> memref<32x1024xf32, #tpu.memory_space<vmem>>
      %dma_wait3A_1716 = arith.constant 23 : i32
      %dma_wait3A_1717 = arith.constant 0 : i32
      %dma_wait3A_1718 = tpu.memref_slice %dma_wait3A_1715[%dma_wait3A_1716, %dma_wait3A_1717] : memref<32x1024xf32, #tpu.memory_space<vmem>> -> memref<1x1024xf32, #tpu.memory_space<vmem>>
      tpu.wait_dma2 semaphore(%arg9 : memref<!tpu.dma_semaphore, #tpu.memory_space<semaphore_mem>>) src(%dma_wait3A_1718 : memref<1x1024xf32, #tpu.memory_space<vmem>>) dst(%dma_wait3A_1711 : memref<1x1024xf32, #tpu.memory_space<hbm>>)
      %dma_wait3A_1719 = arith.constant 0 : i32
      %dma_wait3A_1720 = arith.constant 0 : i32
      %dma_wait3A_1721 = tpu.memref_slice %arg7[%rem3A_598, %dma_wait3A_1719, %dma_wait3A_1720] : memref<3x32x1024xf32, #tpu.memory_space<vmem>> -> memref<1x32x1024xf32, #tpu.memory_space<vmem>>
      %dma_wait3A_1722 = tpu.memref_squeeze %dma_wait3A_1721 : memref<1x32x1024xf32, #tpu.memory_space<vmem>> -> memref<32x1024xf32, #tpu.memory_space<vmem>>
      %dma_wait3A_1723 = arith.constant 24 : i32
      %dma_wait3A_1724 = arith.constant 0 : i32
      %dma_wait3A_1725 = tpu.memref_slice %dma_wait3A_1722[%dma_wait3A_1723, %dma_wait3A_1724] : memref<32x1024xf32, #tpu.memory_space<vmem>> -> memref<1x1024xf32, #tpu.memory_space<vmem>>
      %dma_wait3A_1726 = tpu.memref_slice %arg4[%select_n3A, %add3A_773] : memref<8x2097152xf32, #tpu.memory_space<hbm>> -> memref<1x1024xf32, #tpu.memory_space<hbm>>
      %dma_wait3A_1727 = tpu.memref_slice %arg4[%select_n3A, %add3A_773] : memref<8x2097152xf32, #tpu.memory_space<hbm>> -> memref<1x1024xf32, #tpu.memory_space<hbm>>
      %dma_wait3A_1728 = arith.constant 0 : i32
      %dma_wait3A_1729 = arith.constant 0 : i32
      %dma_wait3A_1730 = tpu.memref_slice %arg7[%rem3A_598, %dma_wait3A_1728, %dma_wait3A_1729] : memref<3x32x1024xf32, #tpu.memory_space<vmem>> -> memref<1x32x1024xf32, #tpu.memory_space<vmem>>
      %dma_wait3A_1731 = tpu.memref_squeeze %dma_wait3A_1730 : memref<1x32x1024xf32, #tpu.memory_space<vmem>> -> memref<32x1024xf32, #tpu.memory_space<vmem>>
      %dma_wait3A_1732 = arith.constant 24 : i32
      %dma_wait3A_1733 = arith.constant 0 : i32
      %dma_wait3A_1734 = tpu.memref_slice %dma_wait3A_1731[%dma_wait3A_1732, %dma_wait3A_1733] : memref<32x1024xf32, #tpu.memory_space<vmem>> -> memref<1x1024xf32, #tpu.memory_space<vmem>>
      tpu.wait_dma2 semaphore(%arg9 : memref<!tpu.dma_semaphore, #tpu.memory_space<semaphore_mem>>) src(%dma_wait3A_1734 : memref<1x1024xf32, #tpu.memory_space<vmem>>) dst(%dma_wait3A_1727 : memref<1x1024xf32, #tpu.memory_space<hbm>>)
      %dma_wait3A_1735 = arith.constant 0 : i32
      %dma_wait3A_1736 = arith.constant 0 : i32
      %dma_wait3A_1737 = tpu.memref_slice %arg7[%rem3A_598, %dma_wait3A_1735, %dma_wait3A_1736] : memref<3x32x1024xf32, #tpu.memory_space<vmem>> -> memref<1x32x1024xf32, #tpu.memory_space<vmem>>
      %dma_wait3A_1738 = tpu.memref_squeeze %dma_wait3A_1737 : memref<1x32x1024xf32, #tpu.memory_space<vmem>> -> memref<32x1024xf32, #tpu.memory_space<vmem>>
      %dma_wait3A_1739 = arith.constant 25 : i32
      %dma_wait3A_1740 = arith.constant 0 : i32
      %dma_wait3A_1741 = tpu.memref_slice %dma_wait3A_1738[%dma_wait3A_1739, %dma_wait3A_1740] : memref<32x1024xf32, #tpu.memory_space<vmem>> -> memref<1x1024xf32, #tpu.memory_space<vmem>>
      %dma_wait3A_1742 = tpu.memref_slice %arg4[%select_n3A, %add3A_780] : memref<8x2097152xf32, #tpu.memory_space<hbm>> -> memref<1x1024xf32, #tpu.memory_space<hbm>>
      %dma_wait3A_1743 = tpu.memref_slice %arg4[%select_n3A, %add3A_780] : memref<8x2097152xf32, #tpu.memory_space<hbm>> -> memref<1x1024xf32, #tpu.memory_space<hbm>>
      %dma_wait3A_1744 = arith.constant 0 : i32
      %dma_wait3A_1745 = arith.constant 0 : i32
      %dma_wait3A_1746 = tpu.memref_slice %arg7[%rem3A_598, %dma_wait3A_1744, %dma_wait3A_1745] : memref<3x32x1024xf32, #tpu.memory_space<vmem>> -> memref<1x32x1024xf32, #tpu.memory_space<vmem>>
      %dma_wait3A_1747 = tpu.memref_squeeze %dma_wait3A_1746 : memref<1x32x1024xf32, #tpu.memory_space<vmem>> -> memref<32x1024xf32, #tpu.memory_space<vmem>>
      %dma_wait3A_1748 = arith.constant 25 : i32
      %dma_wait3A_1749 = arith.constant 0 : i32
      %dma_wait3A_1750 = tpu.memref_slice %dma_wait3A_1747[%dma_wait3A_1748, %dma_wait3A_1749] : memref<32x1024xf32, #tpu.memory_space<vmem>> -> memref<1x1024xf32, #tpu.memory_space<vmem>>
      tpu.wait_dma2 semaphore(%arg9 : memref<!tpu.dma_semaphore, #tpu.memory_space<semaphore_mem>>) src(%dma_wait3A_1750 : memref<1x1024xf32, #tpu.memory_space<vmem>>) dst(%dma_wait3A_1743 : memref<1x1024xf32, #tpu.memory_space<hbm>>)
      %dma_wait3A_1751 = arith.constant 0 : i32
      %dma_wait3A_1752 = arith.constant 0 : i32
      %dma_wait3A_1753 = tpu.memref_slice %arg7[%rem3A_598, %dma_wait3A_1751, %dma_wait3A_1752] : memref<3x32x1024xf32, #tpu.memory_space<vmem>> -> memref<1x32x1024xf32, #tpu.memory_space<vmem>>
      %dma_wait3A_1754 = tpu.memref_squeeze %dma_wait3A_1753 : memref<1x32x1024xf32, #tpu.memory_space<vmem>> -> memref<32x1024xf32, #tpu.memory_space<vmem>>
      %dma_wait3A_1755 = arith.constant 26 : i32
      %dma_wait3A_1756 = arith.constant 0 : i32
      %dma_wait3A_1757 = tpu.memref_slice %dma_wait3A_1754[%dma_wait3A_1755, %dma_wait3A_1756] : memref<32x1024xf32, #tpu.memory_space<vmem>> -> memref<1x1024xf32, #tpu.memory_space<vmem>>
      %dma_wait3A_1758 = tpu.memref_slice %arg4[%select_n3A, %add3A_787] : memref<8x2097152xf32, #tpu.memory_space<hbm>> -> memref<1x1024xf32, #tpu.memory_space<hbm>>
      %dma_wait3A_1759 = tpu.memref_slice %arg4[%select_n3A, %add3A_787] : memref<8x2097152xf32, #tpu.memory_space<hbm>> -> memref<1x1024xf32, #tpu.memory_space<hbm>>
      %dma_wait3A_1760 = arith.constant 0 : i32
      %dma_wait3A_1761 = arith.constant 0 : i32
      %dma_wait3A_1762 = tpu.memref_slice %arg7[%rem3A_598, %dma_wait3A_1760, %dma_wait3A_1761] : memref<3x32x1024xf32, #tpu.memory_space<vmem>> -> memref<1x32x1024xf32, #tpu.memory_space<vmem>>
      %dma_wait3A_1763 = tpu.memref_squeeze %dma_wait3A_1762 : memref<1x32x1024xf32, #tpu.memory_space<vmem>> -> memref<32x1024xf32, #tpu.memory_space<vmem>>
      %dma_wait3A_1764 = arith.constant 26 : i32
      %dma_wait3A_1765 = arith.constant 0 : i32
      %dma_wait3A_1766 = tpu.memref_slice %dma_wait3A_1763[%dma_wait3A_1764, %dma_wait3A_1765] : memref<32x1024xf32, #tpu.memory_space<vmem>> -> memref<1x1024xf32, #tpu.memory_space<vmem>>
      tpu.wait_dma2 semaphore(%arg9 : memref<!tpu.dma_semaphore, #tpu.memory_space<semaphore_mem>>) src(%dma_wait3A_1766 : memref<1x1024xf32, #tpu.memory_space<vmem>>) dst(%dma_wait3A_1759 : memref<1x1024xf32, #tpu.memory_space<hbm>>)
      %dma_wait3A_1767 = arith.constant 0 : i32
      %dma_wait3A_1768 = arith.constant 0 : i32
      %dma_wait3A_1769 = tpu.memref_slice %arg7[%rem3A_598, %dma_wait3A_1767, %dma_wait3A_1768] : memref<3x32x1024xf32, #tpu.memory_space<vmem>> -> memref<1x32x1024xf32, #tpu.memory_space<vmem>>
      %dma_wait3A_1770 = tpu.memref_squeeze %dma_wait3A_1769 : memref<1x32x1024xf32, #tpu.memory_space<vmem>> -> memref<32x1024xf32, #tpu.memory_space<vmem>>
      %dma_wait3A_1771 = arith.constant 27 : i32
      %dma_wait3A_1772 = arith.constant 0 : i32
      %dma_wait3A_1773 = tpu.memref_slice %dma_wait3A_1770[%dma_wait3A_1771, %dma_wait3A_1772] : memref<32x1024xf32, #tpu.memory_space<vmem>> -> memref<1x1024xf32, #tpu.memory_space<vmem>>
      %dma_wait3A_1774 = tpu.memref_slice %arg4[%select_n3A, %add3A_794] : memref<8x2097152xf32, #tpu.memory_space<hbm>> -> memref<1x1024xf32, #tpu.memory_space<hbm>>
      %dma_wait3A_1775 = tpu.memref_slice %arg4[%select_n3A, %add3A_794] : memref<8x2097152xf32, #tpu.memory_space<hbm>> -> memref<1x1024xf32, #tpu.memory_space<hbm>>
      %dma_wait3A_1776 = arith.constant 0 : i32
      %dma_wait3A_1777 = arith.constant 0 : i32
      %dma_wait3A_1778 = tpu.memref_slice %arg7[%rem3A_598, %dma_wait3A_1776, %dma_wait3A_1777] : memref<3x32x1024xf32, #tpu.memory_space<vmem>> -> memref<1x32x1024xf32, #tpu.memory_space<vmem>>
      %dma_wait3A_1779 = tpu.memref_squeeze %dma_wait3A_1778 : memref<1x32x1024xf32, #tpu.memory_space<vmem>> -> memref<32x1024xf32, #tpu.memory_space<vmem>>
      %dma_wait3A_1780 = arith.constant 27 : i32
      %dma_wait3A_1781 = arith.constant 0 : i32
      %dma_wait3A_1782 = tpu.memref_slice %dma_wait3A_1779[%dma_wait3A_1780, %dma_wait3A_1781] : memref<32x1024xf32, #tpu.memory_space<vmem>> -> memref<1x1024xf32, #tpu.memory_space<vmem>>
      tpu.wait_dma2 semaphore(%arg9 : memref<!tpu.dma_semaphore, #tpu.memory_space<semaphore_mem>>) src(%dma_wait3A_1782 : memref<1x1024xf32, #tpu.memory_space<vmem>>) dst(%dma_wait3A_1775 : memref<1x1024xf32, #tpu.memory_space<hbm>>)
      %dma_wait3A_1783 = arith.constant 0 : i32
      %dma_wait3A_1784 = arith.constant 0 : i32
      %dma_wait3A_1785 = tpu.memref_slice %arg7[%rem3A_598, %dma_wait3A_1783, %dma_wait3A_1784] : memref<3x32x1024xf32, #tpu.memory_space<vmem>> -> memref<1x32x1024xf32, #tpu.memory_space<vmem>>
      %dma_wait3A_1786 = tpu.memref_squeeze %dma_wait3A_1785 : memref<1x32x1024xf32, #tpu.memory_space<vmem>> -> memref<32x1024xf32, #tpu.memory_space<vmem>>
      %dma_wait3A_1787 = arith.constant 28 : i32
      %dma_wait3A_1788 = arith.constant 0 : i32
      %dma_wait3A_1789 = tpu.memref_slice %dma_wait3A_1786[%dma_wait3A_1787, %dma_wait3A_1788] : memref<32x1024xf32, #tpu.memory_space<vmem>> -> memref<1x1024xf32, #tpu.memory_space<vmem>>
      %dma_wait3A_1790 = tpu.memref_slice %arg4[%select_n3A, %add3A_801] : memref<8x2097152xf32, #tpu.memory_space<hbm>> -> memref<1x1024xf32, #tpu.memory_space<hbm>>
      %dma_wait3A_1791 = tpu.memref_slice %arg4[%select_n3A, %add3A_801] : memref<8x2097152xf32, #tpu.memory_space<hbm>> -> memref<1x1024xf32, #tpu.memory_space<hbm>>
      %dma_wait3A_1792 = arith.constant 0 : i32
      %dma_wait3A_1793 = arith.constant 0 : i32
      %dma_wait3A_1794 = tpu.memref_slice %arg7[%rem3A_598, %dma_wait3A_1792, %dma_wait3A_1793] : memref<3x32x1024xf32, #tpu.memory_space<vmem>> -> memref<1x32x1024xf32, #tpu.memory_space<vmem>>
      %dma_wait3A_1795 = tpu.memref_squeeze %dma_wait3A_1794 : memref<1x32x1024xf32, #tpu.memory_space<vmem>> -> memref<32x1024xf32, #tpu.memory_space<vmem>>
      %dma_wait3A_1796 = arith.constant 28 : i32
      %dma_wait3A_1797 = arith.constant 0 : i32
      %dma_wait3A_1798 = tpu.memref_slice %dma_wait3A_1795[%dma_wait3A_1796, %dma_wait3A_1797] : memref<32x1024xf32, #tpu.memory_space<vmem>> -> memref<1x1024xf32, #tpu.memory_space<vmem>>
      tpu.wait_dma2 semaphore(%arg9 : memref<!tpu.dma_semaphore, #tpu.memory_space<semaphore_mem>>) src(%dma_wait3A_1798 : memref<1x1024xf32, #tpu.memory_space<vmem>>) dst(%dma_wait3A_1791 : memref<1x1024xf32, #tpu.memory_space<hbm>>)
      %dma_wait3A_1799 = arith.constant 0 : i32
      %dma_wait3A_1800 = arith.constant 0 : i32
      %dma_wait3A_1801 = tpu.memref_slice %arg7[%rem3A_598, %dma_wait3A_1799, %dma_wait3A_1800] : memref<3x32x1024xf32, #tpu.memory_space<vmem>> -> memref<1x32x1024xf32, #tpu.memory_space<vmem>>
      %dma_wait3A_1802 = tpu.memref_squeeze %dma_wait3A_1801 : memref<1x32x1024xf32, #tpu.memory_space<vmem>> -> memref<32x1024xf32, #tpu.memory_space<vmem>>
      %dma_wait3A_1803 = arith.constant 29 : i32
      %dma_wait3A_1804 = arith.constant 0 : i32
      %dma_wait3A_1805 = tpu.memref_slice %dma_wait3A_1802[%dma_wait3A_1803, %dma_wait3A_1804] : memref<32x1024xf32, #tpu.memory_space<vmem>> -> memref<1x1024xf32, #tpu.memory_space<vmem>>
      %dma_wait3A_1806 = tpu.memref_slice %arg4[%select_n3A, %add3A_808] : memref<8x2097152xf32, #tpu.memory_space<hbm>> -> memref<1x1024xf32, #tpu.memory_space<hbm>>
      %dma_wait3A_1807 = tpu.memref_slice %arg4[%select_n3A, %add3A_808] : memref<8x2097152xf32, #tpu.memory_space<hbm>> -> memref<1x1024xf32, #tpu.memory_space<hbm>>
      %dma_wait3A_1808 = arith.constant 0 : i32
      %dma_wait3A_1809 = arith.constant 0 : i32
      %dma_wait3A_1810 = tpu.memref_slice %arg7[%rem3A_598, %dma_wait3A_1808, %dma_wait3A_1809] : memref<3x32x1024xf32, #tpu.memory_space<vmem>> -> memref<1x32x1024xf32, #tpu.memory_space<vmem>>
      %dma_wait3A_1811 = tpu.memref_squeeze %dma_wait3A_1810 : memref<1x32x1024xf32, #tpu.memory_space<vmem>> -> memref<32x1024xf32, #tpu.memory_space<vmem>>
      %dma_wait3A_1812 = arith.constant 29 : i32
      %dma_wait3A_1813 = arith.constant 0 : i32
      %dma_wait3A_1814 = tpu.memref_slice %dma_wait3A_1811[%dma_wait3A_1812, %dma_wait3A_1813] : memref<32x1024xf32, #tpu.memory_space<vmem>> -> memref<1x1024xf32, #tpu.memory_space<vmem>>
      tpu.wait_dma2 semaphore(%arg9 : memref<!tpu.dma_semaphore, #tpu.memory_space<semaphore_mem>>) src(%dma_wait3A_1814 : memref<1x1024xf32, #tpu.memory_space<vmem>>) dst(%dma_wait3A_1807 : memref<1x1024xf32, #tpu.memory_space<hbm>>)
      %dma_wait3A_1815 = arith.constant 0 : i32
      %dma_wait3A_1816 = arith.constant 0 : i32
      %dma_wait3A_1817 = tpu.memref_slice %arg7[%rem3A_598, %dma_wait3A_1815, %dma_wait3A_1816] : memref<3x32x1024xf32, #tpu.memory_space<vmem>> -> memref<1x32x1024xf32, #tpu.memory_space<vmem>>
      %dma_wait3A_1818 = tpu.memref_squeeze %dma_wait3A_1817 : memref<1x32x1024xf32, #tpu.memory_space<vmem>> -> memref<32x1024xf32, #tpu.memory_space<vmem>>
      %dma_wait3A_1819 = arith.constant 30 : i32
      %dma_wait3A_1820 = arith.constant 0 : i32
      %dma_wait3A_1821 = tpu.memref_slice %dma_wait3A_1818[%dma_wait3A_1819, %dma_wait3A_1820] : memref<32x1024xf32, #tpu.memory_space<vmem>> -> memref<1x1024xf32, #tpu.memory_space<vmem>>
      %dma_wait3A_1822 = tpu.memref_slice %arg4[%select_n3A, %add3A_815] : memref<8x2097152xf32, #tpu.memory_space<hbm>> -> memref<1x1024xf32, #tpu.memory_space<hbm>>
      %dma_wait3A_1823 = tpu.memref_slice %arg4[%select_n3A, %add3A_815] : memref<8x2097152xf32, #tpu.memory_space<hbm>> -> memref<1x1024xf32, #tpu.memory_space<hbm>>
      %dma_wait3A_1824 = arith.constant 0 : i32
      %dma_wait3A_1825 = arith.constant 0 : i32
      %dma_wait3A_1826 = tpu.memref_slice %arg7[%rem3A_598, %dma_wait3A_1824, %dma_wait3A_1825] : memref<3x32x1024xf32, #tpu.memory_space<vmem>> -> memref<1x32x1024xf32, #tpu.memory_space<vmem>>
      %dma_wait3A_1827 = tpu.memref_squeeze %dma_wait3A_1826 : memref<1x32x1024xf32, #tpu.memory_space<vmem>> -> memref<32x1024xf32, #tpu.memory_space<vmem>>
      %dma_wait3A_1828 = arith.constant 30 : i32
      %dma_wait3A_1829 = arith.constant 0 : i32
      %dma_wait3A_1830 = tpu.memref_slice %dma_wait3A_1827[%dma_wait3A_1828, %dma_wait3A_1829] : memref<32x1024xf32, #tpu.memory_space<vmem>> -> memref<1x1024xf32, #tpu.memory_space<vmem>>
      tpu.wait_dma2 semaphore(%arg9 : memref<!tpu.dma_semaphore, #tpu.memory_space<semaphore_mem>>) src(%dma_wait3A_1830 : memref<1x1024xf32, #tpu.memory_space<vmem>>) dst(%dma_wait3A_1823 : memref<1x1024xf32, #tpu.memory_space<hbm>>)
      %dma_wait3A_1831 = arith.constant 0 : i32
      %dma_wait3A_1832 = arith.constant 0 : i32
      %dma_wait3A_1833 = tpu.memref_slice %arg7[%rem3A_598, %dma_wait3A_1831, %dma_wait3A_1832] : memref<3x32x1024xf32, #tpu.memory_space<vmem>> -> memref<1x32x1024xf32, #tpu.memory_space<vmem>>
      %dma_wait3A_1834 = tpu.memref_squeeze %dma_wait3A_1833 : memref<1x32x1024xf32, #tpu.memory_space<vmem>> -> memref<32x1024xf32, #tpu.memory_space<vmem>>
      %dma_wait3A_1835 = arith.constant 31 : i32
      %dma_wait3A_1836 = arith.constant 0 : i32
      %dma_wait3A_1837 = tpu.memref_slice %dma_wait3A_1834[%dma_wait3A_1835, %dma_wait3A_1836] : memref<32x1024xf32, #tpu.memory_space<vmem>> -> memref<1x1024xf32, #tpu.memory_space<vmem>>
      %dma_wait3A_1838 = tpu.memref_slice %arg4[%select_n3A, %add3A_822] : memref<8x2097152xf32, #tpu.memory_space<hbm>> -> memref<1x1024xf32, #tpu.memory_space<hbm>>
      %dma_wait3A_1839 = tpu.memref_slice %arg4[%select_n3A, %add3A_822] : memref<8x2097152xf32, #tpu.memory_space<hbm>> -> memref<1x1024xf32, #tpu.memory_space<hbm>>
      %dma_wait3A_1840 = arith.constant 0 : i32
      %dma_wait3A_1841 = arith.constant 0 : i32
      %dma_wait3A_1842 = tpu.memref_slice %arg7[%rem3A_598, %dma_wait3A_1840, %dma_wait3A_1841] : memref<3x32x1024xf32, #tpu.memory_space<vmem>> -> memref<1x32x1024xf32, #tpu.memory_space<vmem>>
      %dma_wait3A_1843 = tpu.memref_squeeze %dma_wait3A_1842 : memref<1x32x1024xf32, #tpu.memory_space<vmem>> -> memref<32x1024xf32, #tpu.memory_space<vmem>>
      %dma_wait3A_1844 = arith.constant 31 : i32
      %dma_wait3A_1845 = arith.constant 0 : i32
      %dma_wait3A_1846 = tpu.memref_slice %dma_wait3A_1843[%dma_wait3A_1844, %dma_wait3A_1845] : memref<32x1024xf32, #tpu.memory_space<vmem>> -> memref<1x1024xf32, #tpu.memory_space<vmem>>
      tpu.wait_dma2 semaphore(%arg9 : memref<!tpu.dma_semaphore, #tpu.memory_space<semaphore_mem>>) src(%dma_wait3A_1846 : memref<1x1024xf32, #tpu.memory_space<vmem>>) dst(%dma_wait3A_1839 : memref<1x1024xf32, #tpu.memory_space<hbm>>)
      %add3A_1847 = arith.constant 3 : i32
      %add3A_1848 = arith.addi %scan3A_585, %add3A_1847 : i32
      %lt3A_1849 = arith.constant 16 : i32
      %lt3A_1850 = arith.cmpi slt, %add3A_1848, %lt3A_1849 : i32
      %convert_element_type3A = arith.extui %lt3A_1850 : i1 to i32
      %cond3A = arith.constant 0 : i32
      %cond3A_1851 = arith.cmpi ne, %convert_element_type3A, %cond3A : i32
      scf.if %cond3A_1851 {
        %add3A_1852 = arith.constant 3 : i32
        %add3A_1853 = arith.addi %scan3A_585, %add3A_1852 : i32
        %mul3A_1854 = arith.constant 32 : i32
        %mul3A_1855 = arith.muli %add3A_1853, %mul3A_1854 : i32
        %rem3A_1856 = arith.constant 3 : i32
        %rem3A_1857 = arith.remsi %add3A_1853, %rem3A_1856 : i32
        %dma_start3A_1858 = arith.constant 0 : i32
        %dma_start3A_1859 = arith.constant 0 : i32
        %dma_start3A_1860 = tpu.memref_slice %arg7[%rem3A_1857, %dma_start3A_1858, %dma_start3A_1859] : memref<3x32x1024xf32, #tpu.memory_space<vmem>> -> memref<1x32x1024xf32, #tpu.memory_space<vmem>>
        %dma_start3A_1861 = tpu.memref_squeeze %dma_start3A_1860 : memref<1x32x1024xf32, #tpu.memory_space<vmem>> -> memref<32x1024xf32, #tpu.memory_space<vmem>>
        %dma_start3A_1862 = tpu.memref_slice %arg6[%mul3A_1855] : memref<512xi32, #tpu.memory_space<vmem>> -> memref<32xi32, #tpu.memory_space<vmem>>
        %dma_start3A_1863 = arith.constant 0 : i32
        %dma_start3A_1864 = arith.constant 0 : i32
        %dma_start3A_1865 = tpu.memref_slice %arg2[%dma_start3A_1863, %dma_start3A_1864] : memref<16384x1024xf32, #tpu.memory_space<hbm>> -> memref<16384x1024xf32, #tpu.memory_space<hbm>>
        tpu.enqueue_indirect_dma source(%dma_start3A_1865 : memref<16384x1024xf32, #tpu.memory_space<hbm>>) target(%dma_start3A_1861 : memref<32x1024xf32, #tpu.memory_space<vmem>>) offsets(%dma_start3A_1862 : memref<32xi32, #tpu.memory_space<vmem>>) semaphore(%arg8 : memref<!tpu.dma_semaphore, #tpu.memory_space<semaphore_mem>>)
      } else {
      }
    }
    %scan3A_584 = arith.constant 16 : i32
    return
  }
}

</mosaic_0001>

<sc_bundles>
// kernel: kernel.3.cloned.1.call-start
scs
__scs_entry_jumppad:
0x0: {  	(pc) =	sbr.rel $0x88, $3  }
0x1: {  	(tag) =	ssettag $0x0;
	lr =	simm.s32 $0x1  }
0x2: {  	[smem:$0x3F9F] =	sst lr;
	_ =	strace $0xD0000000  }
0x3: {  	_ = 	snop  }
0x4: {  	_ = 	snop  }
0x5: {  	_ = 	snop  }
0x6: {  	_ = 	snop  }
0x7: {  	_ = 	snop  }
__scs_overlays_trampoline_lowered:
0x8: {  	[smem:$0x3FAE] =	sst s0  }
0x9: {  	[smem:$0x3FAF] =	sst s1  }
0xa: {  	[smem:$0x3FB0] =	sst s2  }
0xb: {  	[smem:$0x3FB1] =	sst s3  }
0xc: {  	[smem:$0x3FB2] =	sst s4  }
0xd: {  	[smem:$0x3FB3] =	sst s5  }
0xe: {  	[smem:$0x3FB4] =	sst s6  }
0xf: {  	[smem:$0x3FB5] =	sst s7  }
0x10: {  	[smem:$0x3FB6] =	sst s8  }
0x11: {  	[smem:$0x3FB7] =	sst s9;
	s0 =	simm.s32 @!p0 $0x0  }
0x12: {  	s1 =	sld [smem:$0x3F9D];
	s0 =	simm.s32 @p0 $0x1  }
0x13: {  	[smem:$0x3FB8] =	sst s0;
	s0 =	simm.s32 @!p1 $0x0  }
0x14: {  	s2 =	sld [smem:$0x3F9C];
	s0 =	simm.s32 @p1 $0x1  }
0x15: {  	[smem:$0x3FB9] =	sst s0;
	s0 =	simm.s32 @!p2 $0x0  }
0x16: {  	s3 =	sld [smem:$0x3FDB];
	s0 =	simm.s32 @p2 $0x1  }
0x17: {  	s4 =	simm.s32 $0x1BF5;
	[smem:$0x3FBB] =	sst s0  }
0x18: {  	s0 =	sld [smem:$0x3F9E];
	_ =	swait.ge [sflag:s4], $0x0  }
0x19: {  	s7 =	sld [smem:$0x3F9F]  }
0x1a: {  	s8 =	sadd.s32 $0xFFFFE003, lr  }
0x1b: {  	s9 =	sadd.s32 $0xFFFFFEF7, lr;
	s5 =	simm.s32 $0xFFFFFFFF;
	p2 =	slt.u32 s8, $0xFFFFF086  }
0x1c: {  	p1 =	slt.u32 s9, $0xF7A;
	s5 =	simm.s32 @!p2 $0x0  }
0x1d: {  	s5 =	simm.s32 @p1 $0x1;
	p0 =	seq.s32 s7, s2  }
0x1e: {  	s7 =	smul.u32 @!p0 $0xF7A, s2;
	p2 =	seq.s32 @!p0 s5, $0x0  }
0x1f: {  	s9 =	smul.u32 $0xF7A, s1;
	s8 =	simm.s32 @!p0 $0x1BF5;
	p2 =	por !p2, p0  }
0x20: {  	[sflag:s8] =	ssyncset.s32 @!p0 $0xFFFFF086;
	s6 =	sadd.s32 @!p0 s3, s7;
	s7 =	simm.s32 @!p0 $0x108  }
0x21: {  	s3 =	sadd.s32 s3, s9;
	s6 =	sadd.s32 @!p0 $0x88, s6;
	s7 =	simm.s32 @p2 $0x1082  }
0x22: {  	[simem:s7], [sflag:s8] =	dma.local @!p0 [hbm:s6], $0xF7A  }
0x23: {  	s9 =	sor.u32 $0xD0000000, s2;
	s6 =	simm.s32 $0x108;
	_ =	swait.ge @!p0 [sflag:s8], $0x0  }
0x24: {  	s3 =	sadd.s32 $0x88, s3;
	s6 =	simm.s32 @!p1 $0x1082;
	[sflag:s4] =	ssyncset.s32 $0xFFFFF086  }
0x25: {  	[simem:s6], [sflag:s4] =	dma.local [hbm:s3], $0xF7A  }
0x26: {  	[smem:$0x3F9F] =	sst s1;
	(tag) =	ssettag s2;
	_ =	strace s9  }
0x27: {  	s1 =	sld [smem:$0x3FAF]  }
0x28: {  	s2 =	sld [smem:$0x3FB0]  }
0x29: {  	s4 =	sld [smem:$0x3FB2]  }
0x2a: {  	p0 =	seq.s32 s5, $0x0;
	s5 =	sld [smem:$0x3FB3]  }
0x2b: {  	s6 =	sld [smem:$0x3FB4]  }
0x2c: {  	s7 =	sld [smem:$0x3FB5]  }
0x2d: {  	s3 =	simm.s32 $0x108;
	s8 =	sld [smem:$0x3FB6]  }
0x2e: {  	s3 =	simm.s32 @!p0 $0x1082;
	s9 =	sld [smem:$0x3FB7]  }
0x2f: {  	lr =	sadd.s32 s0, s3;
	s0 =	sld [smem:$0x3FAE]  }
0x30: {  	s3 =	sld [smem:$0x3FB1]  }
0x31: {  	[smem:$0x3FBA] =	sst s10  }
0x32: {  	s10 =	sld [smem:$0x3FB8];
	_ =	sdelay $0x3  }
0x33: {  	p0 =	seq.s32 s10, $0x1;
	s10 =	sld [smem:$0x3FBA];
	_ =	sdelay $0x3  }
0x34: {  	[smem:$0x3FBA] =	sst s10  }
0x35: {  	s10 =	sld [smem:$0x3FB9];
	_ =	sdelay $0x3  }
0x36: {  	p1 =	seq.s32 s10, $0x1;
	s10 =	sld [smem:$0x3FBA];
	_ =	sdelay $0x3  }
0x37: {  	[smem:$0x3FBA] =	sst s10  }
0x38: {  	s10 =	sld [smem:$0x3FBB]  }
0x39: {  	_ = 	snop;
	(pc) =	sbr.ind lr, $3  }
0x3a: {  	_ = 	snop  }
0x3b: {  	_ = 	snop  }
0x3c: {  	p2 =	seq.s32 s10, $0x1;
	s10 =	sld [smem:$0x3FBA]  }
0x3d: {  	_ =	shalt  }
0x3e: {  	_ =	shalt  }
0x3f: {  	_ =	shalt  }
0x40: {  	_ =	shalt  }
0x41: {  	_ =	shalt  }
0x42: {  	_ =	shalt  }
0x43: {  	_ =	shalt  }
0x44: {  	_ =	shalt  }
0x45: {  	_ =	shalt  }
0x46: {  	_ =	shalt  }
0x47: {  	_ =	shalt  }
0x48: {  	_ =	shalt  }
0x49: {  	_ =	shalt  }
0x4a: {  	_ =	shalt  }
0x4b: {  	_ =	shalt  }
0x4c: {  	_ =	shalt  }
0x4d: {  	_ =	shalt  }
0x4e: {  	_ =	shalt  }
0x4f: {  	_ =	shalt  }
0x50: {  	_ =	shalt  }
0x51: {  	_ =	shalt  }
0x52: {  	_ =	shalt  }
0x53: {  	_ =	shalt  }
0x54: {  	_ =	shalt  }
0x55: {  	_ =	shalt  }
0x56: {  	_ =	shalt  }
0x57: {  	_ =	shalt  }
0x58: {  	_ =	shalt  }
0x59: {  	_ =	shalt  }
0x5a: {  	_ =	shalt  }
0x5b: {  	_ =	shalt  }
0x5c: {  	_ =	shalt  }
0x5d: {  	_ =	shalt  }
0x5e: {  	_ =	shalt  }
0x5f: {  	_ =	shalt  }
0x60: {  	_ =	shalt  }
0x61: {  	_ =	shalt  }
0x62: {  	_ =	shalt  }
0x63: {  	_ =	shalt  }
0x64: {  	_ =	shalt  }
0x65: {  	_ =	shalt  }
0x66: {  	_ =	shalt  }
0x67: {  	_ =	shalt  }
0x68: {  	_ =	shalt  }
0x69: {  	_ =	shalt  }
0x6a: {  	_ =	shalt  }
0x6b: {  	_ =	shalt  }
0x6c: {  	_ =	shalt  }
0x6d: {  	_ =	shalt  }
0x6e: {  	_ =	shalt  }
0x6f: {  	_ =	shalt  }
0x70: {  	_ =	shalt  }
0x71: {  	_ =	shalt  }
0x72: {  	_ =	shalt  }
0x73: {  	_ =	shalt  }
0x74: {  	_ =	shalt  }
0x75: {  	_ =	shalt  }
0x76: {  	_ =	shalt  }
0x77: {  	_ =	shalt  }
0x78: {  	_ =	shalt  }
0x79: {  	_ =	shalt  }
0x7a: {  	_ =	shalt  }
0x7b: {  	_ =	shalt  }
0x7c: {  	_ =	shalt  }
0x7d: {  	_ =	shalt  }
0x7e: {  	_ =	shalt  }
0x7f: {  	_ =	shalt  }
0x80: {  	_ =	shalt  }
0x81: {  	_ =	shalt  }
0x82: {  	_ =	shalt  }
0x83: {  	_ =	shalt  }
0x84: {  	_ =	shalt  }
0x85: {  	_ =	shalt  }
0x86: {  	_ =	shalt  }
0x87: {  	_ =	shalt  }
.Lfunc_end0:
.L_simem_size_0:
called_computation_lowered:
.L_overlay_start_0:
0x88: {  	s2 =	sld [smem:$0x3FD9]  }
0x89: {  	s3 =	sld [smem:$0x3FFE];
	_ =	sdelay $0x1  }
0x8a: {  	s1 =	srdreg.scid  }
0x8b: {  	s0 =	sand.u32 $0x1, s1  }
0x8c: {  	s17 =	sshll.u32 s0, $0xA;
	s2 =	sadd.s32 s3, s2  }
0x8d: {  	s2 =	sadd.s32 s2, s17  }
0x8e: {  	[smem:$0x3FC6] =	sst s2  }
0x8f: {  	_ = 	snop  }
0x90: {  	s2 =	sld [smem:$0x3FC9]  }
0x91: {  	s18 =	sld [smem:$0x3FD0];
	(tm) =	ssettm $0x1  }
0x92: {  	s4 =	sld [smem:$0x3FFB];
	_ =	sdelay $0x3  }
0x93: {  	_ =	strace s4  }
0x94: {  	s4 =	sld [smem:$0x3FFC];
	_ =	sdelay $0x3  }
0x95: {  	_ =	strace s4  }
0x96: {  	s4 =	sld [smem:$0x3FFD];
	_ =	sdelay $0x3  }
0x97: {  	_ =	strace s4  }
0x98: {  	_ =	strace $0x8FFFFFFF  }
0x99: {  	s19 =	sld [smem:$0x3FDB];
	_ =	sdelay $0x1  }
0x9a: {  	s5 =	simm.s32 $_scs_section_size  }
0x9b: {  	s6 =	simm.s32 $_size__tile_overlayer_lowered;
	s7 =	simm.s32 $_tile_overlayer_lowered  }
0x9c: {  	s22 =	simm.s32 $0x1BFF;
	s21 =	sshll.u32 s7, $0x1;
	s4 =	sadd.s32 s5, s19  }
0x9d: {  	s8 =	simm.s32 $0x0;
	s20 =	sshll.u32 s6, $0x1;
	s6 =	sadd.s32 s21, s4  }
0x9e: {  	[timem:s8], [sflag:s22] =	dma.local [hbm:s6], s20  }
0x9f: {  	_ =	swait.ge [sflag:s22], s20  }
0xa0: {  	s5 =	ssub.s32 $0x0, s20;
	[sflag:s22] =	ssyncset.done $0x0  }
0xa1: {  	[sflag:s22] =	ssyncadd.s32 s5;
	_ =	sdelay $0x1  }
0xa2: {  	s23 =	simm.s32 $0x1B8B  }
0xa3: {  	_ =	swait.ge [sflag:s23], $0x1  }
0xa4: {  	[sflag:s23] =	ssyncset.done $0x0  }
0xa5: {  	s25 =	simm.s32 $0x1B8E;
	s24 =	sld [smem:$0x3FFE];
	[sflag:s23] =	ssyncadd.s32 $0xFFFFFFFF  }
0xa6: {  	s26 =	simm.s32 $execute0_lowered;
	[smem:$0x3FD2] =	sst s25  }
0xa7: {  	s6 =	sshll.u32 s26, $0x1;
	_ =	strace $0x80000046;
	[dreg:$0x1] =	wrdreg $0xFFFFFFFF  }
0xa8: {  	s28 =	simm.s32 $_size_execute0_lowered;
	s4 =	sadd.s32 s4, s6;
	[dreg:$0x0] =	wrdreg $0x0  }
0xa9: {  	s6 =	sshll.u32 s28, $0x1;
	[dreg:$0x2] =	wrdreg s4  }
0xaa: {  	[dreg:$0x3] =	wrdreg s6  }
0xab: {  	[dreg:$0x4] =	wrdreg $0xC0  }
0xac: {  	_ =	task [dreg:s8], $0x5FFFF  }
0xad: {  	[dreg:$0x1] =	wrdreg $0xFFFFFFFF  }
0xae: {  	[dreg:$0x0] =	wrdreg $0x60  }
0xaf: {  	[dreg:$0x2] =	wrdreg s2  }
0xb0: {  	[dreg:$0x3] =	wrdreg s24  }
0xb1: {  	[dreg:$0x4] =	wrdreg s18  }
0xb2: {  	[dreg:$0x5] =	wrdreg $0x9  }
0xb3: {  	_ =	task.clear_ibuf [dreg:s8], $0x6FFFF;
	_ =	strace $0x90000046  }
0xb4: {  	s29 =	simm.s32 $0x9;
	_ =	strace $0x80000048  }
0xb5: {  	_ =	swait.ge [sflag:s29], $0x1  }
0xb6: {  	[sflag:s29] =	ssyncadd.s32 $0xFFFFFFFF  }
0xb7: {  	_ =	strace $0x90000048  }
0xb8: {  	_ =	sfence  }
0xb9: {  	s30 =	sld [smem:$0x0];
	_ =	sdelay $0x2  }
0xba: {  	s31 =	sshll.u32 s1, $0xD;
	s1 =	sshrl.u32 s1, $0x2  }
0xbb: {  	s3 =	sand.u32 $0x4000, s31;
	s1 =	sadd.s32 s1, s30  }
0xbc: {  	s0 =	sor.u32 s3, s0;
	s1 =	sshll.u32 s1, $0x11  }
0xbd: {  	s0 =	sor.u32 s1, s0  }
0xbe: {  	s0 =	sadd.s32 $0x8F2B, s0  }
0xbf: {  	[sflag:s0] =	ssyncadd.remote.s32 $0x1  }
0xc0: {  	_ =	sfence.sel $0xFFFF  }
0xc1: {  	[dreg:$0x0] =	wrdreg $0xFFFFFFFF;
	(pc) =	sbr.abs _section_cstart, $3  }
0xc2: {  	[dreg:$0x1] =	wrdreg $0xFFFFFFFF  }
0xc3: {  	_ =	task.clear_ibuf [dreg:s8], $0x2FFFF;
	_ =	strace $0x9FFFFFFF  }
0xc4: {  	(tm) =	ssettm $0x7FFFFFFF  }
0xc5: {  	_ =	shalt  }
tec
execute0_lowered:
.L_overlay_start_1:
0x0: {  	(tag) =	ssettag $0x1  }
0x1: {  	s1 =	rddreg [dreg:$0x0]  }
0x2: {  	s0 =	rddreg [dreg:$0x1]  }
0x3: {  	s5 =	rddreg [dreg:$0x2];
	s2 =	srdreg.scid  }
0x4: {  	s9 =	stileid.u32;
	s3 =	simm.s32 $0x0;
	s2 =	sand.u32 $0x1, s2  }
0x5: {  	s4 =	sshll.u32 s9, $0x1;
	[smem:$0x7FF] =	sst s3;
	s20 =	sshll.u32 s9, $0x14  }
0x6: {  	s23 =	sshll.u32 s9, $0x6;
	s4 =	sor.u32 s2, s4;
	_ =	strace $0x80000047  }
0x7: {  	s7 =	ssub.s32 $0x2, s2;
	s22 =	sshll.u32 s2, $0x13;
	s6 =	sshll.u32 s4, $0x6  }
0x8: {  	s8 =	sshrl.u32 s7, $0x1;
	s6 =	sadd.s32 s6, s0;
	s0 =	sshll.u32 s4, $0x9  }
0x9: {  	s7 =	ssub.s32 s7, s8;
	s4 =	sor.u32 s22, s20;
	s19 =	sadd.s32 $0x400, s6  }
0xa: {  	s25 =	sor.u32 $0x10, s0;
	s26 =	sor.u32 $0x20, s0;
	s2 =	sor.u32 $0x30, s0  }
0xb: {  	s21 =	sor.u32 $0x40, s0;
	s28 =	sor.u32 $0x50, s0;
	s29 =	sor.u32 $0x60, s0  }
0xc: {  	s4 =	sshrl.u32 s4, $0x13;
	s17 =	sor.u32 $0x70, s0;
	s30 =	sor.u32 $0x80, s0  }
0xd: {  	s6 =	sand.u32 $0x380, s23;
	s22 =	sor.u32 $0xA0, s0;
	s11 =	sor.u32 $0xC0, s0  }
0xe: {  	s18 =	sor.u32 $0xD0, s0;
	s23 =	sor.u32 $0xF0, s0;
	s20 =	sor.u32 $0x100, s0  }
0xf: {  	s12 =	sor.u32 $0x110, s0;
	s7 =	smax.u32 s7, $0x1;
	[dreg:$0x6] =	wrdreg s19  }
0x10: {  	s10 =	sor.u32 $0x150, s0;
	s13 =	sor.u32 $0x1A0, s0;
	[dreg:$0x7] =	wrdreg s7  }
0x11: {  	s14 =	sor.u32 $0x160, s0;
	[dreg:$0xd] =	wrdreg s13;
	s7 =	sor.u32 $0x1C0, s0  }
0x12: {  	v34 =	vlaneseq.u32;
	s15 =	sor.u32 $0x170, s0;
	s24 =	sand.u32 $0x3, s4;
	[dreg:$0x9] =	wrdreg s7  }
0x13: {  	v2 =	vor.u32 s26, v34;
	s31 =	sshll.u32 s24, $0x16;
	s7 =	sor.u32 $0x1E0, s0;
	s26 =	rddreg [dreg:$0xd]  }
0x14: {  	vm0 =	vmmov $0xffff;
	v32 =	vand.u32 $0x7, v34;
	v33 =	vshrl.u32 v34, $0x3;
	s16 =	sor.u32 $0x180, s0;
	s9 =	sor.u32 s6, s31;
	[dreg:$0xb] =	wrdreg s7  }
0x15: {  	v33 =	vmul.u32 $0x8, v33;
	v0 =	vor.u32 s0, v34;
	v5 =	vor.u32 s28, v34;
	s8 =	sshll.u32 s24, $0x13;
	s28 =	rddreg [dreg:$0x9];
	s9 =	sshrl.u32 s9, $0x3  }
0x16: {  	v1 =	vor.u32 s25, v34;
	v3 =	vor.u32 s2, v34;
	v8 =	vor.u32 s30, v34;
	s6 =	sshrl.u32 s6, $0x3;
	s30 =	rddreg [dreg:$0xb];
	s9 =	sadd.s32 s9, s5  }
0x17: {  	v4 =	vor.u32 s21, v34;
	v6 =	vor.u32 s29, v34;
	v7 =	vor.u32 s17, v34;
	s5 =	sadd.s32 s8, s5;
	s8 =	sor.u32 $0x190, s0;
	[dreg:$0x4] =	wrdreg s9  }
0x18: {  	s4 =	sor.u32 $0x90, s0;
	v10 =	vor.u32 s22, v34;
	v12 =	vor.u32 s11, v34;
	v13 =	vor.u32 s18, v34;
	s6 =	sadd.s32 s6, s5;
	[dreg:$0xc] =	wrdreg s8  }
0x19: {  	s19 =	sor.u32 $0xE0, s0;
	v15 =	vor.u32 s23, v34;
	v16 =	vor.u32 s20, v34;
	v17 =	vor.u32 s12, v34;
	s8 =	sor.u32 $0x1D0, s0;
	[dreg:$0x5] =	wrdreg s6  }
0x1a: {  	s13 =	sor.u32 $0x1B0, s0;
	v21 =	vor.u32 s10, v34;
	v22 =	vor.u32 s14, v34;
	v23 =	vor.u32 s15, v34;
	s2 =	simm.s32 $0x17C00;
	[dreg:$0xa] =	wrdreg s8  }
0x1b: {  	v24 =	vor.u32 s16, v34;
	s24 =	sor.u32 $0x130, s0;
	v9 =	vor.u32 s4, v34;
	v14 =	vor.u32 s19, v34;
	s8 =	sor.u32 $0x1F0, s0;
	s25 =	rddreg [dreg:$0xc]  }
0x1c: {  	s10 =	simm.s32 $0x2;
	v27 =	vor.u32 s13, v34;
	s31 =	sor.u32 $0xB0, s0;
	v19 =	vor.u32 s24, v34;
	v26 =	vor.u32 s26, v34;
	[dreg:$0x8] =	wrdreg s8  }
0x1d: {  	v11 =	vor.u32 s31, v34;
	v28 =	vor.u32 s28, v34;
	v30 =	vor.u32 s30, v34;
	s5 =	sor.u32 $0x120, s0;
	s9 =	sor.u32 $0x140, s0;
	s29 =	rddreg [dreg:$0xa]  }
0x1e: {  	s11 =	simm.s32 $0x0;
	s7 =	sadd.s32 $0x200, s1;
	v18 =	vor.u32 s5, v34;
	v20 =	vor.u32 s9, v34;
	v25 =	vor.u32 s25, v34;
	s31 =	rddreg [dreg:$0x8]  }
0x1f: {  	s6 =	sadd.s32 $0x100, s1;
	s9 =	simm.s32 $0x1;
	s8 =	sadd.s32 $0x300, s1;
	v29 =	vor.u32 s29, v34;
	v31 =	vor.u32 s31, v34;
	v34 =	vor.u32 $0x8, v34  }
.LBB2_1:
0x20: {  	s0 =	rddreg [dreg:$0x6];
	s13 =	simm.s32 $0x3  }
0x21: {  	[tilespmem:s3], [sflag:$0x3] =	stream.linear.gather [hbm4b:s0+s3], $0x200, $0x38;
	[tilespmem:$0x18400] =	vst v63  }
0x22: {  	_ =	swait.ge [sflag:s13], $0x200  }
0x23: {  	[sflag:s13] =	ssyncset.done $0x0  }
0x24: {  	[sflag:s13] =	ssyncadd.s32 $0xFFFFFE00  }
0x25: {  	v36 =	vld [tilespmem:$0x10]  }
0x26: {  	v37 =	vld [tilespmem:$0x20]  }
0x27: {  	v38 =	vld [tilespmem:$0x30]  }
0x28: {  	v39 =	vld [tilespmem:$0x40]  }
0x29: {  	v40 =	vld [tilespmem:$0x50]  }
0x2a: {  	v59 =	vld [tilespmem:$0x60];
	vm1 =	vgt.s32 v36, $0x0  }
0x2b: {  	v60 =	vld [tilespmem:$0x70];
	v41 =	vnsel vm1, $0x0, v1;
	vm1 =	vgt.s32 v37, $0x0  }
0x2c: {  	v62 =	vld [tilespmem:$0x80];
	[tilespmem:$0x210] =	vst v41;
	v61 =	vnsel vm1, $0x0, v2;
	vm1 =	vgt.s32 v38, $0x0  }
0x2d: {  	v44 =	vld [tilespmem:$0x90];
	[tilespmem:$0x220] =	vst v61;
	v63 =	vnsel vm1, $0x0, v3;
	vm1 =	vgt.s32 v39, $0x0  }
0x2e: {  	v46 =	vld [tilespmem:$0xA0];
	[tilespmem:$0x230] =	vst v63;
	v45 =	vnsel vm1, $0x0, v4;
	vm1 =	vgt.s32 v40, $0x0  }
0x2f: {  	v48 =	vld [tilespmem:$0xB0];
	[tilespmem:$0x240] =	vst v45;
	v47 =	vnsel vm1, $0x0, v5;
	vm1 =	vgt.s32 v59, $0x0  }
0x30: {  	v50 =	vld [tilespmem:$0xC0];
	[tilespmem:$0x250] =	vst v47;
	v49 =	vnsel vm1, $0x0, v6;
	vm1 =	vgt.s32 v60, $0x0  }
0x31: {  	v52 =	vld [tilespmem:$0xD0];
	[tilespmem:$0x260] =	vst v49;
	v51 =	vnsel vm1, $0x0, v7;
	vm1 =	vgt.s32 v62, $0x0  }
0x32: {  	v35 =	vld [tilespmem:$0x0];
	[tilespmem:$0x270] =	vst v51;
	v53 =	vnsel vm1, $0x0, v8;
	vm1 =	vgt.s32 v44, $0x0  }
0x33: {  	v54 =	vld [tilespmem:$0xE0];
	[tilespmem:$0x280] =	vst v53;
	v55 =	vnsel vm1, $0x0, v9;
	vm1 =	vgt.s32 v46, $0x0  }
0x34: {  	v56 =	vld [tilespmem:$0xF0];
	[tilespmem:$0x290] =	vst v55;
	v57 =	vnsel vm1, $0x0, v10;
	vm1 =	vgt.s32 v48, $0x0  }
0x35: {  	v58 =	vld [tilespmem:$0x100];
	[tilespmem:$0x2A0] =	vst v57;
	v59 =	vnsel vm1, $0x0, v11;
	vm1 =	vgt.s32 v50, $0x0  }
0x36: {  	v60 =	vld [tilespmem:$0x110];
	[tilespmem:$0x2B0] =	vst v59;
	v61 =	vnsel vm1, $0x0, v12;
	vm1 =	vgt.s32 v52, $0x0  }
0x37: {  	vm2 =	vgt.s32 v35, $0x0;
	v62 =	vld [tilespmem:$0x120];
	[tilespmem:$0x2C0] =	vst v61;
	v63 =	vnsel vm1, $0x0, v13  }
0x38: {  	v44 =	vld [tilespmem:$0x130];
	vm1 =	vgt.s32 v54, $0x0;
	v61 =	vnsel vm2, $0x0, v0;
	[tilespmem:$0x2D0] =	vst v63  }
0x39: {  	v46 =	vld [tilespmem:$0x140];
	v45 =	vnsel vm1, $0x0, v14;
	vm1 =	vgt.s32 v56, $0x0;
	[tilespmem:$0x200] =	vst v61  }
0x3a: {  	v48 =	vld [tilespmem:$0x150];
	[tilespmem:$0x2E0] =	vst v45;
	v47 =	vnsel vm1, $0x0, v15;
	vm1 =	vgt.s32 v58, $0x0  }
0x3b: {  	v50 =	vld [tilespmem:$0x160];
	[tilespmem:$0x2F0] =	vst v47;
	v49 =	vnsel vm1, $0x0, v16;
	vm1 =	vgt.s32 v60, $0x0  }
0x3c: {  	v52 =	vld [tilespmem:$0x170];
	[tilespmem:$0x300] =	vst v49;
	v51 =	vnsel vm1, $0x0, v17;
	vm1 =	vgt.s32 v62, $0x0  }
0x3d: {  	v54 =	vld [tilespmem:$0x180];
	[tilespmem:$0x310] =	vst v51;
	v53 =	vnsel vm1, $0x0, v18;
	vm1 =	vgt.s32 v44, $0x0  }
0x3e: {  	v56 =	vld [tilespmem:$0x190];
	[tilespmem:$0x320] =	vst v53;
	v55 =	vnsel vm1, $0x0, v19;
	vm1 =	vgt.s32 v46, $0x0  }
0x3f: {  	v58 =	vld [tilespmem:$0x1A0];
	[tilespmem:$0x330] =	vst v55;
	v40 =	vnsel vm1, $0x0, v20;
	vm1 =	vgt.s32 v48, $0x0  }
0x40: {  	v60 =	vld [tilespmem:$0x1B0];
	[tilespmem:$0x340] =	vst v40;
	v57 =	vnsel vm1, $0x0, v21;
	vm1 =	vgt.s32 v50, $0x0  }
0x41: {  	v63 =	vld [tilespmem:$0x1C0];
	v42 =	vshll.u32 v61, $0x3;
	[tilespmem:$0x350] =	vst v57;
	v59 =	vnsel vm1, $0x0, v22;
	vm1 =	vgt.s32 v52, $0x0  }
0x42: {  	v42 =	vand.u32 $0xFFFFF040, v42;
	v46 =	vld [tilespmem:$0x1D0];
	[tilespmem:$0x360] =	vst v59;
	v62 =	vnsel vm1, $0x0, v23;
	vm1 =	vgt.s32 v54, $0x0  }
0x43: {  	v47 =	vld [tilespmem:$0x1E0];
	v40 =	vand.u32 $0x7, v61;
	[tilespmem:$0x370] =	vst v62;
	v45 =	vnsel vm1, $0x0, v24;
	vm1 =	vgt.s32 v56, $0x0  }
0x44: {  	v50 =	vld [tilespmem:$0x1F0];
	v49 =	vor.u32 v40, v42;
	[tilespmem:$0x380] =	vst v45;
	v48 =	vnsel vm1, $0x0, v25;
	vm1 =	vgt.s32 v58, $0x0  }
0x45: {  	v52 =	vperm.xlane v49, v32;
	[tilespmem:$0x390] =	vst v48;
	v51 =	vnsel vm1, $0x0, v26;
	vm1 =	vgt.s32 v60, $0x0  }
0x46: {  	[tilespmem:$0x3A0] =	vst v51;
	v53 =	vnsel vm1, $0x0, v27;
	vm1 =	vgt.s32 v63, $0x0  }
0x47: {  	v38 =	vadd.s32 v33, v52;
	[tilespmem:$0x3B0] =	vst v53;
	v54 =	vnsel vm1, $0x0, v28;
	vm1 =	vgt.s32 v46, $0x0  }
0x48: {  	[tilespmem:$0x3C0] =	vst v54;
	v55 =	vnsel vm1, $0x0, v29;
	vm1 =	vgt.s32 v47, $0x0  }
0x49: {  	[tilespmem:$0x3D0] =	vst v55;
	v56 =	vnsel vm1, $0x0, v30;
	vm1 =	vgt.s32 v50, $0x0  }
0x4a: {  	[tilespmem:$0x3E0] =	vst v56;
	v57 =	vnsel vm1, $0x0, v31  }
0x4b: {  	s18 =	simm.s32 $0x400;
	[tilespmem:$0x3F0] =	vst v57  }
0x4c: {  	[tilespmem:s18], [sflag:$0x1] =	stream.indirect_vreg.gather [hbm4b:s1+s3], $0x80, v38, vm0, $0xb8;
	[tilespmem:$0x18400] =	vst v63  }
0x4d: {  	s19 =	simm.s32 $0xC00;
	v58 =	vperm.xlane v49, v34  }
0x4e: {  	[tilespmem:s19], [sflag:$0x1] =	stream.indirect_vreg.gather [hbm4b:s6+s3], $0x80, v38, vm0, $0xb8;
	[tilespmem:$0x18400] =	vst v63  }
0x4f: {  	s20 =	simm.s32 $0x1400;
	v35 =	vadd.s32 v33, v58  }
0x50: {  	[tilespmem:s20], [sflag:$0x1] =	stream.indirect_vreg.gather [hbm4b:s7+s3], $0x80, v38, vm0, $0xb8;
	[tilespmem:$0x18400] =	vst v63  }
0x51: {  	s21 =	simm.s32 $0x1C00  }
0x52: {  	[tilespmem:s21], [sflag:$0x1] =	stream.indirect_vreg.gather [hbm4b:s8+s3], $0x80, v38, vm0, $0xb8;
	[tilespmem:$0x18400] =	vst v63  }
0x53: {  	s22 =	simm.s32 $0x2400  }
0x54: {  	[tilespmem:s22], [sflag:$0x1] =	stream.indirect_vreg.gather [hbm4b:s1+s3], $0x80, v35, vm0, $0xb8;
	[tilespmem:$0x18400] =	vst v63  }
0x55: {  	s23 =	simm.s32 $0x2C00  }
0x56: {  	[tilespmem:s23], [sflag:$0x1] =	stream.indirect_vreg.gather [hbm4b:s6+s3], $0x80, v35, vm0, $0xb8;
	[tilespmem:$0x18400] =	vst v63  }
0x57: {  	s24 =	simm.s32 $0x3400  }
0x58: {  	[tilespmem:s24], [sflag:$0x1] =	stream.indirect_vreg.gather [hbm4b:s7+s3], $0x80, v35, vm0, $0xb8;
	[tilespmem:$0x18400] =	vst v63  }
0x59: {  	s25 =	simm.s32 $0x3C00  }
0x5a: {  	[tilespmem:s25], [sflag:$0x1] =	stream.indirect_vreg.gather [hbm4b:s8+s3], $0x80, v35, vm0, $0xb8;
	[tilespmem:$0x18400] =	vst v63  }
0x5b: {  	v35 =	vld [tilespmem:$0x210];
	_ =	sdelay $0x4  }
0x5c: {  	v59 =	vshll.u32 v35, $0x3  }
0x5d: {  	v35 =	vand.u32 $0x7, v35;
	v36 =	vand.u32 $0xFFFFFFC0, v59  }
0x5e: {  	v35 =	vor.u32 v35, v36  }
0x5f: {  	v36 =	vperm.xlane v35, v32;
	_ =	sdelay $0x1  }
0x60: {  	v36 =	vadd.s32 v33, v36;
	_ =	sdelay $0x3  }
0x61: {  	s26 =	simm.s32 $0x4400  }
0x62: {  	[tilespmem:s26], [sflag:$0x1] =	stream.indirect_vreg.gather [hbm4b:s1+s3], $0x80, v36, vm0, $0xb8;
	[tilespmem:$0x18400] =	vst v63  }
0x63: {  	s28 =	simm.s32 $0x4C00;
	v35 =	vperm.xlane v35, v34  }
0x64: {  	[tilespmem:s28], [sflag:$0x1] =	stream.indirect_vreg.gather [hbm4b:s6+s3], $0x80, v36, vm0, $0xb8;
	[tilespmem:$0x18400] =	vst v63  }
0x65: {  	s29 =	simm.s32 $0x5400;
	v35 =	vadd.s32 v33, v35  }
0x66: {  	[tilespmem:s29], [sflag:$0x1] =	stream.indirect_vreg.gather [hbm4b:s7+s3], $0x80, v36, vm0, $0xb8;
	[tilespmem:$0x18400] =	vst v63  }
0x67: {  	s30 =	simm.s32 $0x5C00  }
0x68: {  	[tilespmem:s30], [sflag:$0x1] =	stream.indirect_vreg.gather [hbm4b:s8+s3], $0x80, v36, vm0, $0xb8;
	[tilespmem:$0x18400] =	vst v63  }
0x69: {  	s31 =	simm.s32 $0x6400  }
0x6a: {  	[tilespmem:s31], [sflag:$0x1] =	stream.indirect_vreg.gather [hbm4b:s1+s3], $0x80, v35, vm0, $0xb8;
	[tilespmem:$0x18400] =	vst v63  }
0x6b: {  	s4 =	simm.s32 $0x6C00  }
0x6c: {  	[tilespmem:s4], [sflag:$0x1] =	stream.indirect_vreg.gather [hbm4b:s6+s3], $0x80, v35, vm0, $0xb8;
	[tilespmem:$0x18400] =	vst v63  }
0x6d: {  	s5 =	simm.s32 $0x7400  }
0x6e: {  	[tilespmem:s5], [sflag:$0x1] =	stream.indirect_vreg.gather [hbm4b:s7+s3], $0x80, v35, vm0, $0xb8;
	[tilespmem:$0x18400] =	vst v63  }
0x6f: {  	s12 =	simm.s32 $0x7C00  }
0x70: {  	[tilespmem:s12], [sflag:$0x1] =	stream.indirect_vreg.gather [hbm4b:s8+s3], $0x80, v35, vm0, $0xb8;
	[tilespmem:$0x18400] =	vst v63  }
0x71: {  	v35 =	vld [tilespmem:$0x220];
	_ =	sdelay $0x4  }
0x72: {  	v60 =	vshll.u32 v35, $0x3  }
0x73: {  	v35 =	vand.u32 $0x7, v35;
	v36 =	vand.u32 $0xFFFFFFC0, v60  }
0x74: {  	v35 =	vor.u32 v35, v36  }
0x75: {  	v36 =	vperm.xlane v35, v32;
	_ =	sdelay $0x1  }
0x76: {  	v36 =	vadd.s32 v33, v36;
	_ =	sdelay $0x3  }
0x77: {  	s14 =	simm.s32 $0x8400  }
0x78: {  	[tilespmem:s14], [sflag:$0x1] =	stream.indirect_vreg.gather [hbm4b:s1+s3], $0x80, v36, vm0, $0xb8;
	[tilespmem:$0x18400] =	vst v63  }
0x79: {  	s15 =	simm.s32 $0x8C00;
	v35 =	vperm.xlane v35, v34  }
0x7a: {  	[tilespmem:s15], [sflag:$0x1] =	stream.indirect_vreg.gather [hbm4b:s6+s3], $0x80, v36, vm0, $0xb8;
	[tilespmem:$0x18400] =	vst v63  }
0x7b: {  	s16 =	simm.s32 $0x9400;
	v35 =	vadd.s32 v33, v35  }
0x7c: {  	[tilespmem:s16], [sflag:$0x1] =	stream.indirect_vreg.gather [hbm4b:s7+s3], $0x80, v36, vm0, $0xb8;
	[tilespmem:$0x18400] =	vst v63  }
0x7d: {  	s17 =	simm.s32 $0x9C00  }
0x7e: {  	[tilespmem:s17], [sflag:$0x1] =	stream.indirect_vreg.gather [hbm4b:s8+s3], $0x80, v36, vm0, $0xb8;
	[tilespmem:$0x18400] =	vst v63  }
0x7f: {  	s18 =	simm.s32 $0xA400  }
0x80: {  	[tilespmem:s18], [sflag:$0x1] =	stream.indirect_vreg.gather [hbm4b:s1+s3], $0x80, v35, vm0, $0xb8;
	[tilespmem:$0x18400] =	vst v63  }
0x81: {  	s19 =	simm.s32 $0xAC00  }
0x82: {  	[tilespmem:s19], [sflag:$0x1] =	stream.indirect_vreg.gather [hbm4b:s6+s3], $0x80, v35, vm0, $0xb8;
	[tilespmem:$0x18400] =	vst v63  }
0x83: {  	s20 =	simm.s32 $0xB400  }
0x84: {  	[tilespmem:s20], [sflag:$0x1] =	stream.indirect_vreg.gather [hbm4b:s7+s3], $0x80, v35, vm0, $0xb8;
	[tilespmem:$0x18400] =	vst v63  }
0x85: {  	s21 =	simm.s32 $0xBC00  }
0x86: {  	[tilespmem:s21], [sflag:$0x1] =	stream.indirect_vreg.gather [hbm4b:s8+s3], $0x80, v35, vm0, $0xb8;
	[tilespmem:$0x18400] =	vst v63  }
0x87: {  	v35 =	vld [tilespmem:$0x230];
	_ =	sdelay $0x4  }
0x88: {  	v61 =	vshll.u32 v35, $0x3  }
0x89: {  	v35 =	vand.u32 $0x7, v35;
	v36 =	vand.u32 $0xFFFFFFC0, v61  }
0x8a: {  	v35 =	vor.u32 v35, v36  }
0x8b: {  	v36 =	vperm.xlane v35, v32;
	_ =	sdelay $0x1  }
0x8c: {  	v36 =	vadd.s32 v33, v36;
	_ =	sdelay $0x3  }
0x8d: {  	s22 =	simm.s32 $0xC400  }
0x8e: {  	[tilespmem:s22], [sflag:$0x1] =	stream.indirect_vreg.gather [hbm4b:s1+s3], $0x80, v36, vm0, $0xb8;
	[tilespmem:$0x18400] =	vst v63  }
0x8f: {  	s23 =	simm.s32 $0xCC00;
	v35 =	vperm.xlane v35, v34  }
0x90: {  	[tilespmem:s23], [sflag:$0x1] =	stream.indirect_vreg.gather [hbm4b:s6+s3], $0x80, v36, vm0, $0xb8;
	[tilespmem:$0x18400] =	vst v63  }
0x91: {  	s24 =	simm.s32 $0xD400;
	v35 =	vadd.s32 v33, v35  }
0x92: {  	[tilespmem:s24], [sflag:$0x1] =	stream.indirect_vreg.gather [hbm4b:s7+s3], $0x80, v36, vm0, $0xb8;
	[tilespmem:$0x18400] =	vst v63  }
0x93: {  	s25 =	simm.s32 $0xDC00  }
0x94: {  	[tilespmem:s25], [sflag:$0x1] =	stream.indirect_vreg.gather [hbm4b:s8+s3], $0x80, v36, vm0, $0xb8;
	[tilespmem:$0x18400] =	vst v63  }
0x95: {  	s26 =	simm.s32 $0xE400  }
0x96: {  	[tilespmem:s26], [sflag:$0x1] =	stream.indirect_vreg.gather [hbm4b:s1+s3], $0x80, v35, vm0, $0xb8;
	[tilespmem:$0x18400] =	vst v63  }
0x97: {  	s28 =	simm.s32 $0xEC00  }
0x98: {  	[tilespmem:s28], [sflag:$0x1] =	stream.indirect_vreg.gather [hbm4b:s6+s3], $0x80, v35, vm0, $0xb8;
	[tilespmem:$0x18400] =	vst v63  }
0x99: {  	s29 =	simm.s32 $0xF400  }
0x9a: {  	[tilespmem:s29], [sflag:$0x1] =	stream.indirect_vreg.gather [hbm4b:s7+s3], $0x80, v35, vm0, $0xb8;
	[tilespmem:$0x18400] =	vst v63  }
0x9b: {  	s30 =	simm.s32 $0xFC00  }
0x9c: {  	[tilespmem:s30], [sflag:$0x1] =	stream.indirect_vreg.gather [hbm4b:s8+s3], $0x80, v35, vm0, $0xb8;
	[tilespmem:$0x18400] =	vst v63  }
0x9d: {  	v35 =	vld [tilespmem:$0x240];
	_ =	sdelay $0x4  }
0x9e: {  	v62 =	vshll.u32 v35, $0x3  }
0x9f: {  	v35 =	vand.u32 $0x7, v35;
	v36 =	vand.u32 $0xFFFFFFC0, v62  }
0xa0: {  	v35 =	vor.u32 v35, v36  }
0xa1: {  	v36 =	vperm.xlane v35, v32;
	_ =	sdelay $0x1  }
0xa2: {  	v36 =	vadd.s32 v33, v36;
	_ =	sdelay $0x3  }
0xa3: {  	s31 =	simm.s32 $0x10400  }
0xa4: {  	[tilespmem:s31], [sflag:$0x1] =	stream.indirect_vreg.gather [hbm4b:s1+s3], $0x80, v36, vm0, $0xb8;
	[tilespmem:$0x18400] =	vst v63  }
0xa5: {  	s4 =	simm.s32 $0x10C00;
	v35 =	vperm.xlane v35, v34  }
0xa6: {  	[tilespmem:s4], [sflag:$0x1] =	stream.indirect_vreg.gather [hbm4b:s6+s3], $0x80, v36, vm0, $0xb8;
	[tilespmem:$0x18400] =	vst v63  }
0xa7: {  	s5 =	simm.s32 $0x11400;
	v35 =	vadd.s32 v33, v35  }
0xa8: {  	[tilespmem:s5], [sflag:$0x1] =	stream.indirect_vreg.gather [hbm4b:s7+s3], $0x80, v36, vm0, $0xb8;
	[tilespmem:$0x18400] =	vst v63  }
0xa9: {  	s12 =	simm.s32 $0x11C00  }
0xaa: {  	[tilespmem:s12], [sflag:$0x1] =	stream.indirect_vreg.gather [hbm4b:s8+s3], $0x80, v36, vm0, $0xb8;
	[tilespmem:$0x18400] =	vst v63  }
0xab: {  	s14 =	simm.s32 $0x12400  }
0xac: {  	[tilespmem:s14], [sflag:$0x1] =	stream.indirect_vreg.gather [hbm4b:s1+s3], $0x80, v35, vm0, $0xb8;
	[tilespmem:$0x18400] =	vst v63  }
0xad: {  	s15 =	simm.s32 $0x12C00  }
0xae: {  	[tilespmem:s15], [sflag:$0x1] =	stream.indirect_vreg.gather [hbm4b:s6+s3], $0x80, v35, vm0, $0xb8;
	[tilespmem:$0x18400] =	vst v63  }
0xaf: {  	s16 =	simm.s32 $0x13400  }
0xb0: {  	[tilespmem:s16], [sflag:$0x1] =	stream.indirect_vreg.gather [hbm4b:s7+s3], $0x80, v35, vm0, $0xb8;
	[tilespmem:$0x18400] =	vst v63  }
0xb1: {  	s17 =	simm.s32 $0x13C00  }
0xb2: {  	[tilespmem:s17], [sflag:$0x1] =	stream.indirect_vreg.gather [hbm4b:s8+s3], $0x80, v35, vm0, $0xb8;
	[tilespmem:$0x18400] =	vst v63  }
0xb3: {  	v35 =	vld [tilespmem:$0x250];
	_ =	sdelay $0x4  }
0xb4: {  	v63 =	vshll.u32 v35, $0x3  }
0xb5: {  	v35 =	vand.u32 $0x7, v35;
	v36 =	vand.u32 $0xFFFFFFC0, v63  }
0xb6: {  	v35 =	vor.u32 v35, v36  }
0xb7: {  	v36 =	vperm.xlane v35, v32;
	_ =	sdelay $0x1  }
0xb8: {  	v36 =	vadd.s32 v33, v36;
	_ =	sdelay $0x3  }
0xb9: {  	s18 =	simm.s32 $0x14400  }
0xba: {  	[tilespmem:s18], [sflag:$0x1] =	stream.indirect_vreg.gather [hbm4b:s1+s3], $0x80, v36, vm0, $0xb8;
	[tilespmem:$0x18400] =	vst v63  }
0xbb: {  	s19 =	simm.s32 $0x14C00;
	v35 =	vperm.xlane v35, v34  }
0xbc: {  	[tilespmem:s19], [sflag:$0x1] =	stream.indirect_vreg.gather [hbm4b:s6+s3], $0x80, v36, vm0, $0xb8;
	[tilespmem:$0x18400] =	vst v63  }
0xbd: {  	s20 =	simm.s32 $0x15400;
	s4 =	simm.s32 $0x0;
	v35 =	vadd.s32 v33, v35  }
0xbe: {  	[tilespmem:s20], [sflag:$0x1] =	stream.indirect_vreg.gather [hbm4b:s7+s3], $0x80, v36, vm0, $0xb8;
	[tilespmem:$0x18400] =	vst v63  }
0xbf: {  	s21 =	simm.s32 $0x15C00;
	s4 =	smul.u32 $0xAB, s4  }
0xc0: {  	[tilespmem:s21], [sflag:$0x1] =	stream.indirect_vreg.gather [hbm4b:s8+s3], $0x80, v36, vm0, $0xb8;
	[tilespmem:$0x18400] =	vst v63  }
0xc1: {  	s22 =	simm.s32 $0x16400;
	s4 =	sshrl.u32 s4, $0x9  }
0xc2: {  	[tilespmem:s22], [sflag:$0x1] =	stream.indirect_vreg.gather [hbm4b:s1+s3], $0x80, v35, vm0, $0xb8;
	[tilespmem:$0x18400] =	vst v63  }
0xc3: {  	s23 =	simm.s32 $0x16C00;
	s4 =	sand.u32 $0x7F, s4  }
0xc4: {  	[tilespmem:s23], [sflag:$0x1] =	stream.indirect_vreg.gather [hbm4b:s6+s3], $0x80, v35, vm0, $0xb8;
	[tilespmem:$0x18400] =	vst v63  }
0xc5: {  	s24 =	simm.s32 $0x17400;
	s4 =	smul.u32 $0x3, s4  }
0xc6: {  	[tilespmem:s24], [sflag:$0x1] =	stream.indirect_vreg.gather [hbm4b:s7+s3], $0x80, v35, vm0, $0xb8;
	[tilespmem:$0x18400] =	vst v63  }
0xc7: {  	s4 =	ssub.s32 $0x0, s4  }
0xc8: {  	[tilespmem:s2], [sflag:$0x1] =	stream.indirect_vreg.gather [hbm4b:s8+s3], $0x80, v35, vm0, $0xb8;
	[tilespmem:$0x18400] =	vst v63  }
0xc9: {  	s4 =	sand.u32 $0xFF, s4;
	_ =	swait.ge [sflag:s9], $0x8000  }
0xca: {  	s12 =	sshll.u32 s4, $0xF;
	s5 =	rddreg [dreg:$0x4];
	[sflag:s9] =	ssyncset.done $0x0  }
0xcb: {  	s4 =	sor.u32 $0x400, s12;
	[sflag:s9] =	ssyncadd.s32 $0xFFFF8000;
	s5 =	sadd.s32 $0x0, s5  }
0xcc: {  	[hbm4b:s5+s3] =	stream.linear.scatter [tilespmem:s4], [sflag:$0x2], $0x80, $0x38;
	[tilespmem:$0x18400] =	vst v63  }
0xcd: {  	s25 =	sor.u32 $0x800, s12;
	s14 =	sadd.s32 $0x80, s5  }
0xce: {  	[hbm4b:s14+s3] =	stream.linear.scatter [tilespmem:s25], [sflag:$0x2], $0x80, $0x38;
	[tilespmem:$0x18400] =	vst v63  }
0xcf: {  	s26 =	sor.u32 $0xC00, s12;
	s28 =	sadd.s32 $0x100, s5  }
0xd0: {  	[hbm4b:s28+s3] =	stream.linear.scatter [tilespmem:s26], [sflag:$0x2], $0x80, $0x38;
	[tilespmem:$0x18400] =	vst v63  }
0xd1: {  	s29 =	sor.u32 $0x1000, s12;
	s30 =	sadd.s32 $0x180, s5  }
0xd2: {  	[hbm4b:s30+s3] =	stream.linear.scatter [tilespmem:s29], [sflag:$0x2], $0x80, $0x38;
	[tilespmem:$0x18400] =	vst v63  }
0xd3: {  	s31 =	sor.u32 $0x1400, s12;
	s0 =	sadd.s32 $0x200, s5  }
0xd4: {  	[hbm4b:s0+s3] =	stream.linear.scatter [tilespmem:s31], [sflag:$0x2], $0x80, $0x38;
	[tilespmem:$0x18400] =	vst v63  }
0xd5: {  	s16 =	sadd.s32 $0x280, s5;
	s14 =	sor.u32 $0x1800, s12  }
0xd6: {  	[hbm4b:s16+s3] =	stream.linear.scatter [tilespmem:s14], [sflag:$0x2], $0x80, $0x38;
	[tilespmem:$0x18400] =	vst v63  }
0xd7: {  	s17 =	sor.u32 $0x1C00, s12;
	s15 =	rddreg [dreg:$0x5];
	s18 =	sadd.s32 $0x300, s5  }
0xd8: {  	[hbm4b:s18+s3] =	stream.linear.scatter [tilespmem:s17], [sflag:$0x2], $0x80, $0x38;
	[tilespmem:$0x18400] =	vst v63  }
0xd9: {  	s19 =	sor.u32 $0x2000, s12;
	s5 =	sadd.s32 $0x380, s5;
	s14 =	sadd.s32 $0x0, s15  }
0xda: {  	[hbm4b:s5+s3] =	stream.linear.scatter [tilespmem:s19], [sflag:$0x2], $0x80, $0x38;
	[tilespmem:$0x18400] =	vst v63  }
0xdb: {  	s20 =	sor.u32 $0x480, s12;
	s21 =	sadd.s32 $0x400, s14  }
0xdc: {  	[hbm4b:s21+s3] =	stream.linear.scatter [tilespmem:s20], [sflag:$0x2], $0x80, $0x38;
	[tilespmem:$0x18400] =	vst v63  }
0xdd: {  	s22 =	sor.u32 $0x880, s12;
	s23 =	sadd.s32 $0x480, s14  }
0xde: {  	[hbm4b:s23+s3] =	stream.linear.scatter [tilespmem:s22], [sflag:$0x2], $0x80, $0x38;
	[tilespmem:$0x18400] =	vst v63  }
0xdf: {  	s24 =	sor.u32 $0xC80, s12;
	s25 =	sadd.s32 $0x500, s14  }
0xe0: {  	[hbm4b:s25+s3] =	stream.linear.scatter [tilespmem:s24], [sflag:$0x2], $0x80, $0x38;
	[tilespmem:$0x18400] =	vst v63  }
0xe1: {  	s26 =	sor.u32 $0x1080, s12;
	s28 =	sadd.s32 $0x580, s14  }
0xe2: {  	[hbm4b:s28+s3] =	stream.linear.scatter [tilespmem:s26], [sflag:$0x2], $0x80, $0x38;
	[tilespmem:$0x18400] =	vst v63  }
0xe3: {  	s29 =	sor.u32 $0x1480, s12;
	s30 =	sadd.s32 $0x600, s14  }
0xe4: {  	[hbm4b:s30+s3] =	stream.linear.scatter [tilespmem:s29], [sflag:$0x2], $0x80, $0x38;
	[tilespmem:$0x18400] =	vst v63  }
0xe5: {  	s31 =	sor.u32 $0x1880, s12;
	s0 =	sadd.s32 $0x680, s14  }
0xe6: {  	[hbm4b:s0+s3] =	stream.linear.scatter [tilespmem:s31], [sflag:$0x2], $0x80, $0x38;
	[tilespmem:$0x18400] =	vst v63  }
0xe7: {  	s15 =	sadd.s32 $0x700, s14;
	s5 =	sor.u32 $0x1C80, s12  }
0xe8: {  	[hbm4b:s15+s3] =	stream.linear.scatter [tilespmem:s5], [sflag:$0x2], $0x80, $0x38;
	[tilespmem:$0x18400] =	vst v63  }
0xe9: {  	s16 =	sor.u32 $0x2080, s12;
	s17 =	sadd.s32 $0x780, s14  }
0xea: {  	[hbm4b:s17+s3] =	stream.linear.scatter [tilespmem:s16], [sflag:$0x2], $0x80, $0x38;
	[tilespmem:$0x18400] =	vst v63  }
0xeb: {  	s18 =	sor.u32 $0x500, s12;
	s19 =	sadd.s32 $0x800, s14  }
0xec: {  	[hbm4b:s19+s3] =	stream.linear.scatter [tilespmem:s18], [sflag:$0x2], $0x80, $0x38;
	[tilespmem:$0x18400] =	vst v63  }
0xed: {  	s20 =	sor.u32 $0x900, s12;
	s21 =	sadd.s32 $0x880, s14  }
0xee: {  	[hbm4b:s21+s3] =	stream.linear.scatter [tilespmem:s20], [sflag:$0x2], $0x80, $0x38;
	[tilespmem:$0x18400] =	vst v63  }
0xef: {  	s22 =	sor.u32 $0xD00, s12;
	s23 =	sadd.s32 $0x900, s14  }
0xf0: {  	[hbm4b:s23+s3] =	stream.linear.scatter [tilespmem:s22], [sflag:$0x2], $0x80, $0x38;
	[tilespmem:$0x18400] =	vst v63  }
0xf1: {  	s24 =	sor.u32 $0x1100, s12;
	s25 =	sadd.s32 $0x980, s14  }
0xf2: {  	[hbm4b:s25+s3] =	stream.linear.scatter [tilespmem:s24], [sflag:$0x2], $0x80, $0x38;
	[tilespmem:$0x18400] =	vst v63  }
0xf3: {  	s26 =	sor.u32 $0x1500, s12;
	s28 =	sadd.s32 $0xA00, s14  }
0xf4: {  	[hbm4b:s28+s3] =	stream.linear.scatter [tilespmem:s26], [sflag:$0x2], $0x80, $0x38;
	[tilespmem:$0x18400] =	vst v63  }
0xf5: {  	s29 =	sor.u32 $0x1900, s12;
	s30 =	sadd.s32 $0xA80, s14  }
0xf6: {  	[hbm4b:s30+s3] =	stream.linear.scatter [tilespmem:s29], [sflag:$0x2], $0x80, $0x38;
	[tilespmem:$0x18400] =	vst v63  }
0xf7: {  	s31 =	sor.u32 $0x1D00, s12;
	s0 =	sadd.s32 $0xB00, s14  }
0xf8: {  	[hbm4b:s0+s3] =	stream.linear.scatter [tilespmem:s31], [sflag:$0x2], $0x80, $0x38;
	[tilespmem:$0x18400] =	vst v63  }
0xf9: {  	s5 =	sor.u32 $0x2100, s12;
	s15 =	sadd.s32 $0xB80, s14  }
0xfa: {  	[hbm4b:s15+s3] =	stream.linear.scatter [tilespmem:s5], [sflag:$0x2], $0x80, $0x38;
	[tilespmem:$0x18400] =	vst v63  }
0xfb: {  	s16 =	sor.u32 $0x580, s12;
	s17 =	sadd.s32 $0xC00, s14  }
0xfc: {  	[hbm4b:s17+s3] =	stream.linear.scatter [tilespmem:s16], [sflag:$0x2], $0x80, $0x38;
	[tilespmem:$0x18400] =	vst v63  }
0xfd: {  	s18 =	sor.u32 $0x980, s12;
	s19 =	sadd.s32 $0xC80, s14  }
0xfe: {  	[hbm4b:s19+s3] =	stream.linear.scatter [tilespmem:s18], [sflag:$0x2], $0x80, $0x38;
	[tilespmem:$0x18400] =	vst v63  }
0xff: {  	s20 =	sor.u32 $0xD80, s12;
	s21 =	sadd.s32 $0xD00, s14  }
0x100: {  	[hbm4b:s21+s3] =	stream.linear.scatter [tilespmem:s20], [sflag:$0x2], $0x80, $0x38;
	[tilespmem:$0x18400] =	vst v63  }
0x101: {  	s22 =	sor.u32 $0x1180, s12;
	s23 =	sadd.s32 $0xD80, s14  }
0x102: {  	[hbm4b:s23+s3] =	stream.linear.scatter [tilespmem:s22], [sflag:$0x2], $0x80, $0x38;
	[tilespmem:$0x18400] =	vst v63  }
0x103: {  	s24 =	sor.u32 $0x1580, s12;
	s25 =	sadd.s32 $0xE00, s14  }
0x104: {  	[hbm4b:s25+s3] =	stream.linear.scatter [tilespmem:s24], [sflag:$0x2], $0x80, $0x38;
	[tilespmem:$0x18400] =	vst v63  }
0x105: {  	s26 =	sor.u32 $0x1980, s12;
	s28 =	sadd.s32 $0xE80, s14  }
0x106: {  	[hbm4b:s28+s3] =	stream.linear.scatter [tilespmem:s26], [sflag:$0x2], $0x80, $0x38;
	[tilespmem:$0x18400] =	vst v63  }
0x107: {  	s29 =	sor.u32 $0x1D80, s12;
	s30 =	sadd.s32 $0xF00, s14  }
0x108: {  	[hbm4b:s30+s3] =	stream.linear.scatter [tilespmem:s29], [sflag:$0x2], $0x80, $0x38;
	[tilespmem:$0x18400] =	vst v63  }
0x109: {  	s31 =	sor.u32 $0x2180, s12;
	s0 =	sadd.s32 $0xF80, s14  }
0x10a: {  	[hbm4b:s0+s3] =	stream.linear.scatter [tilespmem:s31], [sflag:$0x2], $0x80, $0x38;
	[tilespmem:$0x18400] =	vst v63  }
0x10b: {  	s5 =	sor.u32 $0x600, s12;
	s15 =	sadd.s32 $0x1000, s14  }
0x10c: {  	[hbm4b:s15+s3] =	stream.linear.scatter [tilespmem:s5], [sflag:$0x2], $0x80, $0x38;
	[tilespmem:$0x18400] =	vst v63  }
0x10d: {  	s16 =	sor.u32 $0xA00, s12;
	s17 =	sadd.s32 $0x1080, s14  }
0x10e: {  	[hbm4b:s17+s3] =	stream.linear.scatter [tilespmem:s16], [sflag:$0x2], $0x80, $0x38;
	[tilespmem:$0x18400] =	vst v63  }
0x10f: {  	s18 =	sor.u32 $0xE00, s12;
	s19 =	sadd.s32 $0x1100, s14  }
0x110: {  	[hbm4b:s19+s3] =	stream.linear.scatter [tilespmem:s18], [sflag:$0x2], $0x80, $0x38;
	[tilespmem:$0x18400] =	vst v63  }
0x111: {  	s20 =	sor.u32 $0x1200, s12;
	s21 =	sadd.s32 $0x1180, s14  }
0x112: {  	[hbm4b:s21+s3] =	stream.linear.scatter [tilespmem:s20], [sflag:$0x2], $0x80, $0x38;
	[tilespmem:$0x18400] =	vst v63  }
0x113: {  	s22 =	sor.u32 $0x1600, s12;
	s23 =	sadd.s32 $0x1200, s14  }
0x114: {  	[hbm4b:s23+s3] =	stream.linear.scatter [tilespmem:s22], [sflag:$0x2], $0x80, $0x38;
	[tilespmem:$0x18400] =	vst v63  }
0x115: {  	s24 =	sor.u32 $0x1A00, s12;
	s25 =	sadd.s32 $0x1280, s14  }
0x116: {  	[hbm4b:s25+s3] =	stream.linear.scatter [tilespmem:s24], [sflag:$0x2], $0x80, $0x38;
	[tilespmem:$0x18400] =	vst v63  }
0x117: {  	s26 =	sor.u32 $0x1E00, s12;
	s28 =	sadd.s32 $0x1300, s14  }
0x118: {  	[hbm4b:s28+s3] =	stream.linear.scatter [tilespmem:s26], [sflag:$0x2], $0x80, $0x38;
	[tilespmem:$0x18400] =	vst v63  }
0x119: {  	s29 =	sor.u32 $0x2200, s12;
	s30 =	sadd.s32 $0x1380, s14  }
0x11a: {  	[hbm4b:s30+s3] =	stream.linear.scatter [tilespmem:s29], [sflag:$0x2], $0x80, $0x38;
	[tilespmem:$0x18400] =	vst v63  }
0x11b: {  	s31 =	sor.u32 $0x680, s12;
	s0 =	sadd.s32 $0x1400, s14  }
0x11c: {  	[hbm4b:s0+s3] =	stream.linear.scatter [tilespmem:s31], [sflag:$0x2], $0x80, $0x38;
	[tilespmem:$0x18400] =	vst v63  }
0x11d: {  	s5 =	sor.u32 $0xA80, s12;
	s15 =	sadd.s32 $0x1480, s14  }
0x11e: {  	[hbm4b:s15+s3] =	stream.linear.scatter [tilespmem:s5], [sflag:$0x2], $0x80, $0x38;
	[tilespmem:$0x18400] =	vst v63  }
0x11f: {  	s16 =	sor.u32 $0xE80, s12;
	s17 =	sadd.s32 $0x1500, s14  }
0x120: {  	[hbm4b:s17+s3] =	stream.linear.scatter [tilespmem:s16], [sflag:$0x2], $0x80, $0x38;
	[tilespmem:$0x18400] =	vst v63  }
0x121: {  	s18 =	sor.u32 $0x1280, s12;
	s19 =	sadd.s32 $0x1580, s14  }
0x122: {  	[hbm4b:s19+s3] =	stream.linear.scatter [tilespmem:s18], [sflag:$0x2], $0x80, $0x38;
	[tilespmem:$0x18400] =	vst v63  }
0x123: {  	s20 =	sor.u32 $0x1680, s12;
	s21 =	sadd.s32 $0x1600, s14  }
0x124: {  	[hbm4b:s21+s3] =	stream.linear.scatter [tilespmem:s20], [sflag:$0x2], $0x80, $0x38;
	[tilespmem:$0x18400] =	vst v63  }
0x125: {  	s22 =	sor.u32 $0x1A80, s12;
	s23 =	sadd.s32 $0x1680, s14  }
0x126: {  	[hbm4b:s23+s3] =	stream.linear.scatter [tilespmem:s22], [sflag:$0x2], $0x80, $0x38;
	[tilespmem:$0x18400] =	vst v63  }
0x127: {  	s24 =	sor.u32 $0x1E80, s12;
	s25 =	sadd.s32 $0x1700, s14  }
0x128: {  	[hbm4b:s25+s3] =	stream.linear.scatter [tilespmem:s24], [sflag:$0x2], $0x80, $0x38;
	[tilespmem:$0x18400] =	vst v63  }
0x129: {  	s26 =	sor.u32 $0x2280, s12;
	s28 =	sadd.s32 $0x1780, s14  }
0x12a: {  	[hbm4b:s28+s3] =	stream.linear.scatter [tilespmem:s26], [sflag:$0x2], $0x80, $0x38;
	[tilespmem:$0x18400] =	vst v63  }
0x12b: {  	s29 =	sor.u32 $0x700, s12;
	s30 =	sadd.s32 $0x1800, s14  }
0x12c: {  	[hbm4b:s30+s3] =	stream.linear.scatter [tilespmem:s29], [sflag:$0x2], $0x80, $0x38;
	[tilespmem:$0x18400] =	vst v63  }
0x12d: {  	s31 =	sor.u32 $0xB00, s12;
	s0 =	sadd.s32 $0x1880, s14  }
0x12e: {  	[hbm4b:s0+s3] =	stream.linear.scatter [tilespmem:s31], [sflag:$0x2], $0x80, $0x38;
	[tilespmem:$0x18400] =	vst v63  }
0x12f: {  	s5 =	sor.u32 $0xF00, s12;
	s15 =	sadd.s32 $0x1900, s14  }
0x130: {  	[hbm4b:s15+s3] =	stream.linear.scatter [tilespmem:s5], [sflag:$0x2], $0x80, $0x38;
	[tilespmem:$0x18400] =	vst v63  }
0x131: {  	s16 =	sor.u32 $0x1300, s12;
	s17 =	sadd.s32 $0x1980, s14  }
0x132: {  	[hbm4b:s17+s3] =	stream.linear.scatter [tilespmem:s16], [sflag:$0x2], $0x80, $0x38;
	[tilespmem:$0x18400] =	vst v63  }
0x133: {  	s18 =	sor.u32 $0x1700, s12;
	s19 =	sadd.s32 $0x1A00, s14  }
0x134: {  	[hbm4b:s19+s3] =	stream.linear.scatter [tilespmem:s18], [sflag:$0x2], $0x80, $0x38;
	[tilespmem:$0x18400] =	vst v63  }
0x135: {  	s20 =	sor.u32 $0x1B00, s12;
	s21 =	sadd.s32 $0x1A80, s14  }
0x136: {  	[hbm4b:s21+s3] =	stream.linear.scatter [tilespmem:s20], [sflag:$0x2], $0x80, $0x38;
	[tilespmem:$0x18400] =	vst v63  }
0x137: {  	s22 =	sor.u32 $0x1F00, s12;
	s23 =	sadd.s32 $0x1B00, s14  }
0x138: {  	[hbm4b:s23+s3] =	stream.linear.scatter [tilespmem:s22], [sflag:$0x2], $0x80, $0x38;
	[tilespmem:$0x18400] =	vst v63  }
0x139: {  	s24 =	sor.u32 $0x2300, s12;
	s25 =	sadd.s32 $0x1B80, s14  }
0x13a: {  	[hbm4b:s25+s3] =	stream.linear.scatter [tilespmem:s24], [sflag:$0x2], $0x80, $0x38;
	[tilespmem:$0x18400] =	vst v63  }
0x13b: {  	s26 =	sor.u32 $0x780, s12;
	s28 =	sadd.s32 $0x1C00, s14  }
0x13c: {  	[hbm4b:s28+s3] =	stream.linear.scatter [tilespmem:s26], [sflag:$0x2], $0x80, $0x38;
	[tilespmem:$0x18400] =	vst v63  }
0x13d: {  	s29 =	sor.u32 $0xB80, s12;
	s30 =	sadd.s32 $0x1C80, s14  }
0x13e: {  	[hbm4b:s30+s3] =	stream.linear.scatter [tilespmem:s29], [sflag:$0x2], $0x80, $0x38;
	[tilespmem:$0x18400] =	vst v63  }
0x13f: {  	s31 =	sor.u32 $0xF80, s12;
	s0 =	sadd.s32 $0x1D00, s14  }
0x140: {  	[hbm4b:s0+s3] =	stream.linear.scatter [tilespmem:s31], [sflag:$0x2], $0x80, $0x38;
	[tilespmem:$0x18400] =	vst v63  }
0x141: {  	s5 =	sor.u32 $0x1380, s12;
	s15 =	sadd.s32 $0x1D80, s14  }
0x142: {  	[hbm4b:s15+s3] =	stream.linear.scatter [tilespmem:s5], [sflag:$0x2], $0x80, $0x38;
	[tilespmem:$0x18400] =	vst v63  }
0x143: {  	s16 =	sor.u32 $0x1780, s12;
	s17 =	sadd.s32 $0x1E00, s14  }
0x144: {  	[hbm4b:s17+s3] =	stream.linear.scatter [tilespmem:s16], [sflag:$0x2], $0x80, $0x38;
	[tilespmem:$0x18400] =	vst v63  }
0x145: {  	s18 =	sor.u32 $0x1B80, s12;
	s19 =	sadd.s32 $0x1E80, s14  }
0x146: {  	[hbm4b:s19+s3] =	stream.linear.scatter [tilespmem:s18], [sflag:$0x2], $0x80, $0x38;
	[tilespmem:$0x18400] =	vst v63  }
0x147: {  	s20 =	sor.u32 $0x1F80, s12;
	s21 =	sadd.s32 $0x1F00, s14  }
0x148: {  	[hbm4b:s21+s3] =	stream.linear.scatter [tilespmem:s20], [sflag:$0x2], $0x80, $0x38;
	[tilespmem:$0x18400] =	vst v63  }
0x149: {  	s22 =	sor.u32 $0x2380, s12;
	s23 =	sadd.s32 $0x1F80, s14  }
0x14a: {  	[hbm4b:s23+s3] =	stream.linear.scatter [tilespmem:s22], [sflag:$0x2], $0x80, $0x38;
	[tilespmem:$0x18400] =	vst v63  }
0x14b: {  	s24 =	sor.u32 $0x2400, s12;
	s25 =	sadd.s32 $0x2000, s14  }
0x14c: {  	[hbm4b:s25+s3] =	stream.linear.scatter [tilespmem:s24], [sflag:$0x2], $0x80, $0x38;
	[tilespmem:$0x18400] =	vst v63  }
0x14d: {  	s26 =	sor.u32 $0x2800, s12;
	s28 =	sadd.s32 $0x2080, s14  }
0x14e: {  	[hbm4b:s28+s3] =	stream.linear.scatter [tilespmem:s26], [sflag:$0x2], $0x80, $0x38;
	[tilespmem:$0x18400] =	vst v63  }
0x14f: {  	s29 =	sor.u32 $0x2C00, s12;
	s30 =	sadd.s32 $0x2100, s14  }
0x150: {  	[hbm4b:s30+s3] =	stream.linear.scatter [tilespmem:s29], [sflag:$0x2], $0x80, $0x38;
	[tilespmem:$0x18400] =	vst v63  }
0x151: {  	s31 =	sor.u32 $0x3000, s12;
	s0 =	sadd.s32 $0x2180, s14  }
0x152: {  	[hbm4b:s0+s3] =	stream.linear.scatter [tilespmem:s31], [sflag:$0x2], $0x80, $0x38;
	[tilespmem:$0x18400] =	vst v63  }
0x153: {  	s5 =	sor.u32 $0x3400, s12;
	s15 =	sadd.s32 $0x2200, s14  }
0x154: {  	[hbm4b:s15+s3] =	stream.linear.scatter [tilespmem:s5], [sflag:$0x2], $0x80, $0x38;
	[tilespmem:$0x18400] =	vst v63  }
0x155: {  	s16 =	sor.u32 $0x3800, s12;
	s17 =	sadd.s32 $0x2280, s14  }
0x156: {  	[hbm4b:s17+s3] =	stream.linear.scatter [tilespmem:s16], [sflag:$0x2], $0x80, $0x38;
	[tilespmem:$0x18400] =	vst v63  }
0x157: {  	s18 =	sor.u32 $0x3C00, s12;
	s19 =	sadd.s32 $0x2300, s14  }
0x158: {  	[hbm4b:s19+s3] =	stream.linear.scatter [tilespmem:s18], [sflag:$0x2], $0x80, $0x38;
	[tilespmem:$0x18400] =	vst v63  }
0x159: {  	s20 =	sor.u32 $0x4000, s12;
	s21 =	sadd.s32 $0x2380, s14  }
0x15a: {  	[hbm4b:s21+s3] =	stream.linear.scatter [tilespmem:s20], [sflag:$0x2], $0x80, $0x38;
	[tilespmem:$0x18400] =	vst v63  }
0x15b: {  	s22 =	sor.u32 $0x2480, s12;
	s23 =	sadd.s32 $0x2400, s14  }
0x15c: {  	[hbm4b:s23+s3] =	stream.linear.scatter [tilespmem:s22], [sflag:$0x2], $0x80, $0x38;
	[tilespmem:$0x18400] =	vst v63  }
0x15d: {  	s24 =	sor.u32 $0x2880, s12;
	s25 =	sadd.s32 $0x2480, s14  }
0x15e: {  	[hbm4b:s25+s3] =	stream.linear.scatter [tilespmem:s24], [sflag:$0x2], $0x80, $0x38;
	[tilespmem:$0x18400] =	vst v63  }
0x15f: {  	s26 =	sor.u32 $0x2C80, s12;
	s28 =	sadd.s32 $0x2500, s14  }
0x160: {  	[hbm4b:s28+s3] =	stream.linear.scatter [tilespmem:s26], [sflag:$0x2], $0x80, $0x38;
	[tilespmem:$0x18400] =	vst v63  }
0x161: {  	s29 =	sor.u32 $0x3080, s12;
	s30 =	sadd.s32 $0x2580, s14  }
0x162: {  	[hbm4b:s30+s3] =	stream.linear.scatter [tilespmem:s29], [sflag:$0x2], $0x80, $0x38;
	[tilespmem:$0x18400] =	vst v63  }
0x163: {  	s31 =	sor.u32 $0x3480, s12;
	s0 =	sadd.s32 $0x2600, s14  }
0x164: {  	[hbm4b:s0+s3] =	stream.linear.scatter [tilespmem:s31], [sflag:$0x2], $0x80, $0x38;
	[tilespmem:$0x18400] =	vst v63  }
0x165: {  	s5 =	sor.u32 $0x3880, s12;
	s15 =	sadd.s32 $0x2680, s14  }
0x166: {  	[hbm4b:s15+s3] =	stream.linear.scatter [tilespmem:s5], [sflag:$0x2], $0x80, $0x38;
	[tilespmem:$0x18400] =	vst v63  }
0x167: {  	s16 =	sor.u32 $0x3C80, s12;
	s17 =	sadd.s32 $0x2700, s14  }
0x168: {  	[hbm4b:s17+s3] =	stream.linear.scatter [tilespmem:s16], [sflag:$0x2], $0x80, $0x38;
	[tilespmem:$0x18400] =	vst v63  }
0x169: {  	s18 =	sor.u32 $0x4080, s12;
	s19 =	sadd.s32 $0x2780, s14  }
0x16a: {  	[hbm4b:s19+s3] =	stream.linear.scatter [tilespmem:s18], [sflag:$0x2], $0x80, $0x38;
	[tilespmem:$0x18400] =	vst v63  }
0x16b: {  	s20 =	sor.u32 $0x2500, s12;
	s21 =	sadd.s32 $0x2800, s14  }
0x16c: {  	[hbm4b:s21+s3] =	stream.linear.scatter [tilespmem:s20], [sflag:$0x2], $0x80, $0x38;
	[tilespmem:$0x18400] =	vst v63  }
0x16d: {  	s22 =	sor.u32 $0x2900, s12;
	s23 =	sadd.s32 $0x2880, s14  }
0x16e: {  	[hbm4b:s23+s3] =	stream.linear.scatter [tilespmem:s22], [sflag:$0x2], $0x80, $0x38;
	[tilespmem:$0x18400] =	vst v63  }
0x16f: {  	s24 =	sor.u32 $0x2D00, s12;
	s25 =	sadd.s32 $0x2900, s14  }
0x170: {  	[hbm4b:s25+s3] =	stream.linear.scatter [tilespmem:s24], [sflag:$0x2], $0x80, $0x38;
	[tilespmem:$0x18400] =	vst v63  }
0x171: {  	s26 =	sor.u32 $0x3100, s12;
	s28 =	sadd.s32 $0x2980, s14  }
0x172: {  	[hbm4b:s28+s3] =	stream.linear.scatter [tilespmem:s26], [sflag:$0x2], $0x80, $0x38;
	[tilespmem:$0x18400] =	vst v63  }
0x173: {  	s29 =	sor.u32 $0x3500, s12;
	s30 =	sadd.s32 $0x2A00, s14  }
0x174: {  	[hbm4b:s30+s3] =	stream.linear.scatter [tilespmem:s29], [sflag:$0x2], $0x80, $0x38;
	[tilespmem:$0x18400] =	vst v63  }
0x175: {  	s31 =	sor.u32 $0x3900, s12;
	s0 =	sadd.s32 $0x2A80, s14  }
0x176: {  	[hbm4b:s0+s3] =	stream.linear.scatter [tilespmem:s31], [sflag:$0x2], $0x80, $0x38;
	[tilespmem:$0x18400] =	vst v63  }
0x177: {  	s5 =	sor.u32 $0x3D00, s12;
	s15 =	sadd.s32 $0x2B00, s14  }
0x178: {  	[hbm4b:s15+s3] =	stream.linear.scatter [tilespmem:s5], [sflag:$0x2], $0x80, $0x38;
	[tilespmem:$0x18400] =	vst v63  }
0x179: {  	s16 =	sor.u32 $0x4100, s12;
	s17 =	sadd.s32 $0x2B80, s14  }
0x17a: {  	[hbm4b:s17+s3] =	stream.linear.scatter [tilespmem:s16], [sflag:$0x2], $0x80, $0x38;
	[tilespmem:$0x18400] =	vst v63  }
0x17b: {  	s18 =	sor.u32 $0x2580, s12;
	s19 =	sadd.s32 $0x2C00, s14  }
0x17c: {  	[hbm4b:s19+s3] =	stream.linear.scatter [tilespmem:s18], [sflag:$0x2], $0x80, $0x38;
	[tilespmem:$0x18400] =	vst v63  }
0x17d: {  	s20 =	sor.u32 $0x2980, s12;
	s21 =	sadd.s32 $0x2C80, s14  }
0x17e: {  	[hbm4b:s21+s3] =	stream.linear.scatter [tilespmem:s20], [sflag:$0x2], $0x80, $0x38;
	[tilespmem:$0x18400] =	vst v63  }
0x17f: {  	s22 =	sor.u32 $0x2D80, s12;
	s23 =	sadd.s32 $0x2D00, s14  }
0x180: {  	[hbm4b:s23+s3] =	stream.linear.scatter [tilespmem:s22], [sflag:$0x2], $0x80, $0x38;
	[tilespmem:$0x18400] =	vst v63  }
0x181: {  	s24 =	sor.u32 $0x3180, s12;
	s25 =	sadd.s32 $0x2D80, s14  }
0x182: {  	[hbm4b:s25+s3] =	stream.linear.scatter [tilespmem:s24], [sflag:$0x2], $0x80, $0x38;
	[tilespmem:$0x18400] =	vst v63  }
0x183: {  	s26 =	sor.u32 $0x3580, s12;
	s28 =	sadd.s32 $0x2E00, s14  }
0x184: {  	[hbm4b:s28+s3] =	stream.linear.scatter [tilespmem:s26], [sflag:$0x2], $0x80, $0x38;
	[tilespmem:$0x18400] =	vst v63  }
0x185: {  	s29 =	sor.u32 $0x3980, s12;
	s30 =	sadd.s32 $0x2E80, s14  }
0x186: {  	[hbm4b:s30+s3] =	stream.linear.scatter [tilespmem:s29], [sflag:$0x2], $0x80, $0x38;
	[tilespmem:$0x18400] =	vst v63  }
0x187: {  	s31 =	sor.u32 $0x3D80, s12;
	s0 =	sadd.s32 $0x2F00, s14  }
0x188: {  	[hbm4b:s0+s3] =	stream.linear.scatter [tilespmem:s31], [sflag:$0x2], $0x80, $0x38;
	[tilespmem:$0x18400] =	vst v63  }
0x189: {  	s5 =	sor.u32 $0x4180, s12;
	s15 =	sadd.s32 $0x2F80, s14  }
0x18a: {  	[hbm4b:s15+s3] =	stream.linear.scatter [tilespmem:s5], [sflag:$0x2], $0x80, $0x38;
	[tilespmem:$0x18400] =	vst v63  }
0x18b: {  	s16 =	sor.u32 $0x2600, s12;
	s17 =	sadd.s32 $0x3000, s14  }
0x18c: {  	[hbm4b:s17+s3] =	stream.linear.scatter [tilespmem:s16], [sflag:$0x2], $0x80, $0x38;
	[tilespmem:$0x18400] =	vst v63  }
0x18d: {  	s18 =	sor.u32 $0x2A00, s12;
	s19 =	sadd.s32 $0x3080, s14  }
0x18e: {  	[hbm4b:s19+s3] =	stream.linear.scatter [tilespmem:s18], [sflag:$0x2], $0x80, $0x38;
	[tilespmem:$0x18400] =	vst v63  }
0x18f: {  	s20 =	sor.u32 $0x2E00, s12;
	s21 =	sadd.s32 $0x3100, s14  }
0x190: {  	[hbm4b:s21+s3] =	stream.linear.scatter [tilespmem:s20], [sflag:$0x2], $0x80, $0x38;
	[tilespmem:$0x18400] =	vst v63  }
0x191: {  	s22 =	sor.u32 $0x3200, s12;
	s23 =	sadd.s32 $0x3180, s14  }
0x192: {  	[hbm4b:s23+s3] =	stream.linear.scatter [tilespmem:s22], [sflag:$0x2], $0x80, $0x38;
	[tilespmem:$0x18400] =	vst v63  }
0x193: {  	s24 =	sor.u32 $0x3600, s12;
	s25 =	sadd.s32 $0x3200, s14  }
0x194: {  	[hbm4b:s25+s3] =	stream.linear.scatter [tilespmem:s24], [sflag:$0x2], $0x80, $0x38;
	[tilespmem:$0x18400] =	vst v63  }
0x195: {  	s26 =	sor.u32 $0x3A00, s12;
	s28 =	sadd.s32 $0x3280, s14  }
0x196: {  	[hbm4b:s28+s3] =	stream.linear.scatter [tilespmem:s26], [sflag:$0x2], $0x80, $0x38;
	[tilespmem:$0x18400] =	vst v63  }
0x197: {  	s29 =	sor.u32 $0x3E00, s12;
	s30 =	sadd.s32 $0x3300, s14  }
0x198: {  	[hbm4b:s30+s3] =	stream.linear.scatter [tilespmem:s29], [sflag:$0x2], $0x80, $0x38;
	[tilespmem:$0x18400] =	vst v63  }
0x199: {  	s31 =	sor.u32 $0x4200, s12;
	s0 =	sadd.s32 $0x3380, s14  }
0x19a: {  	[hbm4b:s0+s3] =	stream.linear.scatter [tilespmem:s31], [sflag:$0x2], $0x80, $0x38;
	[tilespmem:$0x18400] =	vst v63  }
0x19b: {  	s5 =	sor.u32 $0x2680, s12;
	s15 =	sadd.s32 $0x3400, s14  }
0x19c: {  	[hbm4b:s15+s3] =	stream.linear.scatter [tilespmem:s5], [sflag:$0x2], $0x80, $0x38;
	[tilespmem:$0x18400] =	vst v63  }
0x19d: {  	s16 =	sor.u32 $0x2A80, s12;
	s17 =	sadd.s32 $0x3480, s14  }
0x19e: {  	[hbm4b:s17+s3] =	stream.linear.scatter [tilespmem:s16], [sflag:$0x2], $0x80, $0x38;
	[tilespmem:$0x18400] =	vst v63  }
0x19f: {  	s18 =	sor.u32 $0x2E80, s12;
	s19 =	sadd.s32 $0x3500, s14  }
0x1a0: {  	[hbm4b:s19+s3] =	stream.linear.scatter [tilespmem:s18], [sflag:$0x2], $0x80, $0x38;
	[tilespmem:$0x18400] =	vst v63  }
0x1a1: {  	s20 =	sor.u32 $0x3280, s12;
	s21 =	sadd.s32 $0x3580, s14  }
0x1a2: {  	[hbm4b:s21+s3] =	stream.linear.scatter [tilespmem:s20], [sflag:$0x2], $0x80, $0x38;
	[tilespmem:$0x18400] =	vst v63  }
0x1a3: {  	s22 =	sor.u32 $0x3680, s12;
	s23 =	sadd.s32 $0x3600, s14  }
0x1a4: {  	[hbm4b:s23+s3] =	stream.linear.scatter [tilespmem:s22], [sflag:$0x2], $0x80, $0x38;
	[tilespmem:$0x18400] =	vst v63  }
0x1a5: {  	s24 =	sor.u32 $0x3A80, s12;
	s25 =	sadd.s32 $0x3680, s14  }
0x1a6: {  	[hbm4b:s25+s3] =	stream.linear.scatter [tilespmem:s24], [sflag:$0x2], $0x80, $0x38;
	[tilespmem:$0x18400] =	vst v63  }
0x1a7: {  	s26 =	sor.u32 $0x3E80, s12;
	s28 =	sadd.s32 $0x3700, s14  }
0x1a8: {  	[hbm4b:s28+s3] =	stream.linear.scatter [tilespmem:s26], [sflag:$0x2], $0x80, $0x38;
	[tilespmem:$0x18400] =	vst v63  }
0x1a9: {  	s29 =	sor.u32 $0x4280, s12;
	s30 =	sadd.s32 $0x3780, s14  }
0x1aa: {  	[hbm4b:s30+s3] =	stream.linear.scatter [tilespmem:s29], [sflag:$0x2], $0x80, $0x38;
	[tilespmem:$0x18400] =	vst v63  }
0x1ab: {  	s31 =	sor.u32 $0x2700, s12;
	s0 =	sadd.s32 $0x3800, s14  }
0x1ac: {  	[hbm4b:s0+s3] =	stream.linear.scatter [tilespmem:s31], [sflag:$0x2], $0x80, $0x38;
	[tilespmem:$0x18400] =	vst v63  }
0x1ad: {  	s5 =	sor.u32 $0x2B00, s12;
	s15 =	sadd.s32 $0x3880, s14  }
0x1ae: {  	[hbm4b:s15+s3] =	stream.linear.scatter [tilespmem:s5], [sflag:$0x2], $0x80, $0x38;
	[tilespmem:$0x18400] =	vst v63  }
0x1af: {  	s16 =	sor.u32 $0x2F00, s12;
	s17 =	sadd.s32 $0x3900, s14  }
0x1b0: {  	[hbm4b:s17+s3] =	stream.linear.scatter [tilespmem:s16], [sflag:$0x2], $0x80, $0x38;
	[tilespmem:$0x18400] =	vst v63  }
0x1b1: {  	s18 =	sor.u32 $0x3300, s12;
	s19 =	sadd.s32 $0x3980, s14  }
0x1b2: {  	[hbm4b:s19+s3] =	stream.linear.scatter [tilespmem:s18], [sflag:$0x2], $0x80, $0x38;
	[tilespmem:$0x18400] =	vst v63  }
0x1b3: {  	s20 =	sor.u32 $0x3700, s12;
	s21 =	sadd.s32 $0x3A00, s14  }
0x1b4: {  	[hbm4b:s21+s3] =	stream.linear.scatter [tilespmem:s20], [sflag:$0x2], $0x80, $0x38;
	[tilespmem:$0x18400] =	vst v63  }
0x1b5: {  	s22 =	sor.u32 $0x3B00, s12;
	s23 =	sadd.s32 $0x3A80, s14  }
0x1b6: {  	[hbm4b:s23+s3] =	stream.linear.scatter [tilespmem:s22], [sflag:$0x2], $0x80, $0x38;
	[tilespmem:$0x18400] =	vst v63  }
0x1b7: {  	s24 =	sor.u32 $0x3F00, s12;
	s25 =	sadd.s32 $0x3B00, s14  }
0x1b8: {  	[hbm4b:s25+s3] =	stream.linear.scatter [tilespmem:s24], [sflag:$0x2], $0x80, $0x38;
	[tilespmem:$0x18400] =	vst v63  }
0x1b9: {  	s26 =	sor.u32 $0x4300, s12;
	s28 =	sadd.s32 $0x3B80, s14  }
0x1ba: {  	[hbm4b:s28+s3] =	stream.linear.scatter [tilespmem:s26], [sflag:$0x2], $0x80, $0x38;
	[tilespmem:$0x18400] =	vst v63  }
0x1bb: {  	s29 =	sor.u32 $0x2780, s12;
	s30 =	sadd.s32 $0x3C00, s14  }
0x1bc: {  	[hbm4b:s30+s3] =	stream.linear.scatter [tilespmem:s29], [sflag:$0x2], $0x80, $0x38;
	[tilespmem:$0x18400] =	vst v63  }
0x1bd: {  	s31 =	sor.u32 $0x2B80, s12;
	s0 =	sadd.s32 $0x3C80, s14  }
0x1be: {  	[hbm4b:s0+s3] =	stream.linear.scatter [tilespmem:s31], [sflag:$0x2], $0x80, $0x38;
	[tilespmem:$0x18400] =	vst v63  }
0x1bf: {  	s5 =	sor.u32 $0x2F80, s12;
	s15 =	sadd.s32 $0x3D00, s14  }
0x1c0: {  	[hbm4b:s15+s3] =	stream.linear.scatter [tilespmem:s5], [sflag:$0x2], $0x80, $0x38;
	[tilespmem:$0x18400] =	vst v63  }
0x1c1: {  	s16 =	sor.u32 $0x3380, s12;
	s17 =	sadd.s32 $0x3D80, s14  }
0x1c2: {  	[hbm4b:s17+s3] =	stream.linear.scatter [tilespmem:s16], [sflag:$0x2], $0x80, $0x38;
	[tilespmem:$0x18400] =	vst v63  }
0x1c3: {  	s18 =	sor.u32 $0x3780, s12;
	s19 =	sadd.s32 $0x3E00, s14  }
0x1c4: {  	[hbm4b:s19+s3] =	stream.linear.scatter [tilespmem:s18], [sflag:$0x2], $0x80, $0x38;
	[tilespmem:$0x18400] =	vst v63  }
0x1c5: {  	s20 =	sor.u32 $0x3B80, s12;
	s21 =	sadd.s32 $0x3E80, s14  }
0x1c6: {  	[hbm4b:s21+s3] =	stream.linear.scatter [tilespmem:s20], [sflag:$0x2], $0x80, $0x38;
	[tilespmem:$0x18400] =	vst v63  }
0x1c7: {  	s22 =	sor.u32 $0x3F80, s12;
	s23 =	sadd.s32 $0x3F00, s14  }
0x1c8: {  	[hbm4b:s23+s3] =	stream.linear.scatter [tilespmem:s22], [sflag:$0x2], $0x80, $0x38;
	[tilespmem:$0x18400] =	vst v63  }
0x1c9: {  	s24 =	sor.u32 $0x4380, s12;
	s25 =	sadd.s32 $0x3F80, s14  }
0x1ca: {  	[hbm4b:s25+s3] =	stream.linear.scatter [tilespmem:s24], [sflag:$0x2], $0x80, $0x38;
	[tilespmem:$0x18400] =	vst v63  }
0x1cb: {  	s26 =	sor.u32 $0x4400, s12;
	s28 =	sadd.s32 $0x4000, s14  }
0x1cc: {  	[hbm4b:s28+s3] =	stream.linear.scatter [tilespmem:s26], [sflag:$0x2], $0x80, $0x38;
	[tilespmem:$0x18400] =	vst v63  }
0x1cd: {  	s29 =	sor.u32 $0x4800, s12;
	s30 =	sadd.s32 $0x4080, s14  }
0x1ce: {  	[hbm4b:s30+s3] =	stream.linear.scatter [tilespmem:s29], [sflag:$0x2], $0x80, $0x38;
	[tilespmem:$0x18400] =	vst v63  }
0x1cf: {  	s31 =	sor.u32 $0x4C00, s12;
	s0 =	sadd.s32 $0x4100, s14  }
0x1d0: {  	[hbm4b:s0+s3] =	stream.linear.scatter [tilespmem:s31], [sflag:$0x2], $0x80, $0x38;
	[tilespmem:$0x18400] =	vst v63  }
0x1d1: {  	s5 =	sor.u32 $0x5000, s12;
	s15 =	sadd.s32 $0x4180, s14  }
0x1d2: {  	[hbm4b:s15+s3] =	stream.linear.scatter [tilespmem:s5], [sflag:$0x2], $0x80, $0x38;
	[tilespmem:$0x18400] =	vst v63  }
0x1d3: {  	s16 =	sor.u32 $0x5400, s12;
	s17 =	sadd.s32 $0x4200, s14  }
0x1d4: {  	[hbm4b:s17+s3] =	stream.linear.scatter [tilespmem:s16], [sflag:$0x2], $0x80, $0x38;
	[tilespmem:$0x18400] =	vst v63  }
0x1d5: {  	s18 =	sor.u32 $0x5800, s12;
	s19 =	sadd.s32 $0x4280, s14  }
0x1d6: {  	[hbm4b:s19+s3] =	stream.linear.scatter [tilespmem:s18], [sflag:$0x2], $0x80, $0x38;
	[tilespmem:$0x18400] =	vst v63  }
0x1d7: {  	s20 =	sor.u32 $0x5C00, s12;
	s21 =	sadd.s32 $0x4300, s14  }
0x1d8: {  	[hbm4b:s21+s3] =	stream.linear.scatter [tilespmem:s20], [sflag:$0x2], $0x80, $0x38;
	[tilespmem:$0x18400] =	vst v63  }
0x1d9: {  	s22 =	sor.u32 $0x6000, s12;
	s23 =	sadd.s32 $0x4380, s14  }
0x1da: {  	[hbm4b:s23+s3] =	stream.linear.scatter [tilespmem:s22], [sflag:$0x2], $0x80, $0x38;
	[tilespmem:$0x18400] =	vst v63  }
0x1db: {  	s24 =	sor.u32 $0x4480, s12;
	s25 =	sadd.s32 $0x4400, s14  }
0x1dc: {  	[hbm4b:s25+s3] =	stream.linear.scatter [tilespmem:s24], [sflag:$0x2], $0x80, $0x38;
	[tilespmem:$0x18400] =	vst v63  }
0x1dd: {  	s26 =	sor.u32 $0x4880, s12;
	s28 =	sadd.s32 $0x4480, s14  }
0x1de: {  	[hbm4b:s28+s3] =	stream.linear.scatter [tilespmem:s26], [sflag:$0x2], $0x80, $0x38;
	[tilespmem:$0x18400] =	vst v63  }
0x1df: {  	s29 =	sor.u32 $0x4C80, s12;
	s30 =	sadd.s32 $0x4500, s14  }
0x1e0: {  	[hbm4b:s30+s3] =	stream.linear.scatter [tilespmem:s29], [sflag:$0x2], $0x80, $0x38;
	[tilespmem:$0x18400] =	vst v63  }
0x1e1: {  	s31 =	sor.u32 $0x5080, s12;
	s0 =	sadd.s32 $0x4580, s14  }
0x1e2: {  	[hbm4b:s0+s3] =	stream.linear.scatter [tilespmem:s31], [sflag:$0x2], $0x80, $0x38;
	[tilespmem:$0x18400] =	vst v63  }
0x1e3: {  	s5 =	sor.u32 $0x5480, s12;
	s15 =	sadd.s32 $0x4600, s14  }
0x1e4: {  	[hbm4b:s15+s3] =	stream.linear.scatter [tilespmem:s5], [sflag:$0x2], $0x80, $0x38;
	[tilespmem:$0x18400] =	vst v63  }
0x1e5: {  	s16 =	sor.u32 $0x5880, s12;
	s17 =	sadd.s32 $0x4680, s14  }
0x1e6: {  	[hbm4b:s17+s3] =	stream.linear.scatter [tilespmem:s16], [sflag:$0x2], $0x80, $0x38;
	[tilespmem:$0x18400] =	vst v63  }
0x1e7: {  	s18 =	sor.u32 $0x5C80, s12;
	s19 =	sadd.s32 $0x4700, s14  }
0x1e8: {  	[hbm4b:s19+s3] =	stream.linear.scatter [tilespmem:s18], [sflag:$0x2], $0x80, $0x38;
	[tilespmem:$0x18400] =	vst v63  }
0x1e9: {  	s20 =	sor.u32 $0x6080, s12;
	s21 =	sadd.s32 $0x4780, s14  }
0x1ea: {  	[hbm4b:s21+s3] =	stream.linear.scatter [tilespmem:s20], [sflag:$0x2], $0x80, $0x38;
	[tilespmem:$0x18400] =	vst v63  }
0x1eb: {  	s22 =	sor.u32 $0x4500, s12;
	s23 =	sadd.s32 $0x4800, s14  }
0x1ec: {  	[hbm4b:s23+s3] =	stream.linear.scatter [tilespmem:s22], [sflag:$0x2], $0x80, $0x38;
	[tilespmem:$0x18400] =	vst v63  }
0x1ed: {  	s24 =	sor.u32 $0x4900, s12;
	s25 =	sadd.s32 $0x4880, s14  }
0x1ee: {  	[hbm4b:s25+s3] =	stream.linear.scatter [tilespmem:s24], [sflag:$0x2], $0x80, $0x38;
	[tilespmem:$0x18400] =	vst v63  }
0x1ef: {  	s26 =	sor.u32 $0x4D00, s12;
	s28 =	sadd.s32 $0x4900, s14  }
0x1f0: {  	[hbm4b:s28+s3] =	stream.linear.scatter [tilespmem:s26], [sflag:$0x2], $0x80, $0x38;
	[tilespmem:$0x18400] =	vst v63  }
0x1f1: {  	s29 =	sor.u32 $0x5100, s12;
	s30 =	sadd.s32 $0x4980, s14  }
0x1f2: {  	[hbm4b:s30+s3] =	stream.linear.scatter [tilespmem:s29], [sflag:$0x2], $0x80, $0x38;
	[tilespmem:$0x18400] =	vst v63  }
0x1f3: {  	s31 =	sor.u32 $0x5500, s12;
	s0 =	sadd.s32 $0x4A00, s14  }
0x1f4: {  	[hbm4b:s0+s3] =	stream.linear.scatter [tilespmem:s31], [sflag:$0x2], $0x80, $0x38;
	[tilespmem:$0x18400] =	vst v63  }
0x1f5: {  	s5 =	sor.u32 $0x5900, s12;
	s15 =	sadd.s32 $0x4A80, s14  }
0x1f6: {  	[hbm4b:s15+s3] =	stream.linear.scatter [tilespmem:s5], [sflag:$0x2], $0x80, $0x38;
	[tilespmem:$0x18400] =	vst v63  }
0x1f7: {  	s16 =	sor.u32 $0x5D00, s12;
	s17 =	sadd.s32 $0x4B00, s14  }
0x1f8: {  	[hbm4b:s17+s3] =	stream.linear.scatter [tilespmem:s16], [sflag:$0x2], $0x80, $0x38;
	[tilespmem:$0x18400] =	vst v63  }
0x1f9: {  	s18 =	sor.u32 $0x6100, s12;
	s19 =	sadd.s32 $0x4B80, s14  }
0x1fa: {  	[hbm4b:s19+s3] =	stream.linear.scatter [tilespmem:s18], [sflag:$0x2], $0x80, $0x38;
	[tilespmem:$0x18400] =	vst v63  }
0x1fb: {  	s20 =	sor.u32 $0x4580, s12;
	s21 =	sadd.s32 $0x4C00, s14  }
0x1fc: {  	[hbm4b:s21+s3] =	stream.linear.scatter [tilespmem:s20], [sflag:$0x2], $0x80, $0x38;
	[tilespmem:$0x18400] =	vst v63  }
0x1fd: {  	s22 =	sor.u32 $0x4980, s12;
	s23 =	sadd.s32 $0x4C80, s14  }
0x1fe: {  	[hbm4b:s23+s3] =	stream.linear.scatter [tilespmem:s22], [sflag:$0x2], $0x80, $0x38;
	[tilespmem:$0x18400] =	vst v63  }
0x1ff: {  	s24 =	sor.u32 $0x4D80, s12;
	s25 =	sadd.s32 $0x4D00, s14  }
0x200: {  	[hbm4b:s25+s3] =	stream.linear.scatter [tilespmem:s24], [sflag:$0x2], $0x80, $0x38;
	[tilespmem:$0x18400] =	vst v63  }
0x201: {  	s26 =	sor.u32 $0x5180, s12;
	s28 =	sadd.s32 $0x4D80, s14  }
0x202: {  	[hbm4b:s28+s3] =	stream.linear.scatter [tilespmem:s26], [sflag:$0x2], $0x80, $0x38;
	[tilespmem:$0x18400] =	vst v63  }
0x203: {  	s29 =	sor.u32 $0x5580, s12;
	s30 =	sadd.s32 $0x4E00, s14  }
0x204: {  	[hbm4b:s30+s3] =	stream.linear.scatter [tilespmem:s29], [sflag:$0x2], $0x80, $0x38;
	[tilespmem:$0x18400] =	vst v63  }
0x205: {  	s31 =	sor.u32 $0x5980, s12;
	s0 =	sadd.s32 $0x4E80, s14  }
0x206: {  	[hbm4b:s0+s3] =	stream.linear.scatter [tilespmem:s31], [sflag:$0x2], $0x80, $0x38;
	[tilespmem:$0x18400] =	vst v63  }
0x207: {  	s5 =	sor.u32 $0x5D80, s12;
	s15 =	sadd.s32 $0x4F00, s14  }
0x208: {  	[hbm4b:s15+s3] =	stream.linear.scatter [tilespmem:s5], [sflag:$0x2], $0x80, $0x38;
	[tilespmem:$0x18400] =	vst v63  }
0x209: {  	s16 =	sor.u32 $0x6180, s12;
	s17 =	sadd.s32 $0x4F80, s14  }
0x20a: {  	[hbm4b:s17+s3] =	stream.linear.scatter [tilespmem:s16], [sflag:$0x2], $0x80, $0x38;
	[tilespmem:$0x18400] =	vst v63  }
0x20b: {  	s18 =	sor.u32 $0x4600, s12;
	s19 =	sadd.s32 $0x5000, s14  }
0x20c: {  	[hbm4b:s19+s3] =	stream.linear.scatter [tilespmem:s18], [sflag:$0x2], $0x80, $0x38;
	[tilespmem:$0x18400] =	vst v63  }
0x20d: {  	s20 =	sor.u32 $0x4A00, s12;
	s21 =	sadd.s32 $0x5080, s14  }
0x20e: {  	[hbm4b:s21+s3] =	stream.linear.scatter [tilespmem:s20], [sflag:$0x2], $0x80, $0x38;
	[tilespmem:$0x18400] =	vst v63  }
0x20f: {  	s22 =	sor.u32 $0x4E00, s12;
	s23 =	sadd.s32 $0x5100, s14  }
0x210: {  	[hbm4b:s23+s3] =	stream.linear.scatter [tilespmem:s22], [sflag:$0x2], $0x80, $0x38;
	[tilespmem:$0x18400] =	vst v63  }
0x211: {  	s24 =	sor.u32 $0x5200, s12;
	s25 =	sadd.s32 $0x5180, s14  }
0x212: {  	[hbm4b:s25+s3] =	stream.linear.scatter [tilespmem:s24], [sflag:$0x2], $0x80, $0x38;
	[tilespmem:$0x18400] =	vst v63  }
0x213: {  	s26 =	sor.u32 $0x5600, s12;
	s28 =	sadd.s32 $0x5200, s14  }
0x214: {  	[hbm4b:s28+s3] =	stream.linear.scatter [tilespmem:s26], [sflag:$0x2], $0x80, $0x38;
	[tilespmem:$0x18400] =	vst v63  }
0x215: {  	s29 =	sor.u32 $0x5A00, s12;
	s30 =	sadd.s32 $0x5280, s14  }
0x216: {  	[hbm4b:s30+s3] =	stream.linear.scatter [tilespmem:s29], [sflag:$0x2], $0x80, $0x38;
	[tilespmem:$0x18400] =	vst v63  }
0x217: {  	s31 =	sor.u32 $0x5E00, s12;
	s0 =	sadd.s32 $0x5300, s14  }
0x218: {  	[hbm4b:s0+s3] =	stream.linear.scatter [tilespmem:s31], [sflag:$0x2], $0x80, $0x38;
	[tilespmem:$0x18400] =	vst v63  }
0x219: {  	s5 =	sor.u32 $0x6200, s12;
	s15 =	sadd.s32 $0x5380, s14  }
0x21a: {  	[hbm4b:s15+s3] =	stream.linear.scatter [tilespmem:s5], [sflag:$0x2], $0x80, $0x38;
	[tilespmem:$0x18400] =	vst v63  }
0x21b: {  	s16 =	sor.u32 $0x4680, s12;
	s17 =	sadd.s32 $0x5400, s14  }
0x21c: {  	[hbm4b:s17+s3] =	stream.linear.scatter [tilespmem:s16], [sflag:$0x2], $0x80, $0x38;
	[tilespmem:$0x18400] =	vst v63  }
0x21d: {  	s18 =	sor.u32 $0x4A80, s12;
	s19 =	sadd.s32 $0x5480, s14  }
0x21e: {  	[hbm4b:s19+s3] =	stream.linear.scatter [tilespmem:s18], [sflag:$0x2], $0x80, $0x38;
	[tilespmem:$0x18400] =	vst v63  }
0x21f: {  	s20 =	sor.u32 $0x4E80, s12;
	s21 =	sadd.s32 $0x5500, s14  }
0x220: {  	[hbm4b:s21+s3] =	stream.linear.scatter [tilespmem:s20], [sflag:$0x2], $0x80, $0x38;
	[tilespmem:$0x18400] =	vst v63  }
0x221: {  	s22 =	sor.u32 $0x5280, s12;
	s23 =	sadd.s32 $0x5580, s14  }
0x222: {  	[hbm4b:s23+s3] =	stream.linear.scatter [tilespmem:s22], [sflag:$0x2], $0x80, $0x38;
	[tilespmem:$0x18400] =	vst v63  }
0x223: {  	s24 =	sor.u32 $0x5680, s12;
	s25 =	sadd.s32 $0x5600, s14  }
0x224: {  	[hbm4b:s25+s3] =	stream.linear.scatter [tilespmem:s24], [sflag:$0x2], $0x80, $0x38;
	[tilespmem:$0x18400] =	vst v63  }
0x225: {  	s26 =	sor.u32 $0x5A80, s12;
	s28 =	sadd.s32 $0x5680, s14  }
0x226: {  	[hbm4b:s28+s3] =	stream.linear.scatter [tilespmem:s26], [sflag:$0x2], $0x80, $0x38;
	[tilespmem:$0x18400] =	vst v63  }
0x227: {  	s29 =	sor.u32 $0x5E80, s12;
	s30 =	sadd.s32 $0x5700, s14  }
0x228: {  	[hbm4b:s30+s3] =	stream.linear.scatter [tilespmem:s29], [sflag:$0x2], $0x80, $0x38;
	[tilespmem:$0x18400] =	vst v63  }
0x229: {  	s31 =	sor.u32 $0x6280, s12;
	s0 =	sadd.s32 $0x5780, s14  }
0x22a: {  	[hbm4b:s0+s3] =	stream.linear.scatter [tilespmem:s31], [sflag:$0x2], $0x80, $0x38;
	[tilespmem:$0x18400] =	vst v63  }
0x22b: {  	s5 =	sor.u32 $0x4700, s12;
	s15 =	sadd.s32 $0x5800, s14  }
0x22c: {  	[hbm4b:s15+s3] =	stream.linear.scatter [tilespmem:s5], [sflag:$0x2], $0x80, $0x38;
	[tilespmem:$0x18400] =	vst v63  }
0x22d: {  	s16 =	sor.u32 $0x4B00, s12;
	s17 =	sadd.s32 $0x5880, s14  }
0x22e: {  	[hbm4b:s17+s3] =	stream.linear.scatter [tilespmem:s16], [sflag:$0x2], $0x80, $0x38;
	[tilespmem:$0x18400] =	vst v63  }
0x22f: {  	s18 =	sor.u32 $0x4F00, s12;
	s19 =	sadd.s32 $0x5900, s14  }
0x230: {  	[hbm4b:s19+s3] =	stream.linear.scatter [tilespmem:s18], [sflag:$0x2], $0x80, $0x38;
	[tilespmem:$0x18400] =	vst v63  }
0x231: {  	s20 =	sor.u32 $0x5300, s12;
	s21 =	sadd.s32 $0x5980, s14  }
0x232: {  	[hbm4b:s21+s3] =	stream.linear.scatter [tilespmem:s20], [sflag:$0x2], $0x80, $0x38;
	[tilespmem:$0x18400] =	vst v63  }
0x233: {  	s22 =	sor.u32 $0x5700, s12;
	s23 =	sadd.s32 $0x5A00, s14  }
0x234: {  	[hbm4b:s23+s3] =	stream.linear.scatter [tilespmem:s22], [sflag:$0x2], $0x80, $0x38;
	[tilespmem:$0x18400] =	vst v63  }
0x235: {  	s24 =	sor.u32 $0x5B00, s12;
	s25 =	sadd.s32 $0x5A80, s14  }
0x236: {  	[hbm4b:s25+s3] =	stream.linear.scatter [tilespmem:s24], [sflag:$0x2], $0x80, $0x38;
	[tilespmem:$0x18400] =	vst v63  }
0x237: {  	s26 =	sor.u32 $0x5F00, s12;
	s28 =	sadd.s32 $0x5B00, s14  }
0x238: {  	[hbm4b:s28+s3] =	stream.linear.scatter [tilespmem:s26], [sflag:$0x2], $0x80, $0x38;
	[tilespmem:$0x18400] =	vst v63  }
0x239: {  	s29 =	sor.u32 $0x6300, s12;
	s30 =	sadd.s32 $0x5B80, s14  }
0x23a: {  	[hbm4b:s30+s3] =	stream.linear.scatter [tilespmem:s29], [sflag:$0x2], $0x80, $0x38;
	[tilespmem:$0x18400] =	vst v63  }
0x23b: {  	s31 =	sor.u32 $0x4780, s12;
	s0 =	sadd.s32 $0x5C00, s14  }
0x23c: {  	[hbm4b:s0+s3] =	stream.linear.scatter [tilespmem:s31], [sflag:$0x2], $0x80, $0x38;
	[tilespmem:$0x18400] =	vst v63  }
0x23d: {  	s5 =	sor.u32 $0x4B80, s12;
	s15 =	sadd.s32 $0x5C80, s14  }
0x23e: {  	[hbm4b:s15+s3] =	stream.linear.scatter [tilespmem:s5], [sflag:$0x2], $0x80, $0x38;
	[tilespmem:$0x18400] =	vst v63  }
0x23f: {  	s16 =	sor.u32 $0x4F80, s12;
	s17 =	sadd.s32 $0x5D00, s14  }
0x240: {  	[hbm4b:s17+s3] =	stream.linear.scatter [tilespmem:s16], [sflag:$0x2], $0x80, $0x38;
	[tilespmem:$0x18400] =	vst v63  }
0x241: {  	s18 =	sor.u32 $0x5380, s12;
	s19 =	sadd.s32 $0x5D80, s14  }
0x242: {  	[hbm4b:s19+s3] =	stream.linear.scatter [tilespmem:s18], [sflag:$0x2], $0x80, $0x38;
	[tilespmem:$0x18400] =	vst v63  }
0x243: {  	s20 =	sor.u32 $0x5780, s12;
	s21 =	sadd.s32 $0x5E00, s14  }
0x244: {  	[hbm4b:s21+s3] =	stream.linear.scatter [tilespmem:s20], [sflag:$0x2], $0x80, $0x38;
	[tilespmem:$0x18400] =	vst v63  }
0x245: {  	s22 =	sor.u32 $0x5B80, s12;
	s23 =	sadd.s32 $0x5E80, s14  }
0x246: {  	[hbm4b:s23+s3] =	stream.linear.scatter [tilespmem:s22], [sflag:$0x2], $0x80, $0x38;
	[tilespmem:$0x18400] =	vst v63  }
0x247: {  	s24 =	sor.u32 $0x5F80, s12;
	s25 =	sadd.s32 $0x5F00, s14  }
0x248: {  	[hbm4b:s25+s3] =	stream.linear.scatter [tilespmem:s24], [sflag:$0x2], $0x80, $0x38;
	[tilespmem:$0x18400] =	vst v63  }
0x249: {  	s26 =	sor.u32 $0x6380, s12;
	s28 =	sadd.s32 $0x5F80, s14  }
0x24a: {  	[hbm4b:s28+s3] =	stream.linear.scatter [tilespmem:s26], [sflag:$0x2], $0x80, $0x38;
	[tilespmem:$0x18400] =	vst v63  }
0x24b: {  	s29 =	sor.u32 $0x6400, s12;
	s30 =	sadd.s32 $0x6000, s14  }
0x24c: {  	[hbm4b:s30+s3] =	stream.linear.scatter [tilespmem:s29], [sflag:$0x2], $0x80, $0x38;
	[tilespmem:$0x18400] =	vst v63  }
0x24d: {  	s31 =	sor.u32 $0x6800, s12;
	s0 =	sadd.s32 $0x6080, s14  }
0x24e: {  	[hbm4b:s0+s3] =	stream.linear.scatter [tilespmem:s31], [sflag:$0x2], $0x80, $0x38;
	[tilespmem:$0x18400] =	vst v63  }
0x24f: {  	s5 =	sor.u32 $0x6C00, s12;
	s15 =	sadd.s32 $0x6100, s14  }
0x250: {  	[hbm4b:s15+s3] =	stream.linear.scatter [tilespmem:s5], [sflag:$0x2], $0x80, $0x38;
	[tilespmem:$0x18400] =	vst v63  }
0x251: {  	s16 =	sor.u32 $0x7000, s12;
	s17 =	sadd.s32 $0x6180, s14  }
0x252: {  	[hbm4b:s17+s3] =	stream.linear.scatter [tilespmem:s16], [sflag:$0x2], $0x80, $0x38;
	[tilespmem:$0x18400] =	vst v63  }
0x253: {  	s18 =	sor.u32 $0x7400, s12;
	s19 =	sadd.s32 $0x6200, s14  }
0x254: {  	[hbm4b:s19+s3] =	stream.linear.scatter [tilespmem:s18], [sflag:$0x2], $0x80, $0x38;
	[tilespmem:$0x18400] =	vst v63  }
0x255: {  	s20 =	sor.u32 $0x7800, s12;
	s21 =	sadd.s32 $0x6280, s14  }
0x256: {  	[hbm4b:s21+s3] =	stream.linear.scatter [tilespmem:s20], [sflag:$0x2], $0x80, $0x38;
	[tilespmem:$0x18400] =	vst v63  }
0x257: {  	s22 =	sor.u32 $0x7C00, s12;
	s23 =	sadd.s32 $0x6300, s14  }
0x258: {  	[hbm4b:s23+s3] =	stream.linear.scatter [tilespmem:s22], [sflag:$0x2], $0x80, $0x38;
	[tilespmem:$0x18400] =	vst v63  }
0x259: {  	s24 =	sadd.s32 $0x8000, s12;
	s25 =	sadd.s32 $0x6380, s14  }
0x25a: {  	[hbm4b:s25+s3] =	stream.linear.scatter [tilespmem:s24], [sflag:$0x2], $0x80, $0x38;
	[tilespmem:$0x18400] =	vst v63  }
0x25b: {  	s26 =	sor.u32 $0x6480, s12;
	s28 =	sadd.s32 $0x6400, s14  }
0x25c: {  	[hbm4b:s28+s3] =	stream.linear.scatter [tilespmem:s26], [sflag:$0x2], $0x80, $0x38;
	[tilespmem:$0x18400] =	vst v63  }
0x25d: {  	s29 =	sor.u32 $0x6880, s12;
	s30 =	sadd.s32 $0x6480, s14  }
0x25e: {  	[hbm4b:s30+s3] =	stream.linear.scatter [tilespmem:s29], [sflag:$0x2], $0x80, $0x38;
	[tilespmem:$0x18400] =	vst v63  }
0x25f: {  	s31 =	sor.u32 $0x6C80, s12;
	s0 =	sadd.s32 $0x6500, s14  }
0x260: {  	[hbm4b:s0+s3] =	stream.linear.scatter [tilespmem:s31], [sflag:$0x2], $0x80, $0x38;
	[tilespmem:$0x18400] =	vst v63  }
0x261: {  	s5 =	sor.u32 $0x7080, s12;
	s15 =	sadd.s32 $0x6580, s14  }
0x262: {  	[hbm4b:s15+s3] =	stream.linear.scatter [tilespmem:s5], [sflag:$0x2], $0x80, $0x38;
	[tilespmem:$0x18400] =	vst v63  }
0x263: {  	s16 =	sor.u32 $0x7480, s12;
	s17 =	sadd.s32 $0x6600, s14  }
0x264: {  	[hbm4b:s17+s3] =	stream.linear.scatter [tilespmem:s16], [sflag:$0x2], $0x80, $0x38;
	[tilespmem:$0x18400] =	vst v63  }
0x265: {  	s18 =	sor.u32 $0x7880, s12;
	s19 =	sadd.s32 $0x6680, s14  }
0x266: {  	[hbm4b:s19+s3] =	stream.linear.scatter [tilespmem:s18], [sflag:$0x2], $0x80, $0x38;
	[tilespmem:$0x18400] =	vst v63  }
0x267: {  	s20 =	sor.u32 $0x7C80, s12;
	s21 =	sadd.s32 $0x6700, s14  }
0x268: {  	[hbm4b:s21+s3] =	stream.linear.scatter [tilespmem:s20], [sflag:$0x2], $0x80, $0x38;
	[tilespmem:$0x18400] =	vst v63  }
0x269: {  	s22 =	sadd.s32 $0x8080, s12;
	s23 =	sadd.s32 $0x6780, s14  }
0x26a: {  	[hbm4b:s23+s3] =	stream.linear.scatter [tilespmem:s22], [sflag:$0x2], $0x80, $0x38;
	[tilespmem:$0x18400] =	vst v63  }
0x26b: {  	s24 =	sor.u32 $0x6500, s12;
	s25 =	sadd.s32 $0x6800, s14  }
0x26c: {  	[hbm4b:s25+s3] =	stream.linear.scatter [tilespmem:s24], [sflag:$0x2], $0x80, $0x38;
	[tilespmem:$0x18400] =	vst v63  }
0x26d: {  	s26 =	sor.u32 $0x6900, s12;
	s28 =	sadd.s32 $0x6880, s14  }
0x26e: {  	[hbm4b:s28+s3] =	stream.linear.scatter [tilespmem:s26], [sflag:$0x2], $0x80, $0x38;
	[tilespmem:$0x18400] =	vst v63  }
0x26f: {  	s29 =	sor.u32 $0x6D00, s12;
	s30 =	sadd.s32 $0x6900, s14  }
0x270: {  	[hbm4b:s30+s3] =	stream.linear.scatter [tilespmem:s29], [sflag:$0x2], $0x80, $0x38;
	[tilespmem:$0x18400] =	vst v63  }
0x271: {  	s31 =	sor.u32 $0x7100, s12;
	s0 =	sadd.s32 $0x6980, s14  }
0x272: {  	[hbm4b:s0+s3] =	stream.linear.scatter [tilespmem:s31], [sflag:$0x2], $0x80, $0x38;
	[tilespmem:$0x18400] =	vst v63  }
0x273: {  	s5 =	sor.u32 $0x7500, s12;
	s15 =	sadd.s32 $0x6A00, s14  }
0x274: {  	[hbm4b:s15+s3] =	stream.linear.scatter [tilespmem:s5], [sflag:$0x2], $0x80, $0x38;
	[tilespmem:$0x18400] =	vst v63  }
0x275: {  	s16 =	sor.u32 $0x7900, s12;
	s17 =	sadd.s32 $0x6A80, s14  }
0x276: {  	[hbm4b:s17+s3] =	stream.linear.scatter [tilespmem:s16], [sflag:$0x2], $0x80, $0x38;
	[tilespmem:$0x18400] =	vst v63  }
0x277: {  	s18 =	sor.u32 $0x7D00, s12;
	s19 =	sadd.s32 $0x6B00, s14  }
0x278: {  	[hbm4b:s19+s3] =	stream.linear.scatter [tilespmem:s18], [sflag:$0x2], $0x80, $0x38;
	[tilespmem:$0x18400] =	vst v63  }
0x279: {  	s20 =	sadd.s32 $0x8100, s12;
	s21 =	sadd.s32 $0x6B80, s14  }
0x27a: {  	[hbm4b:s21+s3] =	stream.linear.scatter [tilespmem:s20], [sflag:$0x2], $0x80, $0x38;
	[tilespmem:$0x18400] =	vst v63  }
0x27b: {  	s22 =	sor.u32 $0x6580, s12;
	s23 =	sadd.s32 $0x6C00, s14  }
0x27c: {  	[hbm4b:s23+s3] =	stream.linear.scatter [tilespmem:s22], [sflag:$0x2], $0x80, $0x38;
	[tilespmem:$0x18400] =	vst v63  }
0x27d: {  	s24 =	sor.u32 $0x6980, s12;
	s25 =	sadd.s32 $0x6C80, s14  }
0x27e: {  	[hbm4b:s25+s3] =	stream.linear.scatter [tilespmem:s24], [sflag:$0x2], $0x80, $0x38;
	[tilespmem:$0x18400] =	vst v63  }
0x27f: {  	s26 =	sor.u32 $0x6D80, s12;
	s28 =	sadd.s32 $0x6D00, s14  }
0x280: {  	[hbm4b:s28+s3] =	stream.linear.scatter [tilespmem:s26], [sflag:$0x2], $0x80, $0x38;
	[tilespmem:$0x18400] =	vst v63  }
0x281: {  	s29 =	sor.u32 $0x7180, s12;
	s30 =	sadd.s32 $0x6D80, s14  }
0x282: {  	[hbm4b:s30+s3] =	stream.linear.scatter [tilespmem:s29], [sflag:$0x2], $0x80, $0x38;
	[tilespmem:$0x18400] =	vst v63  }
0x283: {  	s31 =	sor.u32 $0x7580, s12;
	s0 =	sadd.s32 $0x6E00, s14  }
0x284: {  	[hbm4b:s0+s3] =	stream.linear.scatter [tilespmem:s31], [sflag:$0x2], $0x80, $0x38;
	[tilespmem:$0x18400] =	vst v63  }
0x285: {  	s5 =	sor.u32 $0x7980, s12;
	s15 =	sadd.s32 $0x6E80, s14  }
0x286: {  	[hbm4b:s15+s3] =	stream.linear.scatter [tilespmem:s5], [sflag:$0x2], $0x80, $0x38;
	[tilespmem:$0x18400] =	vst v63  }
0x287: {  	s16 =	sor.u32 $0x7D80, s12;
	s17 =	sadd.s32 $0x6F00, s14  }
0x288: {  	[hbm4b:s17+s3] =	stream.linear.scatter [tilespmem:s16], [sflag:$0x2], $0x80, $0x38;
	[tilespmem:$0x18400] =	vst v63  }
0x289: {  	s18 =	sadd.s32 $0x8180, s12;
	s19 =	sadd.s32 $0x6F80, s14  }
0x28a: {  	[hbm4b:s19+s3] =	stream.linear.scatter [tilespmem:s18], [sflag:$0x2], $0x80, $0x38;
	[tilespmem:$0x18400] =	vst v63  }
0x28b: {  	s20 =	sor.u32 $0x6600, s12;
	s21 =	sadd.s32 $0x7000, s14  }
0x28c: {  	[hbm4b:s21+s3] =	stream.linear.scatter [tilespmem:s20], [sflag:$0x2], $0x80, $0x38;
	[tilespmem:$0x18400] =	vst v63  }
0x28d: {  	s22 =	sor.u32 $0x6A00, s12;
	s23 =	sadd.s32 $0x7080, s14  }
0x28e: {  	[hbm4b:s23+s3] =	stream.linear.scatter [tilespmem:s22], [sflag:$0x2], $0x80, $0x38;
	[tilespmem:$0x18400] =	vst v63  }
0x28f: {  	s24 =	sor.u32 $0x6E00, s12;
	s25 =	sadd.s32 $0x7100, s14  }
0x290: {  	[hbm4b:s25+s3] =	stream.linear.scatter [tilespmem:s24], [sflag:$0x2], $0x80, $0x38;
	[tilespmem:$0x18400] =	vst v63  }
0x291: {  	s26 =	sor.u32 $0x7200, s12;
	s28 =	sadd.s32 $0x7180, s14  }
0x292: {  	[hbm4b:s28+s3] =	stream.linear.scatter [tilespmem:s26], [sflag:$0x2], $0x80, $0x38;
	[tilespmem:$0x18400] =	vst v63  }
0x293: {  	s29 =	sor.u32 $0x7600, s12;
	s30 =	sadd.s32 $0x7200, s14  }
0x294: {  	[hbm4b:s30+s3] =	stream.linear.scatter [tilespmem:s29], [sflag:$0x2], $0x80, $0x38;
	[tilespmem:$0x18400] =	vst v63  }
0x295: {  	s31 =	sor.u32 $0x7A00, s12;
	s0 =	sadd.s32 $0x7280, s14  }
0x296: {  	[hbm4b:s0+s3] =	stream.linear.scatter [tilespmem:s31], [sflag:$0x2], $0x80, $0x38;
	[tilespmem:$0x18400] =	vst v63  }
0x297: {  	s5 =	sor.u32 $0x7E00, s12;
	s15 =	sadd.s32 $0x7300, s14  }
0x298: {  	[hbm4b:s15+s3] =	stream.linear.scatter [tilespmem:s5], [sflag:$0x2], $0x80, $0x38;
	[tilespmem:$0x18400] =	vst v63  }
0x299: {  	s16 =	sadd.s32 $0x8200, s12;
	s17 =	sadd.s32 $0x7380, s14  }
0x29a: {  	[hbm4b:s17+s3] =	stream.linear.scatter [tilespmem:s16], [sflag:$0x2], $0x80, $0x38;
	[tilespmem:$0x18400] =	vst v63  }
0x29b: {  	s18 =	sor.u32 $0x6680, s12;
	s19 =	sadd.s32 $0x7400, s14  }
0x29c: {  	[hbm4b:s19+s3] =	stream.linear.scatter [tilespmem:s18], [sflag:$0x2], $0x80, $0x38;
	[tilespmem:$0x18400] =	vst v63  }
0x29d: {  	s20 =	sor.u32 $0x6A80, s12;
	s21 =	sadd.s32 $0x7480, s14  }
0x29e: {  	[hbm4b:s21+s3] =	stream.linear.scatter [tilespmem:s20], [sflag:$0x2], $0x80, $0x38;
	[tilespmem:$0x18400] =	vst v63  }
0x29f: {  	s22 =	sor.u32 $0x6E80, s12;
	s23 =	sadd.s32 $0x7500, s14  }
0x2a0: {  	[hbm4b:s23+s3] =	stream.linear.scatter [tilespmem:s22], [sflag:$0x2], $0x80, $0x38;
	[tilespmem:$0x18400] =	vst v63  }
0x2a1: {  	s24 =	sor.u32 $0x7280, s12;
	s25 =	sadd.s32 $0x7580, s14  }
0x2a2: {  	[hbm4b:s25+s3] =	stream.linear.scatter [tilespmem:s24], [sflag:$0x2], $0x80, $0x38;
	[tilespmem:$0x18400] =	vst v63  }
0x2a3: {  	s26 =	sor.u32 $0x7680, s12;
	s28 =	sadd.s32 $0x7600, s14  }
0x2a4: {  	[hbm4b:s28+s3] =	stream.linear.scatter [tilespmem:s26], [sflag:$0x2], $0x80, $0x38;
	[tilespmem:$0x18400] =	vst v63  }
0x2a5: {  	s29 =	sor.u32 $0x7A80, s12;
	s30 =	sadd.s32 $0x7680, s14  }
0x2a6: {  	[hbm4b:s30+s3] =	stream.linear.scatter [tilespmem:s29], [sflag:$0x2], $0x80, $0x38;
	[tilespmem:$0x18400] =	vst v63  }
0x2a7: {  	s31 =	sor.u32 $0x7E80, s12;
	s0 =	sadd.s32 $0x7700, s14  }
0x2a8: {  	[hbm4b:s0+s3] =	stream.linear.scatter [tilespmem:s31], [sflag:$0x2], $0x80, $0x38;
	[tilespmem:$0x18400] =	vst v63  }
0x2a9: {  	s5 =	sadd.s32 $0x8280, s12;
	s15 =	sadd.s32 $0x7780, s14  }
0x2aa: {  	[hbm4b:s15+s3] =	stream.linear.scatter [tilespmem:s5], [sflag:$0x2], $0x80, $0x38;
	[tilespmem:$0x18400] =	vst v63  }
0x2ab: {  	s16 =	sor.u32 $0x6700, s12;
	s17 =	sadd.s32 $0x7800, s14  }
0x2ac: {  	[hbm4b:s17+s3] =	stream.linear.scatter [tilespmem:s16], [sflag:$0x2], $0x80, $0x38;
	[tilespmem:$0x18400] =	vst v63  }
0x2ad: {  	s18 =	sor.u32 $0x6B00, s12;
	s19 =	sadd.s32 $0x7880, s14  }
0x2ae: {  	[hbm4b:s19+s3] =	stream.linear.scatter [tilespmem:s18], [sflag:$0x2], $0x80, $0x38;
	[tilespmem:$0x18400] =	vst v63  }
0x2af: {  	s20 =	sor.u32 $0x6F00, s12;
	s21 =	sadd.s32 $0x7900, s14  }
0x2b0: {  	[hbm4b:s21+s3] =	stream.linear.scatter [tilespmem:s20], [sflag:$0x2], $0x80, $0x38;
	[tilespmem:$0x18400] =	vst v63  }
0x2b1: {  	s22 =	sor.u32 $0x7300, s12;
	s23 =	sadd.s32 $0x7980, s14  }
0x2b2: {  	[hbm4b:s23+s3] =	stream.linear.scatter [tilespmem:s22], [sflag:$0x2], $0x80, $0x38;
	[tilespmem:$0x18400] =	vst v63  }
0x2b3: {  	s24 =	sor.u32 $0x7700, s12;
	s25 =	sadd.s32 $0x7A00, s14  }
0x2b4: {  	[hbm4b:s25+s3] =	stream.linear.scatter [tilespmem:s24], [sflag:$0x2], $0x80, $0x38;
	[tilespmem:$0x18400] =	vst v63  }
0x2b5: {  	s26 =	sor.u32 $0x7B00, s12;
	s28 =	sadd.s32 $0x7A80, s14  }
0x2b6: {  	[hbm4b:s28+s3] =	stream.linear.scatter [tilespmem:s26], [sflag:$0x2], $0x80, $0x38;
	[tilespmem:$0x18400] =	vst v63  }
0x2b7: {  	s29 =	sor.u32 $0x7F00, s12;
	s30 =	sadd.s32 $0x7B00, s14  }
0x2b8: {  	[hbm4b:s30+s3] =	stream.linear.scatter [tilespmem:s29], [sflag:$0x2], $0x80, $0x38;
	[tilespmem:$0x18400] =	vst v63  }
0x2b9: {  	s31 =	sadd.s32 $0x8300, s12;
	s0 =	sadd.s32 $0x7B80, s14  }
0x2ba: {  	[hbm4b:s0+s3] =	stream.linear.scatter [tilespmem:s31], [sflag:$0x2], $0x80, $0x38;
	[tilespmem:$0x18400] =	vst v63  }
0x2bb: {  	s15 =	sor.u32 $0x6780, s12;
	s16 =	sadd.s32 $0x7C00, s14  }
0x2bc: {  	[hbm4b:s16+s3] =	stream.linear.scatter [tilespmem:s15], [sflag:$0x2], $0x80, $0x38;
	[tilespmem:$0x18400] =	vst v63  }
0x2bd: {  	s17 =	sor.u32 $0x6B80, s12;
	s18 =	sadd.s32 $0x7C80, s14  }
0x2be: {  	[hbm4b:s18+s3] =	stream.linear.scatter [tilespmem:s17], [sflag:$0x2], $0x80, $0x38;
	[tilespmem:$0x18400] =	vst v63  }
0x2bf: {  	s19 =	sor.u32 $0x6F80, s12;
	s20 =	sadd.s32 $0x7D00, s14  }
0x2c0: {  	[hbm4b:s20+s3] =	stream.linear.scatter [tilespmem:s19], [sflag:$0x2], $0x80, $0x38;
	[tilespmem:$0x18400] =	vst v63  }
0x2c1: {  	s21 =	sor.u32 $0x7380, s12;
	s22 =	sadd.s32 $0x7D80, s14  }
0x2c2: {  	[hbm4b:s22+s3] =	stream.linear.scatter [tilespmem:s21], [sflag:$0x2], $0x80, $0x38;
	[tilespmem:$0x18400] =	vst v63  }
0x2c3: {  	s23 =	sor.u32 $0x7780, s12;
	s24 =	sadd.s32 $0x7E00, s14  }
0x2c4: {  	[hbm4b:s24+s3] =	stream.linear.scatter [tilespmem:s23], [sflag:$0x2], $0x80, $0x38;
	[tilespmem:$0x18400] =	vst v63  }
0x2c5: {  	s25 =	sor.u32 $0x7B80, s12;
	s26 =	sadd.s32 $0x7E80, s14  }
0x2c6: {  	[hbm4b:s26+s3] =	stream.linear.scatter [tilespmem:s25], [sflag:$0x2], $0x80, $0x38;
	[tilespmem:$0x18400] =	vst v63  }
0x2c7: {  	s28 =	sor.u32 $0x7F80, s12;
	s29 =	sadd.s32 $0x7F00, s14  }
0x2c8: {  	[hbm4b:s29+s3] =	stream.linear.scatter [tilespmem:s28], [sflag:$0x2], $0x80, $0x38;
	[tilespmem:$0x18400] =	vst v63  }
0x2c9: {  	s30 =	sadd.s32 $0x8380, s12;
	s31 =	sadd.s32 $0x7F80, s14  }
0x2ca: {  	[hbm4b:s31+s3] =	stream.linear.scatter [tilespmem:s30], [sflag:$0x2], $0x80, $0x38;
	[tilespmem:$0x18400] =	vst v63  }
0x2cb: {  	_ =	swait.ge [sflag:s10], $0x400  }
0x2cc: {  	[sflag:s10] =	ssyncset.done $0x0  }
0x2cd: {  	[sflag:s10] =	ssyncadd.s32 $0xFFFFFC00  }
0x2ce: {  	_ =	swait.ge [sflag:s10], $0x400  }
0x2cf: {  	[sflag:s10] =	ssyncset.done $0x0  }
0x2d0: {  	[sflag:s10] =	ssyncadd.s32 $0xFFFFFC00  }
0x2d1: {  	_ =	swait.ge [sflag:s10], $0x400  }
0x2d2: {  	[sflag:s10] =	ssyncset.done $0x0  }
0x2d3: {  	[sflag:s10] =	ssyncadd.s32 $0xFFFFFC00  }
0x2d4: {  	_ =	swait.ge [sflag:s10], $0x400  }
0x2d5: {  	[sflag:s10] =	ssyncset.done $0x0  }
0x2d6: {  	[sflag:s10] =	ssyncadd.s32 $0xFFFFFC00  }
0x2d7: {  	_ =	swait.ge [sflag:s10], $0x400  }
0x2d8: {  	[sflag:s10] =	ssyncset.done $0x0  }
0x2d9: {  	[sflag:s10] =	ssyncadd.s32 $0xFFFFFC00  }
0x2da: {  	_ =	swait.ge [sflag:s10], $0x400  }
0x2db: {  	[sflag:s10] =	ssyncset.done $0x0  }
0x2dc: {  	[sflag:s10] =	ssyncadd.s32 $0xFFFFFC00  }
0x2dd: {  	_ =	swait.ge [sflag:s10], $0x400  }
0x2de: {  	[sflag:s10] =	ssyncset.done $0x0  }
0x2df: {  	[sflag:s10] =	ssyncadd.s32 $0xFFFFFC00  }
0x2e0: {  	_ =	swait.ge [sflag:s10], $0x400  }
0x2e1: {  	[sflag:s10] =	ssyncset.done $0x0  }
0x2e2: {  	[sflag:s10] =	ssyncadd.s32 $0xFFFFFC00  }
0x2e3: {  	_ =	swait.ge [sflag:s10], $0x400  }
0x2e4: {  	[sflag:s10] =	ssyncset.done $0x0  }
0x2e5: {  	[sflag:s10] =	ssyncadd.s32 $0xFFFFFC00  }
0x2e6: {  	_ =	swait.ge [sflag:s10], $0x400  }
0x2e7: {  	[sflag:s10] =	ssyncset.done $0x0  }
0x2e8: {  	[sflag:s10] =	ssyncadd.s32 $0xFFFFFC00  }
0x2e9: {  	_ =	swait.ge [sflag:s10], $0x400  }
0x2ea: {  	[sflag:s10] =	ssyncset.done $0x0  }
0x2eb: {  	[sflag:s10] =	ssyncadd.s32 $0xFFFFFC00  }
0x2ec: {  	_ =	swait.ge [sflag:s10], $0x400  }
0x2ed: {  	[sflag:s10] =	ssyncset.done $0x0  }
0x2ee: {  	[sflag:s10] =	ssyncadd.s32 $0xFFFFFC00  }
0x2ef: {  	_ =	swait.ge [sflag:s10], $0x400  }
0x2f0: {  	[sflag:s10] =	ssyncset.done $0x0  }
0x2f1: {  	[sflag:s10] =	ssyncadd.s32 $0xFFFFFC00  }
0x2f2: {  	_ =	swait.ge [sflag:s10], $0x400  }
0x2f3: {  	[sflag:s10] =	ssyncset.done $0x0  }
0x2f4: {  	[sflag:s10] =	ssyncadd.s32 $0xFFFFFC00  }
0x2f5: {  	_ =	swait.ge [sflag:s10], $0x400  }
0x2f6: {  	[sflag:s10] =	ssyncset.done $0x0  }
0x2f7: {  	[sflag:s10] =	ssyncadd.s32 $0xFFFFFC00  }
0x2f8: {  	_ =	swait.ge [sflag:s10], $0x400  }
0x2f9: {  	[sflag:s10] =	ssyncset.done $0x0  }
0x2fa: {  	[sflag:s10] =	ssyncadd.s32 $0xFFFFFC00  }
0x2fb: {  	_ =	swait.ge [sflag:s10], $0x400  }
0x2fc: {  	[sflag:s10] =	ssyncset.done $0x0  }
0x2fd: {  	[sflag:s10] =	ssyncadd.s32 $0xFFFFFC00  }
0x2fe: {  	_ =	swait.ge [sflag:s10], $0x400  }
0x2ff: {  	[sflag:s10] =	ssyncset.done $0x0  }
0x300: {  	[sflag:s10] =	ssyncadd.s32 $0xFFFFFC00  }
0x301: {  	_ =	swait.ge [sflag:s10], $0x400  }
0x302: {  	[sflag:s10] =	ssyncset.done $0x0  }
0x303: {  	[sflag:s10] =	ssyncadd.s32 $0xFFFFFC00  }
0x304: {  	_ =	swait.ge [sflag:s10], $0x400  }
0x305: {  	[sflag:s10] =	ssyncset.done $0x0  }
0x306: {  	[sflag:s10] =	ssyncadd.s32 $0xFFFFFC00  }
0x307: {  	_ =	swait.ge [sflag:s10], $0x400  }
0x308: {  	[sflag:s10] =	ssyncset.done $0x0  }
0x309: {  	[sflag:s10] =	ssyncadd.s32 $0xFFFFFC00  }
0x30a: {  	_ =	swait.ge [sflag:s10], $0x400  }
0x30b: {  	[sflag:s10] =	ssyncset.done $0x0  }
0x30c: {  	[sflag:s10] =	ssyncadd.s32 $0xFFFFFC00  }
0x30d: {  	_ =	swait.ge [sflag:s10], $0x400  }
0x30e: {  	[sflag:s10] =	ssyncset.done $0x0  }
0x30f: {  	[sflag:s10] =	ssyncadd.s32 $0xFFFFFC00  }
0x310: {  	_ =	swait.ge [sflag:s10], $0x400  }
0x311: {  	[sflag:s10] =	ssyncset.done $0x0  }
0x312: {  	[sflag:s10] =	ssyncadd.s32 $0xFFFFFC00  }
0x313: {  	_ =	swait.ge [sflag:s10], $0x400  }
0x314: {  	[sflag:s10] =	ssyncset.done $0x0  }
0x315: {  	[sflag:s10] =	ssyncadd.s32 $0xFFFFFC00  }
0x316: {  	_ =	swait.ge [sflag:s10], $0x400  }
0x317: {  	[sflag:s10] =	ssyncset.done $0x0  }
0x318: {  	[sflag:s10] =	ssyncadd.s32 $0xFFFFFC00  }
0x319: {  	_ =	swait.ge [sflag:s10], $0x400  }
0x31a: {  	[sflag:s10] =	ssyncset.done $0x0  }
0x31b: {  	[sflag:s10] =	ssyncadd.s32 $0xFFFFFC00  }
0x31c: {  	_ =	swait.ge [sflag:s10], $0x400  }
0x31d: {  	[sflag:s10] =	ssyncset.done $0x0  }
0x31e: {  	[sflag:s10] =	ssyncadd.s32 $0xFFFFFC00  }
0x31f: {  	_ =	swait.ge [sflag:s10], $0x400  }
0x320: {  	[sflag:s10] =	ssyncset.done $0x0  }
0x321: {  	[sflag:s10] =	ssyncadd.s32 $0xFFFFFC00  }
0x322: {  	_ =	swait.ge [sflag:s10], $0x400  }
0x323: {  	[sflag:s10] =	ssyncset.done $0x0  }
0x324: {  	[sflag:s10] =	ssyncadd.s32 $0xFFFFFC00  }
0x325: {  	_ =	swait.ge [sflag:s10], $0x400  }
0x326: {  	[sflag:s10] =	ssyncset.done $0x0  }
0x327: {  	[sflag:s10] =	ssyncadd.s32 $0xFFFFFC00  }
0x328: {  	_ =	swait.ge [sflag:s10], $0x400  }
0x329: {  	[sflag:s10] =	ssyncset.done $0x0  }
0x32a: {  	p1 =	por $0x0, $0x0;
	s12 =	simm.s32 $0x270;
	[sflag:s10] =	ssyncadd.s32 $0xFFFFFC00  }
0x32b: {  	v35 =	vld @!p1 [tilespmem:s12+$0xFFFFFFF0];
	_ =	sdelay $0x4  }
0x32c: {  	s4 =	smul.u32 @!p1 $0xAB, s13;
	v36 =	vshll.u32 @!p1 v35, $0x3  }
0x32d: {  	v37 =	vlaneseq.u32 @!p1;
	v35 =	vand.u32 @!p1 $0x7, v35;
	v36 =	vand.u32 @!p1 $0xFFFFFFC0, v36  }
0x32e: {  	v38 =	vshrl.u32 @!p1 v37, $0x3;
	s4 =	sshrl.u32 @!p1 s4, $0x9;
	v35 =	vor.u32 @!p1 v35, v36;
	v36 =	vand.u32 @!p1 $0x7, v37  }
0x32f: {  	v38 =	vmul.u32 @!p1 $0x8, v38;
	s4 =	sand.u32 @!p1 $0x7F, s4;
	v39 =	vperm.xlane @!p1 v35, v36  }
0x330: {  	s4 =	smul.u32 @!p1 $0x3, s4  }
0x331: {  	v39 =	vadd.s32 @!p1 v38, v39  }
0x332: {  	s4 =	ssub.s32 @!p1 $0x3, s4  }
0x333: {  	s4 =	sand.u32 @!p1 $0xFF, s4  }
0x334: {  	s4 =	sshll.u32 @!p1 s4, $0xF  }
0x335: {  	vm1 =	vmmov @!p1 $0xffff;
	s5 =	sor.u32 @!p1 $0x400, s4;
	s17 =	simm.s32 @!p1 $0x0  }
0x336: {  	v37 =	vor.u32 @!p1 $0x8, v37;
	[tilespmem:s5], [sflag:$0x1] =	stream.indirect_vreg.gather @!p1 [hbm4b:s1+s17], $0x80, v39, vm1, $0xb8;
	[tilespmem:$0x18400] =	vst v63  }
0x337: {  	v35 =	vperm.xlane @!p1 v35, v37;
	s5 =	sor.u32 @!p1 $0xC00, s4  }
0x338: {  	[tilespmem:s5], [sflag:$0x1] =	stream.indirect_vreg.gather @!p1 [hbm4b:s6+s17], $0x80, v39, vm1, $0xb8;
	[tilespmem:$0x18400] =	vst v63  }
0x339: {  	v35 =	vadd.s32 @!p1 v38, v35;
	s5 =	sor.u32 @!p1 $0x1400, s4  }
0x33a: {  	[tilespmem:s5], [sflag:$0x1] =	stream.indirect_vreg.gather @!p1 [hbm4b:s7+s17], $0x80, v39, vm1, $0xb8;
	[tilespmem:$0x18400] =	vst v63  }
0x33b: {  	s5 =	sor.u32 @!p1 $0x1C00, s4  }
0x33c: {  	[tilespmem:s5], [sflag:$0x1] =	stream.indirect_vreg.gather @!p1 [hbm4b:s8+s17], $0x80, v39, vm1, $0xb8;
	[tilespmem:$0x18400] =	vst v63  }
0x33d: {  	s5 =	sor.u32 @!p1 $0x2400, s4  }
0x33e: {  	[tilespmem:s5], [sflag:$0x1] =	stream.indirect_vreg.gather @!p1 [hbm4b:s1+s17], $0x80, v35, vm1, $0xb8;
	[tilespmem:$0x18400] =	vst v63  }
0x33f: {  	s5 =	sor.u32 @!p1 $0x2C00, s4  }
0x340: {  	[tilespmem:s5], [sflag:$0x1] =	stream.indirect_vreg.gather @!p1 [hbm4b:s6+s17], $0x80, v35, vm1, $0xb8;
	[tilespmem:$0x18400] =	vst v63  }
0x341: {  	s5 =	sor.u32 @!p1 $0x3400, s4  }
0x342: {  	[tilespmem:s5], [sflag:$0x1] =	stream.indirect_vreg.gather @!p1 [hbm4b:s7+s17], $0x80, v35, vm1, $0xb8;
	[tilespmem:$0x18400] =	vst v63  }
0x343: {  	s5 =	sor.u32 @!p1 $0x3C00, s4  }
0x344: {  	[tilespmem:s5], [sflag:$0x1] =	stream.indirect_vreg.gather @!p1 [hbm4b:s8+s17], $0x80, v35, vm1, $0xb8;
	[tilespmem:$0x18400] =	vst v63  }
0x345: {  	v35 =	vld @!p1 [tilespmem:s12+$0x0];
	_ =	sdelay $0x4  }
0x346: {  	v39 =	vshll.u32 @!p1 v35, $0x3  }
0x347: {  	v35 =	vand.u32 @!p1 $0x7, v35;
	v39 =	vand.u32 @!p1 $0xFFFFFFC0, v39  }
0x348: {  	v35 =	vor.u32 @!p1 v35, v39  }
0x349: {  	v36 =	vperm.xlane @!p1 v35, v36;
	_ =	sdelay $0x1  }
0x34a: {  	v36 =	vadd.s32 @!p1 v38, v36;
	_ =	sdelay $0x3  }
0x34b: {  	s5 =	sor.u32 @!p1 $0x4400, s4  }
0x34c: {  	[tilespmem:s5], [sflag:$0x1] =	stream.indirect_vreg.gather @!p1 [hbm4b:s1+s17], $0x80, v36, vm1, $0xb8;
	[tilespmem:$0x18400] =	vst v63  }
0x34d: {  	v35 =	vperm.xlane @!p1 v35, v37;
	s5 =	sor.u32 @!p1 $0x4C00, s4  }
0x34e: {  	[tilespmem:s5], [sflag:$0x1] =	stream.indirect_vreg.gather @!p1 [hbm4b:s6+s17], $0x80, v36, vm1, $0xb8;
	[tilespmem:$0x18400] =	vst v63  }
0x34f: {  	s13 =	simm.s32 $0x4;
	v35 =	vadd.s32 @!p1 v38, v35;
	s5 =	sor.u32 @!p1 $0x5400, s4  }
0x350: {  	[tilespmem:s5], [sflag:$0x1] =	stream.indirect_vreg.gather @!p1 [hbm4b:s7+s17], $0x80, v36, vm1, $0xb8;
	[tilespmem:$0x18400] =	vst v63  }
0x351: {  	s14 =	simm.s32 $0x1;
	s15 =	simm.s32 $0x8000;
	s5 =	sor.u32 @!p1 $0x5C00, s4  }
0x352: {  	[tilespmem:s5], [sflag:$0x1] =	stream.indirect_vreg.gather @!p1 [hbm4b:s8+s17], $0x80, v36, vm1, $0xb8;
	[tilespmem:$0x18400] =	vst v63  }
0x353: {  	s16 =	simm.s32 $0x10000;
	s18 =	sor.u32 @!p1 $0x7C00, s4;
	s5 =	sor.u32 @!p1 $0x6400, s4  }
0x354: {  	[tilespmem:s5], [sflag:$0x1] =	stream.indirect_vreg.gather @!p1 [hbm4b:s1+s17], $0x80, v35, vm1, $0xb8;
	[tilespmem:$0x18400] =	vst v63  }
0x355: {  	s19 =	sor.u32 @!p1 $0x7400, s4;
	s5 =	sor.u32 @!p1 $0x6C00, s4;
	s4 =	smul.u32 $0xAB, s14  }
0x356: {  	[tilespmem:s5], [sflag:$0x1] =	stream.indirect_vreg.gather @!p1 [hbm4b:s6+s17], $0x80, v35, vm1, $0xb8;
	[tilespmem:$0x18400] =	vst v63  }
.LBB2_2:
0x357: {  	[tilespmem:s19], [sflag:$0x1] =	stream.indirect_vreg.gather @!p1 [hbm4b:s7+s17], $0x80, v35, vm1, $0xb8;
	[tilespmem:$0x18400] =	vst v63  }
0x358: {  	s5 =	sshrl.u32 s4, $0x9  }
0x359: {  	s5 =	sand.u32 $0x7F, s5  }
0x35a: {  	s5 =	smul.u32 $0x3, s5  }
0x35b: {  	[tilespmem:s18], [sflag:$0x1] =	stream.indirect_vreg.gather @!p1 [hbm4b:s8+s17], $0x80, v35, vm1, $0xb8;
	[tilespmem:$0x18400] =	vst v63  }
0x35c: {  	s5 =	ssub.s32 s14, s5  }
0x35d: {  	_ =	swait.ge [sflag:s9], $0x8000;
	s5 =	sand.u32 $0xFF, s5  }
0x35e: {  	s21 =	rddreg [dreg:$0x4];
	[sflag:s9] =	ssyncset.done $0x0;
	s17 =	sshll.u32 s5, $0xF  }
0x35f: {  	[sflag:s9] =	ssyncadd.s32 $0xFFFF8000;
	s18 =	sadd.s32 s15, s21;
	s5 =	sor.u32 $0x400, s17  }
0x360: {  	[hbm4b:s18+s3] =	stream.linear.scatter [tilespmem:s5], [sflag:$0x2], $0x80, $0x38;
	[tilespmem:$0x18400] =	vst v63  }
0x361: {  	s20 =	sadd.s32 $0x80, s18;
	s22 =	sor.u32 $0x800, s17  }
0x362: {  	[hbm4b:s20+s3] =	stream.linear.scatter [tilespmem:s22], [sflag:$0x2], $0x80, $0x38;
	[tilespmem:$0x18400] =	vst v63  }
0x363: {  	s21 =	sadd.s32 $0x100, s18;
	s23 =	sor.u32 $0xC00, s17  }
0x364: {  	[hbm4b:s21+s3] =	stream.linear.scatter [tilespmem:s23], [sflag:$0x2], $0x80, $0x38;
	[tilespmem:$0x18400] =	vst v63  }
0x365: {  	s25 =	sadd.s32 $0x180, s18;
	s24 =	sor.u32 $0x1000, s17  }
0x366: {  	[hbm4b:s25+s3] =	stream.linear.scatter [tilespmem:s24], [sflag:$0x2], $0x80, $0x38;
	[tilespmem:$0x18400] =	vst v63  }
0x367: {  	s28 =	sadd.s32 $0x200, s18;
	s26 =	sor.u32 $0x1400, s17  }
0x368: {  	[hbm4b:s28+s3] =	stream.linear.scatter [tilespmem:s26], [sflag:$0x2], $0x80, $0x38;
	[tilespmem:$0x18400] =	vst v63  }
0x369: {  	s30 =	sadd.s32 $0x280, s18;
	s29 =	sor.u32 $0x1800, s17  }
0x36a: {  	[hbm4b:s30+s3] =	stream.linear.scatter [tilespmem:s29], [sflag:$0x2], $0x80, $0x38;
	[tilespmem:$0x18400] =	vst v63  }
0x36b: {  	s0 =	sadd.s32 $0x300, s18;
	s31 =	sor.u32 $0x1C00, s17;
	s22 =	rddreg [dreg:$0x5]  }
0x36c: {  	[hbm4b:s0+s3] =	stream.linear.scatter [tilespmem:s31], [sflag:$0x2], $0x80, $0x38;
	[tilespmem:$0x18400] =	vst v63  }
0x36d: {  	s20 =	sor.u32 $0x2000, s17;
	s23 =	sadd.s32 $0x380, s18;
	s18 =	sadd.s32 s15, s22  }
0x36e: {  	[hbm4b:s23+s3] =	stream.linear.scatter [tilespmem:s20], [sflag:$0x2], $0x80, $0x38;
	[tilespmem:$0x18400] =	vst v63  }
0x36f: {  	s24 =	sor.u32 $0x480, s17;
	s25 =	sadd.s32 $0x400, s18  }
0x370: {  	[hbm4b:s25+s3] =	stream.linear.scatter [tilespmem:s24], [sflag:$0x2], $0x80, $0x38;
	[tilespmem:$0x18400] =	vst v63  }
0x371: {  	s26 =	sor.u32 $0x880, s17;
	s28 =	sadd.s32 $0x480, s18  }
0x372: {  	[hbm4b:s28+s3] =	stream.linear.scatter [tilespmem:s26], [sflag:$0x2], $0x80, $0x38;
	[tilespmem:$0x18400] =	vst v63  }
0x373: {  	s29 =	sor.u32 $0xC80, s17;
	s30 =	sadd.s32 $0x500, s18  }
0x374: {  	[hbm4b:s30+s3] =	stream.linear.scatter [tilespmem:s29], [sflag:$0x2], $0x80, $0x38;
	[tilespmem:$0x18400] =	vst v63  }
0x375: {  	s31 =	sor.u32 $0x1080, s17;
	s0 =	sadd.s32 $0x580, s18  }
0x376: {  	[hbm4b:s0+s3] =	stream.linear.scatter [tilespmem:s31], [sflag:$0x2], $0x80, $0x38;
	[tilespmem:$0x18400] =	vst v63  }
0x377: {  	s5 =	sor.u32 $0x1480, s17;
	s19 =	sadd.s32 $0x600, s18  }
0x378: {  	[hbm4b:s19+s3] =	stream.linear.scatter [tilespmem:s5], [sflag:$0x2], $0x80, $0x38;
	[tilespmem:$0x18400] =	vst v63  }
0x379: {  	s21 =	sadd.s32 $0x680, s18;
	s20 =	sor.u32 $0x1880, s17  }
0x37a: {  	[hbm4b:s21+s3] =	stream.linear.scatter [tilespmem:s20], [sflag:$0x2], $0x80, $0x38;
	[tilespmem:$0x18400] =	vst v63  }
0x37b: {  	s22 =	sor.u32 $0x1C80, s17;
	s23 =	sadd.s32 $0x700, s18  }
0x37c: {  	[hbm4b:s23+s3] =	stream.linear.scatter [tilespmem:s22], [sflag:$0x2], $0x80, $0x38;
	[tilespmem:$0x18400] =	vst v63  }
0x37d: {  	s24 =	sor.u32 $0x2080, s17;
	s25 =	sadd.s32 $0x780, s18  }
0x37e: {  	[hbm4b:s25+s3] =	stream.linear.scatter [tilespmem:s24], [sflag:$0x2], $0x80, $0x38;
	[tilespmem:$0x18400] =	vst v63  }
0x37f: {  	s26 =	sor.u32 $0x500, s17;
	s28 =	sadd.s32 $0x800, s18  }
0x380: {  	[hbm4b:s28+s3] =	stream.linear.scatter [tilespmem:s26], [sflag:$0x2], $0x80, $0x38;
	[tilespmem:$0x18400] =	vst v63  }
0x381: {  	s29 =	sor.u32 $0x900, s17;
	s30 =	sadd.s32 $0x880, s18  }
0x382: {  	[hbm4b:s30+s3] =	stream.linear.scatter [tilespmem:s29], [sflag:$0x2], $0x80, $0x38;
	[tilespmem:$0x18400] =	vst v63  }
0x383: {  	s31 =	sor.u32 $0xD00, s17;
	s0 =	sadd.s32 $0x900, s18  }
0x384: {  	[hbm4b:s0+s3] =	stream.linear.scatter [tilespmem:s31], [sflag:$0x2], $0x80, $0x38;
	[tilespmem:$0x18400] =	vst v63  }
0x385: {  	s5 =	sor.u32 $0x1100, s17;
	s19 =	sadd.s32 $0x980, s18  }
0x386: {  	[hbm4b:s19+s3] =	stream.linear.scatter [tilespmem:s5], [sflag:$0x2], $0x80, $0x38;
	[tilespmem:$0x18400] =	vst v63  }
0x387: {  	s20 =	sor.u32 $0x1500, s17;
	s21 =	sadd.s32 $0xA00, s18  }
0x388: {  	[hbm4b:s21+s3] =	stream.linear.scatter [tilespmem:s20], [sflag:$0x2], $0x80, $0x38;
	[tilespmem:$0x18400] =	vst v63  }
0x389: {  	s22 =	sor.u32 $0x1900, s17;
	s23 =	sadd.s32 $0xA80, s18  }
0x38a: {  	[hbm4b:s23+s3] =	stream.linear.scatter [tilespmem:s22], [sflag:$0x2], $0x80, $0x38;
	[tilespmem:$0x18400] =	vst v63  }
0x38b: {  	s24 =	sor.u32 $0x1D00, s17;
	s25 =	sadd.s32 $0xB00, s18  }
0x38c: {  	[hbm4b:s25+s3] =	stream.linear.scatter [tilespmem:s24], [sflag:$0x2], $0x80, $0x38;
	[tilespmem:$0x18400] =	vst v63  }
0x38d: {  	s26 =	sor.u32 $0x2100, s17;
	s28 =	sadd.s32 $0xB80, s18  }
0x38e: {  	[hbm4b:s28+s3] =	stream.linear.scatter [tilespmem:s26], [sflag:$0x2], $0x80, $0x38;
	[tilespmem:$0x18400] =	vst v63  }
0x38f: {  	s29 =	sor.u32 $0x580, s17;
	s30 =	sadd.s32 $0xC00, s18  }
0x390: {  	[hbm4b:s30+s3] =	stream.linear.scatter [tilespmem:s29], [sflag:$0x2], $0x80, $0x38;
	[tilespmem:$0x18400] =	vst v63  }
0x391: {  	s31 =	sor.u32 $0x980, s17;
	s0 =	sadd.s32 $0xC80, s18  }
0x392: {  	[hbm4b:s0+s3] =	stream.linear.scatter [tilespmem:s31], [sflag:$0x2], $0x80, $0x38;
	[tilespmem:$0x18400] =	vst v63  }
0x393: {  	s5 =	sor.u32 $0xD80, s17;
	s19 =	sadd.s32 $0xD00, s18  }
0x394: {  	[hbm4b:s19+s3] =	stream.linear.scatter [tilespmem:s5], [sflag:$0x2], $0x80, $0x38;
	[tilespmem:$0x18400] =	vst v63  }
0x395: {  	s20 =	sor.u32 $0x1180, s17;
	s21 =	sadd.s32 $0xD80, s18  }
0x396: {  	[hbm4b:s21+s3] =	stream.linear.scatter [tilespmem:s20], [sflag:$0x2], $0x80, $0x38;
	[tilespmem:$0x18400] =	vst v63  }
0x397: {  	s22 =	sor.u32 $0x1580, s17;
	s23 =	sadd.s32 $0xE00, s18  }
0x398: {  	[hbm4b:s23+s3] =	stream.linear.scatter [tilespmem:s22], [sflag:$0x2], $0x80, $0x38;
	[tilespmem:$0x18400] =	vst v63  }
0x399: {  	s24 =	sor.u32 $0x1980, s17;
	s25 =	sadd.s32 $0xE80, s18  }
0x39a: {  	[hbm4b:s25+s3] =	stream.linear.scatter [tilespmem:s24], [sflag:$0x2], $0x80, $0x38;
	[tilespmem:$0x18400] =	vst v63  }
0x39b: {  	s26 =	sor.u32 $0x1D80, s17;
	s28 =	sadd.s32 $0xF00, s18  }
0x39c: {  	[hbm4b:s28+s3] =	stream.linear.scatter [tilespmem:s26], [sflag:$0x2], $0x80, $0x38;
	[tilespmem:$0x18400] =	vst v63  }
0x39d: {  	s29 =	sor.u32 $0x2180, s17;
	s30 =	sadd.s32 $0xF80, s18  }
0x39e: {  	[hbm4b:s30+s3] =	stream.linear.scatter [tilespmem:s29], [sflag:$0x2], $0x80, $0x38;
	[tilespmem:$0x18400] =	vst v63  }
0x39f: {  	s31 =	sor.u32 $0x600, s17;
	s0 =	sadd.s32 $0x1000, s18  }
0x3a0: {  	[hbm4b:s0+s3] =	stream.linear.scatter [tilespmem:s31], [sflag:$0x2], $0x80, $0x38;
	[tilespmem:$0x18400] =	vst v63  }
0x3a1: {  	s5 =	sor.u32 $0xA00, s17;
	s19 =	sadd.s32 $0x1080, s18  }
0x3a2: {  	[hbm4b:s19+s3] =	stream.linear.scatter [tilespmem:s5], [sflag:$0x2], $0x80, $0x38;
	[tilespmem:$0x18400] =	vst v63  }
0x3a3: {  	s20 =	sor.u32 $0xE00, s17;
	s21 =	sadd.s32 $0x1100, s18  }
0x3a4: {  	[hbm4b:s21+s3] =	stream.linear.scatter [tilespmem:s20], [sflag:$0x2], $0x80, $0x38;
	[tilespmem:$0x18400] =	vst v63  }
0x3a5: {  	s22 =	sor.u32 $0x1200, s17;
	s23 =	sadd.s32 $0x1180, s18  }
0x3a6: {  	[hbm4b:s23+s3] =	stream.linear.scatter [tilespmem:s22], [sflag:$0x2], $0x80, $0x38;
	[tilespmem:$0x18400] =	vst v63  }
0x3a7: {  	s24 =	sor.u32 $0x1600, s17;
	s25 =	sadd.s32 $0x1200, s18  }
0x3a8: {  	[hbm4b:s25+s3] =	stream.linear.scatter [tilespmem:s24], [sflag:$0x2], $0x80, $0x38;
	[tilespmem:$0x18400] =	vst v63  }
0x3a9: {  	s26 =	sor.u32 $0x1A00, s17;
	s28 =	sadd.s32 $0x1280, s18  }
0x3aa: {  	[hbm4b:s28+s3] =	stream.linear.scatter [tilespmem:s26], [sflag:$0x2], $0x80, $0x38;
	[tilespmem:$0x18400] =	vst v63  }
0x3ab: {  	s29 =	sor.u32 $0x1E00, s17;
	s30 =	sadd.s32 $0x1300, s18  }
0x3ac: {  	[hbm4b:s30+s3] =	stream.linear.scatter [tilespmem:s29], [sflag:$0x2], $0x80, $0x38;
	[tilespmem:$0x18400] =	vst v63  }
0x3ad: {  	s31 =	sor.u32 $0x2200, s17;
	s0 =	sadd.s32 $0x1380, s18  }
0x3ae: {  	[hbm4b:s0+s3] =	stream.linear.scatter [tilespmem:s31], [sflag:$0x2], $0x80, $0x38;
	[tilespmem:$0x18400] =	vst v63  }
0x3af: {  	s5 =	sor.u32 $0x680, s17;
	s19 =	sadd.s32 $0x1400, s18  }
0x3b0: {  	[hbm4b:s19+s3] =	stream.linear.scatter [tilespmem:s5], [sflag:$0x2], $0x80, $0x38;
	[tilespmem:$0x18400] =	vst v63  }
0x3b1: {  	s20 =	sor.u32 $0xA80, s17;
	s21 =	sadd.s32 $0x1480, s18  }
0x3b2: {  	[hbm4b:s21+s3] =	stream.linear.scatter [tilespmem:s20], [sflag:$0x2], $0x80, $0x38;
	[tilespmem:$0x18400] =	vst v63  }
0x3b3: {  	s22 =	sor.u32 $0xE80, s17;
	s23 =	sadd.s32 $0x1500, s18  }
0x3b4: {  	[hbm4b:s23+s3] =	stream.linear.scatter [tilespmem:s22], [sflag:$0x2], $0x80, $0x38;
	[tilespmem:$0x18400] =	vst v63  }
0x3b5: {  	s24 =	sor.u32 $0x1280, s17;
	s25 =	sadd.s32 $0x1580, s18  }
0x3b6: {  	[hbm4b:s25+s3] =	stream.linear.scatter [tilespmem:s24], [sflag:$0x2], $0x80, $0x38;
	[tilespmem:$0x18400] =	vst v63  }
0x3b7: {  	s26 =	sor.u32 $0x1680, s17;
	s28 =	sadd.s32 $0x1600, s18  }
0x3b8: {  	[hbm4b:s28+s3] =	stream.linear.scatter [tilespmem:s26], [sflag:$0x2], $0x80, $0x38;
	[tilespmem:$0x18400] =	vst v63  }
0x3b9: {  	s29 =	sor.u32 $0x1A80, s17;
	s30 =	sadd.s32 $0x1680, s18  }
0x3ba: {  	[hbm4b:s30+s3] =	stream.linear.scatter [tilespmem:s29], [sflag:$0x2], $0x80, $0x38;
	[tilespmem:$0x18400] =	vst v63  }
0x3bb: {  	s31 =	sor.u32 $0x1E80, s17;
	s0 =	sadd.s32 $0x1700, s18  }
0x3bc: {  	[hbm4b:s0+s3] =	stream.linear.scatter [tilespmem:s31], [sflag:$0x2], $0x80, $0x38;
	[tilespmem:$0x18400] =	vst v63  }
0x3bd: {  	s5 =	sor.u32 $0x2280, s17;
	s19 =	sadd.s32 $0x1780, s18  }
0x3be: {  	[hbm4b:s19+s3] =	stream.linear.scatter [tilespmem:s5], [sflag:$0x2], $0x80, $0x38;
	[tilespmem:$0x18400] =	vst v63  }
0x3bf: {  	s20 =	sor.u32 $0x700, s17;
	s21 =	sadd.s32 $0x1800, s18  }
0x3c0: {  	[hbm4b:s21+s3] =	stream.linear.scatter [tilespmem:s20], [sflag:$0x2], $0x80, $0x38;
	[tilespmem:$0x18400] =	vst v63  }
0x3c1: {  	s22 =	sor.u32 $0xB00, s17;
	s23 =	sadd.s32 $0x1880, s18  }
0x3c2: {  	[hbm4b:s23+s3] =	stream.linear.scatter [tilespmem:s22], [sflag:$0x2], $0x80, $0x38;
	[tilespmem:$0x18400] =	vst v63  }
0x3c3: {  	s24 =	sor.u32 $0xF00, s17;
	s25 =	sadd.s32 $0x1900, s18  }
0x3c4: {  	[hbm4b:s25+s3] =	stream.linear.scatter [tilespmem:s24], [sflag:$0x2], $0x80, $0x38;
	[tilespmem:$0x18400] =	vst v63  }
0x3c5: {  	s26 =	sor.u32 $0x1300, s17;
	s28 =	sadd.s32 $0x1980, s18  }
0x3c6: {  	[hbm4b:s28+s3] =	stream.linear.scatter [tilespmem:s26], [sflag:$0x2], $0x80, $0x38;
	[tilespmem:$0x18400] =	vst v63  }
0x3c7: {  	s29 =	sor.u32 $0x1700, s17;
	s30 =	sadd.s32 $0x1A00, s18  }
0x3c8: {  	[hbm4b:s30+s3] =	stream.linear.scatter [tilespmem:s29], [sflag:$0x2], $0x80, $0x38;
	[tilespmem:$0x18400] =	vst v63  }
0x3c9: {  	s31 =	sor.u32 $0x1B00, s17;
	s0 =	sadd.s32 $0x1A80, s18  }
0x3ca: {  	[hbm4b:s0+s3] =	stream.linear.scatter [tilespmem:s31], [sflag:$0x2], $0x80, $0x38;
	[tilespmem:$0x18400] =	vst v63  }
0x3cb: {  	s5 =	sor.u32 $0x1F00, s17;
	s19 =	sadd.s32 $0x1B00, s18  }
0x3cc: {  	[hbm4b:s19+s3] =	stream.linear.scatter [tilespmem:s5], [sflag:$0x2], $0x80, $0x38;
	[tilespmem:$0x18400] =	vst v63  }
0x3cd: {  	s20 =	sor.u32 $0x2300, s17;
	s21 =	sadd.s32 $0x1B80, s18  }
0x3ce: {  	[hbm4b:s21+s3] =	stream.linear.scatter [tilespmem:s20], [sflag:$0x2], $0x80, $0x38;
	[tilespmem:$0x18400] =	vst v63  }
0x3cf: {  	s22 =	sor.u32 $0x780, s17;
	s23 =	sadd.s32 $0x1C00, s18  }
0x3d0: {  	[hbm4b:s23+s3] =	stream.linear.scatter [tilespmem:s22], [sflag:$0x2], $0x80, $0x38;
	[tilespmem:$0x18400] =	vst v63  }
0x3d1: {  	s24 =	sor.u32 $0xB80, s17;
	s25 =	sadd.s32 $0x1C80, s18  }
0x3d2: {  	[hbm4b:s25+s3] =	stream.linear.scatter [tilespmem:s24], [sflag:$0x2], $0x80, $0x38;
	[tilespmem:$0x18400] =	vst v63  }
0x3d3: {  	s26 =	sor.u32 $0xF80, s17;
	s28 =	sadd.s32 $0x1D00, s18  }
0x3d4: {  	[hbm4b:s28+s3] =	stream.linear.scatter [tilespmem:s26], [sflag:$0x2], $0x80, $0x38;
	[tilespmem:$0x18400] =	vst v63  }
0x3d5: {  	s29 =	sor.u32 $0x1380, s17;
	s30 =	sadd.s32 $0x1D80, s18  }
0x3d6: {  	[hbm4b:s30+s3] =	stream.linear.scatter [tilespmem:s29], [sflag:$0x2], $0x80, $0x38;
	[tilespmem:$0x18400] =	vst v63  }
0x3d7: {  	s31 =	sor.u32 $0x1780, s17;
	s0 =	sadd.s32 $0x1E00, s18  }
0x3d8: {  	[hbm4b:s0+s3] =	stream.linear.scatter [tilespmem:s31], [sflag:$0x2], $0x80, $0x38;
	[tilespmem:$0x18400] =	vst v63  }
0x3d9: {  	s5 =	sor.u32 $0x1B80, s17;
	s19 =	sadd.s32 $0x1E80, s18  }
0x3da: {  	[hbm4b:s19+s3] =	stream.linear.scatter [tilespmem:s5], [sflag:$0x2], $0x80, $0x38;
	[tilespmem:$0x18400] =	vst v63  }
0x3db: {  	s20 =	sor.u32 $0x1F80, s17;
	s21 =	sadd.s32 $0x1F00, s18  }
0x3dc: {  	[hbm4b:s21+s3] =	stream.linear.scatter [tilespmem:s20], [sflag:$0x2], $0x80, $0x38;
	[tilespmem:$0x18400] =	vst v63  }
0x3dd: {  	s22 =	sor.u32 $0x2380, s17;
	s23 =	sadd.s32 $0x1F80, s18  }
0x3de: {  	[hbm4b:s23+s3] =	stream.linear.scatter [tilespmem:s22], [sflag:$0x2], $0x80, $0x38;
	[tilespmem:$0x18400] =	vst v63  }
0x3df: {  	s24 =	sor.u32 $0x2400, s17;
	s25 =	sadd.s32 $0x2000, s18  }
0x3e0: {  	[hbm4b:s25+s3] =	stream.linear.scatter [tilespmem:s24], [sflag:$0x2], $0x80, $0x38;
	[tilespmem:$0x18400] =	vst v63  }
0x3e1: {  	s26 =	sor.u32 $0x2800, s17;
	s28 =	sadd.s32 $0x2080, s18  }
0x3e2: {  	[hbm4b:s28+s3] =	stream.linear.scatter [tilespmem:s26], [sflag:$0x2], $0x80, $0x38;
	[tilespmem:$0x18400] =	vst v63  }
0x3e3: {  	s29 =	sor.u32 $0x2C00, s17;
	s30 =	sadd.s32 $0x2100, s18  }
0x3e4: {  	[hbm4b:s30+s3] =	stream.linear.scatter [tilespmem:s29], [sflag:$0x2], $0x80, $0x38;
	[tilespmem:$0x18400] =	vst v63  }
0x3e5: {  	s31 =	sor.u32 $0x3000, s17;
	s0 =	sadd.s32 $0x2180, s18  }
0x3e6: {  	[hbm4b:s0+s3] =	stream.linear.scatter [tilespmem:s31], [sflag:$0x2], $0x80, $0x38;
	[tilespmem:$0x18400] =	vst v63  }
0x3e7: {  	s5 =	sor.u32 $0x3400, s17;
	s19 =	sadd.s32 $0x2200, s18  }
0x3e8: {  	[hbm4b:s19+s3] =	stream.linear.scatter [tilespmem:s5], [sflag:$0x2], $0x80, $0x38;
	[tilespmem:$0x18400] =	vst v63  }
0x3e9: {  	s20 =	sor.u32 $0x3800, s17;
	s21 =	sadd.s32 $0x2280, s18  }
0x3ea: {  	[hbm4b:s21+s3] =	stream.linear.scatter [tilespmem:s20], [sflag:$0x2], $0x80, $0x38;
	[tilespmem:$0x18400] =	vst v63  }
0x3eb: {  	s22 =	sor.u32 $0x3C00, s17;
	s23 =	sadd.s32 $0x2300, s18  }
0x3ec: {  	[hbm4b:s23+s3] =	stream.linear.scatter [tilespmem:s22], [sflag:$0x2], $0x80, $0x38;
	[tilespmem:$0x18400] =	vst v63  }
0x3ed: {  	s24 =	sor.u32 $0x4000, s17;
	s25 =	sadd.s32 $0x2380, s18  }
0x3ee: {  	[hbm4b:s25+s3] =	stream.linear.scatter [tilespmem:s24], [sflag:$0x2], $0x80, $0x38;
	[tilespmem:$0x18400] =	vst v63  }
0x3ef: {  	s26 =	sor.u32 $0x2480, s17;
	s28 =	sadd.s32 $0x2400, s18  }
0x3f0: {  	[hbm4b:s28+s3] =	stream.linear.scatter [tilespmem:s26], [sflag:$0x2], $0x80, $0x38;
	[tilespmem:$0x18400] =	vst v63  }
0x3f1: {  	s29 =	sor.u32 $0x2880, s17;
	s30 =	sadd.s32 $0x2480, s18  }
0x3f2: {  	[hbm4b:s30+s3] =	stream.linear.scatter [tilespmem:s29], [sflag:$0x2], $0x80, $0x38;
	[tilespmem:$0x18400] =	vst v63  }
0x3f3: {  	s31 =	sor.u32 $0x2C80, s17;
	s0 =	sadd.s32 $0x2500, s18  }
0x3f4: {  	[hbm4b:s0+s3] =	stream.linear.scatter [tilespmem:s31], [sflag:$0x2], $0x80, $0x38;
	[tilespmem:$0x18400] =	vst v63  }
0x3f5: {  	s5 =	sor.u32 $0x3080, s17;
	s19 =	sadd.s32 $0x2580, s18  }
0x3f6: {  	[hbm4b:s19+s3] =	stream.linear.scatter [tilespmem:s5], [sflag:$0x2], $0x80, $0x38;
	[tilespmem:$0x18400] =	vst v63  }
0x3f7: {  	s20 =	sor.u32 $0x3480, s17;
	s21 =	sadd.s32 $0x2600, s18  }
0x3f8: {  	[hbm4b:s21+s3] =	stream.linear.scatter [tilespmem:s20], [sflag:$0x2], $0x80, $0x38;
	[tilespmem:$0x18400] =	vst v63  }
0x3f9: {  	s22 =	sor.u32 $0x3880, s17;
	s23 =	sadd.s32 $0x2680, s18  }
0x3fa: {  	[hbm4b:s23+s3] =	stream.linear.scatter [tilespmem:s22], [sflag:$0x2], $0x80, $0x38;
	[tilespmem:$0x18400] =	vst v63  }
0x3fb: {  	s24 =	sor.u32 $0x3C80, s17;
	s25 =	sadd.s32 $0x2700, s18  }
0x3fc: {  	[hbm4b:s25+s3] =	stream.linear.scatter [tilespmem:s24], [sflag:$0x2], $0x80, $0x38;
	[tilespmem:$0x18400] =	vst v63  }
0x3fd: {  	s26 =	sor.u32 $0x4080, s17;
	s28 =	sadd.s32 $0x2780, s18  }
0x3fe: {  	[hbm4b:s28+s3] =	stream.linear.scatter [tilespmem:s26], [sflag:$0x2], $0x80, $0x38;
	[tilespmem:$0x18400] =	vst v63  }
0x3ff: {  	s29 =	sor.u32 $0x2500, s17;
	s30 =	sadd.s32 $0x2800, s18  }
0x400: {  	[hbm4b:s30+s3] =	stream.linear.scatter [tilespmem:s29], [sflag:$0x2], $0x80, $0x38;
	[tilespmem:$0x18400] =	vst v63  }
0x401: {  	s31 =	sor.u32 $0x2900, s17;
	s0 =	sadd.s32 $0x2880, s18  }
0x402: {  	[hbm4b:s0+s3] =	stream.linear.scatter [tilespmem:s31], [sflag:$0x2], $0x80, $0x38;
	[tilespmem:$0x18400] =	vst v63  }
0x403: {  	s5 =	sor.u32 $0x2D00, s17;
	s19 =	sadd.s32 $0x2900, s18  }
0x404: {  	[hbm4b:s19+s3] =	stream.linear.scatter [tilespmem:s5], [sflag:$0x2], $0x80, $0x38;
	[tilespmem:$0x18400] =	vst v63  }
0x405: {  	s20 =	sor.u32 $0x3100, s17;
	s21 =	sadd.s32 $0x2980, s18  }
0x406: {  	[hbm4b:s21+s3] =	stream.linear.scatter [tilespmem:s20], [sflag:$0x2], $0x80, $0x38;
	[tilespmem:$0x18400] =	vst v63  }
0x407: {  	s22 =	sor.u32 $0x3500, s17;
	s23 =	sadd.s32 $0x2A00, s18  }
0x408: {  	[hbm4b:s23+s3] =	stream.linear.scatter [tilespmem:s22], [sflag:$0x2], $0x80, $0x38;
	[tilespmem:$0x18400] =	vst v63  }
0x409: {  	s24 =	sor.u32 $0x3900, s17;
	s25 =	sadd.s32 $0x2A80, s18  }
0x40a: {  	[hbm4b:s25+s3] =	stream.linear.scatter [tilespmem:s24], [sflag:$0x2], $0x80, $0x38;
	[tilespmem:$0x18400] =	vst v63  }
0x40b: {  	s26 =	sor.u32 $0x3D00, s17;
	s28 =	sadd.s32 $0x2B00, s18  }
0x40c: {  	[hbm4b:s28+s3] =	stream.linear.scatter [tilespmem:s26], [sflag:$0x2], $0x80, $0x38;
	[tilespmem:$0x18400] =	vst v63  }
0x40d: {  	s29 =	sor.u32 $0x4100, s17;
	s30 =	sadd.s32 $0x2B80, s18  }
0x40e: {  	[hbm4b:s30+s3] =	stream.linear.scatter [tilespmem:s29], [sflag:$0x2], $0x80, $0x38;
	[tilespmem:$0x18400] =	vst v63  }
0x40f: {  	s31 =	sor.u32 $0x2580, s17;
	s0 =	sadd.s32 $0x2C00, s18  }
0x410: {  	[hbm4b:s0+s3] =	stream.linear.scatter [tilespmem:s31], [sflag:$0x2], $0x80, $0x38;
	[tilespmem:$0x18400] =	vst v63  }
0x411: {  	s5 =	sor.u32 $0x2980, s17;
	s19 =	sadd.s32 $0x2C80, s18  }
0x412: {  	[hbm4b:s19+s3] =	stream.linear.scatter [tilespmem:s5], [sflag:$0x2], $0x80, $0x38;
	[tilespmem:$0x18400] =	vst v63  }
0x413: {  	s20 =	sor.u32 $0x2D80, s17;
	s21 =	sadd.s32 $0x2D00, s18  }
0x414: {  	[hbm4b:s21+s3] =	stream.linear.scatter [tilespmem:s20], [sflag:$0x2], $0x80, $0x38;
	[tilespmem:$0x18400] =	vst v63  }
0x415: {  	s22 =	sor.u32 $0x3180, s17;
	s23 =	sadd.s32 $0x2D80, s18  }
0x416: {  	[hbm4b:s23+s3] =	stream.linear.scatter [tilespmem:s22], [sflag:$0x2], $0x80, $0x38;
	[tilespmem:$0x18400] =	vst v63  }
0x417: {  	s24 =	sor.u32 $0x3580, s17;
	s25 =	sadd.s32 $0x2E00, s18  }
0x418: {  	[hbm4b:s25+s3] =	stream.linear.scatter [tilespmem:s24], [sflag:$0x2], $0x80, $0x38;
	[tilespmem:$0x18400] =	vst v63  }
0x419: {  	s26 =	sor.u32 $0x3980, s17;
	s28 =	sadd.s32 $0x2E80, s18  }
0x41a: {  	[hbm4b:s28+s3] =	stream.linear.scatter [tilespmem:s26], [sflag:$0x2], $0x80, $0x38;
	[tilespmem:$0x18400] =	vst v63  }
0x41b: {  	s29 =	sor.u32 $0x3D80, s17;
	s30 =	sadd.s32 $0x2F00, s18  }
0x41c: {  	[hbm4b:s30+s3] =	stream.linear.scatter [tilespmem:s29], [sflag:$0x2], $0x80, $0x38;
	[tilespmem:$0x18400] =	vst v63  }
0x41d: {  	s31 =	sor.u32 $0x4180, s17;
	s0 =	sadd.s32 $0x2F80, s18  }
0x41e: {  	[hbm4b:s0+s3] =	stream.linear.scatter [tilespmem:s31], [sflag:$0x2], $0x80, $0x38;
	[tilespmem:$0x18400] =	vst v63  }
0x41f: {  	s5 =	sor.u32 $0x2600, s17;
	s19 =	sadd.s32 $0x3000, s18  }
0x420: {  	[hbm4b:s19+s3] =	stream.linear.scatter [tilespmem:s5], [sflag:$0x2], $0x80, $0x38;
	[tilespmem:$0x18400] =	vst v63  }
0x421: {  	s20 =	sor.u32 $0x2A00, s17;
	s21 =	sadd.s32 $0x3080, s18  }
0x422: {  	[hbm4b:s21+s3] =	stream.linear.scatter [tilespmem:s20], [sflag:$0x2], $0x80, $0x38;
	[tilespmem:$0x18400] =	vst v63  }
0x423: {  	s22 =	sor.u32 $0x2E00, s17;
	s23 =	sadd.s32 $0x3100, s18  }
0x424: {  	[hbm4b:s23+s3] =	stream.linear.scatter [tilespmem:s22], [sflag:$0x2], $0x80, $0x38;
	[tilespmem:$0x18400] =	vst v63  }
0x425: {  	s24 =	sor.u32 $0x3200, s17;
	s25 =	sadd.s32 $0x3180, s18  }
0x426: {  	[hbm4b:s25+s3] =	stream.linear.scatter [tilespmem:s24], [sflag:$0x2], $0x80, $0x38;
	[tilespmem:$0x18400] =	vst v63  }
0x427: {  	s26 =	sor.u32 $0x3600, s17;
	s28 =	sadd.s32 $0x3200, s18  }
0x428: {  	[hbm4b:s28+s3] =	stream.linear.scatter [tilespmem:s26], [sflag:$0x2], $0x80, $0x38;
	[tilespmem:$0x18400] =	vst v63  }
0x429: {  	s29 =	sor.u32 $0x3A00, s17;
	s30 =	sadd.s32 $0x3280, s18  }
0x42a: {  	[hbm4b:s30+s3] =	stream.linear.scatter [tilespmem:s29], [sflag:$0x2], $0x80, $0x38;
	[tilespmem:$0x18400] =	vst v63  }
0x42b: {  	s31 =	sor.u32 $0x3E00, s17;
	s0 =	sadd.s32 $0x3300, s18  }
0x42c: {  	[hbm4b:s0+s3] =	stream.linear.scatter [tilespmem:s31], [sflag:$0x2], $0x80, $0x38;
	[tilespmem:$0x18400] =	vst v63  }
0x42d: {  	s5 =	sor.u32 $0x4200, s17;
	s19 =	sadd.s32 $0x3380, s18  }
0x42e: {  	[hbm4b:s19+s3] =	stream.linear.scatter [tilespmem:s5], [sflag:$0x2], $0x80, $0x38;
	[tilespmem:$0x18400] =	vst v63  }
0x42f: {  	s20 =	sor.u32 $0x2680, s17;
	s21 =	sadd.s32 $0x3400, s18  }
0x430: {  	[hbm4b:s21+s3] =	stream.linear.scatter [tilespmem:s20], [sflag:$0x2], $0x80, $0x38;
	[tilespmem:$0x18400] =	vst v63  }
0x431: {  	s22 =	sor.u32 $0x2A80, s17;
	s23 =	sadd.s32 $0x3480, s18  }
0x432: {  	[hbm4b:s23+s3] =	stream.linear.scatter [tilespmem:s22], [sflag:$0x2], $0x80, $0x38;
	[tilespmem:$0x18400] =	vst v63  }
0x433: {  	s24 =	sor.u32 $0x2E80, s17;
	s25 =	sadd.s32 $0x3500, s18  }
0x434: {  	[hbm4b:s25+s3] =	stream.linear.scatter [tilespmem:s24], [sflag:$0x2], $0x80, $0x38;
	[tilespmem:$0x18400] =	vst v63  }
0x435: {  	s26 =	sor.u32 $0x3280, s17;
	s28 =	sadd.s32 $0x3580, s18  }
0x436: {  	[hbm4b:s28+s3] =	stream.linear.scatter [tilespmem:s26], [sflag:$0x2], $0x80, $0x38;
	[tilespmem:$0x18400] =	vst v63  }
0x437: {  	s29 =	sor.u32 $0x3680, s17;
	s30 =	sadd.s32 $0x3600, s18  }
0x438: {  	[hbm4b:s30+s3] =	stream.linear.scatter [tilespmem:s29], [sflag:$0x2], $0x80, $0x38;
	[tilespmem:$0x18400] =	vst v63  }
0x439: {  	s31 =	sor.u32 $0x3A80, s17;
	s0 =	sadd.s32 $0x3680, s18  }
0x43a: {  	[hbm4b:s0+s3] =	stream.linear.scatter [tilespmem:s31], [sflag:$0x2], $0x80, $0x38;
	[tilespmem:$0x18400] =	vst v63  }
0x43b: {  	s5 =	sor.u32 $0x3E80, s17;
	s19 =	sadd.s32 $0x3700, s18  }
0x43c: {  	[hbm4b:s19+s3] =	stream.linear.scatter [tilespmem:s5], [sflag:$0x2], $0x80, $0x38;
	[tilespmem:$0x18400] =	vst v63  }
0x43d: {  	s20 =	sor.u32 $0x4280, s17;
	s21 =	sadd.s32 $0x3780, s18  }
0x43e: {  	[hbm4b:s21+s3] =	stream.linear.scatter [tilespmem:s20], [sflag:$0x2], $0x80, $0x38;
	[tilespmem:$0x18400] =	vst v63  }
0x43f: {  	s22 =	sor.u32 $0x2700, s17;
	s23 =	sadd.s32 $0x3800, s18  }
0x440: {  	[hbm4b:s23+s3] =	stream.linear.scatter [tilespmem:s22], [sflag:$0x2], $0x80, $0x38;
	[tilespmem:$0x18400] =	vst v63  }
0x441: {  	s24 =	sor.u32 $0x2B00, s17;
	s25 =	sadd.s32 $0x3880, s18  }
0x442: {  	[hbm4b:s25+s3] =	stream.linear.scatter [tilespmem:s24], [sflag:$0x2], $0x80, $0x38;
	[tilespmem:$0x18400] =	vst v63  }
0x443: {  	s26 =	sor.u32 $0x2F00, s17;
	s28 =	sadd.s32 $0x3900, s18  }
0x444: {  	[hbm4b:s28+s3] =	stream.linear.scatter [tilespmem:s26], [sflag:$0x2], $0x80, $0x38;
	[tilespmem:$0x18400] =	vst v63  }
0x445: {  	s29 =	sor.u32 $0x3300, s17;
	s30 =	sadd.s32 $0x3980, s18  }
0x446: {  	[hbm4b:s30+s3] =	stream.linear.scatter [tilespmem:s29], [sflag:$0x2], $0x80, $0x38;
	[tilespmem:$0x18400] =	vst v63  }
0x447: {  	s31 =	sor.u32 $0x3700, s17;
	s0 =	sadd.s32 $0x3A00, s18  }
0x448: {  	[hbm4b:s0+s3] =	stream.linear.scatter [tilespmem:s31], [sflag:$0x2], $0x80, $0x38;
	[tilespmem:$0x18400] =	vst v63  }
0x449: {  	s5 =	sor.u32 $0x3B00, s17;
	s19 =	sadd.s32 $0x3A80, s18  }
0x44a: {  	[hbm4b:s19+s3] =	stream.linear.scatter [tilespmem:s5], [sflag:$0x2], $0x80, $0x38;
	[tilespmem:$0x18400] =	vst v63  }
0x44b: {  	s20 =	sor.u32 $0x3F00, s17;
	s21 =	sadd.s32 $0x3B00, s18  }
0x44c: {  	[hbm4b:s21+s3] =	stream.linear.scatter [tilespmem:s20], [sflag:$0x2], $0x80, $0x38;
	[tilespmem:$0x18400] =	vst v63  }
0x44d: {  	s22 =	sor.u32 $0x4300, s17;
	s23 =	sadd.s32 $0x3B80, s18  }
0x44e: {  	[hbm4b:s23+s3] =	stream.linear.scatter [tilespmem:s22], [sflag:$0x2], $0x80, $0x38;
	[tilespmem:$0x18400] =	vst v63  }
0x44f: {  	s24 =	sor.u32 $0x2780, s17;
	s25 =	sadd.s32 $0x3C00, s18  }
0x450: {  	[hbm4b:s25+s3] =	stream.linear.scatter [tilespmem:s24], [sflag:$0x2], $0x80, $0x38;
	[tilespmem:$0x18400] =	vst v63  }
0x451: {  	s26 =	sor.u32 $0x2B80, s17;
	s28 =	sadd.s32 $0x3C80, s18  }
0x452: {  	[hbm4b:s28+s3] =	stream.linear.scatter [tilespmem:s26], [sflag:$0x2], $0x80, $0x38;
	[tilespmem:$0x18400] =	vst v63  }
0x453: {  	s29 =	sor.u32 $0x2F80, s17;
	s30 =	sadd.s32 $0x3D00, s18  }
0x454: {  	[hbm4b:s30+s3] =	stream.linear.scatter [tilespmem:s29], [sflag:$0x2], $0x80, $0x38;
	[tilespmem:$0x18400] =	vst v63  }
0x455: {  	s31 =	sor.u32 $0x3380, s17;
	s0 =	sadd.s32 $0x3D80, s18  }
0x456: {  	[hbm4b:s0+s3] =	stream.linear.scatter [tilespmem:s31], [sflag:$0x2], $0x80, $0x38;
	[tilespmem:$0x18400] =	vst v63  }
0x457: {  	s5 =	sor.u32 $0x3780, s17;
	s19 =	sadd.s32 $0x3E00, s18  }
0x458: {  	[hbm4b:s19+s3] =	stream.linear.scatter [tilespmem:s5], [sflag:$0x2], $0x80, $0x38;
	[tilespmem:$0x18400] =	vst v63  }
0x459: {  	s20 =	sor.u32 $0x3B80, s17;
	s21 =	sadd.s32 $0x3E80, s18  }
0x45a: {  	[hbm4b:s21+s3] =	stream.linear.scatter [tilespmem:s20], [sflag:$0x2], $0x80, $0x38;
	[tilespmem:$0x18400] =	vst v63  }
0x45b: {  	s22 =	sor.u32 $0x3F80, s17;
	s23 =	sadd.s32 $0x3F00, s18  }
0x45c: {  	[hbm4b:s23+s3] =	stream.linear.scatter [tilespmem:s22], [sflag:$0x2], $0x80, $0x38;
	[tilespmem:$0x18400] =	vst v63  }
0x45d: {  	s24 =	sor.u32 $0x4380, s17;
	s25 =	sadd.s32 $0x3F80, s18  }
0x45e: {  	[hbm4b:s25+s3] =	stream.linear.scatter [tilespmem:s24], [sflag:$0x2], $0x80, $0x38;
	[tilespmem:$0x18400] =	vst v63  }
0x45f: {  	s26 =	sor.u32 $0x4400, s17;
	s28 =	sadd.s32 $0x4000, s18  }
0x460: {  	[hbm4b:s28+s3] =	stream.linear.scatter [tilespmem:s26], [sflag:$0x2], $0x80, $0x38;
	[tilespmem:$0x18400] =	vst v63  }
0x461: {  	s29 =	sor.u32 $0x4800, s17;
	s30 =	sadd.s32 $0x4080, s18  }
0x462: {  	[hbm4b:s30+s3] =	stream.linear.scatter [tilespmem:s29], [sflag:$0x2], $0x80, $0x38;
	[tilespmem:$0x18400] =	vst v63  }
0x463: {  	s31 =	sor.u32 $0x4C00, s17;
	s0 =	sadd.s32 $0x4100, s18  }
0x464: {  	[hbm4b:s0+s3] =	stream.linear.scatter [tilespmem:s31], [sflag:$0x2], $0x80, $0x38;
	[tilespmem:$0x18400] =	vst v63  }
0x465: {  	s5 =	sor.u32 $0x5000, s17;
	s19 =	sadd.s32 $0x4180, s18  }
0x466: {  	[hbm4b:s19+s3] =	stream.linear.scatter [tilespmem:s5], [sflag:$0x2], $0x80, $0x38;
	[tilespmem:$0x18400] =	vst v63  }
0x467: {  	s20 =	sor.u32 $0x5400, s17;
	s21 =	sadd.s32 $0x4200, s18  }
0x468: {  	[hbm4b:s21+s3] =	stream.linear.scatter [tilespmem:s20], [sflag:$0x2], $0x80, $0x38;
	[tilespmem:$0x18400] =	vst v63  }
0x469: {  	s22 =	sor.u32 $0x5800, s17;
	s23 =	sadd.s32 $0x4280, s18  }
0x46a: {  	[hbm4b:s23+s3] =	stream.linear.scatter [tilespmem:s22], [sflag:$0x2], $0x80, $0x38;
	[tilespmem:$0x18400] =	vst v63  }
0x46b: {  	s24 =	sor.u32 $0x5C00, s17;
	s25 =	sadd.s32 $0x4300, s18  }
0x46c: {  	[hbm4b:s25+s3] =	stream.linear.scatter [tilespmem:s24], [sflag:$0x2], $0x80, $0x38;
	[tilespmem:$0x18400] =	vst v63  }
0x46d: {  	s26 =	sor.u32 $0x6000, s17;
	s28 =	sadd.s32 $0x4380, s18  }
0x46e: {  	[hbm4b:s28+s3] =	stream.linear.scatter [tilespmem:s26], [sflag:$0x2], $0x80, $0x38;
	[tilespmem:$0x18400] =	vst v63  }
0x46f: {  	s29 =	sor.u32 $0x4480, s17;
	s30 =	sadd.s32 $0x4400, s18  }
0x470: {  	[hbm4b:s30+s3] =	stream.linear.scatter [tilespmem:s29], [sflag:$0x2], $0x80, $0x38;
	[tilespmem:$0x18400] =	vst v63  }
0x471: {  	s31 =	sor.u32 $0x4880, s17;
	s0 =	sadd.s32 $0x4480, s18  }
0x472: {  	[hbm4b:s0+s3] =	stream.linear.scatter [tilespmem:s31], [sflag:$0x2], $0x80, $0x38;
	[tilespmem:$0x18400] =	vst v63  }
0x473: {  	s5 =	sor.u32 $0x4C80, s17;
	s19 =	sadd.s32 $0x4500, s18  }
0x474: {  	[hbm4b:s19+s3] =	stream.linear.scatter [tilespmem:s5], [sflag:$0x2], $0x80, $0x38;
	[tilespmem:$0x18400] =	vst v63  }
0x475: {  	s20 =	sor.u32 $0x5080, s17;
	s21 =	sadd.s32 $0x4580, s18  }
0x476: {  	[hbm4b:s21+s3] =	stream.linear.scatter [tilespmem:s20], [sflag:$0x2], $0x80, $0x38;
	[tilespmem:$0x18400] =	vst v63  }
0x477: {  	s22 =	sor.u32 $0x5480, s17;
	s23 =	sadd.s32 $0x4600, s18  }
0x478: {  	[hbm4b:s23+s3] =	stream.linear.scatter [tilespmem:s22], [sflag:$0x2], $0x80, $0x38;
	[tilespmem:$0x18400] =	vst v63  }
0x479: {  	s24 =	sor.u32 $0x5880, s17;
	s25 =	sadd.s32 $0x4680, s18  }
0x47a: {  	[hbm4b:s25+s3] =	stream.linear.scatter [tilespmem:s24], [sflag:$0x2], $0x80, $0x38;
	[tilespmem:$0x18400] =	vst v63  }
0x47b: {  	s26 =	sor.u32 $0x5C80, s17;
	s28 =	sadd.s32 $0x4700, s18  }
0x47c: {  	[hbm4b:s28+s3] =	stream.linear.scatter [tilespmem:s26], [sflag:$0x2], $0x80, $0x38;
	[tilespmem:$0x18400] =	vst v63  }
0x47d: {  	s29 =	sor.u32 $0x6080, s17;
	s30 =	sadd.s32 $0x4780, s18  }
0x47e: {  	[hbm4b:s30+s3] =	stream.linear.scatter [tilespmem:s29], [sflag:$0x2], $0x80, $0x38;
	[tilespmem:$0x18400] =	vst v63  }
0x47f: {  	s31 =	sor.u32 $0x4500, s17;
	s0 =	sadd.s32 $0x4800, s18  }
0x480: {  	[hbm4b:s0+s3] =	stream.linear.scatter [tilespmem:s31], [sflag:$0x2], $0x80, $0x38;
	[tilespmem:$0x18400] =	vst v63  }
0x481: {  	s5 =	sor.u32 $0x4900, s17;
	s19 =	sadd.s32 $0x4880, s18  }
0x482: {  	[hbm4b:s19+s3] =	stream.linear.scatter [tilespmem:s5], [sflag:$0x2], $0x80, $0x38;
	[tilespmem:$0x18400] =	vst v63  }
0x483: {  	s20 =	sor.u32 $0x4D00, s17;
	s21 =	sadd.s32 $0x4900, s18  }
0x484: {  	[hbm4b:s21+s3] =	stream.linear.scatter [tilespmem:s20], [sflag:$0x2], $0x80, $0x38;
	[tilespmem:$0x18400] =	vst v63  }
0x485: {  	s22 =	sor.u32 $0x5100, s17;
	s23 =	sadd.s32 $0x4980, s18  }
0x486: {  	[hbm4b:s23+s3] =	stream.linear.scatter [tilespmem:s22], [sflag:$0x2], $0x80, $0x38;
	[tilespmem:$0x18400] =	vst v63  }
0x487: {  	s24 =	sor.u32 $0x5500, s17;
	s25 =	sadd.s32 $0x4A00, s18  }
0x488: {  	[hbm4b:s25+s3] =	stream.linear.scatter [tilespmem:s24], [sflag:$0x2], $0x80, $0x38;
	[tilespmem:$0x18400] =	vst v63  }
0x489: {  	s26 =	sor.u32 $0x5900, s17;
	s28 =	sadd.s32 $0x4A80, s18  }
0x48a: {  	[hbm4b:s28+s3] =	stream.linear.scatter [tilespmem:s26], [sflag:$0x2], $0x80, $0x38;
	[tilespmem:$0x18400] =	vst v63  }
0x48b: {  	s29 =	sor.u32 $0x5D00, s17;
	s30 =	sadd.s32 $0x4B00, s18  }
0x48c: {  	[hbm4b:s30+s3] =	stream.linear.scatter [tilespmem:s29], [sflag:$0x2], $0x80, $0x38;
	[tilespmem:$0x18400] =	vst v63  }
0x48d: {  	s31 =	sor.u32 $0x6100, s17;
	s0 =	sadd.s32 $0x4B80, s18  }
0x48e: {  	[hbm4b:s0+s3] =	stream.linear.scatter [tilespmem:s31], [sflag:$0x2], $0x80, $0x38;
	[tilespmem:$0x18400] =	vst v63  }
0x48f: {  	s5 =	sor.u32 $0x4580, s17;
	s19 =	sadd.s32 $0x4C00, s18  }
0x490: {  	[hbm4b:s19+s3] =	stream.linear.scatter [tilespmem:s5], [sflag:$0x2], $0x80, $0x38;
	[tilespmem:$0x18400] =	vst v63  }
0x491: {  	s20 =	sor.u32 $0x4980, s17;
	s21 =	sadd.s32 $0x4C80, s18  }
0x492: {  	[hbm4b:s21+s3] =	stream.linear.scatter [tilespmem:s20], [sflag:$0x2], $0x80, $0x38;
	[tilespmem:$0x18400] =	vst v63  }
0x493: {  	s22 =	sor.u32 $0x4D80, s17;
	s23 =	sadd.s32 $0x4D00, s18  }
0x494: {  	[hbm4b:s23+s3] =	stream.linear.scatter [tilespmem:s22], [sflag:$0x2], $0x80, $0x38;
	[tilespmem:$0x18400] =	vst v63  }
0x495: {  	s24 =	sor.u32 $0x5180, s17;
	s25 =	sadd.s32 $0x4D80, s18  }
0x496: {  	[hbm4b:s25+s3] =	stream.linear.scatter [tilespmem:s24], [sflag:$0x2], $0x80, $0x38;
	[tilespmem:$0x18400] =	vst v63  }
0x497: {  	s26 =	sor.u32 $0x5580, s17;
	s28 =	sadd.s32 $0x4E00, s18  }
0x498: {  	[hbm4b:s28+s3] =	stream.linear.scatter [tilespmem:s26], [sflag:$0x2], $0x80, $0x38;
	[tilespmem:$0x18400] =	vst v63  }
0x499: {  	s29 =	sor.u32 $0x5980, s17;
	s30 =	sadd.s32 $0x4E80, s18  }
0x49a: {  	[hbm4b:s30+s3] =	stream.linear.scatter [tilespmem:s29], [sflag:$0x2], $0x80, $0x38;
	[tilespmem:$0x18400] =	vst v63  }
0x49b: {  	s31 =	sor.u32 $0x5D80, s17;
	s0 =	sadd.s32 $0x4F00, s18  }
0x49c: {  	[hbm4b:s0+s3] =	stream.linear.scatter [tilespmem:s31], [sflag:$0x2], $0x80, $0x38;
	[tilespmem:$0x18400] =	vst v63  }
0x49d: {  	s5 =	sor.u32 $0x6180, s17;
	s19 =	sadd.s32 $0x4F80, s18  }
0x49e: {  	[hbm4b:s19+s3] =	stream.linear.scatter [tilespmem:s5], [sflag:$0x2], $0x80, $0x38;
	[tilespmem:$0x18400] =	vst v63  }
0x49f: {  	s20 =	sor.u32 $0x4600, s17;
	s21 =	sadd.s32 $0x5000, s18  }
0x4a0: {  	[hbm4b:s21+s3] =	stream.linear.scatter [tilespmem:s20], [sflag:$0x2], $0x80, $0x38;
	[tilespmem:$0x18400] =	vst v63  }
0x4a1: {  	s22 =	sor.u32 $0x4A00, s17;
	s23 =	sadd.s32 $0x5080, s18  }
0x4a2: {  	[hbm4b:s23+s3] =	stream.linear.scatter [tilespmem:s22], [sflag:$0x2], $0x80, $0x38;
	[tilespmem:$0x18400] =	vst v63  }
0x4a3: {  	s24 =	sor.u32 $0x4E00, s17;
	s25 =	sadd.s32 $0x5100, s18  }
0x4a4: {  	[hbm4b:s25+s3] =	stream.linear.scatter [tilespmem:s24], [sflag:$0x2], $0x80, $0x38;
	[tilespmem:$0x18400] =	vst v63  }
0x4a5: {  	s26 =	sor.u32 $0x5200, s17;
	s28 =	sadd.s32 $0x5180, s18  }
0x4a6: {  	[hbm4b:s28+s3] =	stream.linear.scatter [tilespmem:s26], [sflag:$0x2], $0x80, $0x38;
	[tilespmem:$0x18400] =	vst v63  }
0x4a7: {  	s29 =	sor.u32 $0x5600, s17;
	s30 =	sadd.s32 $0x5200, s18  }
0x4a8: {  	[hbm4b:s30+s3] =	stream.linear.scatter [tilespmem:s29], [sflag:$0x2], $0x80, $0x38;
	[tilespmem:$0x18400] =	vst v63  }
0x4a9: {  	s31 =	sor.u32 $0x5A00, s17;
	s0 =	sadd.s32 $0x5280, s18  }
0x4aa: {  	[hbm4b:s0+s3] =	stream.linear.scatter [tilespmem:s31], [sflag:$0x2], $0x80, $0x38;
	[tilespmem:$0x18400] =	vst v63  }
0x4ab: {  	s5 =	sor.u32 $0x5E00, s17;
	s19 =	sadd.s32 $0x5300, s18  }
0x4ac: {  	[hbm4b:s19+s3] =	stream.linear.scatter [tilespmem:s5], [sflag:$0x2], $0x80, $0x38;
	[tilespmem:$0x18400] =	vst v63  }
0x4ad: {  	s20 =	sor.u32 $0x6200, s17;
	s21 =	sadd.s32 $0x5380, s18  }
0x4ae: {  	[hbm4b:s21+s3] =	stream.linear.scatter [tilespmem:s20], [sflag:$0x2], $0x80, $0x38;
	[tilespmem:$0x18400] =	vst v63  }
0x4af: {  	s22 =	sor.u32 $0x4680, s17;
	s23 =	sadd.s32 $0x5400, s18  }
0x4b0: {  	[hbm4b:s23+s3] =	stream.linear.scatter [tilespmem:s22], [sflag:$0x2], $0x80, $0x38;
	[tilespmem:$0x18400] =	vst v63  }
0x4b1: {  	s24 =	sor.u32 $0x4A80, s17;
	s25 =	sadd.s32 $0x5480, s18  }
0x4b2: {  	[hbm4b:s25+s3] =	stream.linear.scatter [tilespmem:s24], [sflag:$0x2], $0x80, $0x38;
	[tilespmem:$0x18400] =	vst v63  }
0x4b3: {  	s26 =	sor.u32 $0x4E80, s17;
	s28 =	sadd.s32 $0x5500, s18  }
0x4b4: {  	[hbm4b:s28+s3] =	stream.linear.scatter [tilespmem:s26], [sflag:$0x2], $0x80, $0x38;
	[tilespmem:$0x18400] =	vst v63  }
0x4b5: {  	s29 =	sor.u32 $0x5280, s17;
	s30 =	sadd.s32 $0x5580, s18  }
0x4b6: {  	[hbm4b:s30+s3] =	stream.linear.scatter [tilespmem:s29], [sflag:$0x2], $0x80, $0x38;
	[tilespmem:$0x18400] =	vst v63  }
0x4b7: {  	s31 =	sor.u32 $0x5680, s17;
	s0 =	sadd.s32 $0x5600, s18  }
0x4b8: {  	[hbm4b:s0+s3] =	stream.linear.scatter [tilespmem:s31], [sflag:$0x2], $0x80, $0x38;
	[tilespmem:$0x18400] =	vst v63  }
0x4b9: {  	s5 =	sor.u32 $0x5A80, s17;
	s19 =	sadd.s32 $0x5680, s18  }
0x4ba: {  	[hbm4b:s19+s3] =	stream.linear.scatter [tilespmem:s5], [sflag:$0x2], $0x80, $0x38;
	[tilespmem:$0x18400] =	vst v63  }
0x4bb: {  	s20 =	sor.u32 $0x5E80, s17;
	s21 =	sadd.s32 $0x5700, s18  }
0x4bc: {  	[hbm4b:s21+s3] =	stream.linear.scatter [tilespmem:s20], [sflag:$0x2], $0x80, $0x38;
	[tilespmem:$0x18400] =	vst v63  }
0x4bd: {  	s22 =	sor.u32 $0x6280, s17;
	s23 =	sadd.s32 $0x5780, s18  }
0x4be: {  	[hbm4b:s23+s3] =	stream.linear.scatter [tilespmem:s22], [sflag:$0x2], $0x80, $0x38;
	[tilespmem:$0x18400] =	vst v63  }
0x4bf: {  	s24 =	sor.u32 $0x4700, s17;
	s25 =	sadd.s32 $0x5800, s18  }
0x4c0: {  	[hbm4b:s25+s3] =	stream.linear.scatter [tilespmem:s24], [sflag:$0x2], $0x80, $0x38;
	[tilespmem:$0x18400] =	vst v63  }
0x4c1: {  	s26 =	sor.u32 $0x4B00, s17;
	s28 =	sadd.s32 $0x5880, s18  }
0x4c2: {  	[hbm4b:s28+s3] =	stream.linear.scatter [tilespmem:s26], [sflag:$0x2], $0x80, $0x38;
	[tilespmem:$0x18400] =	vst v63  }
0x4c3: {  	s29 =	sor.u32 $0x4F00, s17;
	s30 =	sadd.s32 $0x5900, s18  }
0x4c4: {  	[hbm4b:s30+s3] =	stream.linear.scatter [tilespmem:s29], [sflag:$0x2], $0x80, $0x38;
	[tilespmem:$0x18400] =	vst v63  }
0x4c5: {  	s31 =	sor.u32 $0x5300, s17;
	s0 =	sadd.s32 $0x5980, s18  }
0x4c6: {  	[hbm4b:s0+s3] =	stream.linear.scatter [tilespmem:s31], [sflag:$0x2], $0x80, $0x38;
	[tilespmem:$0x18400] =	vst v63  }
0x4c7: {  	s5 =	sor.u32 $0x5700, s17;
	s19 =	sadd.s32 $0x5A00, s18  }
0x4c8: {  	[hbm4b:s19+s3] =	stream.linear.scatter [tilespmem:s5], [sflag:$0x2], $0x80, $0x38;
	[tilespmem:$0x18400] =	vst v63  }
0x4c9: {  	s20 =	sor.u32 $0x5B00, s17;
	s21 =	sadd.s32 $0x5A80, s18  }
0x4ca: {  	[hbm4b:s21+s3] =	stream.linear.scatter [tilespmem:s20], [sflag:$0x2], $0x80, $0x38;
	[tilespmem:$0x18400] =	vst v63  }
0x4cb: {  	s22 =	sor.u32 $0x5F00, s17;
	s23 =	sadd.s32 $0x5B00, s18  }
0x4cc: {  	[hbm4b:s23+s3] =	stream.linear.scatter [tilespmem:s22], [sflag:$0x2], $0x80, $0x38;
	[tilespmem:$0x18400] =	vst v63  }
0x4cd: {  	s24 =	sor.u32 $0x6300, s17;
	s25 =	sadd.s32 $0x5B80, s18  }
0x4ce: {  	[hbm4b:s25+s3] =	stream.linear.scatter [tilespmem:s24], [sflag:$0x2], $0x80, $0x38;
	[tilespmem:$0x18400] =	vst v63  }
0x4cf: {  	s26 =	sor.u32 $0x4780, s17;
	s28 =	sadd.s32 $0x5C00, s18  }
0x4d0: {  	[hbm4b:s28+s3] =	stream.linear.scatter [tilespmem:s26], [sflag:$0x2], $0x80, $0x38;
	[tilespmem:$0x18400] =	vst v63  }
0x4d1: {  	s29 =	sor.u32 $0x4B80, s17;
	s30 =	sadd.s32 $0x5C80, s18  }
0x4d2: {  	[hbm4b:s30+s3] =	stream.linear.scatter [tilespmem:s29], [sflag:$0x2], $0x80, $0x38;
	[tilespmem:$0x18400] =	vst v63  }
0x4d3: {  	s31 =	sor.u32 $0x4F80, s17;
	s0 =	sadd.s32 $0x5D00, s18  }
0x4d4: {  	[hbm4b:s0+s3] =	stream.linear.scatter [tilespmem:s31], [sflag:$0x2], $0x80, $0x38;
	[tilespmem:$0x18400] =	vst v63  }
0x4d5: {  	s5 =	sor.u32 $0x5380, s17;
	s19 =	sadd.s32 $0x5D80, s18  }
0x4d6: {  	[hbm4b:s19+s3] =	stream.linear.scatter [tilespmem:s5], [sflag:$0x2], $0x80, $0x38;
	[tilespmem:$0x18400] =	vst v63  }
0x4d7: {  	s20 =	sor.u32 $0x5780, s17;
	s21 =	sadd.s32 $0x5E00, s18  }
0x4d8: {  	[hbm4b:s21+s3] =	stream.linear.scatter [tilespmem:s20], [sflag:$0x2], $0x80, $0x38;
	[tilespmem:$0x18400] =	vst v63  }
0x4d9: {  	s22 =	sor.u32 $0x5B80, s17;
	s23 =	sadd.s32 $0x5E80, s18  }
0x4da: {  	[hbm4b:s23+s3] =	stream.linear.scatter [tilespmem:s22], [sflag:$0x2], $0x80, $0x38;
	[tilespmem:$0x18400] =	vst v63  }
0x4db: {  	s24 =	sor.u32 $0x5F80, s17;
	s25 =	sadd.s32 $0x5F00, s18  }
0x4dc: {  	[hbm4b:s25+s3] =	stream.linear.scatter [tilespmem:s24], [sflag:$0x2], $0x80, $0x38;
	[tilespmem:$0x18400] =	vst v63  }
0x4dd: {  	s26 =	sor.u32 $0x6380, s17;
	s28 =	sadd.s32 $0x5F80, s18  }
0x4de: {  	[hbm4b:s28+s3] =	stream.linear.scatter [tilespmem:s26], [sflag:$0x2], $0x80, $0x38;
	[tilespmem:$0x18400] =	vst v63  }
0x4df: {  	s29 =	sor.u32 $0x6400, s17;
	s30 =	sadd.s32 $0x6000, s18  }
0x4e0: {  	[hbm4b:s30+s3] =	stream.linear.scatter [tilespmem:s29], [sflag:$0x2], $0x80, $0x38;
	[tilespmem:$0x18400] =	vst v63  }
0x4e1: {  	s31 =	sor.u32 $0x6800, s17;
	s0 =	sadd.s32 $0x6080, s18  }
0x4e2: {  	[hbm4b:s0+s3] =	stream.linear.scatter [tilespmem:s31], [sflag:$0x2], $0x80, $0x38;
	[tilespmem:$0x18400] =	vst v63  }
0x4e3: {  	s5 =	sor.u32 $0x6C00, s17;
	s19 =	sadd.s32 $0x6100, s18  }
0x4e4: {  	[hbm4b:s19+s3] =	stream.linear.scatter [tilespmem:s5], [sflag:$0x2], $0x80, $0x38;
	[tilespmem:$0x18400] =	vst v63  }
0x4e5: {  	s20 =	sor.u32 $0x7000, s17;
	s21 =	sadd.s32 $0x6180, s18  }
0x4e6: {  	[hbm4b:s21+s3] =	stream.linear.scatter [tilespmem:s20], [sflag:$0x2], $0x80, $0x38;
	[tilespmem:$0x18400] =	vst v63  }
0x4e7: {  	s22 =	sor.u32 $0x7400, s17;
	s23 =	sadd.s32 $0x6200, s18  }
0x4e8: {  	[hbm4b:s23+s3] =	stream.linear.scatter [tilespmem:s22], [sflag:$0x2], $0x80, $0x38;
	[tilespmem:$0x18400] =	vst v63  }
0x4e9: {  	s24 =	sor.u32 $0x7800, s17;
	s25 =	sadd.s32 $0x6280, s18  }
0x4ea: {  	[hbm4b:s25+s3] =	stream.linear.scatter [tilespmem:s24], [sflag:$0x2], $0x80, $0x38;
	[tilespmem:$0x18400] =	vst v63  }
0x4eb: {  	s26 =	sor.u32 $0x7C00, s17;
	s28 =	sadd.s32 $0x6300, s18  }
0x4ec: {  	[hbm4b:s28+s3] =	stream.linear.scatter [tilespmem:s26], [sflag:$0x2], $0x80, $0x38;
	[tilespmem:$0x18400] =	vst v63  }
0x4ed: {  	s29 =	sadd.s32 $0x8000, s17;
	s30 =	sadd.s32 $0x6380, s18  }
0x4ee: {  	[hbm4b:s30+s3] =	stream.linear.scatter [tilespmem:s29], [sflag:$0x2], $0x80, $0x38;
	[tilespmem:$0x18400] =	vst v63  }
0x4ef: {  	s31 =	sor.u32 $0x6480, s17;
	s0 =	sadd.s32 $0x6400, s18  }
0x4f0: {  	[hbm4b:s0+s3] =	stream.linear.scatter [tilespmem:s31], [sflag:$0x2], $0x80, $0x38;
	[tilespmem:$0x18400] =	vst v63  }
0x4f1: {  	s5 =	sor.u32 $0x6880, s17;
	s19 =	sadd.s32 $0x6480, s18  }
0x4f2: {  	[hbm4b:s19+s3] =	stream.linear.scatter [tilespmem:s5], [sflag:$0x2], $0x80, $0x38;
	[tilespmem:$0x18400] =	vst v63  }
0x4f3: {  	s20 =	sor.u32 $0x6C80, s17;
	s21 =	sadd.s32 $0x6500, s18  }
0x4f4: {  	[hbm4b:s21+s3] =	stream.linear.scatter [tilespmem:s20], [sflag:$0x2], $0x80, $0x38;
	[tilespmem:$0x18400] =	vst v63  }
0x4f5: {  	s22 =	sor.u32 $0x7080, s17;
	s23 =	sadd.s32 $0x6580, s18  }
0x4f6: {  	[hbm4b:s23+s3] =	stream.linear.scatter [tilespmem:s22], [sflag:$0x2], $0x80, $0x38;
	[tilespmem:$0x18400] =	vst v63  }
0x4f7: {  	s24 =	sor.u32 $0x7480, s17;
	s25 =	sadd.s32 $0x6600, s18  }
0x4f8: {  	[hbm4b:s25+s3] =	stream.linear.scatter [tilespmem:s24], [sflag:$0x2], $0x80, $0x38;
	[tilespmem:$0x18400] =	vst v63  }
0x4f9: {  	s26 =	sor.u32 $0x7880, s17;
	s28 =	sadd.s32 $0x6680, s18  }
0x4fa: {  	[hbm4b:s28+s3] =	stream.linear.scatter [tilespmem:s26], [sflag:$0x2], $0x80, $0x38;
	[tilespmem:$0x18400] =	vst v63  }
0x4fb: {  	s29 =	sor.u32 $0x7C80, s17;
	s30 =	sadd.s32 $0x6700, s18  }
0x4fc: {  	[hbm4b:s30+s3] =	stream.linear.scatter [tilespmem:s29], [sflag:$0x2], $0x80, $0x38;
	[tilespmem:$0x18400] =	vst v63  }
0x4fd: {  	s31 =	sadd.s32 $0x8080, s17;
	s0 =	sadd.s32 $0x6780, s18  }
0x4fe: {  	[hbm4b:s0+s3] =	stream.linear.scatter [tilespmem:s31], [sflag:$0x2], $0x80, $0x38;
	[tilespmem:$0x18400] =	vst v63  }
0x4ff: {  	s5 =	sor.u32 $0x6500, s17;
	s19 =	sadd.s32 $0x6800, s18  }
0x500: {  	[hbm4b:s19+s3] =	stream.linear.scatter [tilespmem:s5], [sflag:$0x2], $0x80, $0x38;
	[tilespmem:$0x18400] =	vst v63  }
0x501: {  	s20 =	sor.u32 $0x6900, s17;
	s21 =	sadd.s32 $0x6880, s18  }
0x502: {  	[hbm4b:s21+s3] =	stream.linear.scatter [tilespmem:s20], [sflag:$0x2], $0x80, $0x38;
	[tilespmem:$0x18400] =	vst v63  }
0x503: {  	s22 =	sor.u32 $0x6D00, s17;
	s23 =	sadd.s32 $0x6900, s18  }
0x504: {  	[hbm4b:s23+s3] =	stream.linear.scatter [tilespmem:s22], [sflag:$0x2], $0x80, $0x38;
	[tilespmem:$0x18400] =	vst v63  }
0x505: {  	s24 =	sor.u32 $0x7100, s17;
	s25 =	sadd.s32 $0x6980, s18  }
0x506: {  	[hbm4b:s25+s3] =	stream.linear.scatter [tilespmem:s24], [sflag:$0x2], $0x80, $0x38;
	[tilespmem:$0x18400] =	vst v63  }
0x507: {  	s26 =	sor.u32 $0x7500, s17;
	s28 =	sadd.s32 $0x6A00, s18  }
0x508: {  	[hbm4b:s28+s3] =	stream.linear.scatter [tilespmem:s26], [sflag:$0x2], $0x80, $0x38;
	[tilespmem:$0x18400] =	vst v63  }
0x509: {  	s29 =	sor.u32 $0x7900, s17;
	s30 =	sadd.s32 $0x6A80, s18  }
0x50a: {  	[hbm4b:s30+s3] =	stream.linear.scatter [tilespmem:s29], [sflag:$0x2], $0x80, $0x38;
	[tilespmem:$0x18400] =	vst v63  }
0x50b: {  	s31 =	sor.u32 $0x7D00, s17;
	s0 =	sadd.s32 $0x6B00, s18  }
0x50c: {  	[hbm4b:s0+s3] =	stream.linear.scatter [tilespmem:s31], [sflag:$0x2], $0x80, $0x38;
	[tilespmem:$0x18400] =	vst v63  }
0x50d: {  	s5 =	sadd.s32 $0x8100, s17;
	s19 =	sadd.s32 $0x6B80, s18  }
0x50e: {  	[hbm4b:s19+s3] =	stream.linear.scatter [tilespmem:s5], [sflag:$0x2], $0x80, $0x38;
	[tilespmem:$0x18400] =	vst v63  }
0x50f: {  	s20 =	sor.u32 $0x6580, s17;
	s21 =	sadd.s32 $0x6C00, s18  }
0x510: {  	[hbm4b:s21+s3] =	stream.linear.scatter [tilespmem:s20], [sflag:$0x2], $0x80, $0x38;
	[tilespmem:$0x18400] =	vst v63  }
0x511: {  	s22 =	sor.u32 $0x6980, s17;
	s23 =	sadd.s32 $0x6C80, s18  }
0x512: {  	[hbm4b:s23+s3] =	stream.linear.scatter [tilespmem:s22], [sflag:$0x2], $0x80, $0x38;
	[tilespmem:$0x18400] =	vst v63  }
0x513: {  	s24 =	sor.u32 $0x6D80, s17;
	s25 =	sadd.s32 $0x6D00, s18  }
0x514: {  	[hbm4b:s25+s3] =	stream.linear.scatter [tilespmem:s24], [sflag:$0x2], $0x80, $0x38;
	[tilespmem:$0x18400] =	vst v63  }
0x515: {  	s26 =	sor.u32 $0x7180, s17;
	s28 =	sadd.s32 $0x6D80, s18  }
0x516: {  	[hbm4b:s28+s3] =	stream.linear.scatter [tilespmem:s26], [sflag:$0x2], $0x80, $0x38;
	[tilespmem:$0x18400] =	vst v63  }
0x517: {  	s29 =	sor.u32 $0x7580, s17;
	s30 =	sadd.s32 $0x6E00, s18  }
0x518: {  	[hbm4b:s30+s3] =	stream.linear.scatter [tilespmem:s29], [sflag:$0x2], $0x80, $0x38;
	[tilespmem:$0x18400] =	vst v63  }
0x519: {  	s31 =	sor.u32 $0x7980, s17;
	s0 =	sadd.s32 $0x6E80, s18  }
0x51a: {  	[hbm4b:s0+s3] =	stream.linear.scatter [tilespmem:s31], [sflag:$0x2], $0x80, $0x38;
	[tilespmem:$0x18400] =	vst v63  }
0x51b: {  	s5 =	sor.u32 $0x7D80, s17;
	s19 =	sadd.s32 $0x6F00, s18  }
0x51c: {  	[hbm4b:s19+s3] =	stream.linear.scatter [tilespmem:s5], [sflag:$0x2], $0x80, $0x38;
	[tilespmem:$0x18400] =	vst v63  }
0x51d: {  	s20 =	sadd.s32 $0x8180, s17;
	s21 =	sadd.s32 $0x6F80, s18  }
0x51e: {  	[hbm4b:s21+s3] =	stream.linear.scatter [tilespmem:s20], [sflag:$0x2], $0x80, $0x38;
	[tilespmem:$0x18400] =	vst v63  }
0x51f: {  	s22 =	sor.u32 $0x6600, s17;
	s23 =	sadd.s32 $0x7000, s18  }
0x520: {  	[hbm4b:s23+s3] =	stream.linear.scatter [tilespmem:s22], [sflag:$0x2], $0x80, $0x38;
	[tilespmem:$0x18400] =	vst v63  }
0x521: {  	s24 =	sor.u32 $0x6A00, s17;
	s25 =	sadd.s32 $0x7080, s18  }
0x522: {  	[hbm4b:s25+s3] =	stream.linear.scatter [tilespmem:s24], [sflag:$0x2], $0x80, $0x38;
	[tilespmem:$0x18400] =	vst v63  }
0x523: {  	s26 =	sor.u32 $0x6E00, s17;
	s28 =	sadd.s32 $0x7100, s18  }
0x524: {  	[hbm4b:s28+s3] =	stream.linear.scatter [tilespmem:s26], [sflag:$0x2], $0x80, $0x38;
	[tilespmem:$0x18400] =	vst v63  }
0x525: {  	s29 =	sor.u32 $0x7200, s17;
	s30 =	sadd.s32 $0x7180, s18  }
0x526: {  	[hbm4b:s30+s3] =	stream.linear.scatter [tilespmem:s29], [sflag:$0x2], $0x80, $0x38;
	[tilespmem:$0x18400] =	vst v63  }
0x527: {  	s31 =	sor.u32 $0x7600, s17;
	s0 =	sadd.s32 $0x7200, s18  }
0x528: {  	[hbm4b:s0+s3] =	stream.linear.scatter [tilespmem:s31], [sflag:$0x2], $0x80, $0x38;
	[tilespmem:$0x18400] =	vst v63  }
0x529: {  	s5 =	sor.u32 $0x7A00, s17;
	s19 =	sadd.s32 $0x7280, s18  }
0x52a: {  	[hbm4b:s19+s3] =	stream.linear.scatter [tilespmem:s5], [sflag:$0x2], $0x80, $0x38;
	[tilespmem:$0x18400] =	vst v63  }
0x52b: {  	s20 =	sor.u32 $0x7E00, s17;
	s21 =	sadd.s32 $0x7300, s18  }
0x52c: {  	[hbm4b:s21+s3] =	stream.linear.scatter [tilespmem:s20], [sflag:$0x2], $0x80, $0x38;
	[tilespmem:$0x18400] =	vst v63  }
0x52d: {  	s22 =	sadd.s32 $0x8200, s17;
	s23 =	sadd.s32 $0x7380, s18  }
0x52e: {  	[hbm4b:s23+s3] =	stream.linear.scatter [tilespmem:s22], [sflag:$0x2], $0x80, $0x38;
	[tilespmem:$0x18400] =	vst v63  }
0x52f: {  	s24 =	sor.u32 $0x6680, s17;
	s25 =	sadd.s32 $0x7400, s18  }
0x530: {  	[hbm4b:s25+s3] =	stream.linear.scatter [tilespmem:s24], [sflag:$0x2], $0x80, $0x38;
	[tilespmem:$0x18400] =	vst v63  }
0x531: {  	s26 =	sor.u32 $0x6A80, s17;
	s28 =	sadd.s32 $0x7480, s18  }
0x532: {  	[hbm4b:s28+s3] =	stream.linear.scatter [tilespmem:s26], [sflag:$0x2], $0x80, $0x38;
	[tilespmem:$0x18400] =	vst v63  }
0x533: {  	s29 =	sor.u32 $0x6E80, s17;
	s30 =	sadd.s32 $0x7500, s18  }
0x534: {  	[hbm4b:s30+s3] =	stream.linear.scatter [tilespmem:s29], [sflag:$0x2], $0x80, $0x38;
	[tilespmem:$0x18400] =	vst v63  }
0x535: {  	s31 =	sor.u32 $0x7280, s17;
	s0 =	sadd.s32 $0x7580, s18  }
0x536: {  	[hbm4b:s0+s3] =	stream.linear.scatter [tilespmem:s31], [sflag:$0x2], $0x80, $0x38;
	[tilespmem:$0x18400] =	vst v63  }
0x537: {  	s5 =	sor.u32 $0x7680, s17;
	s19 =	sadd.s32 $0x7600, s18  }
0x538: {  	[hbm4b:s19+s3] =	stream.linear.scatter [tilespmem:s5], [sflag:$0x2], $0x80, $0x38;
	[tilespmem:$0x18400] =	vst v63  }
0x539: {  	s20 =	sor.u32 $0x7A80, s17;
	s21 =	sadd.s32 $0x7680, s18  }
0x53a: {  	[hbm4b:s21+s3] =	stream.linear.scatter [tilespmem:s20], [sflag:$0x2], $0x80, $0x38;
	[tilespmem:$0x18400] =	vst v63  }
0x53b: {  	s22 =	sor.u32 $0x7E80, s17;
	s23 =	sadd.s32 $0x7700, s18  }
0x53c: {  	[hbm4b:s23+s3] =	stream.linear.scatter [tilespmem:s22], [sflag:$0x2], $0x80, $0x38;
	[tilespmem:$0x18400] =	vst v63  }
0x53d: {  	s24 =	sadd.s32 $0x8280, s17;
	s25 =	sadd.s32 $0x7780, s18  }
0x53e: {  	[hbm4b:s25+s3] =	stream.linear.scatter [tilespmem:s24], [sflag:$0x2], $0x80, $0x38;
	[tilespmem:$0x18400] =	vst v63  }
0x53f: {  	s26 =	sor.u32 $0x6700, s17;
	s28 =	sadd.s32 $0x7800, s18  }
0x540: {  	[hbm4b:s28+s3] =	stream.linear.scatter [tilespmem:s26], [sflag:$0x2], $0x80, $0x38;
	[tilespmem:$0x18400] =	vst v63  }
0x541: {  	s29 =	sor.u32 $0x6B00, s17;
	s30 =	sadd.s32 $0x7880, s18  }
0x542: {  	[hbm4b:s30+s3] =	stream.linear.scatter [tilespmem:s29], [sflag:$0x2], $0x80, $0x38;
	[tilespmem:$0x18400] =	vst v63  }
0x543: {  	s31 =	sor.u32 $0x6F00, s17;
	s0 =	sadd.s32 $0x7900, s18  }
0x544: {  	[hbm4b:s0+s3] =	stream.linear.scatter [tilespmem:s31], [sflag:$0x2], $0x80, $0x38;
	[tilespmem:$0x18400] =	vst v63  }
0x545: {  	s5 =	sor.u32 $0x7300, s17;
	s19 =	sadd.s32 $0x7980, s18  }
0x546: {  	[hbm4b:s19+s3] =	stream.linear.scatter [tilespmem:s5], [sflag:$0x2], $0x80, $0x38;
	[tilespmem:$0x18400] =	vst v63  }
0x547: {  	s20 =	sor.u32 $0x7700, s17;
	s21 =	sadd.s32 $0x7A00, s18  }
0x548: {  	[hbm4b:s21+s3] =	stream.linear.scatter [tilespmem:s20], [sflag:$0x2], $0x80, $0x38;
	[tilespmem:$0x18400] =	vst v63  }
0x549: {  	s22 =	sor.u32 $0x7B00, s17;
	s23 =	sadd.s32 $0x7A80, s18  }
0x54a: {  	[hbm4b:s23+s3] =	stream.linear.scatter [tilespmem:s22], [sflag:$0x2], $0x80, $0x38;
	[tilespmem:$0x18400] =	vst v63  }
0x54b: {  	s24 =	sor.u32 $0x7F00, s17;
	s25 =	sadd.s32 $0x7B00, s18  }
0x54c: {  	[hbm4b:s25+s3] =	stream.linear.scatter [tilespmem:s24], [sflag:$0x2], $0x80, $0x38;
	[tilespmem:$0x18400] =	vst v63  }
0x54d: {  	s26 =	sadd.s32 $0x8300, s17;
	s28 =	sadd.s32 $0x7B80, s18  }
0x54e: {  	[hbm4b:s28+s3] =	stream.linear.scatter [tilespmem:s26], [sflag:$0x2], $0x80, $0x38;
	[tilespmem:$0x18400] =	vst v63  }
0x54f: {  	s29 =	sor.u32 $0x6780, s17;
	s30 =	sadd.s32 $0x7C00, s18  }
0x550: {  	[hbm4b:s30+s3] =	stream.linear.scatter [tilespmem:s29], [sflag:$0x2], $0x80, $0x38;
	[tilespmem:$0x18400] =	vst v63  }
0x551: {  	s31 =	sor.u32 $0x6B80, s17;
	s0 =	sadd.s32 $0x7C80, s18  }
0x552: {  	[hbm4b:s0+s3] =	stream.linear.scatter [tilespmem:s31], [sflag:$0x2], $0x80, $0x38;
	[tilespmem:$0x18400] =	vst v63  }
0x553: {  	s19 =	sor.u32 $0x6F80, s17;
	s20 =	sadd.s32 $0x7D00, s18  }
0x554: {  	[hbm4b:s20+s3] =	stream.linear.scatter [tilespmem:s19], [sflag:$0x2], $0x80, $0x38;
	[tilespmem:$0x18400] =	vst v63  }
0x555: {  	s21 =	sor.u32 $0x7380, s17;
	s22 =	sadd.s32 $0x7D80, s18  }
0x556: {  	[hbm4b:s22+s3] =	stream.linear.scatter [tilespmem:s21], [sflag:$0x2], $0x80, $0x38;
	[tilespmem:$0x18400] =	vst v63  }
0x557: {  	s23 =	sor.u32 $0x7780, s17;
	s24 =	sadd.s32 $0x7E00, s18  }
0x558: {  	[hbm4b:s24+s3] =	stream.linear.scatter [tilespmem:s23], [sflag:$0x2], $0x80, $0x38;
	[tilespmem:$0x18400] =	vst v63  }
0x559: {  	s25 =	sor.u32 $0x7B80, s17;
	s26 =	sadd.s32 $0x7E80, s18  }
0x55a: {  	[hbm4b:s26+s3] =	stream.linear.scatter [tilespmem:s25], [sflag:$0x2], $0x80, $0x38;
	[tilespmem:$0x18400] =	vst v63  }
0x55b: {  	s28 =	sor.u32 $0x7F80, s17;
	s29 =	sadd.s32 $0x7F00, s18  }
0x55c: {  	[hbm4b:s29+s3] =	stream.linear.scatter [tilespmem:s28], [sflag:$0x2], $0x80, $0x38;
	[tilespmem:$0x18400] =	vst v63  }
0x55d: {  	s30 =	sadd.s32 $0x8380, s17;
	s31 =	sadd.s32 $0x7F80, s18  }
0x55e: {  	[hbm4b:s31+s3] =	stream.linear.scatter [tilespmem:s30], [sflag:$0x2], $0x80, $0x38;
	[tilespmem:$0x18400] =	vst v63  }
0x55f: {  	_ =	swait.ge [sflag:s10], $0x400  }
0x560: {  	[sflag:s10] =	ssyncset.done $0x0  }
0x561: {  	[sflag:s10] =	ssyncadd.s32 $0xFFFFFC00  }
0x562: {  	_ =	swait.ge [sflag:s10], $0x400  }
0x563: {  	[sflag:s10] =	ssyncset.done $0x0  }
0x564: {  	[sflag:s10] =	ssyncadd.s32 $0xFFFFFC00  }
0x565: {  	_ =	swait.ge [sflag:s10], $0x400  }
0x566: {  	[sflag:s10] =	ssyncset.done $0x0  }
0x567: {  	[sflag:s10] =	ssyncadd.s32 $0xFFFFFC00  }
0x568: {  	_ =	swait.ge [sflag:s10], $0x400  }
0x569: {  	[sflag:s10] =	ssyncset.done $0x0  }
0x56a: {  	[sflag:s10] =	ssyncadd.s32 $0xFFFFFC00  }
0x56b: {  	_ =	swait.ge [sflag:s10], $0x400  }
0x56c: {  	[sflag:s10] =	ssyncset.done $0x0  }
0x56d: {  	[sflag:s10] =	ssyncadd.s32 $0xFFFFFC00  }
0x56e: {  	_ =	swait.ge [sflag:s10], $0x400  }
0x56f: {  	[sflag:s10] =	ssyncset.done $0x0  }
0x570: {  	[sflag:s10] =	ssyncadd.s32 $0xFFFFFC00  }
0x571: {  	_ =	swait.ge [sflag:s10], $0x400  }
0x572: {  	[sflag:s10] =	ssyncset.done $0x0  }
0x573: {  	[sflag:s10] =	ssyncadd.s32 $0xFFFFFC00  }
0x574: {  	_ =	swait.ge [sflag:s10], $0x400  }
0x575: {  	[sflag:s10] =	ssyncset.done $0x0  }
0x576: {  	[sflag:s10] =	ssyncadd.s32 $0xFFFFFC00  }
0x577: {  	_ =	swait.ge [sflag:s10], $0x400  }
0x578: {  	[sflag:s10] =	ssyncset.done $0x0  }
0x579: {  	[sflag:s10] =	ssyncadd.s32 $0xFFFFFC00  }
0x57a: {  	_ =	swait.ge [sflag:s10], $0x400  }
0x57b: {  	[sflag:s10] =	ssyncset.done $0x0  }
0x57c: {  	[sflag:s10] =	ssyncadd.s32 $0xFFFFFC00  }
0x57d: {  	_ =	swait.ge [sflag:s10], $0x400  }
0x57e: {  	[sflag:s10] =	ssyncset.done $0x0  }
0x57f: {  	[sflag:s10] =	ssyncadd.s32 $0xFFFFFC00  }
0x580: {  	_ =	swait.ge [sflag:s10], $0x400  }
0x581: {  	[sflag:s10] =	ssyncset.done $0x0  }
0x582: {  	[sflag:s10] =	ssyncadd.s32 $0xFFFFFC00  }
0x583: {  	_ =	swait.ge [sflag:s10], $0x400  }
0x584: {  	[sflag:s10] =	ssyncset.done $0x0  }
0x585: {  	[sflag:s10] =	ssyncadd.s32 $0xFFFFFC00  }
0x586: {  	_ =	swait.ge [sflag:s10], $0x400  }
0x587: {  	[sflag:s10] =	ssyncset.done $0x0  }
0x588: {  	[sflag:s10] =	ssyncadd.s32 $0xFFFFFC00  }
0x589: {  	_ =	swait.ge [sflag:s10], $0x400  }
0x58a: {  	[sflag:s10] =	ssyncset.done $0x0  }
0x58b: {  	[sflag:s10] =	ssyncadd.s32 $0xFFFFFC00  }
0x58c: {  	_ =	swait.ge [sflag:s10], $0x400  }
0x58d: {  	[sflag:s10] =	ssyncset.done $0x0  }
0x58e: {  	[sflag:s10] =	ssyncadd.s32 $0xFFFFFC00  }
0x58f: {  	_ =	swait.ge [sflag:s10], $0x400  }
0x590: {  	[sflag:s10] =	ssyncset.done $0x0  }
0x591: {  	[sflag:s10] =	ssyncadd.s32 $0xFFFFFC00  }
0x592: {  	_ =	swait.ge [sflag:s10], $0x400  }
0x593: {  	[sflag:s10] =	ssyncset.done $0x0  }
0x594: {  	[sflag:s10] =	ssyncadd.s32 $0xFFFFFC00  }
0x595: {  	_ =	swait.ge [sflag:s10], $0x400  }
0x596: {  	[sflag:s10] =	ssyncset.done $0x0  }
0x597: {  	[sflag:s10] =	ssyncadd.s32 $0xFFFFFC00  }
0x598: {  	_ =	swait.ge [sflag:s10], $0x400  }
0x599: {  	[sflag:s10] =	ssyncset.done $0x0  }
0x59a: {  	[sflag:s10] =	ssyncadd.s32 $0xFFFFFC00  }
0x59b: {  	_ =	swait.ge [sflag:s10], $0x400  }
0x59c: {  	[sflag:s10] =	ssyncset.done $0x0  }
0x59d: {  	[sflag:s10] =	ssyncadd.s32 $0xFFFFFC00  }
0x59e: {  	_ =	swait.ge [sflag:s10], $0x400  }
0x59f: {  	[sflag:s10] =	ssyncset.done $0x0  }
0x5a0: {  	[sflag:s10] =	ssyncadd.s32 $0xFFFFFC00  }
0x5a1: {  	_ =	swait.ge [sflag:s10], $0x400  }
0x5a2: {  	[sflag:s10] =	ssyncset.done $0x0  }
0x5a3: {  	[sflag:s10] =	ssyncadd.s32 $0xFFFFFC00  }
0x5a4: {  	_ =	swait.ge [sflag:s10], $0x400  }
0x5a5: {  	[sflag:s10] =	ssyncset.done $0x0  }
0x5a6: {  	[sflag:s10] =	ssyncadd.s32 $0xFFFFFC00  }
0x5a7: {  	_ =	swait.ge [sflag:s10], $0x400  }
0x5a8: {  	[sflag:s10] =	ssyncset.done $0x0  }
0x5a9: {  	[sflag:s10] =	ssyncadd.s32 $0xFFFFFC00  }
0x5aa: {  	_ =	swait.ge [sflag:s10], $0x400  }
0x5ab: {  	[sflag:s10] =	ssyncset.done $0x0  }
0x5ac: {  	[sflag:s10] =	ssyncadd.s32 $0xFFFFFC00  }
0x5ad: {  	_ =	swait.ge [sflag:s10], $0x400  }
0x5ae: {  	[sflag:s10] =	ssyncset.done $0x0  }
0x5af: {  	[sflag:s10] =	ssyncadd.s32 $0xFFFFFC00  }
0x5b0: {  	_ =	swait.ge [sflag:s10], $0x400  }
0x5b1: {  	[sflag:s10] =	ssyncset.done $0x0  }
0x5b2: {  	[sflag:s10] =	ssyncadd.s32 $0xFFFFFC00  }
0x5b3: {  	_ =	swait.ge [sflag:s10], $0x400  }
0x5b4: {  	[sflag:s10] =	ssyncset.done $0x0  }
0x5b5: {  	[sflag:s10] =	ssyncadd.s32 $0xFFFFFC00  }
0x5b6: {  	_ =	swait.ge [sflag:s10], $0x400  }
0x5b7: {  	[sflag:s10] =	ssyncset.done $0x0  }
0x5b8: {  	[sflag:s10] =	ssyncadd.s32 $0xFFFFFC00  }
0x5b9: {  	_ =	swait.ge [sflag:s10], $0x400  }
0x5ba: {  	[sflag:s10] =	ssyncset.done $0x0  }
0x5bb: {  	[sflag:s10] =	ssyncadd.s32 $0xFFFFFC00  }
0x5bc: {  	_ =	swait.ge [sflag:s10], $0x400  }
0x5bd: {  	[sflag:s10] =	ssyncset.done $0x0  }
0x5be: {  	s12 =	sadd.s32 $0x20, s12;
	p1 =	sgt.u32 s14, $0xC;
	[sflag:s10] =	ssyncadd.s32 $0xFFFFFC00  }
0x5bf: {  	v35 =	vld @!p1 [tilespmem:s12+$0xFFFFFFF0];
	_ =	sdelay $0x3  }
0x5c0: {  	s4 =	smov.u32 s16  }
0x5c1: {  	s15 =	smov.u32 s4;
	s4 =	smul.u32 @!p1 $0xAB, s13;
	v38 =	vshll.u32 @!p1 v35, $0x3  }
0x5c2: {  	v36 =	vlaneseq.u32 @!p1;
	v35 =	vand.u32 @!p1 $0x7, v35;
	v38 =	vand.u32 @!p1 $0xFFFFFFC0, v38  }
0x5c3: {  	v37 =	vshrl.u32 @!p1 v36, $0x3;
	s4 =	sshrl.u32 @!p1 s4, $0x9;
	v35 =	vor.u32 @!p1 v35, v38;
	v38 =	vand.u32 @!p1 $0x7, v36  }
0x5c4: {  	v37 =	vmul.u32 @!p1 $0x8, v37;
	s4 =	sand.u32 @!p1 $0x7F, s4;
	v39 =	vperm.xlane @!p1 v35, v38  }
0x5c5: {  	s4 =	smul.u32 @!p1 $0x3, s4  }
0x5c6: {  	v39 =	vadd.s32 @!p1 v37, v39  }
0x5c7: {  	s4 =	ssub.s32 @!p1 s13, s4  }
0x5c8: {  	s4 =	sand.u32 @!p1 $0xFF, s4  }
0x5c9: {  	s14 =	sshll.u32 @!p1 s4, $0xF  }
0x5ca: {  	vm1 =	vmmov @!p1 $0xffff;
	s17 =	simm.s32 @!p1 $0x0;
	s22 =	sor.u32 @!p1 $0x400, s14  }
0x5cb: {  	v36 =	vor.u32 @!p1 $0x8, v36;
	[tilespmem:s22], [sflag:$0x1] =	stream.indirect_vreg.gather @!p1 [hbm4b:s1+s17], $0x80, v39, vm1, $0xb8;
	[tilespmem:$0x18400] =	vst v63  }
0x5cc: {  	s23 =	sor.u32 @!p1 $0xC00, s14;
	v35 =	vperm.xlane @!p1 v35, v36  }
0x5cd: {  	[tilespmem:s23], [sflag:$0x1] =	stream.indirect_vreg.gather @!p1 [hbm4b:s6+s17], $0x80, v39, vm1, $0xb8;
	[tilespmem:$0x18400] =	vst v63  }
0x5ce: {  	s24 =	sor.u32 @!p1 $0x1400, s14;
	v35 =	vadd.s32 @!p1 v37, v35  }
0x5cf: {  	[tilespmem:s24], [sflag:$0x1] =	stream.indirect_vreg.gather @!p1 [hbm4b:s7+s17], $0x80, v39, vm1, $0xb8;
	[tilespmem:$0x18400] =	vst v63  }
0x5d0: {  	s25 =	sor.u32 @!p1 $0x1C00, s14  }
0x5d1: {  	[tilespmem:s25], [sflag:$0x1] =	stream.indirect_vreg.gather @!p1 [hbm4b:s8+s17], $0x80, v39, vm1, $0xb8;
	[tilespmem:$0x18400] =	vst v63  }
0x5d2: {  	s26 =	sor.u32 @!p1 $0x2400, s14  }
0x5d3: {  	[tilespmem:s26], [sflag:$0x1] =	stream.indirect_vreg.gather @!p1 [hbm4b:s1+s17], $0x80, v35, vm1, $0xb8;
	[tilespmem:$0x18400] =	vst v63  }
0x5d4: {  	s28 =	sor.u32 @!p1 $0x2C00, s14  }
0x5d5: {  	[tilespmem:s28], [sflag:$0x1] =	stream.indirect_vreg.gather @!p1 [hbm4b:s6+s17], $0x80, v35, vm1, $0xb8;
	[tilespmem:$0x18400] =	vst v63  }
0x5d6: {  	s29 =	sor.u32 @!p1 $0x3400, s14  }
0x5d7: {  	[tilespmem:s29], [sflag:$0x1] =	stream.indirect_vreg.gather @!p1 [hbm4b:s7+s17], $0x80, v35, vm1, $0xb8;
	[tilespmem:$0x18400] =	vst v63  }
0x5d8: {  	s30 =	sor.u32 @!p1 $0x3C00, s14  }
0x5d9: {  	[tilespmem:s30], [sflag:$0x1] =	stream.indirect_vreg.gather @!p1 [hbm4b:s8+s17], $0x80, v35, vm1, $0xb8;
	[tilespmem:$0x18400] =	vst v63  }
0x5da: {  	v35 =	vld @!p1 [tilespmem:s12+$0x0];
	_ =	sdelay $0x4  }
0x5db: {  	v39 =	vshll.u32 @!p1 v35, $0x3  }
0x5dc: {  	v35 =	vand.u32 @!p1 $0x7, v35;
	v39 =	vand.u32 @!p1 $0xFFFFFFC0, v39  }
0x5dd: {  	v35 =	vor.u32 @!p1 v35, v39  }
0x5de: {  	v38 =	vperm.xlane @!p1 v35, v38;
	_ =	sdelay $0x1  }
0x5df: {  	v35 =	vperm.xlane @!p1 v35, v36;
	v36 =	vadd.s32 @!p1 v37, v38;
	_ =	sdelay $0x3  }
0x5e0: {  	s31 =	sor.u32 @!p1 $0x4400, s14  }
0x5e1: {  	[tilespmem:s31], [sflag:$0x1] =	stream.indirect_vreg.gather @!p1 [hbm4b:s1+s17], $0x80, v36, vm1, $0xb8;
	[tilespmem:$0x18400] =	vst v63  }
0x5e2: {  	s0 =	sor.u32 @!p1 $0x4C00, s14  }
0x5e3: {  	[tilespmem:s0], [sflag:$0x1] =	stream.indirect_vreg.gather @!p1 [hbm4b:s6+s17], $0x80, v36, vm1, $0xb8;
	[tilespmem:$0x18400] =	vst v63  }
0x5e4: {  	s16 =	sadd.s32 $0x8000, s16;
	s5 =	sor.u32 @!p1 $0x5400, s14  }
0x5e5: {  	v35 =	vadd.s32 @!p1 v37, v35;
	[tilespmem:s5], [sflag:$0x1] =	stream.indirect_vreg.gather @!p1 [hbm4b:s7+s17], $0x80, v36, vm1, $0xb8;
	[tilespmem:$0x18400] =	vst v63  }
0x5e6: {  	p0 =	sne.s32 s16, $0x80000;
	s13 =	sadd.s32 $0x1, s13;
	s4 =	sor.u32 @!p1 $0x5C00, s14  }
0x5e7: {  	[tilespmem:s4], [sflag:$0x1] =	stream.indirect_vreg.gather @!p1 [hbm4b:s8+s17], $0x80, v36, vm1, $0xb8;
	[tilespmem:$0x18400] =	vst v63  }
.Ltmp0:
0x5e8: {  	s18 =	sor.u32 @!p1 $0x7C00, s14;
	s20 =	sor.u32 @!p1 $0x6C00, s14;
	(pc) =	sbr.rel @p0 .LBB2_2-.Ltmp0, $4  }
0x5e9: {  	s19 =	sor.u32 @!p1 $0x7400, s14;
	s21 =	sor.u32 @!p1 $0x6400, s14;
	s14 =	sadd.s32 $0xFFFFFFFD, s13  }
0x5ea: {  	[tilespmem:s21], [sflag:$0x1] =	stream.indirect_vreg.gather @!p1 [hbm4b:s1+s17], $0x80, v35, vm1, $0xb8;
	[tilespmem:$0x18400] =	vst v63  }
0x5eb: {  	s4 =	smul.u32 $0xAB, s14  }
0x5ec: {  	[tilespmem:s20], [sflag:$0x1] =	stream.indirect_vreg.gather @!p1 [hbm4b:s6+s17], $0x80, v35, vm1, $0xb8;
	[tilespmem:$0x18400] =	vst v63  }
0x5ed: {  	_ =	sdelay $0x2  }
0x5ee: {  	s0 =	sshrl.u32 s4, $0x9  }
0x5ef: {  	[tilespmem:s19], [sflag:$0x1] =	stream.indirect_vreg.gather @!p1 [hbm4b:s7+s17], $0x80, v35, vm1, $0xb8;
	[tilespmem:$0x18400] =	vst v63  }
0x5f0: {  	s0 =	sand.u32 $0x7F, s0  }
0x5f1: {  	s0 =	smul.u32 $0x3, s0  }
0x5f2: {  	[tilespmem:s18], [sflag:$0x1] =	stream.indirect_vreg.gather @!p1 [hbm4b:s8+s17], $0x80, v35, vm1, $0xb8;
	[tilespmem:$0x18400] =	vst v63  }
0x5f3: {  	s0 =	ssub.s32 s14, s0  }
0x5f4: {  	_ =	swait.ge [sflag:s9], $0x8000;
	s0 =	sand.u32 $0xFF, s0  }
0x5f5: {  	s30 =	rddreg [dreg:$0x4];
	[sflag:s9] =	ssyncset.done $0x0;
	s16 =	sshll.u32 s0, $0xF  }
0x5f6: {  	[sflag:s9] =	ssyncadd.s32 $0xFFFF8000;
	s4 =	sadd.s32 s15, s30;
	s0 =	sor.u32 $0x400, s16  }
0x5f7: {  	[hbm4b:s4+s3] =	stream.linear.scatter [tilespmem:s0], [sflag:$0x2], $0x80, $0x38;
	[tilespmem:$0x18400] =	vst v63  }
0x5f8: {  	s5 =	sadd.s32 $0x80, s4;
	s31 =	sor.u32 $0x800, s16  }
0x5f9: {  	[hbm4b:s5+s3] =	stream.linear.scatter [tilespmem:s31], [sflag:$0x2], $0x80, $0x38;
	[tilespmem:$0x18400] =	vst v63  }
0x5fa: {  	s18 =	sadd.s32 $0x100, s4;
	s17 =	sor.u32 $0xC00, s16  }
0x5fb: {  	[hbm4b:s18+s3] =	stream.linear.scatter [tilespmem:s17], [sflag:$0x2], $0x80, $0x38;
	[tilespmem:$0x18400] =	vst v63  }
0x5fc: {  	s20 =	sadd.s32 $0x180, s4;
	s19 =	sor.u32 $0x1000, s16  }
0x5fd: {  	[hbm4b:s20+s3] =	stream.linear.scatter [tilespmem:s19], [sflag:$0x2], $0x80, $0x38;
	[tilespmem:$0x18400] =	vst v63  }
0x5fe: {  	s22 =	sadd.s32 $0x200, s4;
	s21 =	sor.u32 $0x1400, s16  }
0x5ff: {  	[hbm4b:s22+s3] =	stream.linear.scatter [tilespmem:s21], [sflag:$0x2], $0x80, $0x38;
	[tilespmem:$0x18400] =	vst v63  }
0x600: {  	s24 =	sadd.s32 $0x280, s4;
	s23 =	sor.u32 $0x1800, s16  }
0x601: {  	[hbm4b:s24+s3] =	stream.linear.scatter [tilespmem:s23], [sflag:$0x2], $0x80, $0x38;
	[tilespmem:$0x18400] =	vst v63  }
0x602: {  	s25 =	rddreg [dreg:$0x5];
	s28 =	sadd.s32 $0x300, s4;
	s26 =	sor.u32 $0x1C00, s16  }
0x603: {  	[hbm4b:s28+s3] =	stream.linear.scatter [tilespmem:s26], [sflag:$0x2], $0x80, $0x38;
	[tilespmem:$0x18400] =	vst v63  }
0x604: {  	s15 =	sadd.s32 s15, s25;
	s29 =	sor.u32 $0x2000, s16;
	s4 =	sadd.s32 $0x380, s4  }
0x605: {  	[hbm4b:s4+s3] =	stream.linear.scatter [tilespmem:s29], [sflag:$0x2], $0x80, $0x38;
	[tilespmem:$0x18400] =	vst v63  }
0x606: {  	s30 =	sor.u32 $0x480, s16;
	s31 =	sadd.s32 $0x400, s15  }
0x607: {  	[hbm4b:s31+s3] =	stream.linear.scatter [tilespmem:s30], [sflag:$0x2], $0x80, $0x38;
	[tilespmem:$0x18400] =	vst v63  }
0x608: {  	s5 =	sadd.s32 $0x480, s15;
	s4 =	sor.u32 $0x880, s16  }
0x609: {  	[hbm4b:s5+s3] =	stream.linear.scatter [tilespmem:s4], [sflag:$0x2], $0x80, $0x38;
	[tilespmem:$0x18400] =	vst v63  }
0x60a: {  	s17 =	sor.u32 $0xC80, s16;
	s18 =	sadd.s32 $0x500, s15  }
0x60b: {  	[hbm4b:s18+s3] =	stream.linear.scatter [tilespmem:s17], [sflag:$0x2], $0x80, $0x38;
	[tilespmem:$0x18400] =	vst v63  }
0x60c: {  	s19 =	sor.u32 $0x1080, s16;
	s20 =	sadd.s32 $0x580, s15  }
0x60d: {  	[hbm4b:s20+s3] =	stream.linear.scatter [tilespmem:s19], [sflag:$0x2], $0x80, $0x38;
	[tilespmem:$0x18400] =	vst v63  }
0x60e: {  	s21 =	sor.u32 $0x1480, s16;
	s22 =	sadd.s32 $0x600, s15  }
0x60f: {  	[hbm4b:s22+s3] =	stream.linear.scatter [tilespmem:s21], [sflag:$0x2], $0x80, $0x38;
	[tilespmem:$0x18400] =	vst v63  }
0x610: {  	s23 =	sor.u32 $0x1880, s16;
	s24 =	sadd.s32 $0x680, s15  }
0x611: {  	[hbm4b:s24+s3] =	stream.linear.scatter [tilespmem:s23], [sflag:$0x2], $0x80, $0x38;
	[tilespmem:$0x18400] =	vst v63  }
0x612: {  	s25 =	sor.u32 $0x1C80, s16;
	s26 =	sadd.s32 $0x700, s15  }
0x613: {  	[hbm4b:s26+s3] =	stream.linear.scatter [tilespmem:s25], [sflag:$0x2], $0x80, $0x38;
	[tilespmem:$0x18400] =	vst v63  }
0x614: {  	s28 =	sor.u32 $0x2080, s16;
	s29 =	sadd.s32 $0x780, s15  }
0x615: {  	[hbm4b:s29+s3] =	stream.linear.scatter [tilespmem:s28], [sflag:$0x2], $0x80, $0x38;
	[tilespmem:$0x18400] =	vst v63  }
0x616: {  	s30 =	sor.u32 $0x500, s16;
	s31 =	sadd.s32 $0x800, s15  }
0x617: {  	[hbm4b:s31+s3] =	stream.linear.scatter [tilespmem:s30], [sflag:$0x2], $0x80, $0x38;
	[tilespmem:$0x18400] =	vst v63  }
0x618: {  	s4 =	sor.u32 $0x900, s16;
	s5 =	sadd.s32 $0x880, s15  }
0x619: {  	[hbm4b:s5+s3] =	stream.linear.scatter [tilespmem:s4], [sflag:$0x2], $0x80, $0x38;
	[tilespmem:$0x18400] =	vst v63  }
0x61a: {  	s17 =	sor.u32 $0xD00, s16;
	s18 =	sadd.s32 $0x900, s15  }
0x61b: {  	[hbm4b:s18+s3] =	stream.linear.scatter [tilespmem:s17], [sflag:$0x2], $0x80, $0x38;
	[tilespmem:$0x18400] =	vst v63  }
0x61c: {  	s19 =	sor.u32 $0x1100, s16;
	s20 =	sadd.s32 $0x980, s15  }
0x61d: {  	[hbm4b:s20+s3] =	stream.linear.scatter [tilespmem:s19], [sflag:$0x2], $0x80, $0x38;
	[tilespmem:$0x18400] =	vst v63  }
0x61e: {  	s21 =	sor.u32 $0x1500, s16;
	s22 =	sadd.s32 $0xA00, s15  }
0x61f: {  	[hbm4b:s22+s3] =	stream.linear.scatter [tilespmem:s21], [sflag:$0x2], $0x80, $0x38;
	[tilespmem:$0x18400] =	vst v63  }
0x620: {  	s23 =	sor.u32 $0x1900, s16;
	s24 =	sadd.s32 $0xA80, s15  }
0x621: {  	[hbm4b:s24+s3] =	stream.linear.scatter [tilespmem:s23], [sflag:$0x2], $0x80, $0x38;
	[tilespmem:$0x18400] =	vst v63  }
0x622: {  	s25 =	sor.u32 $0x1D00, s16;
	s26 =	sadd.s32 $0xB00, s15  }
0x623: {  	[hbm4b:s26+s3] =	stream.linear.scatter [tilespmem:s25], [sflag:$0x2], $0x80, $0x38;
	[tilespmem:$0x18400] =	vst v63  }
0x624: {  	s28 =	sor.u32 $0x2100, s16;
	s29 =	sadd.s32 $0xB80, s15  }
0x625: {  	[hbm4b:s29+s3] =	stream.linear.scatter [tilespmem:s28], [sflag:$0x2], $0x80, $0x38;
	[tilespmem:$0x18400] =	vst v63  }
0x626: {  	s30 =	sor.u32 $0x580, s16;
	s31 =	sadd.s32 $0xC00, s15  }
0x627: {  	[hbm4b:s31+s3] =	stream.linear.scatter [tilespmem:s30], [sflag:$0x2], $0x80, $0x38;
	[tilespmem:$0x18400] =	vst v63  }
0x628: {  	s4 =	sor.u32 $0x980, s16;
	s5 =	sadd.s32 $0xC80, s15  }
0x629: {  	[hbm4b:s5+s3] =	stream.linear.scatter [tilespmem:s4], [sflag:$0x2], $0x80, $0x38;
	[tilespmem:$0x18400] =	vst v63  }
0x62a: {  	s17 =	sor.u32 $0xD80, s16;
	s18 =	sadd.s32 $0xD00, s15  }
0x62b: {  	[hbm4b:s18+s3] =	stream.linear.scatter [tilespmem:s17], [sflag:$0x2], $0x80, $0x38;
	[tilespmem:$0x18400] =	vst v63  }
0x62c: {  	s19 =	sor.u32 $0x1180, s16;
	s20 =	sadd.s32 $0xD80, s15  }
0x62d: {  	[hbm4b:s20+s3] =	stream.linear.scatter [tilespmem:s19], [sflag:$0x2], $0x80, $0x38;
	[tilespmem:$0x18400] =	vst v63  }
0x62e: {  	s21 =	sor.u32 $0x1580, s16;
	s22 =	sadd.s32 $0xE00, s15  }
0x62f: {  	[hbm4b:s22+s3] =	stream.linear.scatter [tilespmem:s21], [sflag:$0x2], $0x80, $0x38;
	[tilespmem:$0x18400] =	vst v63  }
0x630: {  	s23 =	sor.u32 $0x1980, s16;
	s24 =	sadd.s32 $0xE80, s15  }
0x631: {  	[hbm4b:s24+s3] =	stream.linear.scatter [tilespmem:s23], [sflag:$0x2], $0x80, $0x38;
	[tilespmem:$0x18400] =	vst v63  }
0x632: {  	s25 =	sor.u32 $0x1D80, s16;
	s26 =	sadd.s32 $0xF00, s15  }
0x633: {  	[hbm4b:s26+s3] =	stream.linear.scatter [tilespmem:s25], [sflag:$0x2], $0x80, $0x38;
	[tilespmem:$0x18400] =	vst v63  }
0x634: {  	s28 =	sor.u32 $0x2180, s16;
	s29 =	sadd.s32 $0xF80, s15  }
0x635: {  	[hbm4b:s29+s3] =	stream.linear.scatter [tilespmem:s28], [sflag:$0x2], $0x80, $0x38;
	[tilespmem:$0x18400] =	vst v63  }
0x636: {  	s30 =	sor.u32 $0x600, s16;
	s31 =	sadd.s32 $0x1000, s15  }
0x637: {  	[hbm4b:s31+s3] =	stream.linear.scatter [tilespmem:s30], [sflag:$0x2], $0x80, $0x38;
	[tilespmem:$0x18400] =	vst v63  }
0x638: {  	s4 =	sor.u32 $0xA00, s16;
	s5 =	sadd.s32 $0x1080, s15  }
0x639: {  	[hbm4b:s5+s3] =	stream.linear.scatter [tilespmem:s4], [sflag:$0x2], $0x80, $0x38;
	[tilespmem:$0x18400] =	vst v63  }
0x63a: {  	s17 =	sor.u32 $0xE00, s16;
	s18 =	sadd.s32 $0x1100, s15  }
0x63b: {  	[hbm4b:s18+s3] =	stream.linear.scatter [tilespmem:s17], [sflag:$0x2], $0x80, $0x38;
	[tilespmem:$0x18400] =	vst v63  }
0x63c: {  	s19 =	sor.u32 $0x1200, s16;
	s20 =	sadd.s32 $0x1180, s15  }
0x63d: {  	[hbm4b:s20+s3] =	stream.linear.scatter [tilespmem:s19], [sflag:$0x2], $0x80, $0x38;
	[tilespmem:$0x18400] =	vst v63  }
0x63e: {  	s21 =	sor.u32 $0x1600, s16;
	s22 =	sadd.s32 $0x1200, s15  }
0x63f: {  	[hbm4b:s22+s3] =	stream.linear.scatter [tilespmem:s21], [sflag:$0x2], $0x80, $0x38;
	[tilespmem:$0x18400] =	vst v63  }
0x640: {  	s23 =	sor.u32 $0x1A00, s16;
	s24 =	sadd.s32 $0x1280, s15  }
0x641: {  	[hbm4b:s24+s3] =	stream.linear.scatter [tilespmem:s23], [sflag:$0x2], $0x80, $0x38;
	[tilespmem:$0x18400] =	vst v63  }
0x642: {  	s25 =	sor.u32 $0x1E00, s16;
	s26 =	sadd.s32 $0x1300, s15  }
0x643: {  	[hbm4b:s26+s3] =	stream.linear.scatter [tilespmem:s25], [sflag:$0x2], $0x80, $0x38;
	[tilespmem:$0x18400] =	vst v63  }
0x644: {  	s28 =	sor.u32 $0x2200, s16;
	s29 =	sadd.s32 $0x1380, s15  }
0x645: {  	[hbm4b:s29+s3] =	stream.linear.scatter [tilespmem:s28], [sflag:$0x2], $0x80, $0x38;
	[tilespmem:$0x18400] =	vst v63  }
0x646: {  	s30 =	sor.u32 $0x680, s16;
	s31 =	sadd.s32 $0x1400, s15  }
0x647: {  	[hbm4b:s31+s3] =	stream.linear.scatter [tilespmem:s30], [sflag:$0x2], $0x80, $0x38;
	[tilespmem:$0x18400] =	vst v63  }
0x648: {  	s4 =	sor.u32 $0xA80, s16;
	s5 =	sadd.s32 $0x1480, s15  }
0x649: {  	[hbm4b:s5+s3] =	stream.linear.scatter [tilespmem:s4], [sflag:$0x2], $0x80, $0x38;
	[tilespmem:$0x18400] =	vst v63  }
0x64a: {  	s17 =	sor.u32 $0xE80, s16;
	s18 =	sadd.s32 $0x1500, s15  }
0x64b: {  	[hbm4b:s18+s3] =	stream.linear.scatter [tilespmem:s17], [sflag:$0x2], $0x80, $0x38;
	[tilespmem:$0x18400] =	vst v63  }
0x64c: {  	s19 =	sor.u32 $0x1280, s16;
	s20 =	sadd.s32 $0x1580, s15  }
0x64d: {  	[hbm4b:s20+s3] =	stream.linear.scatter [tilespmem:s19], [sflag:$0x2], $0x80, $0x38;
	[tilespmem:$0x18400] =	vst v63  }
0x64e: {  	s21 =	sor.u32 $0x1680, s16;
	s22 =	sadd.s32 $0x1600, s15  }
0x64f: {  	[hbm4b:s22+s3] =	stream.linear.scatter [tilespmem:s21], [sflag:$0x2], $0x80, $0x38;
	[tilespmem:$0x18400] =	vst v63  }
0x650: {  	s23 =	sor.u32 $0x1A80, s16;
	s24 =	sadd.s32 $0x1680, s15  }
0x651: {  	[hbm4b:s24+s3] =	stream.linear.scatter [tilespmem:s23], [sflag:$0x2], $0x80, $0x38;
	[tilespmem:$0x18400] =	vst v63  }
0x652: {  	s25 =	sor.u32 $0x1E80, s16;
	s26 =	sadd.s32 $0x1700, s15  }
0x653: {  	[hbm4b:s26+s3] =	stream.linear.scatter [tilespmem:s25], [sflag:$0x2], $0x80, $0x38;
	[tilespmem:$0x18400] =	vst v63  }
0x654: {  	s28 =	sor.u32 $0x2280, s16;
	s29 =	sadd.s32 $0x1780, s15  }
0x655: {  	[hbm4b:s29+s3] =	stream.linear.scatter [tilespmem:s28], [sflag:$0x2], $0x80, $0x38;
	[tilespmem:$0x18400] =	vst v63  }
0x656: {  	s30 =	sor.u32 $0x700, s16;
	s31 =	sadd.s32 $0x1800, s15  }
0x657: {  	[hbm4b:s31+s3] =	stream.linear.scatter [tilespmem:s30], [sflag:$0x2], $0x80, $0x38;
	[tilespmem:$0x18400] =	vst v63  }
0x658: {  	s4 =	sor.u32 $0xB00, s16;
	s5 =	sadd.s32 $0x1880, s15  }
0x659: {  	[hbm4b:s5+s3] =	stream.linear.scatter [tilespmem:s4], [sflag:$0x2], $0x80, $0x38;
	[tilespmem:$0x18400] =	vst v63  }
0x65a: {  	s17 =	sor.u32 $0xF00, s16;
	s18 =	sadd.s32 $0x1900, s15  }
0x65b: {  	[hbm4b:s18+s3] =	stream.linear.scatter [tilespmem:s17], [sflag:$0x2], $0x80, $0x38;
	[tilespmem:$0x18400] =	vst v63  }
0x65c: {  	s19 =	sor.u32 $0x1300, s16;
	s20 =	sadd.s32 $0x1980, s15  }
0x65d: {  	[hbm4b:s20+s3] =	stream.linear.scatter [tilespmem:s19], [sflag:$0x2], $0x80, $0x38;
	[tilespmem:$0x18400] =	vst v63  }
0x65e: {  	s21 =	sor.u32 $0x1700, s16;
	s22 =	sadd.s32 $0x1A00, s15  }
0x65f: {  	[hbm4b:s22+s3] =	stream.linear.scatter [tilespmem:s21], [sflag:$0x2], $0x80, $0x38;
	[tilespmem:$0x18400] =	vst v63  }
0x660: {  	s23 =	sor.u32 $0x1B00, s16;
	s24 =	sadd.s32 $0x1A80, s15  }
0x661: {  	[hbm4b:s24+s3] =	stream.linear.scatter [tilespmem:s23], [sflag:$0x2], $0x80, $0x38;
	[tilespmem:$0x18400] =	vst v63  }
0x662: {  	s25 =	sor.u32 $0x1F00, s16;
	s26 =	sadd.s32 $0x1B00, s15  }
0x663: {  	[hbm4b:s26+s3] =	stream.linear.scatter [tilespmem:s25], [sflag:$0x2], $0x80, $0x38;
	[tilespmem:$0x18400] =	vst v63  }
0x664: {  	s28 =	sor.u32 $0x2300, s16;
	s29 =	sadd.s32 $0x1B80, s15  }
0x665: {  	[hbm4b:s29+s3] =	stream.linear.scatter [tilespmem:s28], [sflag:$0x2], $0x80, $0x38;
	[tilespmem:$0x18400] =	vst v63  }
0x666: {  	s30 =	sor.u32 $0x780, s16;
	s31 =	sadd.s32 $0x1C00, s15  }
0x667: {  	[hbm4b:s31+s3] =	stream.linear.scatter [tilespmem:s30], [sflag:$0x2], $0x80, $0x38;
	[tilespmem:$0x18400] =	vst v63  }
0x668: {  	s4 =	sor.u32 $0xB80, s16;
	s5 =	sadd.s32 $0x1C80, s15  }
0x669: {  	[hbm4b:s5+s3] =	stream.linear.scatter [tilespmem:s4], [sflag:$0x2], $0x80, $0x38;
	[tilespmem:$0x18400] =	vst v63  }
0x66a: {  	s17 =	sor.u32 $0xF80, s16;
	s18 =	sadd.s32 $0x1D00, s15  }
0x66b: {  	[hbm4b:s18+s3] =	stream.linear.scatter [tilespmem:s17], [sflag:$0x2], $0x80, $0x38;
	[tilespmem:$0x18400] =	vst v63  }
0x66c: {  	s19 =	sor.u32 $0x1380, s16;
	s20 =	sadd.s32 $0x1D80, s15  }
0x66d: {  	[hbm4b:s20+s3] =	stream.linear.scatter [tilespmem:s19], [sflag:$0x2], $0x80, $0x38;
	[tilespmem:$0x18400] =	vst v63  }
0x66e: {  	s21 =	sor.u32 $0x1780, s16;
	s22 =	sadd.s32 $0x1E00, s15  }
0x66f: {  	[hbm4b:s22+s3] =	stream.linear.scatter [tilespmem:s21], [sflag:$0x2], $0x80, $0x38;
	[tilespmem:$0x18400] =	vst v63  }
0x670: {  	s23 =	sor.u32 $0x1B80, s16;
	s24 =	sadd.s32 $0x1E80, s15  }
0x671: {  	[hbm4b:s24+s3] =	stream.linear.scatter [tilespmem:s23], [sflag:$0x2], $0x80, $0x38;
	[tilespmem:$0x18400] =	vst v63  }
0x672: {  	s25 =	sor.u32 $0x1F80, s16;
	s26 =	sadd.s32 $0x1F00, s15  }
0x673: {  	[hbm4b:s26+s3] =	stream.linear.scatter [tilespmem:s25], [sflag:$0x2], $0x80, $0x38;
	[tilespmem:$0x18400] =	vst v63  }
0x674: {  	s28 =	sor.u32 $0x2380, s16;
	s29 =	sadd.s32 $0x1F80, s15  }
0x675: {  	[hbm4b:s29+s3] =	stream.linear.scatter [tilespmem:s28], [sflag:$0x2], $0x80, $0x38;
	[tilespmem:$0x18400] =	vst v63  }
0x676: {  	s30 =	sor.u32 $0x2400, s16;
	s31 =	sadd.s32 $0x2000, s15  }
0x677: {  	[hbm4b:s31+s3] =	stream.linear.scatter [tilespmem:s30], [sflag:$0x2], $0x80, $0x38;
	[tilespmem:$0x18400] =	vst v63  }
0x678: {  	s4 =	sor.u32 $0x2800, s16;
	s5 =	sadd.s32 $0x2080, s15  }
0x679: {  	[hbm4b:s5+s3] =	stream.linear.scatter [tilespmem:s4], [sflag:$0x2], $0x80, $0x38;
	[tilespmem:$0x18400] =	vst v63  }
0x67a: {  	s17 =	sor.u32 $0x2C00, s16;
	s18 =	sadd.s32 $0x2100, s15  }
0x67b: {  	[hbm4b:s18+s3] =	stream.linear.scatter [tilespmem:s17], [sflag:$0x2], $0x80, $0x38;
	[tilespmem:$0x18400] =	vst v63  }
0x67c: {  	s19 =	sor.u32 $0x3000, s16;
	s20 =	sadd.s32 $0x2180, s15  }
0x67d: {  	[hbm4b:s20+s3] =	stream.linear.scatter [tilespmem:s19], [sflag:$0x2], $0x80, $0x38;
	[tilespmem:$0x18400] =	vst v63  }
0x67e: {  	s21 =	sor.u32 $0x3400, s16;
	s22 =	sadd.s32 $0x2200, s15  }
0x67f: {  	[hbm4b:s22+s3] =	stream.linear.scatter [tilespmem:s21], [sflag:$0x2], $0x80, $0x38;
	[tilespmem:$0x18400] =	vst v63  }
0x680: {  	s23 =	sor.u32 $0x3800, s16;
	s24 =	sadd.s32 $0x2280, s15  }
0x681: {  	[hbm4b:s24+s3] =	stream.linear.scatter [tilespmem:s23], [sflag:$0x2], $0x80, $0x38;
	[tilespmem:$0x18400] =	vst v63  }
0x682: {  	s25 =	sor.u32 $0x3C00, s16;
	s26 =	sadd.s32 $0x2300, s15  }
0x683: {  	[hbm4b:s26+s3] =	stream.linear.scatter [tilespmem:s25], [sflag:$0x2], $0x80, $0x38;
	[tilespmem:$0x18400] =	vst v63  }
0x684: {  	s28 =	sor.u32 $0x4000, s16;
	s29 =	sadd.s32 $0x2380, s15  }
0x685: {  	[hbm4b:s29+s3] =	stream.linear.scatter [tilespmem:s28], [sflag:$0x2], $0x80, $0x38;
	[tilespmem:$0x18400] =	vst v63  }
0x686: {  	s30 =	sor.u32 $0x2480, s16;
	s31 =	sadd.s32 $0x2400, s15  }
0x687: {  	[hbm4b:s31+s3] =	stream.linear.scatter [tilespmem:s30], [sflag:$0x2], $0x80, $0x38;
	[tilespmem:$0x18400] =	vst v63  }
0x688: {  	s4 =	sor.u32 $0x2880, s16;
	s5 =	sadd.s32 $0x2480, s15  }
0x689: {  	[hbm4b:s5+s3] =	stream.linear.scatter [tilespmem:s4], [sflag:$0x2], $0x80, $0x38;
	[tilespmem:$0x18400] =	vst v63  }
0x68a: {  	s17 =	sor.u32 $0x2C80, s16;
	s18 =	sadd.s32 $0x2500, s15  }
0x68b: {  	[hbm4b:s18+s3] =	stream.linear.scatter [tilespmem:s17], [sflag:$0x2], $0x80, $0x38;
	[tilespmem:$0x18400] =	vst v63  }
0x68c: {  	s19 =	sor.u32 $0x3080, s16;
	s20 =	sadd.s32 $0x2580, s15  }
0x68d: {  	[hbm4b:s20+s3] =	stream.linear.scatter [tilespmem:s19], [sflag:$0x2], $0x80, $0x38;
	[tilespmem:$0x18400] =	vst v63  }
0x68e: {  	s21 =	sor.u32 $0x3480, s16;
	s22 =	sadd.s32 $0x2600, s15  }
0x68f: {  	[hbm4b:s22+s3] =	stream.linear.scatter [tilespmem:s21], [sflag:$0x2], $0x80, $0x38;
	[tilespmem:$0x18400] =	vst v63  }
0x690: {  	s23 =	sor.u32 $0x3880, s16;
	s24 =	sadd.s32 $0x2680, s15  }
0x691: {  	[hbm4b:s24+s3] =	stream.linear.scatter [tilespmem:s23], [sflag:$0x2], $0x80, $0x38;
	[tilespmem:$0x18400] =	vst v63  }
0x692: {  	s25 =	sor.u32 $0x3C80, s16;
	s26 =	sadd.s32 $0x2700, s15  }
0x693: {  	[hbm4b:s26+s3] =	stream.linear.scatter [tilespmem:s25], [sflag:$0x2], $0x80, $0x38;
	[tilespmem:$0x18400] =	vst v63  }
0x694: {  	s28 =	sor.u32 $0x4080, s16;
	s29 =	sadd.s32 $0x2780, s15  }
0x695: {  	[hbm4b:s29+s3] =	stream.linear.scatter [tilespmem:s28], [sflag:$0x2], $0x80, $0x38;
	[tilespmem:$0x18400] =	vst v63  }
0x696: {  	s30 =	sor.u32 $0x2500, s16;
	s31 =	sadd.s32 $0x2800, s15  }
0x697: {  	[hbm4b:s31+s3] =	stream.linear.scatter [tilespmem:s30], [sflag:$0x2], $0x80, $0x38;
	[tilespmem:$0x18400] =	vst v63  }
0x698: {  	s4 =	sor.u32 $0x2900, s16;
	s5 =	sadd.s32 $0x2880, s15  }
0x699: {  	[hbm4b:s5+s3] =	stream.linear.scatter [tilespmem:s4], [sflag:$0x2], $0x80, $0x38;
	[tilespmem:$0x18400] =	vst v63  }
0x69a: {  	s17 =	sor.u32 $0x2D00, s16;
	s18 =	sadd.s32 $0x2900, s15  }
0x69b: {  	[hbm4b:s18+s3] =	stream.linear.scatter [tilespmem:s17], [sflag:$0x2], $0x80, $0x38;
	[tilespmem:$0x18400] =	vst v63  }
0x69c: {  	s19 =	sor.u32 $0x3100, s16;
	s20 =	sadd.s32 $0x2980, s15  }
0x69d: {  	[hbm4b:s20+s3] =	stream.linear.scatter [tilespmem:s19], [sflag:$0x2], $0x80, $0x38;
	[tilespmem:$0x18400] =	vst v63  }
0x69e: {  	s21 =	sor.u32 $0x3500, s16;
	s22 =	sadd.s32 $0x2A00, s15  }
0x69f: {  	[hbm4b:s22+s3] =	stream.linear.scatter [tilespmem:s21], [sflag:$0x2], $0x80, $0x38;
	[tilespmem:$0x18400] =	vst v63  }
0x6a0: {  	s23 =	sor.u32 $0x3900, s16;
	s24 =	sadd.s32 $0x2A80, s15  }
0x6a1: {  	[hbm4b:s24+s3] =	stream.linear.scatter [tilespmem:s23], [sflag:$0x2], $0x80, $0x38;
	[tilespmem:$0x18400] =	vst v63  }
0x6a2: {  	s25 =	sor.u32 $0x3D00, s16;
	s26 =	sadd.s32 $0x2B00, s15  }
0x6a3: {  	[hbm4b:s26+s3] =	stream.linear.scatter [tilespmem:s25], [sflag:$0x2], $0x80, $0x38;
	[tilespmem:$0x18400] =	vst v63  }
0x6a4: {  	s28 =	sor.u32 $0x4100, s16;
	s29 =	sadd.s32 $0x2B80, s15  }
0x6a5: {  	[hbm4b:s29+s3] =	stream.linear.scatter [tilespmem:s28], [sflag:$0x2], $0x80, $0x38;
	[tilespmem:$0x18400] =	vst v63  }
0x6a6: {  	s30 =	sor.u32 $0x2580, s16;
	s31 =	sadd.s32 $0x2C00, s15  }
0x6a7: {  	[hbm4b:s31+s3] =	stream.linear.scatter [tilespmem:s30], [sflag:$0x2], $0x80, $0x38;
	[tilespmem:$0x18400] =	vst v63  }
0x6a8: {  	s4 =	sor.u32 $0x2980, s16;
	s5 =	sadd.s32 $0x2C80, s15  }
0x6a9: {  	[hbm4b:s5+s3] =	stream.linear.scatter [tilespmem:s4], [sflag:$0x2], $0x80, $0x38;
	[tilespmem:$0x18400] =	vst v63  }
0x6aa: {  	s17 =	sor.u32 $0x2D80, s16;
	s18 =	sadd.s32 $0x2D00, s15  }
0x6ab: {  	[hbm4b:s18+s3] =	stream.linear.scatter [tilespmem:s17], [sflag:$0x2], $0x80, $0x38;
	[tilespmem:$0x18400] =	vst v63  }
0x6ac: {  	s19 =	sor.u32 $0x3180, s16;
	s20 =	sadd.s32 $0x2D80, s15  }
0x6ad: {  	[hbm4b:s20+s3] =	stream.linear.scatter [tilespmem:s19], [sflag:$0x2], $0x80, $0x38;
	[tilespmem:$0x18400] =	vst v63  }
0x6ae: {  	s21 =	sor.u32 $0x3580, s16;
	s22 =	sadd.s32 $0x2E00, s15  }
0x6af: {  	[hbm4b:s22+s3] =	stream.linear.scatter [tilespmem:s21], [sflag:$0x2], $0x80, $0x38;
	[tilespmem:$0x18400] =	vst v63  }
0x6b0: {  	s23 =	sor.u32 $0x3980, s16;
	s24 =	sadd.s32 $0x2E80, s15  }
0x6b1: {  	[hbm4b:s24+s3] =	stream.linear.scatter [tilespmem:s23], [sflag:$0x2], $0x80, $0x38;
	[tilespmem:$0x18400] =	vst v63  }
0x6b2: {  	s25 =	sor.u32 $0x3D80, s16;
	s26 =	sadd.s32 $0x2F00, s15  }
0x6b3: {  	[hbm4b:s26+s3] =	stream.linear.scatter [tilespmem:s25], [sflag:$0x2], $0x80, $0x38;
	[tilespmem:$0x18400] =	vst v63  }
0x6b4: {  	s28 =	sor.u32 $0x4180, s16;
	s29 =	sadd.s32 $0x2F80, s15  }
0x6b5: {  	[hbm4b:s29+s3] =	stream.linear.scatter [tilespmem:s28], [sflag:$0x2], $0x80, $0x38;
	[tilespmem:$0x18400] =	vst v63  }
0x6b6: {  	s30 =	sor.u32 $0x2600, s16;
	s31 =	sadd.s32 $0x3000, s15  }
0x6b7: {  	[hbm4b:s31+s3] =	stream.linear.scatter [tilespmem:s30], [sflag:$0x2], $0x80, $0x38;
	[tilespmem:$0x18400] =	vst v63  }
0x6b8: {  	s4 =	sor.u32 $0x2A00, s16;
	s5 =	sadd.s32 $0x3080, s15  }
0x6b9: {  	[hbm4b:s5+s3] =	stream.linear.scatter [tilespmem:s4], [sflag:$0x2], $0x80, $0x38;
	[tilespmem:$0x18400] =	vst v63  }
0x6ba: {  	s17 =	sor.u32 $0x2E00, s16;
	s18 =	sadd.s32 $0x3100, s15  }
0x6bb: {  	[hbm4b:s18+s3] =	stream.linear.scatter [tilespmem:s17], [sflag:$0x2], $0x80, $0x38;
	[tilespmem:$0x18400] =	vst v63  }
0x6bc: {  	s19 =	sor.u32 $0x3200, s16;
	s20 =	sadd.s32 $0x3180, s15  }
0x6bd: {  	[hbm4b:s20+s3] =	stream.linear.scatter [tilespmem:s19], [sflag:$0x2], $0x80, $0x38;
	[tilespmem:$0x18400] =	vst v63  }
0x6be: {  	s21 =	sor.u32 $0x3600, s16;
	s22 =	sadd.s32 $0x3200, s15  }
0x6bf: {  	[hbm4b:s22+s3] =	stream.linear.scatter [tilespmem:s21], [sflag:$0x2], $0x80, $0x38;
	[tilespmem:$0x18400] =	vst v63  }
0x6c0: {  	s23 =	sor.u32 $0x3A00, s16;
	s24 =	sadd.s32 $0x3280, s15  }
0x6c1: {  	[hbm4b:s24+s3] =	stream.linear.scatter [tilespmem:s23], [sflag:$0x2], $0x80, $0x38;
	[tilespmem:$0x18400] =	vst v63  }
0x6c2: {  	s25 =	sor.u32 $0x3E00, s16;
	s26 =	sadd.s32 $0x3300, s15  }
0x6c3: {  	[hbm4b:s26+s3] =	stream.linear.scatter [tilespmem:s25], [sflag:$0x2], $0x80, $0x38;
	[tilespmem:$0x18400] =	vst v63  }
0x6c4: {  	s28 =	sor.u32 $0x4200, s16;
	s29 =	sadd.s32 $0x3380, s15  }
0x6c5: {  	[hbm4b:s29+s3] =	stream.linear.scatter [tilespmem:s28], [sflag:$0x2], $0x80, $0x38;
	[tilespmem:$0x18400] =	vst v63  }
0x6c6: {  	s30 =	sor.u32 $0x2680, s16;
	s31 =	sadd.s32 $0x3400, s15  }
0x6c7: {  	[hbm4b:s31+s3] =	stream.linear.scatter [tilespmem:s30], [sflag:$0x2], $0x80, $0x38;
	[tilespmem:$0x18400] =	vst v63  }
0x6c8: {  	s4 =	sor.u32 $0x2A80, s16;
	s5 =	sadd.s32 $0x3480, s15  }
0x6c9: {  	[hbm4b:s5+s3] =	stream.linear.scatter [tilespmem:s4], [sflag:$0x2], $0x80, $0x38;
	[tilespmem:$0x18400] =	vst v63  }
0x6ca: {  	s17 =	sor.u32 $0x2E80, s16;
	s18 =	sadd.s32 $0x3500, s15  }
0x6cb: {  	[hbm4b:s18+s3] =	stream.linear.scatter [tilespmem:s17], [sflag:$0x2], $0x80, $0x38;
	[tilespmem:$0x18400] =	vst v63  }
0x6cc: {  	s19 =	sor.u32 $0x3280, s16;
	s20 =	sadd.s32 $0x3580, s15  }
0x6cd: {  	[hbm4b:s20+s3] =	stream.linear.scatter [tilespmem:s19], [sflag:$0x2], $0x80, $0x38;
	[tilespmem:$0x18400] =	vst v63  }
0x6ce: {  	s21 =	sor.u32 $0x3680, s16;
	s22 =	sadd.s32 $0x3600, s15  }
0x6cf: {  	[hbm4b:s22+s3] =	stream.linear.scatter [tilespmem:s21], [sflag:$0x2], $0x80, $0x38;
	[tilespmem:$0x18400] =	vst v63  }
0x6d0: {  	s23 =	sor.u32 $0x3A80, s16;
	s24 =	sadd.s32 $0x3680, s15  }
0x6d1: {  	[hbm4b:s24+s3] =	stream.linear.scatter [tilespmem:s23], [sflag:$0x2], $0x80, $0x38;
	[tilespmem:$0x18400] =	vst v63  }
0x6d2: {  	s25 =	sor.u32 $0x3E80, s16;
	s26 =	sadd.s32 $0x3700, s15  }
0x6d3: {  	[hbm4b:s26+s3] =	stream.linear.scatter [tilespmem:s25], [sflag:$0x2], $0x80, $0x38;
	[tilespmem:$0x18400] =	vst v63  }
0x6d4: {  	s28 =	sor.u32 $0x4280, s16;
	s29 =	sadd.s32 $0x3780, s15  }
0x6d5: {  	[hbm4b:s29+s3] =	stream.linear.scatter [tilespmem:s28], [sflag:$0x2], $0x80, $0x38;
	[tilespmem:$0x18400] =	vst v63  }
0x6d6: {  	s30 =	sor.u32 $0x2700, s16;
	s31 =	sadd.s32 $0x3800, s15  }
0x6d7: {  	[hbm4b:s31+s3] =	stream.linear.scatter [tilespmem:s30], [sflag:$0x2], $0x80, $0x38;
	[tilespmem:$0x18400] =	vst v63  }
0x6d8: {  	s4 =	sor.u32 $0x2B00, s16;
	s5 =	sadd.s32 $0x3880, s15  }
0x6d9: {  	[hbm4b:s5+s3] =	stream.linear.scatter [tilespmem:s4], [sflag:$0x2], $0x80, $0x38;
	[tilespmem:$0x18400] =	vst v63  }
0x6da: {  	s17 =	sor.u32 $0x2F00, s16;
	s18 =	sadd.s32 $0x3900, s15  }
0x6db: {  	[hbm4b:s18+s3] =	stream.linear.scatter [tilespmem:s17], [sflag:$0x2], $0x80, $0x38;
	[tilespmem:$0x18400] =	vst v63  }
0x6dc: {  	s19 =	sor.u32 $0x3300, s16;
	s20 =	sadd.s32 $0x3980, s15  }
0x6dd: {  	[hbm4b:s20+s3] =	stream.linear.scatter [tilespmem:s19], [sflag:$0x2], $0x80, $0x38;
	[tilespmem:$0x18400] =	vst v63  }
0x6de: {  	s21 =	sor.u32 $0x3700, s16;
	s22 =	sadd.s32 $0x3A00, s15  }
0x6df: {  	[hbm4b:s22+s3] =	stream.linear.scatter [tilespmem:s21], [sflag:$0x2], $0x80, $0x38;
	[tilespmem:$0x18400] =	vst v63  }
0x6e0: {  	s23 =	sor.u32 $0x3B00, s16;
	s24 =	sadd.s32 $0x3A80, s15  }
0x6e1: {  	[hbm4b:s24+s3] =	stream.linear.scatter [tilespmem:s23], [sflag:$0x2], $0x80, $0x38;
	[tilespmem:$0x18400] =	vst v63  }
0x6e2: {  	s25 =	sor.u32 $0x3F00, s16;
	s26 =	sadd.s32 $0x3B00, s15  }
0x6e3: {  	[hbm4b:s26+s3] =	stream.linear.scatter [tilespmem:s25], [sflag:$0x2], $0x80, $0x38;
	[tilespmem:$0x18400] =	vst v63  }
0x6e4: {  	s28 =	sor.u32 $0x4300, s16;
	s29 =	sadd.s32 $0x3B80, s15  }
0x6e5: {  	[hbm4b:s29+s3] =	stream.linear.scatter [tilespmem:s28], [sflag:$0x2], $0x80, $0x38;
	[tilespmem:$0x18400] =	vst v63  }
0x6e6: {  	s30 =	sor.u32 $0x2780, s16;
	s31 =	sadd.s32 $0x3C00, s15  }
0x6e7: {  	[hbm4b:s31+s3] =	stream.linear.scatter [tilespmem:s30], [sflag:$0x2], $0x80, $0x38;
	[tilespmem:$0x18400] =	vst v63  }
0x6e8: {  	s4 =	sor.u32 $0x2B80, s16;
	s5 =	sadd.s32 $0x3C80, s15  }
0x6e9: {  	[hbm4b:s5+s3] =	stream.linear.scatter [tilespmem:s4], [sflag:$0x2], $0x80, $0x38;
	[tilespmem:$0x18400] =	vst v63  }
0x6ea: {  	s17 =	sor.u32 $0x2F80, s16;
	s18 =	sadd.s32 $0x3D00, s15  }
0x6eb: {  	[hbm4b:s18+s3] =	stream.linear.scatter [tilespmem:s17], [sflag:$0x2], $0x80, $0x38;
	[tilespmem:$0x18400] =	vst v63  }
0x6ec: {  	s19 =	sor.u32 $0x3380, s16;
	s20 =	sadd.s32 $0x3D80, s15  }
0x6ed: {  	[hbm4b:s20+s3] =	stream.linear.scatter [tilespmem:s19], [sflag:$0x2], $0x80, $0x38;
	[tilespmem:$0x18400] =	vst v63  }
0x6ee: {  	s21 =	sor.u32 $0x3780, s16;
	s22 =	sadd.s32 $0x3E00, s15  }
0x6ef: {  	[hbm4b:s22+s3] =	stream.linear.scatter [tilespmem:s21], [sflag:$0x2], $0x80, $0x38;
	[tilespmem:$0x18400] =	vst v63  }
0x6f0: {  	s23 =	sor.u32 $0x3B80, s16;
	s24 =	sadd.s32 $0x3E80, s15  }
0x6f1: {  	[hbm4b:s24+s3] =	stream.linear.scatter [tilespmem:s23], [sflag:$0x2], $0x80, $0x38;
	[tilespmem:$0x18400] =	vst v63  }
0x6f2: {  	s25 =	sor.u32 $0x3F80, s16;
	s26 =	sadd.s32 $0x3F00, s15  }
0x6f3: {  	[hbm4b:s26+s3] =	stream.linear.scatter [tilespmem:s25], [sflag:$0x2], $0x80, $0x38;
	[tilespmem:$0x18400] =	vst v63  }
0x6f4: {  	s28 =	sor.u32 $0x4380, s16;
	s29 =	sadd.s32 $0x3F80, s15  }
0x6f5: {  	[hbm4b:s29+s3] =	stream.linear.scatter [tilespmem:s28], [sflag:$0x2], $0x80, $0x38;
	[tilespmem:$0x18400] =	vst v63  }
0x6f6: {  	s30 =	sor.u32 $0x4400, s16;
	s31 =	sadd.s32 $0x4000, s15  }
0x6f7: {  	[hbm4b:s31+s3] =	stream.linear.scatter [tilespmem:s30], [sflag:$0x2], $0x80, $0x38;
	[tilespmem:$0x18400] =	vst v63  }
0x6f8: {  	s4 =	sor.u32 $0x4800, s16;
	s5 =	sadd.s32 $0x4080, s15  }
0x6f9: {  	[hbm4b:s5+s3] =	stream.linear.scatter [tilespmem:s4], [sflag:$0x2], $0x80, $0x38;
	[tilespmem:$0x18400] =	vst v63  }
0x6fa: {  	s17 =	sor.u32 $0x4C00, s16;
	s18 =	sadd.s32 $0x4100, s15  }
0x6fb: {  	[hbm4b:s18+s3] =	stream.linear.scatter [tilespmem:s17], [sflag:$0x2], $0x80, $0x38;
	[tilespmem:$0x18400] =	vst v63  }
0x6fc: {  	s19 =	sor.u32 $0x5000, s16;
	s20 =	sadd.s32 $0x4180, s15  }
0x6fd: {  	[hbm4b:s20+s3] =	stream.linear.scatter [tilespmem:s19], [sflag:$0x2], $0x80, $0x38;
	[tilespmem:$0x18400] =	vst v63  }
0x6fe: {  	s21 =	sor.u32 $0x5400, s16;
	s22 =	sadd.s32 $0x4200, s15  }
0x6ff: {  	[hbm4b:s22+s3] =	stream.linear.scatter [tilespmem:s21], [sflag:$0x2], $0x80, $0x38;
	[tilespmem:$0x18400] =	vst v63  }
0x700: {  	s23 =	sor.u32 $0x5800, s16;
	s24 =	sadd.s32 $0x4280, s15  }
0x701: {  	[hbm4b:s24+s3] =	stream.linear.scatter [tilespmem:s23], [sflag:$0x2], $0x80, $0x38;
	[tilespmem:$0x18400] =	vst v63  }
0x702: {  	s25 =	sor.u32 $0x5C00, s16;
	s26 =	sadd.s32 $0x4300, s15  }
0x703: {  	[hbm4b:s26+s3] =	stream.linear.scatter [tilespmem:s25], [sflag:$0x2], $0x80, $0x38;
	[tilespmem:$0x18400] =	vst v63  }
0x704: {  	s28 =	sor.u32 $0x6000, s16;
	s29 =	sadd.s32 $0x4380, s15  }
0x705: {  	[hbm4b:s29+s3] =	stream.linear.scatter [tilespmem:s28], [sflag:$0x2], $0x80, $0x38;
	[tilespmem:$0x18400] =	vst v63  }
0x706: {  	s30 =	sor.u32 $0x4480, s16;
	s31 =	sadd.s32 $0x4400, s15  }
0x707: {  	[hbm4b:s31+s3] =	stream.linear.scatter [tilespmem:s30], [sflag:$0x2], $0x80, $0x38;
	[tilespmem:$0x18400] =	vst v63  }
0x708: {  	s4 =	sor.u32 $0x4880, s16;
	s5 =	sadd.s32 $0x4480, s15  }
0x709: {  	[hbm4b:s5+s3] =	stream.linear.scatter [tilespmem:s4], [sflag:$0x2], $0x80, $0x38;
	[tilespmem:$0x18400] =	vst v63  }
0x70a: {  	s17 =	sor.u32 $0x4C80, s16;
	s18 =	sadd.s32 $0x4500, s15  }
0x70b: {  	[hbm4b:s18+s3] =	stream.linear.scatter [tilespmem:s17], [sflag:$0x2], $0x80, $0x38;
	[tilespmem:$0x18400] =	vst v63  }
0x70c: {  	s19 =	sor.u32 $0x5080, s16;
	s20 =	sadd.s32 $0x4580, s15  }
0x70d: {  	[hbm4b:s20+s3] =	stream.linear.scatter [tilespmem:s19], [sflag:$0x2], $0x80, $0x38;
	[tilespmem:$0x18400] =	vst v63  }
0x70e: {  	s21 =	sor.u32 $0x5480, s16;
	s22 =	sadd.s32 $0x4600, s15  }
0x70f: {  	[hbm4b:s22+s3] =	stream.linear.scatter [tilespmem:s21], [sflag:$0x2], $0x80, $0x38;
	[tilespmem:$0x18400] =	vst v63  }
0x710: {  	s23 =	sor.u32 $0x5880, s16;
	s24 =	sadd.s32 $0x4680, s15  }
0x711: {  	[hbm4b:s24+s3] =	stream.linear.scatter [tilespmem:s23], [sflag:$0x2], $0x80, $0x38;
	[tilespmem:$0x18400] =	vst v63  }
0x712: {  	s25 =	sor.u32 $0x5C80, s16;
	s26 =	sadd.s32 $0x4700, s15  }
0x713: {  	[hbm4b:s26+s3] =	stream.linear.scatter [tilespmem:s25], [sflag:$0x2], $0x80, $0x38;
	[tilespmem:$0x18400] =	vst v63  }
0x714: {  	s28 =	sor.u32 $0x6080, s16;
	s29 =	sadd.s32 $0x4780, s15  }
0x715: {  	[hbm4b:s29+s3] =	stream.linear.scatter [tilespmem:s28], [sflag:$0x2], $0x80, $0x38;
	[tilespmem:$0x18400] =	vst v63  }
0x716: {  	s30 =	sor.u32 $0x4500, s16;
	s31 =	sadd.s32 $0x4800, s15  }
0x717: {  	[hbm4b:s31+s3] =	stream.linear.scatter [tilespmem:s30], [sflag:$0x2], $0x80, $0x38;
	[tilespmem:$0x18400] =	vst v63  }
0x718: {  	s4 =	sor.u32 $0x4900, s16;
	s5 =	sadd.s32 $0x4880, s15  }
0x719: {  	[hbm4b:s5+s3] =	stream.linear.scatter [tilespmem:s4], [sflag:$0x2], $0x80, $0x38;
	[tilespmem:$0x18400] =	vst v63  }
0x71a: {  	s17 =	sor.u32 $0x4D00, s16;
	s18 =	sadd.s32 $0x4900, s15  }
0x71b: {  	[hbm4b:s18+s3] =	stream.linear.scatter [tilespmem:s17], [sflag:$0x2], $0x80, $0x38;
	[tilespmem:$0x18400] =	vst v63  }
0x71c: {  	s19 =	sor.u32 $0x5100, s16;
	s20 =	sadd.s32 $0x4980, s15  }
0x71d: {  	[hbm4b:s20+s3] =	stream.linear.scatter [tilespmem:s19], [sflag:$0x2], $0x80, $0x38;
	[tilespmem:$0x18400] =	vst v63  }
0x71e: {  	s21 =	sor.u32 $0x5500, s16;
	s22 =	sadd.s32 $0x4A00, s15  }
0x71f: {  	[hbm4b:s22+s3] =	stream.linear.scatter [tilespmem:s21], [sflag:$0x2], $0x80, $0x38;
	[tilespmem:$0x18400] =	vst v63  }
0x720: {  	s23 =	sor.u32 $0x5900, s16;
	s24 =	sadd.s32 $0x4A80, s15  }
0x721: {  	[hbm4b:s24+s3] =	stream.linear.scatter [tilespmem:s23], [sflag:$0x2], $0x80, $0x38;
	[tilespmem:$0x18400] =	vst v63  }
0x722: {  	s25 =	sor.u32 $0x5D00, s16;
	s26 =	sadd.s32 $0x4B00, s15  }
0x723: {  	[hbm4b:s26+s3] =	stream.linear.scatter [tilespmem:s25], [sflag:$0x2], $0x80, $0x38;
	[tilespmem:$0x18400] =	vst v63  }
0x724: {  	s28 =	sor.u32 $0x6100, s16;
	s29 =	sadd.s32 $0x4B80, s15  }
0x725: {  	[hbm4b:s29+s3] =	stream.linear.scatter [tilespmem:s28], [sflag:$0x2], $0x80, $0x38;
	[tilespmem:$0x18400] =	vst v63  }
0x726: {  	s30 =	sor.u32 $0x4580, s16;
	s31 =	sadd.s32 $0x4C00, s15  }
0x727: {  	[hbm4b:s31+s3] =	stream.linear.scatter [tilespmem:s30], [sflag:$0x2], $0x80, $0x38;
	[tilespmem:$0x18400] =	vst v63  }
0x728: {  	s4 =	sor.u32 $0x4980, s16;
	s5 =	sadd.s32 $0x4C80, s15  }
0x729: {  	[hbm4b:s5+s3] =	stream.linear.scatter [tilespmem:s4], [sflag:$0x2], $0x80, $0x38;
	[tilespmem:$0x18400] =	vst v63  }
0x72a: {  	s17 =	sor.u32 $0x4D80, s16;
	s18 =	sadd.s32 $0x4D00, s15  }
0x72b: {  	[hbm4b:s18+s3] =	stream.linear.scatter [tilespmem:s17], [sflag:$0x2], $0x80, $0x38;
	[tilespmem:$0x18400] =	vst v63  }
0x72c: {  	s19 =	sor.u32 $0x5180, s16;
	s20 =	sadd.s32 $0x4D80, s15  }
0x72d: {  	[hbm4b:s20+s3] =	stream.linear.scatter [tilespmem:s19], [sflag:$0x2], $0x80, $0x38;
	[tilespmem:$0x18400] =	vst v63  }
0x72e: {  	s21 =	sor.u32 $0x5580, s16;
	s22 =	sadd.s32 $0x4E00, s15  }
0x72f: {  	[hbm4b:s22+s3] =	stream.linear.scatter [tilespmem:s21], [sflag:$0x2], $0x80, $0x38;
	[tilespmem:$0x18400] =	vst v63  }
0x730: {  	s23 =	sor.u32 $0x5980, s16;
	s24 =	sadd.s32 $0x4E80, s15  }
0x731: {  	[hbm4b:s24+s3] =	stream.linear.scatter [tilespmem:s23], [sflag:$0x2], $0x80, $0x38;
	[tilespmem:$0x18400] =	vst v63  }
0x732: {  	s25 =	sor.u32 $0x5D80, s16;
	s26 =	sadd.s32 $0x4F00, s15  }
0x733: {  	[hbm4b:s26+s3] =	stream.linear.scatter [tilespmem:s25], [sflag:$0x2], $0x80, $0x38;
	[tilespmem:$0x18400] =	vst v63  }
0x734: {  	s28 =	sor.u32 $0x6180, s16;
	s29 =	sadd.s32 $0x4F80, s15  }
0x735: {  	[hbm4b:s29+s3] =	stream.linear.scatter [tilespmem:s28], [sflag:$0x2], $0x80, $0x38;
	[tilespmem:$0x18400] =	vst v63  }
0x736: {  	s30 =	sor.u32 $0x4600, s16;
	s31 =	sadd.s32 $0x5000, s15  }
0x737: {  	[hbm4b:s31+s3] =	stream.linear.scatter [tilespmem:s30], [sflag:$0x2], $0x80, $0x38;
	[tilespmem:$0x18400] =	vst v63  }
0x738: {  	s4 =	sor.u32 $0x4A00, s16;
	s5 =	sadd.s32 $0x5080, s15  }
0x739: {  	[hbm4b:s5+s3] =	stream.linear.scatter [tilespmem:s4], [sflag:$0x2], $0x80, $0x38;
	[tilespmem:$0x18400] =	vst v63  }
0x73a: {  	s17 =	sor.u32 $0x4E00, s16;
	s18 =	sadd.s32 $0x5100, s15  }
0x73b: {  	[hbm4b:s18+s3] =	stream.linear.scatter [tilespmem:s17], [sflag:$0x2], $0x80, $0x38;
	[tilespmem:$0x18400] =	vst v63  }
0x73c: {  	s19 =	sor.u32 $0x5200, s16;
	s20 =	sadd.s32 $0x5180, s15  }
0x73d: {  	[hbm4b:s20+s3] =	stream.linear.scatter [tilespmem:s19], [sflag:$0x2], $0x80, $0x38;
	[tilespmem:$0x18400] =	vst v63  }
0x73e: {  	s21 =	sor.u32 $0x5600, s16;
	s22 =	sadd.s32 $0x5200, s15  }
0x73f: {  	[hbm4b:s22+s3] =	stream.linear.scatter [tilespmem:s21], [sflag:$0x2], $0x80, $0x38;
	[tilespmem:$0x18400] =	vst v63  }
0x740: {  	s23 =	sor.u32 $0x5A00, s16;
	s24 =	sadd.s32 $0x5280, s15  }
0x741: {  	[hbm4b:s24+s3] =	stream.linear.scatter [tilespmem:s23], [sflag:$0x2], $0x80, $0x38;
	[tilespmem:$0x18400] =	vst v63  }
0x742: {  	s25 =	sor.u32 $0x5E00, s16;
	s26 =	sadd.s32 $0x5300, s15  }
0x743: {  	[hbm4b:s26+s3] =	stream.linear.scatter [tilespmem:s25], [sflag:$0x2], $0x80, $0x38;
	[tilespmem:$0x18400] =	vst v63  }
0x744: {  	s28 =	sor.u32 $0x6200, s16;
	s29 =	sadd.s32 $0x5380, s15  }
0x745: {  	[hbm4b:s29+s3] =	stream.linear.scatter [tilespmem:s28], [sflag:$0x2], $0x80, $0x38;
	[tilespmem:$0x18400] =	vst v63  }
0x746: {  	s30 =	sor.u32 $0x4680, s16;
	s31 =	sadd.s32 $0x5400, s15  }
0x747: {  	[hbm4b:s31+s3] =	stream.linear.scatter [tilespmem:s30], [sflag:$0x2], $0x80, $0x38;
	[tilespmem:$0x18400] =	vst v63  }
0x748: {  	s4 =	sor.u32 $0x4A80, s16;
	s5 =	sadd.s32 $0x5480, s15  }
0x749: {  	[hbm4b:s5+s3] =	stream.linear.scatter [tilespmem:s4], [sflag:$0x2], $0x80, $0x38;
	[tilespmem:$0x18400] =	vst v63  }
0x74a: {  	s17 =	sor.u32 $0x4E80, s16;
	s18 =	sadd.s32 $0x5500, s15  }
0x74b: {  	[hbm4b:s18+s3] =	stream.linear.scatter [tilespmem:s17], [sflag:$0x2], $0x80, $0x38;
	[tilespmem:$0x18400] =	vst v63  }
0x74c: {  	s19 =	sor.u32 $0x5280, s16;
	s20 =	sadd.s32 $0x5580, s15  }
0x74d: {  	[hbm4b:s20+s3] =	stream.linear.scatter [tilespmem:s19], [sflag:$0x2], $0x80, $0x38;
	[tilespmem:$0x18400] =	vst v63  }
0x74e: {  	s21 =	sor.u32 $0x5680, s16;
	s22 =	sadd.s32 $0x5600, s15  }
0x74f: {  	[hbm4b:s22+s3] =	stream.linear.scatter [tilespmem:s21], [sflag:$0x2], $0x80, $0x38;
	[tilespmem:$0x18400] =	vst v63  }
0x750: {  	s23 =	sor.u32 $0x5A80, s16;
	s24 =	sadd.s32 $0x5680, s15  }
0x751: {  	[hbm4b:s24+s3] =	stream.linear.scatter [tilespmem:s23], [sflag:$0x2], $0x80, $0x38;
	[tilespmem:$0x18400] =	vst v63  }
0x752: {  	s25 =	sor.u32 $0x5E80, s16;
	s26 =	sadd.s32 $0x5700, s15  }
0x753: {  	[hbm4b:s26+s3] =	stream.linear.scatter [tilespmem:s25], [sflag:$0x2], $0x80, $0x38;
	[tilespmem:$0x18400] =	vst v63  }
0x754: {  	s28 =	sor.u32 $0x6280, s16;
	s29 =	sadd.s32 $0x5780, s15  }
0x755: {  	[hbm4b:s29+s3] =	stream.linear.scatter [tilespmem:s28], [sflag:$0x2], $0x80, $0x38;
	[tilespmem:$0x18400] =	vst v63  }
0x756: {  	s30 =	sor.u32 $0x4700, s16;
	s31 =	sadd.s32 $0x5800, s15  }
0x757: {  	[hbm4b:s31+s3] =	stream.linear.scatter [tilespmem:s30], [sflag:$0x2], $0x80, $0x38;
	[tilespmem:$0x18400] =	vst v63  }
0x758: {  	s4 =	sor.u32 $0x4B00, s16;
	s5 =	sadd.s32 $0x5880, s15  }
0x759: {  	[hbm4b:s5+s3] =	stream.linear.scatter [tilespmem:s4], [sflag:$0x2], $0x80, $0x38;
	[tilespmem:$0x18400] =	vst v63  }
0x75a: {  	s17 =	sor.u32 $0x4F00, s16;
	s18 =	sadd.s32 $0x5900, s15  }
0x75b: {  	[hbm4b:s18+s3] =	stream.linear.scatter [tilespmem:s17], [sflag:$0x2], $0x80, $0x38;
	[tilespmem:$0x18400] =	vst v63  }
0x75c: {  	s19 =	sor.u32 $0x5300, s16;
	s20 =	sadd.s32 $0x5980, s15  }
0x75d: {  	[hbm4b:s20+s3] =	stream.linear.scatter [tilespmem:s19], [sflag:$0x2], $0x80, $0x38;
	[tilespmem:$0x18400] =	vst v63  }
0x75e: {  	s21 =	sor.u32 $0x5700, s16;
	s22 =	sadd.s32 $0x5A00, s15  }
0x75f: {  	[hbm4b:s22+s3] =	stream.linear.scatter [tilespmem:s21], [sflag:$0x2], $0x80, $0x38;
	[tilespmem:$0x18400] =	vst v63  }
0x760: {  	s23 =	sor.u32 $0x5B00, s16;
	s24 =	sadd.s32 $0x5A80, s15  }
0x761: {  	[hbm4b:s24+s3] =	stream.linear.scatter [tilespmem:s23], [sflag:$0x2], $0x80, $0x38;
	[tilespmem:$0x18400] =	vst v63  }
0x762: {  	s25 =	sor.u32 $0x5F00, s16;
	s26 =	sadd.s32 $0x5B00, s15  }
0x763: {  	[hbm4b:s26+s3] =	stream.linear.scatter [tilespmem:s25], [sflag:$0x2], $0x80, $0x38;
	[tilespmem:$0x18400] =	vst v63  }
0x764: {  	s28 =	sor.u32 $0x6300, s16;
	s29 =	sadd.s32 $0x5B80, s15  }
0x765: {  	[hbm4b:s29+s3] =	stream.linear.scatter [tilespmem:s28], [sflag:$0x2], $0x80, $0x38;
	[tilespmem:$0x18400] =	vst v63  }
0x766: {  	s30 =	sor.u32 $0x4780, s16;
	s31 =	sadd.s32 $0x5C00, s15  }
0x767: {  	[hbm4b:s31+s3] =	stream.linear.scatter [tilespmem:s30], [sflag:$0x2], $0x80, $0x38;
	[tilespmem:$0x18400] =	vst v63  }
0x768: {  	s4 =	sor.u32 $0x4B80, s16;
	s5 =	sadd.s32 $0x5C80, s15  }
0x769: {  	[hbm4b:s5+s3] =	stream.linear.scatter [tilespmem:s4], [sflag:$0x2], $0x80, $0x38;
	[tilespmem:$0x18400] =	vst v63  }
0x76a: {  	s17 =	sor.u32 $0x4F80, s16;
	s18 =	sadd.s32 $0x5D00, s15  }
0x76b: {  	[hbm4b:s18+s3] =	stream.linear.scatter [tilespmem:s17], [sflag:$0x2], $0x80, $0x38;
	[tilespmem:$0x18400] =	vst v63  }
0x76c: {  	s19 =	sor.u32 $0x5380, s16;
	s20 =	sadd.s32 $0x5D80, s15  }
0x76d: {  	[hbm4b:s20+s3] =	stream.linear.scatter [tilespmem:s19], [sflag:$0x2], $0x80, $0x38;
	[tilespmem:$0x18400] =	vst v63  }
0x76e: {  	s21 =	sor.u32 $0x5780, s16;
	s22 =	sadd.s32 $0x5E00, s15  }
0x76f: {  	[hbm4b:s22+s3] =	stream.linear.scatter [tilespmem:s21], [sflag:$0x2], $0x80, $0x38;
	[tilespmem:$0x18400] =	vst v63  }
0x770: {  	s23 =	sor.u32 $0x5B80, s16;
	s24 =	sadd.s32 $0x5E80, s15  }
0x771: {  	[hbm4b:s24+s3] =	stream.linear.scatter [tilespmem:s23], [sflag:$0x2], $0x80, $0x38;
	[tilespmem:$0x18400] =	vst v63  }
0x772: {  	s25 =	sor.u32 $0x5F80, s16;
	s26 =	sadd.s32 $0x5F00, s15  }
0x773: {  	[hbm4b:s26+s3] =	stream.linear.scatter [tilespmem:s25], [sflag:$0x2], $0x80, $0x38;
	[tilespmem:$0x18400] =	vst v63  }
0x774: {  	s28 =	sor.u32 $0x6380, s16;
	s29 =	sadd.s32 $0x5F80, s15  }
0x775: {  	[hbm4b:s29+s3] =	stream.linear.scatter [tilespmem:s28], [sflag:$0x2], $0x80, $0x38;
	[tilespmem:$0x18400] =	vst v63  }
0x776: {  	s30 =	sor.u32 $0x6400, s16;
	s31 =	sadd.s32 $0x6000, s15  }
0x777: {  	[hbm4b:s31+s3] =	stream.linear.scatter [tilespmem:s30], [sflag:$0x2], $0x80, $0x38;
	[tilespmem:$0x18400] =	vst v63  }
0x778: {  	s4 =	sor.u32 $0x6800, s16;
	s5 =	sadd.s32 $0x6080, s15  }
0x779: {  	[hbm4b:s5+s3] =	stream.linear.scatter [tilespmem:s4], [sflag:$0x2], $0x80, $0x38;
	[tilespmem:$0x18400] =	vst v63  }
0x77a: {  	s17 =	sor.u32 $0x6C00, s16;
	s18 =	sadd.s32 $0x6100, s15  }
0x77b: {  	[hbm4b:s18+s3] =	stream.linear.scatter [tilespmem:s17], [sflag:$0x2], $0x80, $0x38;
	[tilespmem:$0x18400] =	vst v63  }
0x77c: {  	s19 =	sor.u32 $0x7000, s16;
	s20 =	sadd.s32 $0x6180, s15  }
0x77d: {  	[hbm4b:s20+s3] =	stream.linear.scatter [tilespmem:s19], [sflag:$0x2], $0x80, $0x38;
	[tilespmem:$0x18400] =	vst v63  }
0x77e: {  	s21 =	sor.u32 $0x7400, s16;
	s22 =	sadd.s32 $0x6200, s15  }
0x77f: {  	[hbm4b:s22+s3] =	stream.linear.scatter [tilespmem:s21], [sflag:$0x2], $0x80, $0x38;
	[tilespmem:$0x18400] =	vst v63  }
0x780: {  	s23 =	sor.u32 $0x7800, s16;
	s24 =	sadd.s32 $0x6280, s15  }
0x781: {  	[hbm4b:s24+s3] =	stream.linear.scatter [tilespmem:s23], [sflag:$0x2], $0x80, $0x38;
	[tilespmem:$0x18400] =	vst v63  }
0x782: {  	s25 =	sor.u32 $0x7C00, s16;
	s26 =	sadd.s32 $0x6300, s15  }
0x783: {  	[hbm4b:s26+s3] =	stream.linear.scatter [tilespmem:s25], [sflag:$0x2], $0x80, $0x38;
	[tilespmem:$0x18400] =	vst v63  }
0x784: {  	s28 =	sadd.s32 $0x8000, s16;
	s29 =	sadd.s32 $0x6380, s15  }
0x785: {  	[hbm4b:s29+s3] =	stream.linear.scatter [tilespmem:s28], [sflag:$0x2], $0x80, $0x38;
	[tilespmem:$0x18400] =	vst v63  }
0x786: {  	s30 =	sor.u32 $0x6480, s16;
	s31 =	sadd.s32 $0x6400, s15  }
0x787: {  	[hbm4b:s31+s3] =	stream.linear.scatter [tilespmem:s30], [sflag:$0x2], $0x80, $0x38;
	[tilespmem:$0x18400] =	vst v63  }
0x788: {  	s4 =	sor.u32 $0x6880, s16;
	s5 =	sadd.s32 $0x6480, s15  }
0x789: {  	[hbm4b:s5+s3] =	stream.linear.scatter [tilespmem:s4], [sflag:$0x2], $0x80, $0x38;
	[tilespmem:$0x18400] =	vst v63  }
0x78a: {  	s17 =	sor.u32 $0x6C80, s16;
	s18 =	sadd.s32 $0x6500, s15  }
0x78b: {  	[hbm4b:s18+s3] =	stream.linear.scatter [tilespmem:s17], [sflag:$0x2], $0x80, $0x38;
	[tilespmem:$0x18400] =	vst v63  }
0x78c: {  	s19 =	sor.u32 $0x7080, s16;
	s20 =	sadd.s32 $0x6580, s15  }
0x78d: {  	[hbm4b:s20+s3] =	stream.linear.scatter [tilespmem:s19], [sflag:$0x2], $0x80, $0x38;
	[tilespmem:$0x18400] =	vst v63  }
0x78e: {  	s21 =	sor.u32 $0x7480, s16;
	s22 =	sadd.s32 $0x6600, s15  }
0x78f: {  	[hbm4b:s22+s3] =	stream.linear.scatter [tilespmem:s21], [sflag:$0x2], $0x80, $0x38;
	[tilespmem:$0x18400] =	vst v63  }
0x790: {  	s23 =	sor.u32 $0x7880, s16;
	s24 =	sadd.s32 $0x6680, s15  }
0x791: {  	[hbm4b:s24+s3] =	stream.linear.scatter [tilespmem:s23], [sflag:$0x2], $0x80, $0x38;
	[tilespmem:$0x18400] =	vst v63  }
0x792: {  	s25 =	sor.u32 $0x7C80, s16;
	s26 =	sadd.s32 $0x6700, s15  }
0x793: {  	[hbm4b:s26+s3] =	stream.linear.scatter [tilespmem:s25], [sflag:$0x2], $0x80, $0x38;
	[tilespmem:$0x18400] =	vst v63  }
0x794: {  	s28 =	sadd.s32 $0x8080, s16;
	s29 =	sadd.s32 $0x6780, s15  }
0x795: {  	[hbm4b:s29+s3] =	stream.linear.scatter [tilespmem:s28], [sflag:$0x2], $0x80, $0x38;
	[tilespmem:$0x18400] =	vst v63  }
0x796: {  	s30 =	sor.u32 $0x6500, s16;
	s31 =	sadd.s32 $0x6800, s15  }
0x797: {  	[hbm4b:s31+s3] =	stream.linear.scatter [tilespmem:s30], [sflag:$0x2], $0x80, $0x38;
	[tilespmem:$0x18400] =	vst v63  }
0x798: {  	s4 =	sor.u32 $0x6900, s16;
	s5 =	sadd.s32 $0x6880, s15  }
0x799: {  	[hbm4b:s5+s3] =	stream.linear.scatter [tilespmem:s4], [sflag:$0x2], $0x80, $0x38;
	[tilespmem:$0x18400] =	vst v63  }
0x79a: {  	s17 =	sor.u32 $0x6D00, s16;
	s18 =	sadd.s32 $0x6900, s15  }
0x79b: {  	[hbm4b:s18+s3] =	stream.linear.scatter [tilespmem:s17], [sflag:$0x2], $0x80, $0x38;
	[tilespmem:$0x18400] =	vst v63  }
0x79c: {  	s19 =	sor.u32 $0x7100, s16;
	s20 =	sadd.s32 $0x6980, s15  }
0x79d: {  	[hbm4b:s20+s3] =	stream.linear.scatter [tilespmem:s19], [sflag:$0x2], $0x80, $0x38;
	[tilespmem:$0x18400] =	vst v63  }
0x79e: {  	s21 =	sor.u32 $0x7500, s16;
	s22 =	sadd.s32 $0x6A00, s15  }
0x79f: {  	[hbm4b:s22+s3] =	stream.linear.scatter [tilespmem:s21], [sflag:$0x2], $0x80, $0x38;
	[tilespmem:$0x18400] =	vst v63  }
0x7a0: {  	s23 =	sor.u32 $0x7900, s16;
	s24 =	sadd.s32 $0x6A80, s15  }
0x7a1: {  	[hbm4b:s24+s3] =	stream.linear.scatter [tilespmem:s23], [sflag:$0x2], $0x80, $0x38;
	[tilespmem:$0x18400] =	vst v63  }
0x7a2: {  	s25 =	sor.u32 $0x7D00, s16;
	s26 =	sadd.s32 $0x6B00, s15  }
0x7a3: {  	[hbm4b:s26+s3] =	stream.linear.scatter [tilespmem:s25], [sflag:$0x2], $0x80, $0x38;
	[tilespmem:$0x18400] =	vst v63  }
0x7a4: {  	s28 =	sadd.s32 $0x8100, s16;
	s29 =	sadd.s32 $0x6B80, s15  }
0x7a5: {  	[hbm4b:s29+s3] =	stream.linear.scatter [tilespmem:s28], [sflag:$0x2], $0x80, $0x38;
	[tilespmem:$0x18400] =	vst v63  }
0x7a6: {  	s30 =	sor.u32 $0x6580, s16;
	s31 =	sadd.s32 $0x6C00, s15  }
0x7a7: {  	[hbm4b:s31+s3] =	stream.linear.scatter [tilespmem:s30], [sflag:$0x2], $0x80, $0x38;
	[tilespmem:$0x18400] =	vst v63  }
0x7a8: {  	s4 =	sor.u32 $0x6980, s16;
	s5 =	sadd.s32 $0x6C80, s15  }
0x7a9: {  	[hbm4b:s5+s3] =	stream.linear.scatter [tilespmem:s4], [sflag:$0x2], $0x80, $0x38;
	[tilespmem:$0x18400] =	vst v63  }
0x7aa: {  	s17 =	sor.u32 $0x6D80, s16;
	s18 =	sadd.s32 $0x6D00, s15  }
0x7ab: {  	[hbm4b:s18+s3] =	stream.linear.scatter [tilespmem:s17], [sflag:$0x2], $0x80, $0x38;
	[tilespmem:$0x18400] =	vst v63  }
0x7ac: {  	s19 =	sor.u32 $0x7180, s16;
	s20 =	sadd.s32 $0x6D80, s15  }
0x7ad: {  	[hbm4b:s20+s3] =	stream.linear.scatter [tilespmem:s19], [sflag:$0x2], $0x80, $0x38;
	[tilespmem:$0x18400] =	vst v63  }
0x7ae: {  	s21 =	sor.u32 $0x7580, s16;
	s22 =	sadd.s32 $0x6E00, s15  }
0x7af: {  	[hbm4b:s22+s3] =	stream.linear.scatter [tilespmem:s21], [sflag:$0x2], $0x80, $0x38;
	[tilespmem:$0x18400] =	vst v63  }
0x7b0: {  	s23 =	sor.u32 $0x7980, s16;
	s24 =	sadd.s32 $0x6E80, s15  }
0x7b1: {  	[hbm4b:s24+s3] =	stream.linear.scatter [tilespmem:s23], [sflag:$0x2], $0x80, $0x38;
	[tilespmem:$0x18400] =	vst v63  }
0x7b2: {  	s25 =	sor.u32 $0x7D80, s16;
	s26 =	sadd.s32 $0x6F00, s15  }
0x7b3: {  	[hbm4b:s26+s3] =	stream.linear.scatter [tilespmem:s25], [sflag:$0x2], $0x80, $0x38;
	[tilespmem:$0x18400] =	vst v63  }
0x7b4: {  	s28 =	sadd.s32 $0x8180, s16;
	s29 =	sadd.s32 $0x6F80, s15  }
0x7b5: {  	[hbm4b:s29+s3] =	stream.linear.scatter [tilespmem:s28], [sflag:$0x2], $0x80, $0x38;
	[tilespmem:$0x18400] =	vst v63  }
0x7b6: {  	s30 =	sor.u32 $0x6600, s16;
	s31 =	sadd.s32 $0x7000, s15  }
0x7b7: {  	[hbm4b:s31+s3] =	stream.linear.scatter [tilespmem:s30], [sflag:$0x2], $0x80, $0x38;
	[tilespmem:$0x18400] =	vst v63  }
0x7b8: {  	s4 =	sor.u32 $0x6A00, s16;
	s5 =	sadd.s32 $0x7080, s15  }
0x7b9: {  	[hbm4b:s5+s3] =	stream.linear.scatter [tilespmem:s4], [sflag:$0x2], $0x80, $0x38;
	[tilespmem:$0x18400] =	vst v63  }
0x7ba: {  	s17 =	sor.u32 $0x6E00, s16;
	s18 =	sadd.s32 $0x7100, s15  }
0x7bb: {  	[hbm4b:s18+s3] =	stream.linear.scatter [tilespmem:s17], [sflag:$0x2], $0x80, $0x38;
	[tilespmem:$0x18400] =	vst v63  }
0x7bc: {  	s19 =	sor.u32 $0x7200, s16;
	s20 =	sadd.s32 $0x7180, s15  }
0x7bd: {  	[hbm4b:s20+s3] =	stream.linear.scatter [tilespmem:s19], [sflag:$0x2], $0x80, $0x38;
	[tilespmem:$0x18400] =	vst v63  }
0x7be: {  	s21 =	sor.u32 $0x7600, s16;
	s22 =	sadd.s32 $0x7200, s15  }
0x7bf: {  	[hbm4b:s22+s3] =	stream.linear.scatter [tilespmem:s21], [sflag:$0x2], $0x80, $0x38;
	[tilespmem:$0x18400] =	vst v63  }
0x7c0: {  	s23 =	sor.u32 $0x7A00, s16;
	s24 =	sadd.s32 $0x7280, s15  }
0x7c1: {  	[hbm4b:s24+s3] =	stream.linear.scatter [tilespmem:s23], [sflag:$0x2], $0x80, $0x38;
	[tilespmem:$0x18400] =	vst v63  }
0x7c2: {  	s25 =	sor.u32 $0x7E00, s16;
	s26 =	sadd.s32 $0x7300, s15  }
0x7c3: {  	[hbm4b:s26+s3] =	stream.linear.scatter [tilespmem:s25], [sflag:$0x2], $0x80, $0x38;
	[tilespmem:$0x18400] =	vst v63  }
0x7c4: {  	s28 =	sadd.s32 $0x8200, s16;
	s29 =	sadd.s32 $0x7380, s15  }
0x7c5: {  	[hbm4b:s29+s3] =	stream.linear.scatter [tilespmem:s28], [sflag:$0x2], $0x80, $0x38;
	[tilespmem:$0x18400] =	vst v63  }
0x7c6: {  	s30 =	sor.u32 $0x6680, s16;
	s31 =	sadd.s32 $0x7400, s15  }
0x7c7: {  	[hbm4b:s31+s3] =	stream.linear.scatter [tilespmem:s30], [sflag:$0x2], $0x80, $0x38;
	[tilespmem:$0x18400] =	vst v63  }
0x7c8: {  	s4 =	sor.u32 $0x6A80, s16;
	s5 =	sadd.s32 $0x7480, s15  }
0x7c9: {  	[hbm4b:s5+s3] =	stream.linear.scatter [tilespmem:s4], [sflag:$0x2], $0x80, $0x38;
	[tilespmem:$0x18400] =	vst v63  }
0x7ca: {  	s17 =	sor.u32 $0x6E80, s16;
	s18 =	sadd.s32 $0x7500, s15  }
0x7cb: {  	[hbm4b:s18+s3] =	stream.linear.scatter [tilespmem:s17], [sflag:$0x2], $0x80, $0x38;
	[tilespmem:$0x18400] =	vst v63  }
0x7cc: {  	s19 =	sor.u32 $0x7280, s16;
	s20 =	sadd.s32 $0x7580, s15  }
0x7cd: {  	[hbm4b:s20+s3] =	stream.linear.scatter [tilespmem:s19], [sflag:$0x2], $0x80, $0x38;
	[tilespmem:$0x18400] =	vst v63  }
0x7ce: {  	s21 =	sor.u32 $0x7680, s16;
	s22 =	sadd.s32 $0x7600, s15  }
0x7cf: {  	[hbm4b:s22+s3] =	stream.linear.scatter [tilespmem:s21], [sflag:$0x2], $0x80, $0x38;
	[tilespmem:$0x18400] =	vst v63  }
0x7d0: {  	s23 =	sor.u32 $0x7A80, s16;
	s24 =	sadd.s32 $0x7680, s15  }
0x7d1: {  	[hbm4b:s24+s3] =	stream.linear.scatter [tilespmem:s23], [sflag:$0x2], $0x80, $0x38;
	[tilespmem:$0x18400] =	vst v63  }
0x7d2: {  	s25 =	sor.u32 $0x7E80, s16;
	s26 =	sadd.s32 $0x7700, s15  }
0x7d3: {  	[hbm4b:s26+s3] =	stream.linear.scatter [tilespmem:s25], [sflag:$0x2], $0x80, $0x38;
	[tilespmem:$0x18400] =	vst v63  }
0x7d4: {  	s28 =	sadd.s32 $0x8280, s16;
	s29 =	sadd.s32 $0x7780, s15  }
0x7d5: {  	[hbm4b:s29+s3] =	stream.linear.scatter [tilespmem:s28], [sflag:$0x2], $0x80, $0x38;
	[tilespmem:$0x18400] =	vst v63  }
0x7d6: {  	s30 =	sor.u32 $0x6700, s16;
	s31 =	sadd.s32 $0x7800, s15  }
0x7d7: {  	[hbm4b:s31+s3] =	stream.linear.scatter [tilespmem:s30], [sflag:$0x2], $0x80, $0x38;
	[tilespmem:$0x18400] =	vst v63  }
0x7d8: {  	s4 =	sor.u32 $0x6B00, s16;
	s5 =	sadd.s32 $0x7880, s15  }
0x7d9: {  	[hbm4b:s5+s3] =	stream.linear.scatter [tilespmem:s4], [sflag:$0x2], $0x80, $0x38;
	[tilespmem:$0x18400] =	vst v63  }
0x7da: {  	s17 =	sor.u32 $0x6F00, s16;
	s18 =	sadd.s32 $0x7900, s15  }
0x7db: {  	[hbm4b:s18+s3] =	stream.linear.scatter [tilespmem:s17], [sflag:$0x2], $0x80, $0x38;
	[tilespmem:$0x18400] =	vst v63  }
0x7dc: {  	s19 =	sor.u32 $0x7300, s16;
	s20 =	sadd.s32 $0x7980, s15  }
0x7dd: {  	[hbm4b:s20+s3] =	stream.linear.scatter [tilespmem:s19], [sflag:$0x2], $0x80, $0x38;
	[tilespmem:$0x18400] =	vst v63  }
0x7de: {  	s21 =	sor.u32 $0x7700, s16;
	s22 =	sadd.s32 $0x7A00, s15  }
0x7df: {  	[hbm4b:s22+s3] =	stream.linear.scatter [tilespmem:s21], [sflag:$0x2], $0x80, $0x38;
	[tilespmem:$0x18400] =	vst v63  }
0x7e0: {  	s23 =	sor.u32 $0x7B00, s16;
	s24 =	sadd.s32 $0x7A80, s15  }
0x7e1: {  	[hbm4b:s24+s3] =	stream.linear.scatter [tilespmem:s23], [sflag:$0x2], $0x80, $0x38;
	[tilespmem:$0x18400] =	vst v63  }
0x7e2: {  	s25 =	sor.u32 $0x7F00, s16;
	s26 =	sadd.s32 $0x7B00, s15  }
0x7e3: {  	[hbm4b:s26+s3] =	stream.linear.scatter [tilespmem:s25], [sflag:$0x2], $0x80, $0x38;
	[tilespmem:$0x18400] =	vst v63  }
0x7e4: {  	s28 =	sadd.s32 $0x8300, s16;
	s29 =	sadd.s32 $0x7B80, s15  }
0x7e5: {  	[hbm4b:s29+s3] =	stream.linear.scatter [tilespmem:s28], [sflag:$0x2], $0x80, $0x38;
	[tilespmem:$0x18400] =	vst v63  }
0x7e6: {  	s30 =	sor.u32 $0x6780, s16;
	s31 =	sadd.s32 $0x7C00, s15  }
0x7e7: {  	[hbm4b:s31+s3] =	stream.linear.scatter [tilespmem:s30], [sflag:$0x2], $0x80, $0x38;
	[tilespmem:$0x18400] =	vst v63  }
0x7e8: {  	s5 =	sor.u32 $0x6B80, s16;
	s17 =	sadd.s32 $0x7C80, s15  }
0x7e9: {  	[hbm4b:s17+s3] =	stream.linear.scatter [tilespmem:s5], [sflag:$0x2], $0x80, $0x38;
	[tilespmem:$0x18400] =	vst v63  }
0x7ea: {  	s18 =	sor.u32 $0x6F80, s16;
	s19 =	sadd.s32 $0x7D00, s15  }
0x7eb: {  	[hbm4b:s19+s3] =	stream.linear.scatter [tilespmem:s18], [sflag:$0x2], $0x80, $0x38;
	[tilespmem:$0x18400] =	vst v63  }
0x7ec: {  	s20 =	sor.u32 $0x7380, s16;
	s21 =	sadd.s32 $0x7D80, s15  }
0x7ed: {  	[hbm4b:s21+s3] =	stream.linear.scatter [tilespmem:s20], [sflag:$0x2], $0x80, $0x38;
	[tilespmem:$0x18400] =	vst v63  }
0x7ee: {  	s22 =	sor.u32 $0x7780, s16;
	s23 =	sadd.s32 $0x7E00, s15  }
0x7ef: {  	[hbm4b:s23+s3] =	stream.linear.scatter [tilespmem:s22], [sflag:$0x2], $0x80, $0x38;
	[tilespmem:$0x18400] =	vst v63  }
0x7f0: {  	s24 =	sor.u32 $0x7B80, s16;
	s25 =	sadd.s32 $0x7E80, s15  }
0x7f1: {  	[hbm4b:s25+s3] =	stream.linear.scatter [tilespmem:s24], [sflag:$0x2], $0x80, $0x38;
	[tilespmem:$0x18400] =	vst v63  }
0x7f2: {  	s26 =	sor.u32 $0x7F80, s16;
	s28 =	sadd.s32 $0x7F00, s15  }
0x7f3: {  	[hbm4b:s28+s3] =	stream.linear.scatter [tilespmem:s26], [sflag:$0x2], $0x80, $0x38;
	[tilespmem:$0x18400] =	vst v63  }
0x7f4: {  	s29 =	sadd.s32 $0x8380, s16;
	s30 =	sadd.s32 $0x7F80, s15  }
0x7f5: {  	[hbm4b:s30+s3] =	stream.linear.scatter [tilespmem:s29], [sflag:$0x2], $0x80, $0x38;
	[tilespmem:$0x18400] =	vst v63  }
0x7f6: {  	_ =	swait.ge [sflag:s10], $0x400  }
0x7f7: {  	[sflag:s10] =	ssyncset.done $0x0  }
0x7f8: {  	[sflag:s10] =	ssyncadd.s32 $0xFFFFFC00  }
0x7f9: {  	_ =	swait.ge [sflag:s10], $0x400  }
0x7fa: {  	[sflag:s10] =	ssyncset.done $0x0  }
0x7fb: {  	[sflag:s10] =	ssyncadd.s32 $0xFFFFFC00  }
0x7fc: {  	_ =	swait.ge [sflag:s10], $0x400  }
0x7fd: {  	[sflag:s10] =	ssyncset.done $0x0  }
0x7fe: {  	[sflag:s10] =	ssyncadd.s32 $0xFFFFFC00  }
0x7ff: {  	_ =	swait.ge [sflag:s10], $0x400  }
0x800: {  	[sflag:s10] =	ssyncset.done $0x0  }
0x801: {  	[sflag:s10] =	ssyncadd.s32 $0xFFFFFC00  }
0x802: {  	_ =	swait.ge [sflag:s10], $0x400  }
0x803: {  	[sflag:s10] =	ssyncset.done $0x0  }
0x804: {  	[sflag:s10] =	ssyncadd.s32 $0xFFFFFC00  }
0x805: {  	_ =	swait.ge [sflag:s10], $0x400  }
0x806: {  	[sflag:s10] =	ssyncset.done $0x0  }
0x807: {  	[sflag:s10] =	ssyncadd.s32 $0xFFFFFC00  }
0x808: {  	_ =	swait.ge [sflag:s10], $0x400  }
0x809: {  	[sflag:s10] =	ssyncset.done $0x0  }
0x80a: {  	[sflag:s10] =	ssyncadd.s32 $0xFFFFFC00  }
0x80b: {  	_ =	swait.ge [sflag:s10], $0x400  }
0x80c: {  	[sflag:s10] =	ssyncset.done $0x0  }
0x80d: {  	[sflag:s10] =	ssyncadd.s32 $0xFFFFFC00  }
0x80e: {  	_ =	swait.ge [sflag:s10], $0x400  }
0x80f: {  	[sflag:s10] =	ssyncset.done $0x0  }
0x810: {  	[sflag:s10] =	ssyncadd.s32 $0xFFFFFC00  }
0x811: {  	_ =	swait.ge [sflag:s10], $0x400  }
0x812: {  	[sflag:s10] =	ssyncset.done $0x0  }
0x813: {  	[sflag:s10] =	ssyncadd.s32 $0xFFFFFC00  }
0x814: {  	_ =	swait.ge [sflag:s10], $0x400  }
0x815: {  	[sflag:s10] =	ssyncset.done $0x0  }
0x816: {  	[sflag:s10] =	ssyncadd.s32 $0xFFFFFC00  }
0x817: {  	_ =	swait.ge [sflag:s10], $0x400  }
0x818: {  	[sflag:s10] =	ssyncset.done $0x0  }
0x819: {  	[sflag:s10] =	ssyncadd.s32 $0xFFFFFC00  }
0x81a: {  	_ =	swait.ge [sflag:s10], $0x400  }
0x81b: {  	[sflag:s10] =	ssyncset.done $0x0  }
0x81c: {  	[sflag:s10] =	ssyncadd.s32 $0xFFFFFC00  }
0x81d: {  	_ =	swait.ge [sflag:s10], $0x400  }
0x81e: {  	[sflag:s10] =	ssyncset.done $0x0  }
0x81f: {  	[sflag:s10] =	ssyncadd.s32 $0xFFFFFC00  }
0x820: {  	_ =	swait.ge [sflag:s10], $0x400  }
0x821: {  	[sflag:s10] =	ssyncset.done $0x0  }
0x822: {  	[sflag:s10] =	ssyncadd.s32 $0xFFFFFC00  }
0x823: {  	_ =	swait.ge [sflag:s10], $0x400  }
0x824: {  	[sflag:s10] =	ssyncset.done $0x0  }
0x825: {  	[sflag:s10] =	ssyncadd.s32 $0xFFFFFC00  }
0x826: {  	_ =	swait.ge [sflag:s10], $0x400  }
0x827: {  	[sflag:s10] =	ssyncset.done $0x0  }
0x828: {  	[sflag:s10] =	ssyncadd.s32 $0xFFFFFC00  }
0x829: {  	_ =	swait.ge [sflag:s10], $0x400  }
0x82a: {  	[sflag:s10] =	ssyncset.done $0x0  }
0x82b: {  	[sflag:s10] =	ssyncadd.s32 $0xFFFFFC00  }
0x82c: {  	_ =	swait.ge [sflag:s10], $0x400  }
0x82d: {  	[sflag:s10] =	ssyncset.done $0x0  }
0x82e: {  	[sflag:s10] =	ssyncadd.s32 $0xFFFFFC00  }
0x82f: {  	_ =	swait.ge [sflag:s10], $0x400  }
0x830: {  	[sflag:s10] =	ssyncset.done $0x0  }
0x831: {  	[sflag:s10] =	ssyncadd.s32 $0xFFFFFC00  }
0x832: {  	_ =	swait.ge [sflag:s10], $0x400  }
0x833: {  	[sflag:s10] =	ssyncset.done $0x0  }
0x834: {  	[sflag:s10] =	ssyncadd.s32 $0xFFFFFC00  }
0x835: {  	_ =	swait.ge [sflag:s10], $0x400  }
0x836: {  	[sflag:s10] =	ssyncset.done $0x0  }
0x837: {  	[sflag:s10] =	ssyncadd.s32 $0xFFFFFC00  }
0x838: {  	_ =	swait.ge [sflag:s10], $0x400  }
0x839: {  	[sflag:s10] =	ssyncset.done $0x0  }
0x83a: {  	[sflag:s10] =	ssyncadd.s32 $0xFFFFFC00  }
0x83b: {  	_ =	swait.ge [sflag:s10], $0x400  }
0x83c: {  	[sflag:s10] =	ssyncset.done $0x0  }
0x83d: {  	[sflag:s10] =	ssyncadd.s32 $0xFFFFFC00  }
0x83e: {  	_ =	swait.ge [sflag:s10], $0x400  }
0x83f: {  	[sflag:s10] =	ssyncset.done $0x0  }
0x840: {  	[sflag:s10] =	ssyncadd.s32 $0xFFFFFC00  }
0x841: {  	_ =	swait.ge [sflag:s10], $0x400  }
0x842: {  	[sflag:s10] =	ssyncset.done $0x0  }
0x843: {  	[sflag:s10] =	ssyncadd.s32 $0xFFFFFC00  }
0x844: {  	_ =	swait.ge [sflag:s10], $0x400  }
0x845: {  	[sflag:s10] =	ssyncset.done $0x0  }
0x846: {  	[sflag:s10] =	ssyncadd.s32 $0xFFFFFC00  }
0x847: {  	_ =	swait.ge [sflag:s10], $0x400  }
0x848: {  	[sflag:s10] =	ssyncset.done $0x0  }
0x849: {  	[sflag:s10] =	ssyncadd.s32 $0xFFFFFC00  }
0x84a: {  	_ =	swait.ge [sflag:s10], $0x400  }
0x84b: {  	[sflag:s10] =	ssyncset.done $0x0  }
0x84c: {  	[sflag:s10] =	ssyncadd.s32 $0xFFFFFC00  }
0x84d: {  	_ =	swait.ge [sflag:s10], $0x400  }
0x84e: {  	[sflag:s10] =	ssyncset.done $0x0  }
0x84f: {  	[sflag:s10] =	ssyncadd.s32 $0xFFFFFC00  }
0x850: {  	_ =	swait.ge [sflag:s10], $0x400  }
0x851: {  	[sflag:s10] =	ssyncset.done $0x0  }
0x852: {  	[sflag:s10] =	ssyncadd.s32 $0xFFFFFC00  }
0x853: {  	_ =	swait.ge [sflag:s10], $0x400  }
0x854: {  	[sflag:s10] =	ssyncset.done $0x0  }
0x855: {  	p0 =	sgt.u32 s14, $0xC;
	s0 =	sadd.s32 $0x20, s12;
	[sflag:s10] =	ssyncadd.s32 $0xFFFFFC00  }
0x856: {  	v35 =	vld @!p0 [tilespmem:s0+$0xFFFFFFF0];
	_ =	sdelay $0x4  }
0x857: {  	s4 =	smul.u32 @!p0 $0xAB, s13;
	v36 =	vshll.u32 @!p0 v35, $0x3  }
0x858: {  	v37 =	vlaneseq.u32 @!p0;
	v35 =	vand.u32 @!p0 $0x7, v35;
	v36 =	vand.u32 @!p0 $0xFFFFFFC0, v36  }
0x859: {  	v38 =	vshrl.u32 @!p0 v37, $0x3;
	s4 =	sshrl.u32 @!p0 s4, $0x9;
	v35 =	vor.u32 @!p0 v35, v36;
	v36 =	vand.u32 @!p0 $0x7, v37  }
0x85a: {  	v38 =	vmul.u32 @!p0 $0x8, v38;
	s4 =	sand.u32 @!p0 $0x7F, s4;
	v39 =	vperm.xlane @!p0 v35, v36  }
0x85b: {  	s4 =	smul.u32 @!p0 $0x3, s4  }
0x85c: {  	v39 =	vadd.s32 @!p0 v38, v39  }
0x85d: {  	s4 =	ssub.s32 @!p0 s13, s4  }
0x85e: {  	s4 =	sand.u32 @!p0 $0xFF, s4  }
0x85f: {  	s4 =	sshll.u32 @!p0 s4, $0xF  }
0x860: {  	vm1 =	vmmov @!p0 $0xffff;
	s12 =	simm.s32 @!p0 $0x0;
	s5 =	sor.u32 @!p0 $0x400, s4  }
0x861: {  	v37 =	vor.u32 @!p0 $0x8, v37;
	[tilespmem:s5], [sflag:$0x1] =	stream.indirect_vreg.gather @!p0 [hbm4b:s1+s12], $0x80, v39, vm1, $0xb8;
	[tilespmem:$0x18400] =	vst v63  }
0x862: {  	v35 =	vperm.xlane @!p0 v35, v37;
	s5 =	sor.u32 @!p0 $0xC00, s4  }
0x863: {  	[tilespmem:s5], [sflag:$0x1] =	stream.indirect_vreg.gather @!p0 [hbm4b:s6+s12], $0x80, v39, vm1, $0xb8;
	[tilespmem:$0x18400] =	vst v63  }
0x864: {  	v35 =	vadd.s32 @!p0 v38, v35;
	s5 =	sor.u32 @!p0 $0x1400, s4  }
0x865: {  	[tilespmem:s5], [sflag:$0x1] =	stream.indirect_vreg.gather @!p0 [hbm4b:s7+s12], $0x80, v39, vm1, $0xb8;
	[tilespmem:$0x18400] =	vst v63  }
0x866: {  	s5 =	sor.u32 @!p0 $0x1C00, s4  }
0x867: {  	[tilespmem:s5], [sflag:$0x1] =	stream.indirect_vreg.gather @!p0 [hbm4b:s8+s12], $0x80, v39, vm1, $0xb8;
	[tilespmem:$0x18400] =	vst v63  }
0x868: {  	s5 =	sor.u32 @!p0 $0x2400, s4  }
0x869: {  	[tilespmem:s5], [sflag:$0x1] =	stream.indirect_vreg.gather @!p0 [hbm4b:s1+s12], $0x80, v35, vm1, $0xb8;
	[tilespmem:$0x18400] =	vst v63  }
0x86a: {  	s5 =	sor.u32 @!p0 $0x2C00, s4  }
0x86b: {  	[tilespmem:s5], [sflag:$0x1] =	stream.indirect_vreg.gather @!p0 [hbm4b:s6+s12], $0x80, v35, vm1, $0xb8;
	[tilespmem:$0x18400] =	vst v63  }
0x86c: {  	s5 =	sor.u32 @!p0 $0x3400, s4  }
0x86d: {  	[tilespmem:s5], [sflag:$0x1] =	stream.indirect_vreg.gather @!p0 [hbm4b:s7+s12], $0x80, v35, vm1, $0xb8;
	[tilespmem:$0x18400] =	vst v63  }
0x86e: {  	s5 =	sor.u32 @!p0 $0x3C00, s4  }
0x86f: {  	[tilespmem:s5], [sflag:$0x1] =	stream.indirect_vreg.gather @!p0 [hbm4b:s8+s12], $0x80, v35, vm1, $0xb8;
	[tilespmem:$0x18400] =	vst v63  }
0x870: {  	v35 =	vld @!p0 [tilespmem:s0+$0x0];
	_ =	sdelay $0x4  }
0x871: {  	v39 =	vshll.u32 @!p0 v35, $0x3  }
0x872: {  	v35 =	vand.u32 @!p0 $0x7, v35;
	v39 =	vand.u32 @!p0 $0xFFFFFFC0, v39  }
0x873: {  	v35 =	vor.u32 @!p0 v35, v39  }
0x874: {  	v36 =	vperm.xlane @!p0 v35, v36;
	_ =	sdelay $0x1  }
0x875: {  	v36 =	vadd.s32 @!p0 v38, v36;
	_ =	sdelay $0x3  }
0x876: {  	s0 =	sor.u32 @!p0 $0x4400, s4  }
0x877: {  	[tilespmem:s0], [sflag:$0x1] =	stream.indirect_vreg.gather @!p0 [hbm4b:s1+s12], $0x80, v36, vm1, $0xb8;
	[tilespmem:$0x18400] =	vst v63  }
0x878: {  	v35 =	vperm.xlane @!p0 v35, v37;
	s0 =	sor.u32 @!p0 $0x4C00, s4  }
0x879: {  	[tilespmem:s0], [sflag:$0x1] =	stream.indirect_vreg.gather @!p0 [hbm4b:s6+s12], $0x80, v36, vm1, $0xb8;
	[tilespmem:$0x18400] =	vst v63  }
0x87a: {  	v35 =	vadd.s32 @!p0 v38, v35;
	s0 =	sor.u32 @!p0 $0x5400, s4  }
0x87b: {  	[tilespmem:s0], [sflag:$0x1] =	stream.indirect_vreg.gather @!p0 [hbm4b:s7+s12], $0x80, v36, vm1, $0xb8;
	[tilespmem:$0x18400] =	vst v63  }
0x87c: {  	s0 =	sor.u32 @!p0 $0x5C00, s4  }
0x87d: {  	[tilespmem:s0], [sflag:$0x1] =	stream.indirect_vreg.gather @!p0 [hbm4b:s8+s12], $0x80, v36, vm1, $0xb8;
	[tilespmem:$0x18400] =	vst v63  }
0x87e: {  	s0 =	sor.u32 @!p0 $0x6400, s4  }
0x87f: {  	[tilespmem:s0], [sflag:$0x1] =	stream.indirect_vreg.gather @!p0 [hbm4b:s1+s12], $0x80, v35, vm1, $0xb8;
	[tilespmem:$0x18400] =	vst v63  }
0x880: {  	s0 =	sor.u32 @!p0 $0x6C00, s4  }
0x881: {  	[tilespmem:s0], [sflag:$0x1] =	stream.indirect_vreg.gather @!p0 [hbm4b:s6+s12], $0x80, v35, vm1, $0xb8;
	[tilespmem:$0x18400] =	vst v63  }
0x882: {  	s0 =	sor.u32 @!p0 $0x7400, s4  }
0x883: {  	[tilespmem:s0], [sflag:$0x1] =	stream.indirect_vreg.gather @!p0 [hbm4b:s7+s12], $0x80, v35, vm1, $0xb8;
	[tilespmem:$0x18400] =	vst v63  }
0x884: {  	s11 =	sadd.s32 $0x1, s11;
	s31 =	rddreg [dreg:$0x7];
	s0 =	sor.u32 @!p0 $0x7C00, s4  }
0x885: {  	[tilespmem:s0], [sflag:$0x1] =	stream.indirect_vreg.gather @!p0 [hbm4b:s8+s12], $0x80, v35, vm1, $0xb8;
	[tilespmem:$0x18400] =	vst v63  }
0x886: {  	p0 =	sne.s32 s11, s31  }
.Ltmp1:
0x887: {  	_ = 	snop;
	(pc) =	sbr.rel @p0 .LBB2_1-.Ltmp1, $1  }
0x888: {  	_ =	sdelay $0x3  }
0x889: {  	_ =	sfence.sel $0x180000  }
0x88a: {  	[bflag:$0x0] =	sbarrier.arrive $0xFFFF  }
0x88b: {  	_ =	strace $0x90000047  }
0x88c: {  	s0 =	stileid.u32;
	[bflag:$0x2] =	sbarrier.arrive $0xFFFF  }
0x88d: {  	p0 =	sne.s32 s0, $0x0;
	s0 =	rddreg [dreg:$0x3]  }
0x88e: {  	s0 =	sadd.s32 @!p0 $0x100000, s0  }
0x88f: {  	[sflag:s0] =	ssyncadd.tile.s32 @!p0 $0x1;
	_ =	shalt  }
.Lfunc_end2:
_tile_overlayer_lowered:
.L_overlay_start_2:
0x890: {  	(tag) =	ssettag $0x2  }
0x891: {  	s0 =	rddreg [dreg:$0x0];
	s2 =	stileid.u32  }
0x892: {  	s1 =	rddreg [dreg:$0x1];
	p0 =	sne.s32 s2, $0x0  }
0x893: {  	s3 =	rddreg [dreg:$0x2];
	[bflag:$0x3] =	sbarrier.arrive $0xFFFF;
	s2 =	simm.s32 @!p0 $0x1C03  }
0x894: {  	[timem:s3], [sflag:s2] =	dma.local @!p0 [hbm:s0], s1  }
0x895: {  	s0 =	simm.s32 @!p0 $0x3  }
0x896: {  	_ =	swait.ge @!p0 [sflag:s0], s1  }
0x897: {  	s1 =	ssub.s32 @!p0 $0x0, s1;
	[sflag:s0] =	ssyncset.done @!p0 $0x0  }
0x898: {  	[sflag:s0] =	ssyncadd.s32 @!p0 s1  }
0x899: {  	[bflag:$0x3] =	sbarrier.arrive $0xFFFF  }
0x89a: {  	_ =	shalt  }

</sc_bundles>
